<compile_context>
chip_gen: v7x
topology: tpu7x:2x2x1
jax: 0.10.2.dev20260603
libtpu: 0.0.44.dev20260713+nightly
codegen_flags: <defaults>
</compile_context>

<pallas_src>
import functools

import jax
import jax.numpy as jnp
from jax import lax
from jax.experimental import pallas as pl
from jax.experimental.pallas import tpu as pltpu
from jax.experimental.pallas import tpu_sc as plsc

N = 10000
E = 320000
D = 128

NC = 2
NS = 16
L = 16
NW = NC * NS

N_PAD = 10240
ROWS_PER_TILE = N_PAD // NS
CHUNK = 128
PER_W = 10240
E_PAD = PER_W * NW
N_CHUNKS = PER_W // CHUNK
HALF_CH = N_CHUNKS // 2
NCH_TOT = E_PAD // CHUNK

_mesh = plsc.VectorSubcoreMesh(core_axis_name="c", subcore_axis_name="s")


@functools.partial(
    pl.kernel,
    out_type=jax.ShapeDtypeStruct((NC, N_PAD), jnp.float32),
    mesh=_mesh,
    scratch_types=[
        pltpu.VMEM((N_CHUNKS, CHUNK), jnp.int32),
        pltpu.VMEM((N_CHUNKS, CHUNK), jnp.float32),
        pltpu.VMEM((ROWS_PER_TILE,), jnp.float32),
        pltpu.VMEM_SHARED((N_PAD,), jnp.float32),
        pltpu.SemaphoreType.DMA,
    ],
)
def _deg_kernel(dst_hbm, w_hbm, out_hbm, idx_all, w_all, zbuf, deg_sh, sem):
    c = lax.axis_index("c")
    s = lax.axis_index("s")
    g = c * NS + s

    def _z(i, _):
        zbuf[pl.ds(i * L, L)] = jnp.zeros((L,), jnp.float32)
        return 0
    lax.fori_loop(0, ROWS_PER_TILE // L, _z, 0)
    pltpu.sync_copy(zbuf, deg_sh.at[pl.ds(s * ROWS_PER_TILE, ROWS_PER_TILE)])
    plsc.subcore_barrier()

    row0 = g * N_CHUNKS
    pltpu.sync_copy(dst_hbm.at[pl.ds(row0, N_CHUNKS)], idx_all)
    pltpu.sync_copy(w_hbm.at[pl.ds(row0, N_CHUNKS)], w_all)

    K = 16
    for j0 in range(0, N_CHUNKS, K):
        jn = min(j0 + K, N_CHUNKS)
        for j in range(j0, jn):
            pltpu.async_copy(w_all.at[j], deg_sh.at[idx_all.at[j]], sem,
                             add=True)
        for j in range(j0, jn):
            pltpu.make_async_copy(w_all.at[j], deg_sh.at[idx_all.at[j]],
                                  sem).wait()
    plsc.subcore_barrier()

    pltpu.sync_copy(deg_sh.at[pl.ds(s * ROWS_PER_TILE, ROWS_PER_TILE)],
                    out_hbm.at[c, pl.ds(s * ROWS_PER_TILE, ROWS_PER_TILE)])


@functools.partial(
    pl.kernel,
    out_type=jax.ShapeDtypeStruct((NC, N_PAD, D), jnp.float32),
    mesh=_mesh,
    scratch_types=[
        pltpu.VMEM((HALF_CH, CHUNK), jnp.int32),
        pltpu.VMEM((HALF_CH, CHUNK), jnp.int32),
        pltpu.VMEM((HALF_CH, CHUNK), jnp.float32),
        pltpu.VMEM((2, CHUNK, D), jnp.float32),
        pltpu.VMEM_SHARED((N_PAD, D), jnp.float32),
        pltpu.SemaphoreType.DMA,
        pltpu.SemaphoreType.DMA,
    ],
    compiler_params=pltpu.CompilerParams(needs_layout_passes=False),
)
def _agg_kernel(y_hbm, src_hbm, dst_hbm, w_hbm, out_hbm,
                idx_s, idx_d, w_all, rows32, acc_sh, sem_g, sem_s):
    c = lax.axis_index("c")
    s = lax.axis_index("s")
    g = c * NS + s

    def _zr(r, _):
        for col in range(D // L):
            rows32[0, r, pl.ds(col * L, L)] = jnp.zeros((L,), jnp.float32)
        return 0
    lax.fori_loop(0, CHUNK, _zr, 0)
    for k in range(ROWS_PER_TILE // CHUNK):
        pltpu.sync_copy(
            rows32.at[0],
            acc_sh.at[pl.ds(s * ROWS_PER_TILE + k * CHUNK, CHUNK)])
    plsc.subcore_barrier()

    for half in range(2):
        row0 = g * N_CHUNKS + half * HALF_CH
        pltpu.sync_copy(src_hbm.at[pl.ds(row0, HALF_CH)], idx_s)
        pltpu.sync_copy(dst_hbm.at[pl.ds(row0, HALF_CH)], idx_d)
        pltpu.sync_copy(w_hbm.at[pl.ds(row0, HALF_CH)], w_all)

        pltpu.async_copy(y_hbm.at[idx_s.at[0]], rows32.at[0], sem_g)

        def _step(j, p):
            q = 1 - p
            pltpu.make_async_copy(y_hbm.at[idx_s.at[j]], rows32.at[p],
                                  sem_g).wait()

            @pl.when(j >= 1)
            def _():
                pltpu.make_async_copy(rows32.at[q],
                                      acc_sh.at[idx_d.at[j - 1]],
                                      sem_s).wait()

            @pl.when(j <= HALF_CH - 2)
            def _():
                pltpu.async_copy(y_hbm.at[idx_s.at[j + 1]], rows32.at[q],
                                 sem_g)

            @plsc.parallel_loop(0, CHUNK, step=1, unroll=4)
            def _scale(r):
                wspl = plsc.load_gather(
                    w_all, [jnp.full((L,), j, jnp.int32),
                            jnp.full((L,), r, jnp.int32)])
                for col in range(D // L):
                    sl = pl.ds(col * L, L)
                    rows32[p, r, sl] = rows32[p, r, sl] * wspl

            pltpu.async_copy(rows32.at[p], acc_sh.at[idx_d.at[j]], sem_s,
                             add=True)

        def _chunk2(i, _):
            _step(2 * i, 0)
            _step(2 * i + 1, 1)
            return 0
        lax.fori_loop(0, HALF_CH // 2, _chunk2, 0)
        pltpu.make_async_copy(rows32.at[(HALF_CH - 1) % 2],
                              acc_sh.at[idx_d.at[HALF_CH - 1]],
                              sem_s).wait()
    plsc.subcore_barrier()

    pltpu.sync_copy(acc_sh.at[pl.ds(s * ROWS_PER_TILE, ROWS_PER_TILE)],
                    out_hbm.at[c, pl.ds(s * ROWS_PER_TILE, ROWS_PER_TILE)])


def _mm_body(x_ref, w0_ref, degp_ref, y_ref):
    deg = degp_ref[:, 0] + degp_ref[:, 1] + 1.0
    dinv = jnp.where(deg > 0, lax.rsqrt(deg), 0.0)
    xw = lax.dot_general(x_ref[...], w0_ref[...], (((1,), (1,)), ((), ())),
                         preferred_element_type=jnp.float32)
    y_ref[...] = dinv[:, None] * xw


_MM_BLK = 1000


def _matmul_y(X, W0, degp_t):
    grid = N // _MM_BLK
    return pl.pallas_call(
        _mm_body,
        grid=(grid,),
        in_specs=[
            pl.BlockSpec((_MM_BLK, D), lambda i: (i, 0)),
            pl.BlockSpec((D, D), lambda i: (0, 0)),
            pl.BlockSpec((_MM_BLK, NC), lambda i: (i, 0)),
        ],
        out_specs=pl.BlockSpec((_MM_BLK, D), lambda i: (i, 0)),
        out_shape=jax.ShapeDtypeStruct((N, D), jnp.float32),
    )(X, W0, degp_t)


def _final_body(accp_ref, y_ref, degp_ref, b0_ref, g0_ref, be0_ref,
                w1_ref, b1_ref, out_ref):
    deg = degp_ref[0, :N] + degp_ref[1, :N] + 1.0
    dinv = jnp.where(deg > 0, lax.rsqrt(deg), 0.0)
    acc = accp_ref[0, :N, :] + accp_ref[1, :N, :]
    h = dinv[:, None] * (acc + y_ref[...]) + b0_ref[...]
    mean = jnp.mean(h, axis=0)
    var = jnp.mean((h - mean) ** 2, axis=0)
    h = (h - mean) / jnp.sqrt(var + 1e-5) * g0_ref[...] + be0_ref[...]
    h = jnp.where(h >= 0, h, 0.01 * h)
    out_ref[...] = lax.dot_general(
        h, w1_ref[...], (((1,), (1,)), ((), ())),
        preferred_element_type=jnp.float32) + b1_ref[...]


def _final(accp, y, degp, b0, gamma0, beta0, W1, b1):
    return pl.pallas_call(
        _final_body,
        out_shape=jax.ShapeDtypeStruct((N, D), jnp.float32),
    )(accp, y, degp, b0, gamma0, beta0, W1, b1)


def kernel(X, A, W, W0, b0, gamma0, beta0, W1, b1):
    pad = E_PAD - E
    pad_idx = jnp.arange(pad, dtype=A.dtype) % N
    src = jnp.concatenate([A[0], pad_idx])
    dst = jnp.concatenate([A[1], pad_idx])
    w = jnp.concatenate([W, jnp.zeros((pad,), W.dtype)])
    src2 = src.reshape(NCH_TOT, CHUNK)
    dst2 = dst.reshape(NCH_TOT, CHUNK)
    w2 = w.reshape(NCH_TOT, CHUNK)

    degp = _deg_kernel(dst2, w2)
    y = _matmul_y(X, W0, degp.T)
    accp = _agg_kernel(y, src2, dst2, w2)
    return _final(accp, y, degp, b0, gamma0, beta0, W1, b1)

# --- scband reference (transcript-rebuilt; emitter-appended) ---
"""Pipeline reference for scband-base-gcn-5952824672567 (READ-ONLY COPY).

The authoritative reference and input builder live on the scoring server;
editing this copy changes nothing except your own understanding.
"""

import jax, jax.numpy as jnp
import numpy as np

N = 10000
E = 320000
D_IN = 128
D_H = 128
D_CONV = 128


def gcn_conv(x, edge_index, edge_weight, Wlin, b):
    # PyG-style GCNConv: symmetric normalization with added self loops
    n = x.shape[0]
    xw = x @ Wlin.T
    src = edge_index[0]
    dst = edge_index[1]
    loop = jnp.arange(n, dtype=edge_index.dtype)
    src2 = jnp.concatenate([src, loop])
    dst2 = jnp.concatenate([dst, loop])
    ew2 = jnp.concatenate([edge_weight, jnp.ones((n,), dtype=x.dtype)])
    deg = jax.ops.segment_sum(ew2, dst2, num_segments=n)
    dinv = jnp.where(deg > 0, deg ** -0.5, 0.0)
    norm = dinv[src2] * ew2 * dinv[dst2]
    out = jax.ops.segment_sum(xw[src2] * norm[:, None], dst2, num_segments=n)
    return out + b


def batch_norm(h, gamma, beta, eps=1e-5):
    # training-mode BatchNorm over node dimension
    mean = h.mean(axis=0)
    var = h.var(axis=0)
    return (h - mean) / jnp.sqrt(var + eps) * gamma + beta


def leaky_relu(h, slope=0.01):
    return jnp.where(h >= 0, h, slope * h)


def setup_inputs(seed: int = 0):
    key = jax.random.key(seed)
    ks = jax.random.split(key, 8)
    X = jax.random.normal(ks[0], (N, D_IN), dtype=jnp.float32)
    A = jax.random.randint(ks[1], (2, E), 0, N, dtype=jnp.int32)
    W = jax.random.uniform(ks[2], (E,), dtype=jnp.float32)
    W0 = jax.random.normal(ks[3], (D_H, D_IN), dtype=jnp.float32) * (1.0 / np.sqrt(D_IN))
    b0 = jnp.zeros((D_H,), dtype=jnp.float32)
    gamma0 = jnp.ones((D_H,), dtype=jnp.float32)
    beta0 = jnp.zeros((D_H,), dtype=jnp.float32)
    W1 = jax.random.normal(ks[4], (D_CONV, D_H), dtype=jnp.float32) * (1.0 / np.sqrt(D_H))
    b1 = jnp.zeros((D_CONV,), dtype=jnp.float32)
    return {"X": X, "A": A, "W": W, "W0": W0, "b0": b0,
            "gamma0": gamma0, "beta0": beta0, "W1": W1, "b1": b1}


def reference(X, A, W, W0, b0, gamma0, beta0, W1, b1):
    # layer 0: GCNConv(X, A, W) -> BatchNorm -> LeakyReLU
    h = gcn_conv(X, A, W, W0, b0)
    h = batch_norm(h, gamma0, beta0)
    h = leaky_relu(h)
    # last layer is called as layer(h) without edge_index in the original code,
    # so it reduces to the GCNConv linear transform + bias (no propagation)
    h = h @ W1.T + b1
    return h

if __name__ == "__main__":
    import jax
    _d = setup_inputs()
    print(jax.jit(kernel)(*tuple(_d.values())))

</pallas_src>

<mosaic_0001>
#map = affine_map<(d0, d1) -> (0, 0)>
#map1 = affine_map<(d0, d1) -> (0, 0, 0)>
module attributes {stable_mosaic.version = 14 : i64} {
  func.func @_agg_kernel(%arg0: i32, %arg1: i32, %arg2: memref<10000x128xf32, #tpu.memory_space<hbm>>, %arg3: memref<2560x128xi32, #tpu.memory_space<hbm>>, %arg4: memref<2560x128xi32, #tpu.memory_space<hbm>>, %arg5: memref<2560x128xf32, #tpu.memory_space<hbm>>, %arg6: memref<2x10240x128xf32, #tpu.memory_space<hbm>>, %arg7: memref<40x128xi32, #tpu.memory_space<vmem>>, %arg8: memref<40x128xi32, #tpu.memory_space<vmem>>, %arg9: memref<40x128xf32, #tpu.memory_space<vmem>>, %arg10: memref<2x128x128xf32, #tpu.memory_space<vmem>>, %arg11: memref<10240x128xf32, #tpu.memory_space<vmem_shared>>, %arg12: memref<!tpu.dma_semaphore, #tpu.memory_space<semaphore_mem>>, %arg13: memref<!tpu.dma_semaphore, #tpu.memory_space<semaphore_mem>>) attributes {dimension_semantics = [#tpu.dimension_semantics<core_parallel>, #tpu.dimension_semantics<subcore_parallel>], iteration_bounds = array<i64: 2, 16>, scalar_prefetch = 0 : i64, scratch_operands = 7 : i64, tpu.core_type = #tpu.core_type<sc_vector_subcore>, window_params = [{transform_indices = #map}, {transform_indices = #map}, {transform_indices = #map}, {transform_indices = #map}, {transform_indices = #map1}]} {
    %mul3A = arith.constant 16 : i32
    %mul3A_0 = arith.muli %arg0, %mul3A : i32
    %add3A = arith.addi %mul3A_0, %arg1 : i32
    %scan3A = arith.constant 0 : i32
    %scan3A_1 = arith.constant 0 : i32
    %scan3A_2 = arith.constant 128 : i32
    %scan3A_3 = arith.addi %scan3A_1, %scan3A_2 : i32
    %scan3A_4 = arith.constant 1 : i32
    %scan3A_5 = scf.for %scan3A_104 = %scan3A_1 to %scan3A_3 step %scan3A_4 iter_args(%scan3A_105 = %scan3A) -> (i32)  : i32 {
      %broadcast_in_dim3A = arith.constant 0.000000e+00 : f32
      %broadcast_in_dim3A_106 = vector.broadcast %broadcast_in_dim3A : f32 to vector<16xf32>
      %swap3A = arith.constant 0 : i32
      %swap3A_107 = arith.index_cast %swap3A : i32 to index
      %swap3A_108 = arith.index_cast %scan3A_104 : i32 to index
      %swap3A_109 = arith.constant 0 : index
      %swap3A_110 = tpu.vector_load %arg10[%swap3A_107, %swap3A_108, %swap3A_109] {strides = array<i32>} : memref<2x128x128xf32, #tpu.memory_space<vmem>>, vector<16xf32>,
      tpu.vector_store %arg10[%swap3A_107, %swap3A_108, %swap3A_109], %broadcast_in_dim3A_106 {strides = array<i32>} : memref<2x128x128xf32, #tpu.memory_space<vmem>>, vector<16xf32>,
      %broadcast_in_dim3A_111 = arith.constant 0.000000e+00 : f32
      %broadcast_in_dim3A_112 = vector.broadcast %broadcast_in_dim3A_111 : f32 to vector<16xf32>
      %swap3A_113 = arith.constant 0 : i32
      %swap3A_114 = arith.index_cast %swap3A_113 : i32 to index
      %swap3A_115 = arith.index_cast %scan3A_104 : i32 to index
      %swap3A_116 = arith.constant 16 : index
      %swap3A_117 = tpu.vector_load %arg10[%swap3A_114, %swap3A_115, %swap3A_116] {strides = array<i32>} : memref<2x128x128xf32, #tpu.memory_space<vmem>>, vector<16xf32>,
      tpu.vector_store %arg10[%swap3A_114, %swap3A_115, %swap3A_116], %broadcast_in_dim3A_112 {strides = array<i32>} : memref<2x128x128xf32, #tpu.memory_space<vmem>>, vector<16xf32>,
      %broadcast_in_dim3A_118 = arith.constant 0.000000e+00 : f32
      %broadcast_in_dim3A_119 = vector.broadcast %broadcast_in_dim3A_118 : f32 to vector<16xf32>
      %swap3A_120 = arith.constant 0 : i32
      %swap3A_121 = arith.index_cast %swap3A_120 : i32 to index
      %swap3A_122 = arith.index_cast %scan3A_104 : i32 to index
      %swap3A_123 = arith.constant 32 : index
      %swap3A_124 = tpu.vector_load %arg10[%swap3A_121, %swap3A_122, %swap3A_123] {strides = array<i32>} : memref<2x128x128xf32, #tpu.memory_space<vmem>>, vector<16xf32>,
      tpu.vector_store %arg10[%swap3A_121, %swap3A_122, %swap3A_123], %broadcast_in_dim3A_119 {strides = array<i32>} : memref<2x128x128xf32, #tpu.memory_space<vmem>>, vector<16xf32>,
      %broadcast_in_dim3A_125 = arith.constant 0.000000e+00 : f32
      %broadcast_in_dim3A_126 = vector.broadcast %broadcast_in_dim3A_125 : f32 to vector<16xf32>
      %swap3A_127 = arith.constant 0 : i32
      %swap3A_128 = arith.index_cast %swap3A_127 : i32 to index
      %swap3A_129 = arith.index_cast %scan3A_104 : i32 to index
      %swap3A_130 = arith.constant 48 : index
      %swap3A_131 = tpu.vector_load %arg10[%swap3A_128, %swap3A_129, %swap3A_130] {strides = array<i32>} : memref<2x128x128xf32, #tpu.memory_space<vmem>>, vector<16xf32>,
      tpu.vector_store %arg10[%swap3A_128, %swap3A_129, %swap3A_130], %broadcast_in_dim3A_126 {strides = array<i32>} : memref<2x128x128xf32, #tpu.memory_space<vmem>>, vector<16xf32>,
      %broadcast_in_dim3A_132 = arith.constant 0.000000e+00 : f32
      %broadcast_in_dim3A_133 = vector.broadcast %broadcast_in_dim3A_132 : f32 to vector<16xf32>
      %swap3A_134 = arith.constant 0 : i32
      %swap3A_135 = arith.index_cast %swap3A_134 : i32 to index
      %swap3A_136 = arith.index_cast %scan3A_104 : i32 to index
      %swap3A_137 = arith.constant 64 : index
      %swap3A_138 = tpu.vector_load %arg10[%swap3A_135, %swap3A_136, %swap3A_137] {strides = array<i32>} : memref<2x128x128xf32, #tpu.memory_space<vmem>>, vector<16xf32>,
      tpu.vector_store %arg10[%swap3A_135, %swap3A_136, %swap3A_137], %broadcast_in_dim3A_133 {strides = array<i32>} : memref<2x128x128xf32, #tpu.memory_space<vmem>>, vector<16xf32>,
      %broadcast_in_dim3A_139 = arith.constant 0.000000e+00 : f32
      %broadcast_in_dim3A_140 = vector.broadcast %broadcast_in_dim3A_139 : f32 to vector<16xf32>
      %swap3A_141 = arith.constant 0 : i32
      %swap3A_142 = arith.index_cast %swap3A_141 : i32 to index
      %swap3A_143 = arith.index_cast %scan3A_104 : i32 to index
      %swap3A_144 = arith.constant 80 : index
      %swap3A_145 = tpu.vector_load %arg10[%swap3A_142, %swap3A_143, %swap3A_144] {strides = array<i32>} : memref<2x128x128xf32, #tpu.memory_space<vmem>>, vector<16xf32>,
      tpu.vector_store %arg10[%swap3A_142, %swap3A_143, %swap3A_144], %broadcast_in_dim3A_140 {strides = array<i32>} : memref<2x128x128xf32, #tpu.memory_space<vmem>>, vector<16xf32>,
      %broadcast_in_dim3A_146 = arith.constant 0.000000e+00 : f32
      %broadcast_in_dim3A_147 = vector.broadcast %broadcast_in_dim3A_146 : f32 to vector<16xf32>
      %swap3A_148 = arith.constant 0 : i32
      %swap3A_149 = arith.index_cast %swap3A_148 : i32 to index
      %swap3A_150 = arith.index_cast %scan3A_104 : i32 to index
      %swap3A_151 = arith.constant 96 : index
      %swap3A_152 = tpu.vector_load %arg10[%swap3A_149, %swap3A_150, %swap3A_151] {strides = array<i32>} : memref<2x128x128xf32, #tpu.memory_space<vmem>>, vector<16xf32>,
      tpu.vector_store %arg10[%swap3A_149, %swap3A_150, %swap3A_151], %broadcast_in_dim3A_147 {strides = array<i32>} : memref<2x128x128xf32, #tpu.memory_space<vmem>>, vector<16xf32>,
      %broadcast_in_dim3A_153 = arith.constant 0.000000e+00 : f32
      %broadcast_in_dim3A_154 = vector.broadcast %broadcast_in_dim3A_153 : f32 to vector<16xf32>
      %swap3A_155 = arith.constant 0 : i32
      %swap3A_156 = arith.index_cast %swap3A_155 : i32 to index
      %swap3A_157 = arith.index_cast %scan3A_104 : i32 to index
      %swap3A_158 = arith.constant 112 : index
      %swap3A_159 = tpu.vector_load %arg10[%swap3A_156, %swap3A_157, %swap3A_158] {strides = array<i32>} : memref<2x128x128xf32, #tpu.memory_space<vmem>>, vector<16xf32>,
      tpu.vector_store %arg10[%swap3A_156, %swap3A_157, %swap3A_158], %broadcast_in_dim3A_154 {strides = array<i32>} : memref<2x128x128xf32, #tpu.memory_space<vmem>>, vector<16xf32>,
      %scan3A_160 = arith.constant 0 : i32
      scf.yield %scan3A_160 : i32
    }
    %scan3A_6 = arith.constant 128 : i32
    %mul3A_7 = arith.constant 640 : i32
    %mul3A_8 = arith.muli %arg1, %mul3A_7 : i32
    %add3A_9 = arith.constant 0 : i32
    %add3A_10 = arith.addi %mul3A_8, %add3A_9 : i32
    %run_scoped3A = arith.constant 0 : i32
    "tpu.region"() ({
      %run_scoped3A_104 = tpu.sem_alloc : memref<!tpu.dma_semaphore, #tpu.memory_space<semaphore_mem>>
      %dma_start3A_105 = arith.constant 0 : i32
      %dma_start3A_106 = arith.constant 0 : i32
      %dma_start3A_107 = tpu.memref_slice %arg10[%run_scoped3A, %dma_start3A_105, %dma_start3A_106] : memref<2x128x128xf32, #tpu.memory_space<vmem>> -> memref<1x128x128xf32, #tpu.memory_space<vmem>>
      %dma_start3A_108 = tpu.memref_squeeze %dma_start3A_107 : memref<1x128x128xf32, #tpu.memory_space<vmem>> -> memref<128x128xf32, #tpu.memory_space<vmem>>
      %dma_start3A_109 = arith.constant 0 : i32
      %dma_start3A_110 = tpu.memref_slice %arg11[%add3A_10, %dma_start3A_109] : memref<10240x128xf32, #tpu.memory_space<vmem_shared>> -> memref<128x128xf32, #tpu.memory_space<vmem_shared>>
      %dma_start3A_111 = arith.constant 0 : i32
      %dma_start3A_112 = tpu.memref_slice %arg11[%add3A_10, %dma_start3A_111] : memref<10240x128xf32, #tpu.memory_space<vmem_shared>> -> memref<128x128xf32, #tpu.memory_space<vmem_shared>>
      %dma_start3A_113 = arith.constant 0 : i32
      %dma_start3A_114 = arith.constant 0 : i32
      %dma_start3A_115 = tpu.memref_slice %arg10[%run_scoped3A, %dma_start3A_113, %dma_start3A_114] : memref<2x128x128xf32, #tpu.memory_space<vmem>> -> memref<1x128x128xf32, #tpu.memory_space<vmem>>
      %dma_start3A_116 = tpu.memref_squeeze %dma_start3A_115 : memref<1x128x128xf32, #tpu.memory_space<vmem>> -> memref<128x128xf32, #tpu.memory_space<vmem>>
      tpu.enqueue_dma source(%dma_start3A_116 : memref<128x128xf32, #tpu.memory_space<vmem>>) target(%dma_start3A_112 : memref<128x128xf32, #tpu.memory_space<vmem_shared>>) target_semaphore(%run_scoped3A_104 : memref<!tpu.dma_semaphore, #tpu.memory_space<semaphore_mem>>)
      %dma_wait3A_117 = arith.constant 0 : i32
      %dma_wait3A_118 = arith.constant 0 : i32
      %dma_wait3A_119 = tpu.memref_slice %arg10[%run_scoped3A, %dma_wait3A_117, %dma_wait3A_118] : memref<2x128x128xf32, #tpu.memory_space<vmem>> -> memref<1x128x128xf32, #tpu.memory_space<vmem>>
      %dma_wait3A_120 = tpu.memref_squeeze %dma_wait3A_119 : memref<1x128x128xf32, #tpu.memory_space<vmem>> -> memref<128x128xf32, #tpu.memory_space<vmem>>
      %dma_wait3A_121 = arith.constant 0 : i32
      %dma_wait3A_122 = tpu.memref_slice %arg11[%add3A_10, %dma_wait3A_121] : memref<10240x128xf32, #tpu.memory_space<vmem_shared>> -> memref<128x128xf32, #tpu.memory_space<vmem_shared>>
      %dma_wait3A_123 = arith.constant 0 : i32
      %dma_wait3A_124 = tpu.memref_slice %arg11[%add3A_10, %dma_wait3A_123] : memref<10240x128xf32, #tpu.memory_space<vmem_shared>> -> memref<128x128xf32, #tpu.memory_space<vmem_shared>>
      %dma_wait3A_125 = arith.constant 0 : i32
      %dma_wait3A_126 = arith.constant 0 : i32
      %dma_wait3A_127 = tpu.memref_slice %arg10[%run_scoped3A, %dma_wait3A_125, %dma_wait3A_126] : memref<2x128x128xf32, #tpu.memory_space<vmem>> -> memref<1x128x128xf32, #tpu.memory_space<vmem>>
      %dma_wait3A_128 = tpu.memref_squeeze %dma_wait3A_127 : memref<1x128x128xf32, #tpu.memory_space<vmem>> -> memref<128x128xf32, #tpu.memory_space<vmem>>
      tpu.wait_dma2 semaphore(%run_scoped3A_104 : memref<!tpu.dma_semaphore, #tpu.memory_space<semaphore_mem>>) src(%dma_wait3A_128 : memref<128x128xf32, #tpu.memory_space<vmem>>) dst(%dma_wait3A_124 : memref<128x128xf32, #tpu.memory_space<vmem_shared>>)
      tpu.yield
    }) : () -> ()
    %mul3A_11 = arith.constant 640 : i32
    %mul3A_12 = arith.muli %arg1, %mul3A_11 : i32
    %add3A_13 = arith.constant 128 : i32
    %add3A_14 = arith.addi %mul3A_12, %add3A_13 : i32
    %run_scoped3A_15 = arith.constant 0 : i32
    "tpu.region"() ({
      %run_scoped3A_104 = tpu.sem_alloc : memref<!tpu.dma_semaphore, #tpu.memory_space<semaphore_mem>>
      %dma_start3A_105 = arith.constant 0 : i32
      %dma_start3A_106 = arith.constant 0 : i32
      %dma_start3A_107 = tpu.memref_slice %arg10[%run_scoped3A_15, %dma_start3A_105, %dma_start3A_106] : memref<2x128x128xf32, #tpu.memory_space<vmem>> -> memref<1x128x128xf32, #tpu.memory_space<vmem>>
      %dma_start3A_108 = tpu.memref_squeeze %dma_start3A_107 : memref<1x128x128xf32, #tpu.memory_space<vmem>> -> memref<128x128xf32, #tpu.memory_space<vmem>>
      %dma_start3A_109 = arith.constant 0 : i32
      %dma_start3A_110 = tpu.memref_slice %arg11[%add3A_14, %dma_start3A_109] : memref<10240x128xf32, #tpu.memory_space<vmem_shared>> -> memref<128x128xf32, #tpu.memory_space<vmem_shared>>
      %dma_start3A_111 = arith.constant 0 : i32
      %dma_start3A_112 = tpu.memref_slice %arg11[%add3A_14, %dma_start3A_111] : memref<10240x128xf32, #tpu.memory_space<vmem_shared>> -> memref<128x128xf32, #tpu.memory_space<vmem_shared>>
      %dma_start3A_113 = arith.constant 0 : i32
      %dma_start3A_114 = arith.constant 0 : i32
      %dma_start3A_115 = tpu.memref_slice %arg10[%run_scoped3A_15, %dma_start3A_113, %dma_start3A_114] : memref<2x128x128xf32, #tpu.memory_space<vmem>> -> memref<1x128x128xf32, #tpu.memory_space<vmem>>
      %dma_start3A_116 = tpu.memref_squeeze %dma_start3A_115 : memref<1x128x128xf32, #tpu.memory_space<vmem>> -> memref<128x128xf32, #tpu.memory_space<vmem>>
      tpu.enqueue_dma source(%dma_start3A_116 : memref<128x128xf32, #tpu.memory_space<vmem>>) target(%dma_start3A_112 : memref<128x128xf32, #tpu.memory_space<vmem_shared>>) target_semaphore(%run_scoped3A_104 : memref<!tpu.dma_semaphore, #tpu.memory_space<semaphore_mem>>)
      %dma_wait3A_117 = arith.constant 0 : i32
      %dma_wait3A_118 = arith.constant 0 : i32
      %dma_wait3A_119 = tpu.memref_slice %arg10[%run_scoped3A_15, %dma_wait3A_117, %dma_wait3A_118] : memref<2x128x128xf32, #tpu.memory_space<vmem>> -> memref<1x128x128xf32, #tpu.memory_space<vmem>>
      %dma_wait3A_120 = tpu.memref_squeeze %dma_wait3A_119 : memref<1x128x128xf32, #tpu.memory_space<vmem>> -> memref<128x128xf32, #tpu.memory_space<vmem>>
      %dma_wait3A_121 = arith.constant 0 : i32
      %dma_wait3A_122 = tpu.memref_slice %arg11[%add3A_14, %dma_wait3A_121] : memref<10240x128xf32, #tpu.memory_space<vmem_shared>> -> memref<128x128xf32, #tpu.memory_space<vmem_shared>>
      %dma_wait3A_123 = arith.constant 0 : i32
      %dma_wait3A_124 = tpu.memref_slice %arg11[%add3A_14, %dma_wait3A_123] : memref<10240x128xf32, #tpu.memory_space<vmem_shared>> -> memref<128x128xf32, #tpu.memory_space<vmem_shared>>
      %dma_wait3A_125 = arith.constant 0 : i32
      %dma_wait3A_126 = arith.constant 0 : i32
      %dma_wait3A_127 = tpu.memref_slice %arg10[%run_scoped3A_15, %dma_wait3A_125, %dma_wait3A_126] : memref<2x128x128xf32, #tpu.memory_space<vmem>> -> memref<1x128x128xf32, #tpu.memory_space<vmem>>
      %dma_wait3A_128 = tpu.memref_squeeze %dma_wait3A_127 : memref<1x128x128xf32, #tpu.memory_space<vmem>> -> memref<128x128xf32, #tpu.memory_space<vmem>>
      tpu.wait_dma2 semaphore(%run_scoped3A_104 : memref<!tpu.dma_semaphore, #tpu.memory_space<semaphore_mem>>) src(%dma_wait3A_128 : memref<128x128xf32, #tpu.memory_space<vmem>>) dst(%dma_wait3A_124 : memref<128x128xf32, #tpu.memory_space<vmem_shared>>)
      tpu.yield
    }) : () -> ()
    %mul3A_16 = arith.constant 640 : i32
    %mul3A_17 = arith.muli %arg1, %mul3A_16 : i32
    %add3A_18 = arith.constant 256 : i32
    %add3A_19 = arith.addi %mul3A_17, %add3A_18 : i32
    %run_scoped3A_20 = arith.constant 0 : i32
    "tpu.region"() ({
      %run_scoped3A_104 = tpu.sem_alloc : memref<!tpu.dma_semaphore, #tpu.memory_space<semaphore_mem>>
      %dma_start3A_105 = arith.constant 0 : i32
      %dma_start3A_106 = arith.constant 0 : i32
      %dma_start3A_107 = tpu.memref_slice %arg10[%run_scoped3A_20, %dma_start3A_105, %dma_start3A_106] : memref<2x128x128xf32, #tpu.memory_space<vmem>> -> memref<1x128x128xf32, #tpu.memory_space<vmem>>
      %dma_start3A_108 = tpu.memref_squeeze %dma_start3A_107 : memref<1x128x128xf32, #tpu.memory_space<vmem>> -> memref<128x128xf32, #tpu.memory_space<vmem>>
      %dma_start3A_109 = arith.constant 0 : i32
      %dma_start3A_110 = tpu.memref_slice %arg11[%add3A_19, %dma_start3A_109] : memref<10240x128xf32, #tpu.memory_space<vmem_shared>> -> memref<128x128xf32, #tpu.memory_space<vmem_shared>>
      %dma_start3A_111 = arith.constant 0 : i32
      %dma_start3A_112 = tpu.memref_slice %arg11[%add3A_19, %dma_start3A_111] : memref<10240x128xf32, #tpu.memory_space<vmem_shared>> -> memref<128x128xf32, #tpu.memory_space<vmem_shared>>
      %dma_start3A_113 = arith.constant 0 : i32
      %dma_start3A_114 = arith.constant 0 : i32
      %dma_start3A_115 = tpu.memref_slice %arg10[%run_scoped3A_20, %dma_start3A_113, %dma_start3A_114] : memref<2x128x128xf32, #tpu.memory_space<vmem>> -> memref<1x128x128xf32, #tpu.memory_space<vmem>>
      %dma_start3A_116 = tpu.memref_squeeze %dma_start3A_115 : memref<1x128x128xf32, #tpu.memory_space<vmem>> -> memref<128x128xf32, #tpu.memory_space<vmem>>
      tpu.enqueue_dma source(%dma_start3A_116 : memref<128x128xf32, #tpu.memory_space<vmem>>) target(%dma_start3A_112 : memref<128x128xf32, #tpu.memory_space<vmem_shared>>) target_semaphore(%run_scoped3A_104 : memref<!tpu.dma_semaphore, #tpu.memory_space<semaphore_mem>>)
      %dma_wait3A_117 = arith.constant 0 : i32
      %dma_wait3A_118 = arith.constant 0 : i32
      %dma_wait3A_119 = tpu.memref_slice %arg10[%run_scoped3A_20, %dma_wait3A_117, %dma_wait3A_118] : memref<2x128x128xf32, #tpu.memory_space<vmem>> -> memref<1x128x128xf32, #tpu.memory_space<vmem>>
      %dma_wait3A_120 = tpu.memref_squeeze %dma_wait3A_119 : memref<1x128x128xf32, #tpu.memory_space<vmem>> -> memref<128x128xf32, #tpu.memory_space<vmem>>
      %dma_wait3A_121 = arith.constant 0 : i32
      %dma_wait3A_122 = tpu.memref_slice %arg11[%add3A_19, %dma_wait3A_121] : memref<10240x128xf32, #tpu.memory_space<vmem_shared>> -> memref<128x128xf32, #tpu.memory_space<vmem_shared>>
      %dma_wait3A_123 = arith.constant 0 : i32
      %dma_wait3A_124 = tpu.memref_slice %arg11[%add3A_19, %dma_wait3A_123] : memref<10240x128xf32, #tpu.memory_space<vmem_shared>> -> memref<128x128xf32, #tpu.memory_space<vmem_shared>>
      %dma_wait3A_125 = arith.constant 0 : i32
      %dma_wait3A_126 = arith.constant 0 : i32
      %dma_wait3A_127 = tpu.memref_slice %arg10[%run_scoped3A_20, %dma_wait3A_125, %dma_wait3A_126] : memref<2x128x128xf32, #tpu.memory_space<vmem>> -> memref<1x128x128xf32, #tpu.memory_space<vmem>>
      %dma_wait3A_128 = tpu.memref_squeeze %dma_wait3A_127 : memref<1x128x128xf32, #tpu.memory_space<vmem>> -> memref<128x128xf32, #tpu.memory_space<vmem>>
      tpu.wait_dma2 semaphore(%run_scoped3A_104 : memref<!tpu.dma_semaphore, #tpu.memory_space<semaphore_mem>>) src(%dma_wait3A_128 : memref<128x128xf32, #tpu.memory_space<vmem>>) dst(%dma_wait3A_124 : memref<128x128xf32, #tpu.memory_space<vmem_shared>>)
      tpu.yield
    }) : () -> ()
    %mul3A_21 = arith.constant 640 : i32
    %mul3A_22 = arith.muli %arg1, %mul3A_21 : i32
    %add3A_23 = arith.constant 384 : i32
    %add3A_24 = arith.addi %mul3A_22, %add3A_23 : i32
    %run_scoped3A_25 = arith.constant 0 : i32
    "tpu.region"() ({
      %run_scoped3A_104 = tpu.sem_alloc : memref<!tpu.dma_semaphore, #tpu.memory_space<semaphore_mem>>
      %dma_start3A_105 = arith.constant 0 : i32
      %dma_start3A_106 = arith.constant 0 : i32
      %dma_start3A_107 = tpu.memref_slice %arg10[%run_scoped3A_25, %dma_start3A_105, %dma_start3A_106] : memref<2x128x128xf32, #tpu.memory_space<vmem>> -> memref<1x128x128xf32, #tpu.memory_space<vmem>>
      %dma_start3A_108 = tpu.memref_squeeze %dma_start3A_107 : memref<1x128x128xf32, #tpu.memory_space<vmem>> -> memref<128x128xf32, #tpu.memory_space<vmem>>
      %dma_start3A_109 = arith.constant 0 : i32
      %dma_start3A_110 = tpu.memref_slice %arg11[%add3A_24, %dma_start3A_109] : memref<10240x128xf32, #tpu.memory_space<vmem_shared>> -> memref<128x128xf32, #tpu.memory_space<vmem_shared>>
      %dma_start3A_111 = arith.constant 0 : i32
      %dma_start3A_112 = tpu.memref_slice %arg11[%add3A_24, %dma_start3A_111] : memref<10240x128xf32, #tpu.memory_space<vmem_shared>> -> memref<128x128xf32, #tpu.memory_space<vmem_shared>>
      %dma_start3A_113 = arith.constant 0 : i32
      %dma_start3A_114 = arith.constant 0 : i32
      %dma_start3A_115 = tpu.memref_slice %arg10[%run_scoped3A_25, %dma_start3A_113, %dma_start3A_114] : memref<2x128x128xf32, #tpu.memory_space<vmem>> -> memref<1x128x128xf32, #tpu.memory_space<vmem>>
      %dma_start3A_116 = tpu.memref_squeeze %dma_start3A_115 : memref<1x128x128xf32, #tpu.memory_space<vmem>> -> memref<128x128xf32, #tpu.memory_space<vmem>>
      tpu.enqueue_dma source(%dma_start3A_116 : memref<128x128xf32, #tpu.memory_space<vmem>>) target(%dma_start3A_112 : memref<128x128xf32, #tpu.memory_space<vmem_shared>>) target_semaphore(%run_scoped3A_104 : memref<!tpu.dma_semaphore, #tpu.memory_space<semaphore_mem>>)
      %dma_wait3A_117 = arith.constant 0 : i32
      %dma_wait3A_118 = arith.constant 0 : i32
      %dma_wait3A_119 = tpu.memref_slice %arg10[%run_scoped3A_25, %dma_wait3A_117, %dma_wait3A_118] : memref<2x128x128xf32, #tpu.memory_space<vmem>> -> memref<1x128x128xf32, #tpu.memory_space<vmem>>
      %dma_wait3A_120 = tpu.memref_squeeze %dma_wait3A_119 : memref<1x128x128xf32, #tpu.memory_space<vmem>> -> memref<128x128xf32, #tpu.memory_space<vmem>>
      %dma_wait3A_121 = arith.constant 0 : i32
      %dma_wait3A_122 = tpu.memref_slice %arg11[%add3A_24, %dma_wait3A_121] : memref<10240x128xf32, #tpu.memory_space<vmem_shared>> -> memref<128x128xf32, #tpu.memory_space<vmem_shared>>
      %dma_wait3A_123 = arith.constant 0 : i32
      %dma_wait3A_124 = tpu.memref_slice %arg11[%add3A_24, %dma_wait3A_123] : memref<10240x128xf32, #tpu.memory_space<vmem_shared>> -> memref<128x128xf32, #tpu.memory_space<vmem_shared>>
      %dma_wait3A_125 = arith.constant 0 : i32
      %dma_wait3A_126 = arith.constant 0 : i32
      %dma_wait3A_127 = tpu.memref_slice %arg10[%run_scoped3A_25, %dma_wait3A_125, %dma_wait3A_126] : memref<2x128x128xf32, #tpu.memory_space<vmem>> -> memref<1x128x128xf32, #tpu.memory_space<vmem>>
      %dma_wait3A_128 = tpu.memref_squeeze %dma_wait3A_127 : memref<1x128x128xf32, #tpu.memory_space<vmem>> -> memref<128x128xf32, #tpu.memory_space<vmem>>
      tpu.wait_dma2 semaphore(%run_scoped3A_104 : memref<!tpu.dma_semaphore, #tpu.memory_space<semaphore_mem>>) src(%dma_wait3A_128 : memref<128x128xf32, #tpu.memory_space<vmem>>) dst(%dma_wait3A_124 : memref<128x128xf32, #tpu.memory_space<vmem_shared>>)
      tpu.yield
    }) : () -> ()
    %mul3A_26 = arith.constant 640 : i32
    %mul3A_27 = arith.muli %arg1, %mul3A_26 : i32
    %add3A_28 = arith.constant 512 : i32
    %add3A_29 = arith.addi %mul3A_27, %add3A_28 : i32
    %run_scoped3A_30 = arith.constant 0 : i32
    "tpu.region"() ({
      %run_scoped3A_104 = tpu.sem_alloc : memref<!tpu.dma_semaphore, #tpu.memory_space<semaphore_mem>>
      %dma_start3A_105 = arith.constant 0 : i32
      %dma_start3A_106 = arith.constant 0 : i32
      %dma_start3A_107 = tpu.memref_slice %arg10[%run_scoped3A_30, %dma_start3A_105, %dma_start3A_106] : memref<2x128x128xf32, #tpu.memory_space<vmem>> -> memref<1x128x128xf32, #tpu.memory_space<vmem>>
      %dma_start3A_108 = tpu.memref_squeeze %dma_start3A_107 : memref<1x128x128xf32, #tpu.memory_space<vmem>> -> memref<128x128xf32, #tpu.memory_space<vmem>>
      %dma_start3A_109 = arith.constant 0 : i32
      %dma_start3A_110 = tpu.memref_slice %arg11[%add3A_29, %dma_start3A_109] : memref<10240x128xf32, #tpu.memory_space<vmem_shared>> -> memref<128x128xf32, #tpu.memory_space<vmem_shared>>
      %dma_start3A_111 = arith.constant 0 : i32
      %dma_start3A_112 = tpu.memref_slice %arg11[%add3A_29, %dma_start3A_111] : memref<10240x128xf32, #tpu.memory_space<vmem_shared>> -> memref<128x128xf32, #tpu.memory_space<vmem_shared>>
      %dma_start3A_113 = arith.constant 0 : i32
      %dma_start3A_114 = arith.constant 0 : i32
      %dma_start3A_115 = tpu.memref_slice %arg10[%run_scoped3A_30, %dma_start3A_113, %dma_start3A_114] : memref<2x128x128xf32, #tpu.memory_space<vmem>> -> memref<1x128x128xf32, #tpu.memory_space<vmem>>
      %dma_start3A_116 = tpu.memref_squeeze %dma_start3A_115 : memref<1x128x128xf32, #tpu.memory_space<vmem>> -> memref<128x128xf32, #tpu.memory_space<vmem>>
      tpu.enqueue_dma source(%dma_start3A_116 : memref<128x128xf32, #tpu.memory_space<vmem>>) target(%dma_start3A_112 : memref<128x128xf32, #tpu.memory_space<vmem_shared>>) target_semaphore(%run_scoped3A_104 : memref<!tpu.dma_semaphore, #tpu.memory_space<semaphore_mem>>)
      %dma_wait3A_117 = arith.constant 0 : i32
      %dma_wait3A_118 = arith.constant 0 : i32
      %dma_wait3A_119 = tpu.memref_slice %arg10[%run_scoped3A_30, %dma_wait3A_117, %dma_wait3A_118] : memref<2x128x128xf32, #tpu.memory_space<vmem>> -> memref<1x128x128xf32, #tpu.memory_space<vmem>>
      %dma_wait3A_120 = tpu.memref_squeeze %dma_wait3A_119 : memref<1x128x128xf32, #tpu.memory_space<vmem>> -> memref<128x128xf32, #tpu.memory_space<vmem>>
      %dma_wait3A_121 = arith.constant 0 : i32
      %dma_wait3A_122 = tpu.memref_slice %arg11[%add3A_29, %dma_wait3A_121] : memref<10240x128xf32, #tpu.memory_space<vmem_shared>> -> memref<128x128xf32, #tpu.memory_space<vmem_shared>>
      %dma_wait3A_123 = arith.constant 0 : i32
      %dma_wait3A_124 = tpu.memref_slice %arg11[%add3A_29, %dma_wait3A_123] : memref<10240x128xf32, #tpu.memory_space<vmem_shared>> -> memref<128x128xf32, #tpu.memory_space<vmem_shared>>
      %dma_wait3A_125 = arith.constant 0 : i32
      %dma_wait3A_126 = arith.constant 0 : i32
      %dma_wait3A_127 = tpu.memref_slice %arg10[%run_scoped3A_30, %dma_wait3A_125, %dma_wait3A_126] : memref<2x128x128xf32, #tpu.memory_space<vmem>> -> memref<1x128x128xf32, #tpu.memory_space<vmem>>
      %dma_wait3A_128 = tpu.memref_squeeze %dma_wait3A_127 : memref<1x128x128xf32, #tpu.memory_space<vmem>> -> memref<128x128xf32, #tpu.memory_space<vmem>>
      tpu.wait_dma2 semaphore(%run_scoped3A_104 : memref<!tpu.dma_semaphore, #tpu.memory_space<semaphore_mem>>) src(%dma_wait3A_128 : memref<128x128xf32, #tpu.memory_space<vmem>>) dst(%dma_wait3A_124 : memref<128x128xf32, #tpu.memory_space<vmem_shared>>)
      tpu.yield
    }) : () -> ()
    %barrier3A = arith.constant 0 : index
    tpu.barrier barrier_id(%barrier3A)
    %mul3A_31 = arith.constant 80 : i32
    %mul3A_32 = arith.muli %add3A, %mul3A_31 : i32
    %add3A_33 = arith.constant 0 : i32
    %add3A_34 = arith.addi %mul3A_32, %add3A_33 : i32
    "tpu.region"() ({
      %run_scoped3A_104 = tpu.sem_alloc : memref<!tpu.dma_semaphore, #tpu.memory_space<semaphore_mem>>
      %dma_start3A_105 = arith.constant 0 : i32
      %dma_start3A_106 = tpu.memref_slice %arg3[%add3A_34, %dma_start3A_105] : memref<2560x128xi32, #tpu.memory_space<hbm>> -> memref<40x128xi32, #tpu.memory_space<hbm>>
      %dma_start3A_107 = arith.constant 0 : i32
      %dma_start3A_108 = tpu.memref_slice %arg3[%add3A_34, %dma_start3A_107] : memref<2560x128xi32, #tpu.memory_space<hbm>> -> memref<40x128xi32, #tpu.memory_space<hbm>>
      tpu.enqueue_dma source(%dma_start3A_108 : memref<40x128xi32, #tpu.memory_space<hbm>>) target(%arg7 : memref<40x128xi32, #tpu.memory_space<vmem>>) target_semaphore(%run_scoped3A_104 : memref<!tpu.dma_semaphore, #tpu.memory_space<semaphore_mem>>)
      %dma_wait3A_109 = arith.constant 0 : i32
      %dma_wait3A_110 = tpu.memref_slice %arg3[%add3A_34, %dma_wait3A_109] : memref<2560x128xi32, #tpu.memory_space<hbm>> -> memref<40x128xi32, #tpu.memory_space<hbm>>
      %dma_wait3A_111 = arith.constant 0 : i32
      %dma_wait3A_112 = tpu.memref_slice %arg3[%add3A_34, %dma_wait3A_111] : memref<2560x128xi32, #tpu.memory_space<hbm>> -> memref<40x128xi32, #tpu.memory_space<hbm>>
      tpu.wait_dma2 semaphore(%run_scoped3A_104 : memref<!tpu.dma_semaphore, #tpu.memory_space<semaphore_mem>>) src(%dma_wait3A_112 : memref<40x128xi32, #tpu.memory_space<hbm>>) dst(%arg7 : memref<40x128xi32, #tpu.memory_space<vmem>>)
      tpu.yield
    }) : () -> ()
    "tpu.region"() ({
      %run_scoped3A_104 = tpu.sem_alloc : memref<!tpu.dma_semaphore, #tpu.memory_space<semaphore_mem>>
      %dma_start3A_105 = arith.constant 0 : i32
      %dma_start3A_106 = tpu.memref_slice %arg4[%add3A_34, %dma_start3A_105] : memref<2560x128xi32, #tpu.memory_space<hbm>> -> memref<40x128xi32, #tpu.memory_space<hbm>>
      %dma_start3A_107 = arith.constant 0 : i32
      %dma_start3A_108 = tpu.memref_slice %arg4[%add3A_34, %dma_start3A_107] : memref<2560x128xi32, #tpu.memory_space<hbm>> -> memref<40x128xi32, #tpu.memory_space<hbm>>
      tpu.enqueue_dma source(%dma_start3A_108 : memref<40x128xi32, #tpu.memory_space<hbm>>) target(%arg8 : memref<40x128xi32, #tpu.memory_space<vmem>>) target_semaphore(%run_scoped3A_104 : memref<!tpu.dma_semaphore, #tpu.memory_space<semaphore_mem>>)
      %dma_wait3A_109 = arith.constant 0 : i32
      %dma_wait3A_110 = tpu.memref_slice %arg4[%add3A_34, %dma_wait3A_109] : memref<2560x128xi32, #tpu.memory_space<hbm>> -> memref<40x128xi32, #tpu.memory_space<hbm>>
      %dma_wait3A_111 = arith.constant 0 : i32
      %dma_wait3A_112 = tpu.memref_slice %arg4[%add3A_34, %dma_wait3A_111] : memref<2560x128xi32, #tpu.memory_space<hbm>> -> memref<40x128xi32, #tpu.memory_space<hbm>>
      tpu.wait_dma2 semaphore(%run_scoped3A_104 : memref<!tpu.dma_semaphore, #tpu.memory_space<semaphore_mem>>) src(%dma_wait3A_112 : memref<40x128xi32, #tpu.memory_space<hbm>>) dst(%arg8 : memref<40x128xi32, #tpu.memory_space<vmem>>)
      tpu.yield
    }) : () -> ()
    "tpu.region"() ({
      %run_scoped3A_104 = tpu.sem_alloc : memref<!tpu.dma_semaphore, #tpu.memory_space<semaphore_mem>>
      %dma_start3A_105 = arith.constant 0 : i32
      %dma_start3A_106 = tpu.memref_slice %arg5[%add3A_34, %dma_start3A_105] : memref<2560x128xf32, #tpu.memory_space<hbm>> -> memref<40x128xf32, #tpu.memory_space<hbm>>
      %dma_start3A_107 = arith.constant 0 : i32
      %dma_start3A_108 = tpu.memref_slice %arg5[%add3A_34, %dma_start3A_107] : memref<2560x128xf32, #tpu.memory_space<hbm>> -> memref<40x128xf32, #tpu.memory_space<hbm>>
      tpu.enqueue_dma source(%dma_start3A_108 : memref<40x128xf32, #tpu.memory_space<hbm>>) target(%arg9 : memref<40x128xf32, #tpu.memory_space<vmem>>) target_semaphore(%run_scoped3A_104 : memref<!tpu.dma_semaphore, #tpu.memory_space<semaphore_mem>>)
      %dma_wait3A_109 = arith.constant 0 : i32
      %dma_wait3A_110 = tpu.memref_slice %arg5[%add3A_34, %dma_wait3A_109] : memref<2560x128xf32, #tpu.memory_space<hbm>> -> memref<40x128xf32, #tpu.memory_space<hbm>>
      %dma_wait3A_111 = arith.constant 0 : i32
      %dma_wait3A_112 = tpu.memref_slice %arg5[%add3A_34, %dma_wait3A_111] : memref<2560x128xf32, #tpu.memory_space<hbm>> -> memref<40x128xf32, #tpu.memory_space<hbm>>
      tpu.wait_dma2 semaphore(%run_scoped3A_104 : memref<!tpu.dma_semaphore, #tpu.memory_space<semaphore_mem>>) src(%dma_wait3A_112 : memref<40x128xf32, #tpu.memory_space<hbm>>) dst(%arg9 : memref<40x128xf32, #tpu.memory_space<vmem>>)
      tpu.yield
    }) : () -> ()
    %dma_start3A = arith.constant 0 : i32
    %dma_start3A_35 = arith.constant 0 : i32
    %dma_start3A_36 = arith.constant 0 : i32
    %dma_start3A_37 = arith.constant 0 : i32
    %dma_start3A_38 = tpu.memref_slice %arg10[%dma_start3A_35, %dma_start3A_36, %dma_start3A_37] : memref<2x128x128xf32, #tpu.memory_space<vmem>> -> memref<1x128x128xf32, #tpu.memory_space<vmem>>
    %dma_start3A_39 = tpu.memref_squeeze %dma_start3A_38 : memref<1x128x128xf32, #tpu.memory_space<vmem>> -> memref<128x128xf32, #tpu.memory_space<vmem>>
    %dma_start3A_40 = arith.constant 0 : i32
    %dma_start3A_41 = tpu.memref_slice %arg7[%dma_start3A, %dma_start3A_40] : memref<40x128xi32, #tpu.memory_space<vmem>> -> memref<1x128xi32, #tpu.memory_space<vmem>>
    %dma_start3A_42 = tpu.memref_squeeze %dma_start3A_41 : memref<1x128xi32, #tpu.memory_space<vmem>> -> memref<128xi32, #tpu.memory_space<vmem>>
    %dma_start3A_43 = arith.constant 0 : i32
    %dma_start3A_44 = arith.constant 0 : i32
    %dma_start3A_45 = tpu.memref_slice %arg2[%dma_start3A_43, %dma_start3A_44] : memref<10000x128xf32, #tpu.memory_space<hbm>> -> memref<10000x128xf32, #tpu.memory_space<hbm>>
    tpu.enqueue_indirect_dma source(%dma_start3A_45 : memref<10000x128xf32, #tpu.memory_space<hbm>>) target(%dma_start3A_39 : memref<128x128xf32, #tpu.memory_space<vmem>>) offsets(%dma_start3A_42 : memref<128xi32, #tpu.memory_space<vmem>>) semaphore(%arg12 : memref<!tpu.dma_semaphore, #tpu.memory_space<semaphore_mem>>)
    %scan3A_46 = arith.constant 0 : i32
    %scan3A_47 = arith.constant 0 : i32
    %scan3A_48 = arith.constant 20 : i32
    %scan3A_49 = arith.addi %scan3A_47, %scan3A_48 : i32
    %scan3A_50 = arith.constant 1 : i32
    %scan3A_51 = scf.for %scan3A_104 = %scan3A_47 to %scan3A_49 step %scan3A_50 iter_args(%scan3A_105 = %scan3A_46) -> (i32)  : i32 {
      %mul3A_106 = arith.constant 2 : i32
      %mul3A_107 = arith.muli %mul3A_106, %scan3A_104 : i32
      %dma_wait3A_108 = arith.constant 0 : i32
      %dma_wait3A_109 = arith.constant 0 : i32
      %dma_wait3A_110 = arith.constant 0 : i32
      %dma_wait3A_111 = tpu.memref_slice %arg10[%dma_wait3A_108, %dma_wait3A_109, %dma_wait3A_110] : memref<2x128x128xf32, #tpu.memory_space<vmem>> -> memref<1x128x128xf32, #tpu.memory_space<vmem>>
      %dma_wait3A_112 = tpu.memref_squeeze %dma_wait3A_111 : memref<1x128x128xf32, #tpu.memory_space<vmem>> -> memref<128x128xf32, #tpu.memory_space<vmem>>
      %dma_wait3A_113 = arith.constant 0 : i32
      %dma_wait3A_114 = tpu.memref_slice %arg7[%mul3A_107, %dma_wait3A_113] : memref<40x128xi32, #tpu.memory_space<vmem>> -> memref<1x128xi32, #tpu.memory_space<vmem>>
      %dma_wait3A_115 = tpu.memref_squeeze %dma_wait3A_114 : memref<1x128xi32, #tpu.memory_space<vmem>> -> memref<128xi32, #tpu.memory_space<vmem>>
      %dma_wait3A_116 = arith.constant 0 : i32
      %dma_wait3A_117 = arith.constant 0 : i32
      %dma_wait3A_118 = tpu.memref_slice %arg2[%dma_wait3A_116, %dma_wait3A_117] : memref<10000x128xf32, #tpu.memory_space<hbm>> -> memref<10000x128xf32, #tpu.memory_space<hbm>>
      tpu.wait_indirect_dma semaphore(%arg12 : memref<!tpu.dma_semaphore, #tpu.memory_space<semaphore_mem>>) src(%dma_wait3A_118 : memref<10000x128xf32, #tpu.memory_space<hbm>>) dst(%dma_wait3A_112 : memref<128x128xf32, #tpu.memory_space<vmem>>)
      %ge3A = arith.constant 1 : i32
      %ge3A_119 = arith.cmpi sge, %mul3A_107, %ge3A : i32
      %convert_element_type3A = arith.extui %ge3A_119 : i1 to i32
      %cond3A = arith.constant 0 : i32
      %cond3A_120 = arith.cmpi ne, %convert_element_type3A, %cond3A : i32
      scf.if %cond3A_120 {
        %sub3A = arith.constant 1 : i32
        %sub3A_178 = arith.subi %mul3A_107, %sub3A : i32
        %dma_wait3A_179 = arith.constant 1 : i32
        %dma_wait3A_180 = arith.constant 0 : i32
        %dma_wait3A_181 = arith.constant 0 : i32
        %dma_wait3A_182 = tpu.memref_slice %arg10[%dma_wait3A_179, %dma_wait3A_180, %dma_wait3A_181] : memref<2x128x128xf32, #tpu.memory_space<vmem>> -> memref<1x128x128xf32, #tpu.memory_space<vmem>>
        %dma_wait3A_183 = tpu.memref_squeeze %dma_wait3A_182 : memref<1x128x128xf32, #tpu.memory_space<vmem>> -> memref<128x128xf32, #tpu.memory_space<vmem>>
        %dma_wait3A_184 = arith.constant 0 : i32
        %dma_wait3A_185 = tpu.memref_slice %arg8[%sub3A_178, %dma_wait3A_184] : memref<40x128xi32, #tpu.memory_space<vmem>> -> memref<1x128xi32, #tpu.memory_space<vmem>>
        %dma_wait3A_186 = tpu.memref_squeeze %dma_wait3A_185 : memref<1x128xi32, #tpu.memory_space<vmem>> -> memref<128xi32, #tpu.memory_space<vmem>>
        %dma_wait3A_187 = arith.constant 0 : i32
        %dma_wait3A_188 = arith.constant 0 : i32
        %dma_wait3A_189 = tpu.memref_slice %arg11[%dma_wait3A_187, %dma_wait3A_188] : memref<10240x128xf32, #tpu.memory_space<vmem_shared>> -> memref<10240x128xf32, #tpu.memory_space<vmem_shared>>
        tpu.wait_indirect_dma semaphore(%arg13 : memref<!tpu.dma_semaphore, #tpu.memory_space<semaphore_mem>>) src(%dma_wait3A_183 : memref<128x128xf32, #tpu.memory_space<vmem>>) dst(%dma_wait3A_189 : memref<10240x128xf32, #tpu.memory_space<vmem_shared>>)
      } else {
      }
      %le3A = arith.constant 38 : i32
      %le3A_121 = arith.cmpi sle, %mul3A_107, %le3A : i32
      %convert_element_type3A_122 = arith.extui %le3A_121 : i1 to i32
      %cond3A_123 = arith.constant 0 : i32
      %cond3A_124 = arith.cmpi ne, %convert_element_type3A_122, %cond3A_123 : i32
      scf.if %cond3A_124 {
        %add3A_178 = arith.constant 1 : i32
        %add3A_179 = arith.addi %mul3A_107, %add3A_178 : i32
        %dma_start3A_180 = arith.constant 1 : i32
        %dma_start3A_181 = arith.constant 0 : i32
        %dma_start3A_182 = arith.constant 0 : i32
        %dma_start3A_183 = tpu.memref_slice %arg10[%dma_start3A_180, %dma_start3A_181, %dma_start3A_182] : memref<2x128x128xf32, #tpu.memory_space<vmem>> -> memref<1x128x128xf32, #tpu.memory_space<vmem>>
        %dma_start3A_184 = tpu.memref_squeeze %dma_start3A_183 : memref<1x128x128xf32, #tpu.memory_space<vmem>> -> memref<128x128xf32, #tpu.memory_space<vmem>>
        %dma_start3A_185 = arith.constant 0 : i32
        %dma_start3A_186 = tpu.memref_slice %arg7[%add3A_179, %dma_start3A_185] : memref<40x128xi32, #tpu.memory_space<vmem>> -> memref<1x128xi32, #tpu.memory_space<vmem>>
        %dma_start3A_187 = tpu.memref_squeeze %dma_start3A_186 : memref<1x128xi32, #tpu.memory_space<vmem>> -> memref<128xi32, #tpu.memory_space<vmem>>
        %dma_start3A_188 = arith.constant 0 : i32
        %dma_start3A_189 = arith.constant 0 : i32
        %dma_start3A_190 = tpu.memref_slice %arg2[%dma_start3A_188, %dma_start3A_189] : memref<10000x128xf32, #tpu.memory_space<hbm>> -> memref<10000x128xf32, #tpu.memory_space<hbm>>
        tpu.enqueue_indirect_dma source(%dma_start3A_190 : memref<10000x128xf32, #tpu.memory_space<hbm>>) target(%dma_start3A_184 : memref<128x128xf32, #tpu.memory_space<vmem>>) offsets(%dma_start3A_187 : memref<128xi32, #tpu.memory_space<vmem>>) semaphore(%arg12 : memref<!tpu.dma_semaphore, #tpu.memory_space<semaphore_mem>>)
      } else {
      }
      %parallel_loop3A = arith.constant 0 : i32
      %parallel_loop3A_125 = arith.constant 128 : i32
      %parallel_loop3A_126 = arith.constant 1 : i32
      scf.for %parallel_loop3A_178 = %parallel_loop3A to %parallel_loop3A_125 step %parallel_loop3A_126  : i32 {
        %parallel_loop3A_179 = vector.broadcast %mul3A_107 : i32 to vector<16xi32>
        %parallel_loop3A_180 = vector.broadcast %parallel_loop3A_178 : i32 to vector<16xi32>
        %parallel_loop3A_181 = tpu.vector_load_idx %arg9[%parallel_loop3A_179, %parallel_loop3A_180] : memref<40x128xf32, #tpu.memory_space<vmem>>[vector<16xi32>, vector<16xi32>], vector<16xf32>,
        %parallel_loop3A_182 = arith.constant 0 : i32
        %parallel_loop3A_183 = arith.index_cast %parallel_loop3A_182 : i32 to index
        %parallel_loop3A_184 = arith.index_cast %parallel_loop3A_178 : i32 to index
        %parallel_loop3A_185 = arith.constant 0 : index
        %parallel_loop3A_186 = tpu.vector_load %arg10[%parallel_loop3A_183, %parallel_loop3A_184, %parallel_loop3A_185] {strides = array<i32>} : memref<2x128x128xf32, #tpu.memory_space<vmem>>, vector<16xf32>,
        %parallel_loop3A_187 = arith.mulf %parallel_loop3A_186, %parallel_loop3A_181 : vector<16xf32>
        %parallel_loop3A_188 = arith.constant 0 : i32
        %parallel_loop3A_189 = arith.index_cast %parallel_loop3A_188 : i32 to index
        %parallel_loop3A_190 = arith.index_cast %parallel_loop3A_178 : i32 to index
        %parallel_loop3A_191 = arith.constant 0 : index
        %parallel_loop3A_192 = tpu.vector_load %arg10[%parallel_loop3A_189, %parallel_loop3A_190, %parallel_loop3A_191] {strides = array<i32>} : memref<2x128x128xf32, #tpu.memory_space<vmem>>, vector<16xf32>,
        tpu.vector_store %arg10[%parallel_loop3A_189, %parallel_loop3A_190, %parallel_loop3A_191], %parallel_loop3A_187 {strides = array<i32>} : memref<2x128x128xf32, #tpu.memory_space<vmem>>, vector<16xf32>,
        %parallel_loop3A_193 = arith.constant 0 : i32
        %parallel_loop3A_194 = arith.index_cast %parallel_loop3A_193 : i32 to index
        %parallel_loop3A_195 = arith.index_cast %parallel_loop3A_178 : i32 to index
        %parallel_loop3A_196 = arith.constant 16 : index
        %parallel_loop3A_197 = tpu.vector_load %arg10[%parallel_loop3A_194, %parallel_loop3A_195, %parallel_loop3A_196] {strides = array<i32>} : memref<2x128x128xf32, #tpu.memory_space<vmem>>, vector<16xf32>,
        %parallel_loop3A_198 = arith.mulf %parallel_loop3A_197, %parallel_loop3A_181 : vector<16xf32>
        %parallel_loop3A_199 = arith.constant 0 : i32
        %parallel_loop3A_200 = arith.index_cast %parallel_loop3A_199 : i32 to index
        %parallel_loop3A_201 = arith.index_cast %parallel_loop3A_178 : i32 to index
        %parallel_loop3A_202 = arith.constant 16 : index
        %parallel_loop3A_203 = tpu.vector_load %arg10[%parallel_loop3A_200, %parallel_loop3A_201, %parallel_loop3A_202] {strides = array<i32>} : memref<2x128x128xf32, #tpu.memory_space<vmem>>, vector<16xf32>,
        tpu.vector_store %arg10[%parallel_loop3A_200, %parallel_loop3A_201, %parallel_loop3A_202], %parallel_loop3A_198 {strides = array<i32>} : memref<2x128x128xf32, #tpu.memory_space<vmem>>, vector<16xf32>,
        %parallel_loop3A_204 = arith.constant 0 : i32
        %parallel_loop3A_205 = arith.index_cast %parallel_loop3A_204 : i32 to index
        %parallel_loop3A_206 = arith.index_cast %parallel_loop3A_178 : i32 to index
        %parallel_loop3A_207 = arith.constant 32 : index
        %parallel_loop3A_208 = tpu.vector_load %arg10[%parallel_loop3A_205, %parallel_loop3A_206, %parallel_loop3A_207] {strides = array<i32>} : memref<2x128x128xf32, #tpu.memory_space<vmem>>, vector<16xf32>,
        %parallel_loop3A_209 = arith.mulf %parallel_loop3A_208, %parallel_loop3A_181 : vector<16xf32>
        %parallel_loop3A_210 = arith.constant 0 : i32
        %parallel_loop3A_211 = arith.index_cast %parallel_loop3A_210 : i32 to index
        %parallel_loop3A_212 = arith.index_cast %parallel_loop3A_178 : i32 to index
        %parallel_loop3A_213 = arith.constant 32 : index
        %parallel_loop3A_214 = tpu.vector_load %arg10[%parallel_loop3A_211, %parallel_loop3A_212, %parallel_loop3A_213] {strides = array<i32>} : memref<2x128x128xf32, #tpu.memory_space<vmem>>, vector<16xf32>,
        tpu.vector_store %arg10[%parallel_loop3A_211, %parallel_loop3A_212, %parallel_loop3A_213], %parallel_loop3A_209 {strides = array<i32>} : memref<2x128x128xf32, #tpu.memory_space<vmem>>, vector<16xf32>,
        %parallel_loop3A_215 = arith.constant 0 : i32
        %parallel_loop3A_216 = arith.index_cast %parallel_loop3A_215 : i32 to index
        %parallel_loop3A_217 = arith.index_cast %parallel_loop3A_178 : i32 to index
        %parallel_loop3A_218 = arith.constant 48 : index
        %parallel_loop3A_219 = tpu.vector_load %arg10[%parallel_loop3A_216, %parallel_loop3A_217, %parallel_loop3A_218] {strides = array<i32>} : memref<2x128x128xf32, #tpu.memory_space<vmem>>, vector<16xf32>,
        %parallel_loop3A_220 = arith.mulf %parallel_loop3A_219, %parallel_loop3A_181 : vector<16xf32>
        %parallel_loop3A_221 = arith.constant 0 : i32
        %parallel_loop3A_222 = arith.index_cast %parallel_loop3A_221 : i32 to index
        %parallel_loop3A_223 = arith.index_cast %parallel_loop3A_178 : i32 to index
        %parallel_loop3A_224 = arith.constant 48 : index
        %parallel_loop3A_225 = tpu.vector_load %arg10[%parallel_loop3A_222, %parallel_loop3A_223, %parallel_loop3A_224] {strides = array<i32>} : memref<2x128x128xf32, #tpu.memory_space<vmem>>, vector<16xf32>,
        tpu.vector_store %arg10[%parallel_loop3A_222, %parallel_loop3A_223, %parallel_loop3A_224], %parallel_loop3A_220 {strides = array<i32>} : memref<2x128x128xf32, #tpu.memory_space<vmem>>, vector<16xf32>,
        %parallel_loop3A_226 = arith.constant 0 : i32
        %parallel_loop3A_227 = arith.index_cast %parallel_loop3A_226 : i32 to index
        %parallel_loop3A_228 = arith.index_cast %parallel_loop3A_178 : i32 to index
        %parallel_loop3A_229 = arith.constant 64 : index
        %parallel_loop3A_230 = tpu.vector_load %arg10[%parallel_loop3A_227, %parallel_loop3A_228, %parallel_loop3A_229] {strides = array<i32>} : memref<2x128x128xf32, #tpu.memory_space<vmem>>, vector<16xf32>,
        %parallel_loop3A_231 = arith.mulf %parallel_loop3A_230, %parallel_loop3A_181 : vector<16xf32>
        %parallel_loop3A_232 = arith.constant 0 : i32
        %parallel_loop3A_233 = arith.index_cast %parallel_loop3A_232 : i32 to index
        %parallel_loop3A_234 = arith.index_cast %parallel_loop3A_178 : i32 to index
        %parallel_loop3A_235 = arith.constant 64 : index
        %parallel_loop3A_236 = tpu.vector_load %arg10[%parallel_loop3A_233, %parallel_loop3A_234, %parallel_loop3A_235] {strides = array<i32>} : memref<2x128x128xf32, #tpu.memory_space<vmem>>, vector<16xf32>,
        tpu.vector_store %arg10[%parallel_loop3A_233, %parallel_loop3A_234, %parallel_loop3A_235], %parallel_loop3A_231 {strides = array<i32>} : memref<2x128x128xf32, #tpu.memory_space<vmem>>, vector<16xf32>,
        %parallel_loop3A_237 = arith.constant 0 : i32
        %parallel_loop3A_238 = arith.index_cast %parallel_loop3A_237 : i32 to index
        %parallel_loop3A_239 = arith.index_cast %parallel_loop3A_178 : i32 to index
        %parallel_loop3A_240 = arith.constant 80 : index
        %parallel_loop3A_241 = tpu.vector_load %arg10[%parallel_loop3A_238, %parallel_loop3A_239, %parallel_loop3A_240] {strides = array<i32>} : memref<2x128x128xf32, #tpu.memory_space<vmem>>, vector<16xf32>,
        %parallel_loop3A_242 = arith.mulf %parallel_loop3A_241, %parallel_loop3A_181 : vector<16xf32>
        %parallel_loop3A_243 = arith.constant 0 : i32
        %parallel_loop3A_244 = arith.index_cast %parallel_loop3A_243 : i32 to index
        %parallel_loop3A_245 = arith.index_cast %parallel_loop3A_178 : i32 to index
        %parallel_loop3A_246 = arith.constant 80 : index
        %parallel_loop3A_247 = tpu.vector_load %arg10[%parallel_loop3A_244, %parallel_loop3A_245, %parallel_loop3A_246] {strides = array<i32>} : memref<2x128x128xf32, #tpu.memory_space<vmem>>, vector<16xf32>,
        tpu.vector_store %arg10[%parallel_loop3A_244, %parallel_loop3A_245, %parallel_loop3A_246], %parallel_loop3A_242 {strides = array<i32>} : memref<2x128x128xf32, #tpu.memory_space<vmem>>, vector<16xf32>,
        %parallel_loop3A_248 = arith.constant 0 : i32
        %parallel_loop3A_249 = arith.index_cast %parallel_loop3A_248 : i32 to index
        %parallel_loop3A_250 = arith.index_cast %parallel_loop3A_178 : i32 to index
        %parallel_loop3A_251 = arith.constant 96 : index
        %parallel_loop3A_252 = tpu.vector_load %arg10[%parallel_loop3A_249, %parallel_loop3A_250, %parallel_loop3A_251] {strides = array<i32>} : memref<2x128x128xf32, #tpu.memory_space<vmem>>, vector<16xf32>,
        %parallel_loop3A_253 = arith.mulf %parallel_loop3A_252, %parallel_loop3A_181 : vector<16xf32>
        %parallel_loop3A_254 = arith.constant 0 : i32
        %parallel_loop3A_255 = arith.index_cast %parallel_loop3A_254 : i32 to index
        %parallel_loop3A_256 = arith.index_cast %parallel_loop3A_178 : i32 to index
        %parallel_loop3A_257 = arith.constant 96 : index
        %parallel_loop3A_258 = tpu.vector_load %arg10[%parallel_loop3A_255, %parallel_loop3A_256, %parallel_loop3A_257] {strides = array<i32>} : memref<2x128x128xf32, #tpu.memory_space<vmem>>, vector<16xf32>,
        tpu.vector_store %arg10[%parallel_loop3A_255, %parallel_loop3A_256, %parallel_loop3A_257], %parallel_loop3A_253 {strides = array<i32>} : memref<2x128x128xf32, #tpu.memory_space<vmem>>, vector<16xf32>,
        %parallel_loop3A_259 = arith.constant 0 : i32
        %parallel_loop3A_260 = arith.index_cast %parallel_loop3A_259 : i32 to index
        %parallel_loop3A_261 = arith.index_cast %parallel_loop3A_178 : i32 to index
        %parallel_loop3A_262 = arith.constant 112 : index
        %parallel_loop3A_263 = tpu.vector_load %arg10[%parallel_loop3A_260, %parallel_loop3A_261, %parallel_loop3A_262] {strides = array<i32>} : memref<2x128x128xf32, #tpu.memory_space<vmem>>, vector<16xf32>,
        %parallel_loop3A_264 = arith.mulf %parallel_loop3A_263, %parallel_loop3A_181 : vector<16xf32>
        %parallel_loop3A_265 = arith.constant 0 : i32
        %parallel_loop3A_266 = arith.index_cast %parallel_loop3A_265 : i32 to index
        %parallel_loop3A_267 = arith.index_cast %parallel_loop3A_178 : i32 to index
        %parallel_loop3A_268 = arith.constant 112 : index
        %parallel_loop3A_269 = tpu.vector_load %arg10[%parallel_loop3A_266, %parallel_loop3A_267, %parallel_loop3A_268] {strides = array<i32>} : memref<2x128x128xf32, #tpu.memory_space<vmem>>, vector<16xf32>,
        tpu.vector_store %arg10[%parallel_loop3A_266, %parallel_loop3A_267, %parallel_loop3A_268], %parallel_loop3A_264 {strides = array<i32>} : memref<2x128x128xf32, #tpu.memory_space<vmem>>, vector<16xf32>,
      } {sc.loop_unroll_factor = 4 : i64, sc.parallel_access}
      %dma_start3A_127 = arith.constant 0 : i32
      %dma_start3A_128 = arith.constant 0 : i32
      %dma_start3A_129 = arith.constant 0 : i32
      %dma_start3A_130 = tpu.memref_slice %arg10[%dma_start3A_127, %dma_start3A_128, %dma_start3A_129] : memref<2x128x128xf32, #tpu.memory_space<vmem>> -> memref<1x128x128xf32, #tpu.memory_space<vmem>>
      %dma_start3A_131 = tpu.memref_squeeze %dma_start3A_130 : memref<1x128x128xf32, #tpu.memory_space<vmem>> -> memref<128x128xf32, #tpu.memory_space<vmem>>
      %dma_start3A_132 = arith.constant 0 : i32
      %dma_start3A_133 = tpu.memref_slice %arg8[%mul3A_107, %dma_start3A_132] : memref<40x128xi32, #tpu.memory_space<vmem>> -> memref<1x128xi32, #tpu.memory_space<vmem>>
      %dma_start3A_134 = tpu.memref_squeeze %dma_start3A_133 : memref<1x128xi32, #tpu.memory_space<vmem>> -> memref<128xi32, #tpu.memory_space<vmem>>
      %dma_start3A_135 = arith.constant 0 : i32
      %dma_start3A_136 = arith.constant 0 : i32
      %dma_start3A_137 = tpu.memref_slice %arg11[%dma_start3A_135, %dma_start3A_136] : memref<10240x128xf32, #tpu.memory_space<vmem_shared>> -> memref<10240x128xf32, #tpu.memory_space<vmem_shared>>
      tpu.enqueue_indirect_dma source(%dma_start3A_131 : memref<128x128xf32, #tpu.memory_space<vmem>>) target(%dma_start3A_137 : memref<10240x128xf32, #tpu.memory_space<vmem_shared>>) offsets(%dma_start3A_134 : memref<128xi32, #tpu.memory_space<vmem>>) semaphore(%arg13 : memref<!tpu.dma_semaphore, #tpu.memory_space<semaphore_mem>>) {add = true}
      %mul3A_138 = arith.constant 2 : i32
      %mul3A_139 = arith.muli %mul3A_138, %scan3A_104 : i32
      %add3A_140 = arith.constant 1 : i32
      %add3A_141 = arith.addi %mul3A_139, %add3A_140 : i32
      %dma_wait3A_142 = arith.constant 1 : i32
      %dma_wait3A_143 = arith.constant 0 : i32
      %dma_wait3A_144 = arith.constant 0 : i32
      %dma_wait3A_145 = tpu.memref_slice %arg10[%dma_wait3A_142, %dma_wait3A_143, %dma_wait3A_144] : memref<2x128x128xf32, #tpu.memory_space<vmem>> -> memref<1x128x128xf32, #tpu.memory_space<vmem>>
      %dma_wait3A_146 = tpu.memref_squeeze %dma_wait3A_145 : memref<1x128x128xf32, #tpu.memory_space<vmem>> -> memref<128x128xf32, #tpu.memory_space<vmem>>
      %dma_wait3A_147 = arith.constant 0 : i32
      %dma_wait3A_148 = tpu.memref_slice %arg7[%add3A_141, %dma_wait3A_147] : memref<40x128xi32, #tpu.memory_space<vmem>> -> memref<1x128xi32, #tpu.memory_space<vmem>>
      %dma_wait3A_149 = tpu.memref_squeeze %dma_wait3A_148 : memref<1x128xi32, #tpu.memory_space<vmem>> -> memref<128xi32, #tpu.memory_space<vmem>>
      %dma_wait3A_150 = arith.constant 0 : i32
      %dma_wait3A_151 = arith.constant 0 : i32
      %dma_wait3A_152 = tpu.memref_slice %arg2[%dma_wait3A_150, %dma_wait3A_151] : memref<10000x128xf32, #tpu.memory_space<hbm>> -> memref<10000x128xf32, #tpu.memory_space<hbm>>
      tpu.wait_indirect_dma semaphore(%arg12 : memref<!tpu.dma_semaphore, #tpu.memory_space<semaphore_mem>>) src(%dma_wait3A_152 : memref<10000x128xf32, #tpu.memory_space<hbm>>) dst(%dma_wait3A_146 : memref<128x128xf32, #tpu.memory_space<vmem>>)
      %ge3A_153 = arith.constant 1 : i32
      %ge3A_154 = arith.cmpi sge, %add3A_141, %ge3A_153 : i32
      %convert_element_type3A_155 = arith.extui %ge3A_154 : i1 to i32
      %cond3A_156 = arith.constant 0 : i32
      %cond3A_157 = arith.cmpi ne, %convert_element_type3A_155, %cond3A_156 : i32
      scf.if %cond3A_157 {
        %sub3A = arith.constant 1 : i32
        %sub3A_178 = arith.subi %add3A_141, %sub3A : i32
        %dma_wait3A_179 = arith.constant 0 : i32
        %dma_wait3A_180 = arith.constant 0 : i32
        %dma_wait3A_181 = arith.constant 0 : i32
        %dma_wait3A_182 = tpu.memref_slice %arg10[%dma_wait3A_179, %dma_wait3A_180, %dma_wait3A_181] : memref<2x128x128xf32, #tpu.memory_space<vmem>> -> memref<1x128x128xf32, #tpu.memory_space<vmem>>
        %dma_wait3A_183 = tpu.memref_squeeze %dma_wait3A_182 : memref<1x128x128xf32, #tpu.memory_space<vmem>> -> memref<128x128xf32, #tpu.memory_space<vmem>>
        %dma_wait3A_184 = arith.constant 0 : i32
        %dma_wait3A_185 = tpu.memref_slice %arg8[%sub3A_178, %dma_wait3A_184] : memref<40x128xi32, #tpu.memory_space<vmem>> -> memref<1x128xi32, #tpu.memory_space<vmem>>
        %dma_wait3A_186 = tpu.memref_squeeze %dma_wait3A_185 : memref<1x128xi32, #tpu.memory_space<vmem>> -> memref<128xi32, #tpu.memory_space<vmem>>
        %dma_wait3A_187 = arith.constant 0 : i32
        %dma_wait3A_188 = arith.constant 0 : i32
        %dma_wait3A_189 = tpu.memref_slice %arg11[%dma_wait3A_187, %dma_wait3A_188] : memref<10240x128xf32, #tpu.memory_space<vmem_shared>> -> memref<10240x128xf32, #tpu.memory_space<vmem_shared>>
        tpu.wait_indirect_dma semaphore(%arg13 : memref<!tpu.dma_semaphore, #tpu.memory_space<semaphore_mem>>) src(%dma_wait3A_183 : memref<128x128xf32, #tpu.memory_space<vmem>>) dst(%dma_wait3A_189 : memref<10240x128xf32, #tpu.memory_space<vmem_shared>>)
      } else {
      }
      %le3A_158 = arith.constant 38 : i32
      %le3A_159 = arith.cmpi sle, %add3A_141, %le3A_158 : i32
      %convert_element_type3A_160 = arith.extui %le3A_159 : i1 to i32
      %cond3A_161 = arith.constant 0 : i32
      %cond3A_162 = arith.cmpi ne, %convert_element_type3A_160, %cond3A_161 : i32
      scf.if %cond3A_162 {
        %add3A_178 = arith.constant 1 : i32
        %add3A_179 = arith.addi %add3A_141, %add3A_178 : i32
        %dma_start3A_180 = arith.constant 0 : i32
        %dma_start3A_181 = arith.constant 0 : i32
        %dma_start3A_182 = arith.constant 0 : i32
        %dma_start3A_183 = tpu.memref_slice %arg10[%dma_start3A_180, %dma_start3A_181, %dma_start3A_182] : memref<2x128x128xf32, #tpu.memory_space<vmem>> -> memref<1x128x128xf32, #tpu.memory_space<vmem>>
        %dma_start3A_184 = tpu.memref_squeeze %dma_start3A_183 : memref<1x128x128xf32, #tpu.memory_space<vmem>> -> memref<128x128xf32, #tpu.memory_space<vmem>>
        %dma_start3A_185 = arith.constant 0 : i32
        %dma_start3A_186 = tpu.memref_slice %arg7[%add3A_179, %dma_start3A_185] : memref<40x128xi32, #tpu.memory_space<vmem>> -> memref<1x128xi32, #tpu.memory_space<vmem>>
        %dma_start3A_187 = tpu.memref_squeeze %dma_start3A_186 : memref<1x128xi32, #tpu.memory_space<vmem>> -> memref<128xi32, #tpu.memory_space<vmem>>
        %dma_start3A_188 = arith.constant 0 : i32
        %dma_start3A_189 = arith.constant 0 : i32
        %dma_start3A_190 = tpu.memref_slice %arg2[%dma_start3A_188, %dma_start3A_189] : memref<10000x128xf32, #tpu.memory_space<hbm>> -> memref<10000x128xf32, #tpu.memory_space<hbm>>
        tpu.enqueue_indirect_dma source(%dma_start3A_190 : memref<10000x128xf32, #tpu.memory_space<hbm>>) target(%dma_start3A_184 : memref<128x128xf32, #tpu.memory_space<vmem>>) offsets(%dma_start3A_187 : memref<128xi32, #tpu.memory_space<vmem>>) semaphore(%arg12 : memref<!tpu.dma_semaphore, #tpu.memory_space<semaphore_mem>>)
      } else {
      }
      %parallel_loop3A_163 = arith.constant 0 : i32
      %parallel_loop3A_164 = arith.constant 128 : i32
      %parallel_loop3A_165 = arith.constant 1 : i32
      scf.for %parallel_loop3A_178 = %parallel_loop3A_163 to %parallel_loop3A_164 step %parallel_loop3A_165  : i32 {
        %parallel_loop3A_179 = vector.broadcast %add3A_141 : i32 to vector<16xi32>
        %parallel_loop3A_180 = vector.broadcast %parallel_loop3A_178 : i32 to vector<16xi32>
        %parallel_loop3A_181 = tpu.vector_load_idx %arg9[%parallel_loop3A_179, %parallel_loop3A_180] : memref<40x128xf32, #tpu.memory_space<vmem>>[vector<16xi32>, vector<16xi32>], vector<16xf32>,
        %parallel_loop3A_182 = arith.constant 1 : i32
        %parallel_loop3A_183 = arith.index_cast %parallel_loop3A_182 : i32 to index
        %parallel_loop3A_184 = arith.index_cast %parallel_loop3A_178 : i32 to index
        %parallel_loop3A_185 = arith.constant 0 : index
        %parallel_loop3A_186 = tpu.vector_load %arg10[%parallel_loop3A_183, %parallel_loop3A_184, %parallel_loop3A_185] {strides = array<i32>} : memref<2x128x128xf32, #tpu.memory_space<vmem>>, vector<16xf32>,
        %parallel_loop3A_187 = arith.mulf %parallel_loop3A_186, %parallel_loop3A_181 : vector<16xf32>
        %parallel_loop3A_188 = arith.constant 1 : i32
        %parallel_loop3A_189 = arith.index_cast %parallel_loop3A_188 : i32 to index
        %parallel_loop3A_190 = arith.index_cast %parallel_loop3A_178 : i32 to index
        %parallel_loop3A_191 = arith.constant 0 : index
        %parallel_loop3A_192 = tpu.vector_load %arg10[%parallel_loop3A_189, %parallel_loop3A_190, %parallel_loop3A_191] {strides = array<i32>} : memref<2x128x128xf32, #tpu.memory_space<vmem>>, vector<16xf32>,
        tpu.vector_store %arg10[%parallel_loop3A_189, %parallel_loop3A_190, %parallel_loop3A_191], %parallel_loop3A_187 {strides = array<i32>} : memref<2x128x128xf32, #tpu.memory_space<vmem>>, vector<16xf32>,
        %parallel_loop3A_193 = arith.constant 1 : i32
        %parallel_loop3A_194 = arith.index_cast %parallel_loop3A_193 : i32 to index
        %parallel_loop3A_195 = arith.index_cast %parallel_loop3A_178 : i32 to index
        %parallel_loop3A_196 = arith.constant 16 : index
        %parallel_loop3A_197 = tpu.vector_load %arg10[%parallel_loop3A_194, %parallel_loop3A_195, %parallel_loop3A_196] {strides = array<i32>} : memref<2x128x128xf32, #tpu.memory_space<vmem>>, vector<16xf32>,
        %parallel_loop3A_198 = arith.mulf %parallel_loop3A_197, %parallel_loop3A_181 : vector<16xf32>
        %parallel_loop3A_199 = arith.constant 1 : i32
        %parallel_loop3A_200 = arith.index_cast %parallel_loop3A_199 : i32 to index
        %parallel_loop3A_201 = arith.index_cast %parallel_loop3A_178 : i32 to index
        %parallel_loop3A_202 = arith.constant 16 : index
        %parallel_loop3A_203 = tpu.vector_load %arg10[%parallel_loop3A_200, %parallel_loop3A_201, %parallel_loop3A_202] {strides = array<i32>} : memref<2x128x128xf32, #tpu.memory_space<vmem>>, vector<16xf32>,
        tpu.vector_store %arg10[%parallel_loop3A_200, %parallel_loop3A_201, %parallel_loop3A_202], %parallel_loop3A_198 {strides = array<i32>} : memref<2x128x128xf32, #tpu.memory_space<vmem>>, vector<16xf32>,
        %parallel_loop3A_204 = arith.constant 1 : i32
        %parallel_loop3A_205 = arith.index_cast %parallel_loop3A_204 : i32 to index
        %parallel_loop3A_206 = arith.index_cast %parallel_loop3A_178 : i32 to index
        %parallel_loop3A_207 = arith.constant 32 : index
        %parallel_loop3A_208 = tpu.vector_load %arg10[%parallel_loop3A_205, %parallel_loop3A_206, %parallel_loop3A_207] {strides = array<i32>} : memref<2x128x128xf32, #tpu.memory_space<vmem>>, vector<16xf32>,
        %parallel_loop3A_209 = arith.mulf %parallel_loop3A_208, %parallel_loop3A_181 : vector<16xf32>
        %parallel_loop3A_210 = arith.constant 1 : i32
        %parallel_loop3A_211 = arith.index_cast %parallel_loop3A_210 : i32 to index
        %parallel_loop3A_212 = arith.index_cast %parallel_loop3A_178 : i32 to index
        %parallel_loop3A_213 = arith.constant 32 : index
        %parallel_loop3A_214 = tpu.vector_load %arg10[%parallel_loop3A_211, %parallel_loop3A_212, %parallel_loop3A_213] {strides = array<i32>} : memref<2x128x128xf32, #tpu.memory_space<vmem>>, vector<16xf32>,
        tpu.vector_store %arg10[%parallel_loop3A_211, %parallel_loop3A_212, %parallel_loop3A_213], %parallel_loop3A_209 {strides = array<i32>} : memref<2x128x128xf32, #tpu.memory_space<vmem>>, vector<16xf32>,
        %parallel_loop3A_215 = arith.constant 1 : i32
        %parallel_loop3A_216 = arith.index_cast %parallel_loop3A_215 : i32 to index
        %parallel_loop3A_217 = arith.index_cast %parallel_loop3A_178 : i32 to index
        %parallel_loop3A_218 = arith.constant 48 : index
        %parallel_loop3A_219 = tpu.vector_load %arg10[%parallel_loop3A_216, %parallel_loop3A_217, %parallel_loop3A_218] {strides = array<i32>} : memref<2x128x128xf32, #tpu.memory_space<vmem>>, vector<16xf32>,
        %parallel_loop3A_220 = arith.mulf %parallel_loop3A_219, %parallel_loop3A_181 : vector<16xf32>
        %parallel_loop3A_221 = arith.constant 1 : i32
        %parallel_loop3A_222 = arith.index_cast %parallel_loop3A_221 : i32 to index
        %parallel_loop3A_223 = arith.index_cast %parallel_loop3A_178 : i32 to index
        %parallel_loop3A_224 = arith.constant 48 : index
        %parallel_loop3A_225 = tpu.vector_load %arg10[%parallel_loop3A_222, %parallel_loop3A_223, %parallel_loop3A_224] {strides = array<i32>} : memref<2x128x128xf32, #tpu.memory_space<vmem>>, vector<16xf32>,
        tpu.vector_store %arg10[%parallel_loop3A_222, %parallel_loop3A_223, %parallel_loop3A_224], %parallel_loop3A_220 {strides = array<i32>} : memref<2x128x128xf32, #tpu.memory_space<vmem>>, vector<16xf32>,
        %parallel_loop3A_226 = arith.constant 1 : i32
        %parallel_loop3A_227 = arith.index_cast %parallel_loop3A_226 : i32 to index
        %parallel_loop3A_228 = arith.index_cast %parallel_loop3A_178 : i32 to index
        %parallel_loop3A_229 = arith.constant 64 : index
        %parallel_loop3A_230 = tpu.vector_load %arg10[%parallel_loop3A_227, %parallel_loop3A_228, %parallel_loop3A_229] {strides = array<i32>} : memref<2x128x128xf32, #tpu.memory_space<vmem>>, vector<16xf32>,
        %parallel_loop3A_231 = arith.mulf %parallel_loop3A_230, %parallel_loop3A_181 : vector<16xf32>
        %parallel_loop3A_232 = arith.constant 1 : i32
        %parallel_loop3A_233 = arith.index_cast %parallel_loop3A_232 : i32 to index
        %parallel_loop3A_234 = arith.index_cast %parallel_loop3A_178 : i32 to index
        %parallel_loop3A_235 = arith.constant 64 : index
        %parallel_loop3A_236 = tpu.vector_load %arg10[%parallel_loop3A_233, %parallel_loop3A_234, %parallel_loop3A_235] {strides = array<i32>} : memref<2x128x128xf32, #tpu.memory_space<vmem>>, vector<16xf32>,
        tpu.vector_store %arg10[%parallel_loop3A_233, %parallel_loop3A_234, %parallel_loop3A_235], %parallel_loop3A_231 {strides = array<i32>} : memref<2x128x128xf32, #tpu.memory_space<vmem>>, vector<16xf32>,
        %parallel_loop3A_237 = arith.constant 1 : i32
        %parallel_loop3A_238 = arith.index_cast %parallel_loop3A_237 : i32 to index
        %parallel_loop3A_239 = arith.index_cast %parallel_loop3A_178 : i32 to index
        %parallel_loop3A_240 = arith.constant 80 : index
        %parallel_loop3A_241 = tpu.vector_load %arg10[%parallel_loop3A_238, %parallel_loop3A_239, %parallel_loop3A_240] {strides = array<i32>} : memref<2x128x128xf32, #tpu.memory_space<vmem>>, vector<16xf32>,
        %parallel_loop3A_242 = arith.mulf %parallel_loop3A_241, %parallel_loop3A_181 : vector<16xf32>
        %parallel_loop3A_243 = arith.constant 1 : i32
        %parallel_loop3A_244 = arith.index_cast %parallel_loop3A_243 : i32 to index
        %parallel_loop3A_245 = arith.index_cast %parallel_loop3A_178 : i32 to index
        %parallel_loop3A_246 = arith.constant 80 : index
        %parallel_loop3A_247 = tpu.vector_load %arg10[%parallel_loop3A_244, %parallel_loop3A_245, %parallel_loop3A_246] {strides = array<i32>} : memref<2x128x128xf32, #tpu.memory_space<vmem>>, vector<16xf32>,
        tpu.vector_store %arg10[%parallel_loop3A_244, %parallel_loop3A_245, %parallel_loop3A_246], %parallel_loop3A_242 {strides = array<i32>} : memref<2x128x128xf32, #tpu.memory_space<vmem>>, vector<16xf32>,
        %parallel_loop3A_248 = arith.constant 1 : i32
        %parallel_loop3A_249 = arith.index_cast %parallel_loop3A_248 : i32 to index
        %parallel_loop3A_250 = arith.index_cast %parallel_loop3A_178 : i32 to index
        %parallel_loop3A_251 = arith.constant 96 : index
        %parallel_loop3A_252 = tpu.vector_load %arg10[%parallel_loop3A_249, %parallel_loop3A_250, %parallel_loop3A_251] {strides = array<i32>} : memref<2x128x128xf32, #tpu.memory_space<vmem>>, vector<16xf32>,
        %parallel_loop3A_253 = arith.mulf %parallel_loop3A_252, %parallel_loop3A_181 : vector<16xf32>
        %parallel_loop3A_254 = arith.constant 1 : i32
        %parallel_loop3A_255 = arith.index_cast %parallel_loop3A_254 : i32 to index
        %parallel_loop3A_256 = arith.index_cast %parallel_loop3A_178 : i32 to index
        %parallel_loop3A_257 = arith.constant 96 : index
        %parallel_loop3A_258 = tpu.vector_load %arg10[%parallel_loop3A_255, %parallel_loop3A_256, %parallel_loop3A_257] {strides = array<i32>} : memref<2x128x128xf32, #tpu.memory_space<vmem>>, vector<16xf32>,
        tpu.vector_store %arg10[%parallel_loop3A_255, %parallel_loop3A_256, %parallel_loop3A_257], %parallel_loop3A_253 {strides = array<i32>} : memref<2x128x128xf32, #tpu.memory_space<vmem>>, vector<16xf32>,
        %parallel_loop3A_259 = arith.constant 1 : i32
        %parallel_loop3A_260 = arith.index_cast %parallel_loop3A_259 : i32 to index
        %parallel_loop3A_261 = arith.index_cast %parallel_loop3A_178 : i32 to index
        %parallel_loop3A_262 = arith.constant 112 : index
        %parallel_loop3A_263 = tpu.vector_load %arg10[%parallel_loop3A_260, %parallel_loop3A_261, %parallel_loop3A_262] {strides = array<i32>} : memref<2x128x128xf32, #tpu.memory_space<vmem>>, vector<16xf32>,
        %parallel_loop3A_264 = arith.mulf %parallel_loop3A_263, %parallel_loop3A_181 : vector<16xf32>
        %parallel_loop3A_265 = arith.constant 1 : i32
        %parallel_loop3A_266 = arith.index_cast %parallel_loop3A_265 : i32 to index
        %parallel_loop3A_267 = arith.index_cast %parallel_loop3A_178 : i32 to index
        %parallel_loop3A_268 = arith.constant 112 : index
        %parallel_loop3A_269 = tpu.vector_load %arg10[%parallel_loop3A_266, %parallel_loop3A_267, %parallel_loop3A_268] {strides = array<i32>} : memref<2x128x128xf32, #tpu.memory_space<vmem>>, vector<16xf32>,
        tpu.vector_store %arg10[%parallel_loop3A_266, %parallel_loop3A_267, %parallel_loop3A_268], %parallel_loop3A_264 {strides = array<i32>} : memref<2x128x128xf32, #tpu.memory_space<vmem>>, vector<16xf32>,
      } {sc.loop_unroll_factor = 4 : i64, sc.parallel_access}
      %dma_start3A_166 = arith.constant 1 : i32
      %dma_start3A_167 = arith.constant 0 : i32
      %dma_start3A_168 = arith.constant 0 : i32
      %dma_start3A_169 = tpu.memref_slice %arg10[%dma_start3A_166, %dma_start3A_167, %dma_start3A_168] : memref<2x128x128xf32, #tpu.memory_space<vmem>> -> memref<1x128x128xf32, #tpu.memory_space<vmem>>
      %dma_start3A_170 = tpu.memref_squeeze %dma_start3A_169 : memref<1x128x128xf32, #tpu.memory_space<vmem>> -> memref<128x128xf32, #tpu.memory_space<vmem>>
      %dma_start3A_171 = arith.constant 0 : i32
      %dma_start3A_172 = tpu.memref_slice %arg8[%add3A_141, %dma_start3A_171] : memref<40x128xi32, #tpu.memory_space<vmem>> -> memref<1x128xi32, #tpu.memory_space<vmem>>
      %dma_start3A_173 = tpu.memref_squeeze %dma_start3A_172 : memref<1x128xi32, #tpu.memory_space<vmem>> -> memref<128xi32, #tpu.memory_space<vmem>>
      %dma_start3A_174 = arith.constant 0 : i32
      %dma_start3A_175 = arith.constant 0 : i32
      %dma_start3A_176 = tpu.memref_slice %arg11[%dma_start3A_174, %dma_start3A_175] : memref<10240x128xf32, #tpu.memory_space<vmem_shared>> -> memref<10240x128xf32, #tpu.memory_space<vmem_shared>>
      tpu.enqueue_indirect_dma source(%dma_start3A_170 : memref<128x128xf32, #tpu.memory_space<vmem>>) target(%dma_start3A_176 : memref<10240x128xf32, #tpu.memory_space<vmem_shared>>) offsets(%dma_start3A_173 : memref<128xi32, #tpu.memory_space<vmem>>) semaphore(%arg13 : memref<!tpu.dma_semaphore, #tpu.memory_space<semaphore_mem>>) {add = true}
      %scan3A_177 = arith.constant 0 : i32
      scf.yield %scan3A_177 : i32
    }
    %scan3A_52 = arith.constant 20 : i32
    %dma_wait3A = arith.constant 1 : i32
    %dma_wait3A_53 = arith.constant 39 : i32
    %dma_wait3A_54 = arith.constant 0 : i32
    %dma_wait3A_55 = arith.constant 0 : i32
    %dma_wait3A_56 = tpu.memref_slice %arg10[%dma_wait3A, %dma_wait3A_54, %dma_wait3A_55] : memref<2x128x128xf32, #tpu.memory_space<vmem>> -> memref<1x128x128xf32, #tpu.memory_space<vmem>>
    %dma_wait3A_57 = tpu.memref_squeeze %dma_wait3A_56 : memref<1x128x128xf32, #tpu.memory_space<vmem>> -> memref<128x128xf32, #tpu.memory_space<vmem>>
    %dma_wait3A_58 = arith.constant 0 : i32
    %dma_wait3A_59 = tpu.memref_slice %arg8[%dma_wait3A_53, %dma_wait3A_58] : memref<40x128xi32, #tpu.memory_space<vmem>> -> memref<1x128xi32, #tpu.memory_space<vmem>>
    %dma_wait3A_60 = tpu.memref_squeeze %dma_wait3A_59 : memref<1x128xi32, #tpu.memory_space<vmem>> -> memref<128xi32, #tpu.memory_space<vmem>>
    %dma_wait3A_61 = arith.constant 0 : i32
    %dma_wait3A_62 = arith.constant 0 : i32
    %dma_wait3A_63 = tpu.memref_slice %arg11[%dma_wait3A_61, %dma_wait3A_62] : memref<10240x128xf32, #tpu.memory_space<vmem_shared>> -> memref<10240x128xf32, #tpu.memory_space<vmem_shared>>
    tpu.wait_indirect_dma semaphore(%arg13 : memref<!tpu.dma_semaphore, #tpu.memory_space<semaphore_mem>>) src(%dma_wait3A_57 : memref<128x128xf32, #tpu.memory_space<vmem>>) dst(%dma_wait3A_63 : memref<10240x128xf32, #tpu.memory_space<vmem_shared>>)
    %mul3A_64 = arith.constant 80 : i32
    %mul3A_65 = arith.muli %add3A, %mul3A_64 : i32
    %add3A_66 = arith.constant 40 : i32
    %add3A_67 = arith.addi %mul3A_65, %add3A_66 : i32
    "tpu.region"() ({
      %run_scoped3A_104 = tpu.sem_alloc : memref<!tpu.dma_semaphore, #tpu.memory_space<semaphore_mem>>
      %dma_start3A_105 = arith.constant 0 : i32
      %dma_start3A_106 = tpu.memref_slice %arg3[%add3A_67, %dma_start3A_105] : memref<2560x128xi32, #tpu.memory_space<hbm>> -> memref<40x128xi32, #tpu.memory_space<hbm>>
      %dma_start3A_107 = arith.constant 0 : i32
      %dma_start3A_108 = tpu.memref_slice %arg3[%add3A_67, %dma_start3A_107] : memref<2560x128xi32, #tpu.memory_space<hbm>> -> memref<40x128xi32, #tpu.memory_space<hbm>>
      tpu.enqueue_dma source(%dma_start3A_108 : memref<40x128xi32, #tpu.memory_space<hbm>>) target(%arg7 : memref<40x128xi32, #tpu.memory_space<vmem>>) target_semaphore(%run_scoped3A_104 : memref<!tpu.dma_semaphore, #tpu.memory_space<semaphore_mem>>)
      %dma_wait3A_109 = arith.constant 0 : i32
      %dma_wait3A_110 = tpu.memref_slice %arg3[%add3A_67, %dma_wait3A_109] : memref<2560x128xi32, #tpu.memory_space<hbm>> -> memref<40x128xi32, #tpu.memory_space<hbm>>
      %dma_wait3A_111 = arith.constant 0 : i32
      %dma_wait3A_112 = tpu.memref_slice %arg3[%add3A_67, %dma_wait3A_111] : memref<2560x128xi32, #tpu.memory_space<hbm>> -> memref<40x128xi32, #tpu.memory_space<hbm>>
      tpu.wait_dma2 semaphore(%run_scoped3A_104 : memref<!tpu.dma_semaphore, #tpu.memory_space<semaphore_mem>>) src(%dma_wait3A_112 : memref<40x128xi32, #tpu.memory_space<hbm>>) dst(%arg7 : memref<40x128xi32, #tpu.memory_space<vmem>>)
      tpu.yield
    }) : () -> ()
    "tpu.region"() ({
      %run_scoped3A_104 = tpu.sem_alloc : memref<!tpu.dma_semaphore, #tpu.memory_space<semaphore_mem>>
      %dma_start3A_105 = arith.constant 0 : i32
      %dma_start3A_106 = tpu.memref_slice %arg4[%add3A_67, %dma_start3A_105] : memref<2560x128xi32, #tpu.memory_space<hbm>> -> memref<40x128xi32, #tpu.memory_space<hbm>>
      %dma_start3A_107 = arith.constant 0 : i32
      %dma_start3A_108 = tpu.memref_slice %arg4[%add3A_67, %dma_start3A_107] : memref<2560x128xi32, #tpu.memory_space<hbm>> -> memref<40x128xi32, #tpu.memory_space<hbm>>
      tpu.enqueue_dma source(%dma_start3A_108 : memref<40x128xi32, #tpu.memory_space<hbm>>) target(%arg8 : memref<40x128xi32, #tpu.memory_space<vmem>>) target_semaphore(%run_scoped3A_104 : memref<!tpu.dma_semaphore, #tpu.memory_space<semaphore_mem>>)
      %dma_wait3A_109 = arith.constant 0 : i32
      %dma_wait3A_110 = tpu.memref_slice %arg4[%add3A_67, %dma_wait3A_109] : memref<2560x128xi32, #tpu.memory_space<hbm>> -> memref<40x128xi32, #tpu.memory_space<hbm>>
      %dma_wait3A_111 = arith.constant 0 : i32
      %dma_wait3A_112 = tpu.memref_slice %arg4[%add3A_67, %dma_wait3A_111] : memref<2560x128xi32, #tpu.memory_space<hbm>> -> memref<40x128xi32, #tpu.memory_space<hbm>>
      tpu.wait_dma2 semaphore(%run_scoped3A_104 : memref<!tpu.dma_semaphore, #tpu.memory_space<semaphore_mem>>) src(%dma_wait3A_112 : memref<40x128xi32, #tpu.memory_space<hbm>>) dst(%arg8 : memref<40x128xi32, #tpu.memory_space<vmem>>)
      tpu.yield
    }) : () -> ()
    "tpu.region"() ({
      %run_scoped3A_104 = tpu.sem_alloc : memref<!tpu.dma_semaphore, #tpu.memory_space<semaphore_mem>>
      %dma_start3A_105 = arith.constant 0 : i32
      %dma_start3A_106 = tpu.memref_slice %arg5[%add3A_67, %dma_start3A_105] : memref<2560x128xf32, #tpu.memory_space<hbm>> -> memref<40x128xf32, #tpu.memory_space<hbm>>
      %dma_start3A_107 = arith.constant 0 : i32
      %dma_start3A_108 = tpu.memref_slice %arg5[%add3A_67, %dma_start3A_107] : memref<2560x128xf32, #tpu.memory_space<hbm>> -> memref<40x128xf32, #tpu.memory_space<hbm>>
      tpu.enqueue_dma source(%dma_start3A_108 : memref<40x128xf32, #tpu.memory_space<hbm>>) target(%arg9 : memref<40x128xf32, #tpu.memory_space<vmem>>) target_semaphore(%run_scoped3A_104 : memref<!tpu.dma_semaphore, #tpu.memory_space<semaphore_mem>>)
      %dma_wait3A_109 = arith.constant 0 : i32
      %dma_wait3A_110 = tpu.memref_slice %arg5[%add3A_67, %dma_wait3A_109] : memref<2560x128xf32, #tpu.memory_space<hbm>> -> memref<40x128xf32, #tpu.memory_space<hbm>>
      %dma_wait3A_111 = arith.constant 0 : i32
      %dma_wait3A_112 = tpu.memref_slice %arg5[%add3A_67, %dma_wait3A_111] : memref<2560x128xf32, #tpu.memory_space<hbm>> -> memref<40x128xf32, #tpu.memory_space<hbm>>
      tpu.wait_dma2 semaphore(%run_scoped3A_104 : memref<!tpu.dma_semaphore, #tpu.memory_space<semaphore_mem>>) src(%dma_wait3A_112 : memref<40x128xf32, #tpu.memory_space<hbm>>) dst(%arg9 : memref<40x128xf32, #tpu.memory_space<vmem>>)
      tpu.yield
    }) : () -> ()
    %dma_start3A_68 = arith.constant 0 : i32
    %dma_start3A_69 = arith.constant 0 : i32
    %dma_start3A_70 = arith.constant 0 : i32
    %dma_start3A_71 = arith.constant 0 : i32
    %dma_start3A_72 = tpu.memref_slice %arg10[%dma_start3A_69, %dma_start3A_70, %dma_start3A_71] : memref<2x128x128xf32, #tpu.memory_space<vmem>> -> memref<1x128x128xf32, #tpu.memory_space<vmem>>
    %dma_start3A_73 = tpu.memref_squeeze %dma_start3A_72 : memref<1x128x128xf32, #tpu.memory_space<vmem>> -> memref<128x128xf32, #tpu.memory_space<vmem>>
    %dma_start3A_74 = arith.constant 0 : i32
    %dma_start3A_75 = tpu.memref_slice %arg7[%dma_start3A_68, %dma_start3A_74] : memref<40x128xi32, #tpu.memory_space<vmem>> -> memref<1x128xi32, #tpu.memory_space<vmem>>
    %dma_start3A_76 = tpu.memref_squeeze %dma_start3A_75 : memref<1x128xi32, #tpu.memory_space<vmem>> -> memref<128xi32, #tpu.memory_space<vmem>>
    %dma_start3A_77 = arith.constant 0 : i32
    %dma_start3A_78 = arith.constant 0 : i32
    %dma_start3A_79 = tpu.memref_slice %arg2[%dma_start3A_77, %dma_start3A_78] : memref<10000x128xf32, #tpu.memory_space<hbm>> -> memref<10000x128xf32, #tpu.memory_space<hbm>>
    tpu.enqueue_indirect_dma source(%dma_start3A_79 : memref<10000x128xf32, #tpu.memory_space<hbm>>) target(%dma_start3A_73 : memref<128x128xf32, #tpu.memory_space<vmem>>) offsets(%dma_start3A_76 : memref<128xi32, #tpu.memory_space<vmem>>) semaphore(%arg12 : memref<!tpu.dma_semaphore, #tpu.memory_space<semaphore_mem>>)
    %scan3A_80 = arith.constant 0 : i32
    %scan3A_81 = arith.constant 0 : i32
    %scan3A_82 = arith.constant 20 : i32
    %scan3A_83 = arith.addi %scan3A_81, %scan3A_82 : i32
    %scan3A_84 = arith.constant 1 : i32
    %scan3A_85 = scf.for %scan3A_104 = %scan3A_81 to %scan3A_83 step %scan3A_84 iter_args(%scan3A_105 = %scan3A_80) -> (i32)  : i32 {
      %mul3A_106 = arith.constant 2 : i32
      %mul3A_107 = arith.muli %mul3A_106, %scan3A_104 : i32
      %dma_wait3A_108 = arith.constant 0 : i32
      %dma_wait3A_109 = arith.constant 0 : i32
      %dma_wait3A_110 = arith.constant 0 : i32
      %dma_wait3A_111 = tpu.memref_slice %arg10[%dma_wait3A_108, %dma_wait3A_109, %dma_wait3A_110] : memref<2x128x128xf32, #tpu.memory_space<vmem>> -> memref<1x128x128xf32, #tpu.memory_space<vmem>>
      %dma_wait3A_112 = tpu.memref_squeeze %dma_wait3A_111 : memref<1x128x128xf32, #tpu.memory_space<vmem>> -> memref<128x128xf32, #tpu.memory_space<vmem>>
      %dma_wait3A_113 = arith.constant 0 : i32
      %dma_wait3A_114 = tpu.memref_slice %arg7[%mul3A_107, %dma_wait3A_113] : memref<40x128xi32, #tpu.memory_space<vmem>> -> memref<1x128xi32, #tpu.memory_space<vmem>>
      %dma_wait3A_115 = tpu.memref_squeeze %dma_wait3A_114 : memref<1x128xi32, #tpu.memory_space<vmem>> -> memref<128xi32, #tpu.memory_space<vmem>>
      %dma_wait3A_116 = arith.constant 0 : i32
      %dma_wait3A_117 = arith.constant 0 : i32
      %dma_wait3A_118 = tpu.memref_slice %arg2[%dma_wait3A_116, %dma_wait3A_117] : memref<10000x128xf32, #tpu.memory_space<hbm>> -> memref<10000x128xf32, #tpu.memory_space<hbm>>
      tpu.wait_indirect_dma semaphore(%arg12 : memref<!tpu.dma_semaphore, #tpu.memory_space<semaphore_mem>>) src(%dma_wait3A_118 : memref<10000x128xf32, #tpu.memory_space<hbm>>) dst(%dma_wait3A_112 : memref<128x128xf32, #tpu.memory_space<vmem>>)
      %ge3A = arith.constant 1 : i32
      %ge3A_119 = arith.cmpi sge, %mul3A_107, %ge3A : i32
      %convert_element_type3A = arith.extui %ge3A_119 : i1 to i32
      %cond3A = arith.constant 0 : i32
      %cond3A_120 = arith.cmpi ne, %convert_element_type3A, %cond3A : i32
      scf.if %cond3A_120 {
        %sub3A = arith.constant 1 : i32
        %sub3A_178 = arith.subi %mul3A_107, %sub3A : i32
        %dma_wait3A_179 = arith.constant 1 : i32
        %dma_wait3A_180 = arith.constant 0 : i32
        %dma_wait3A_181 = arith.constant 0 : i32
        %dma_wait3A_182 = tpu.memref_slice %arg10[%dma_wait3A_179, %dma_wait3A_180, %dma_wait3A_181] : memref<2x128x128xf32, #tpu.memory_space<vmem>> -> memref<1x128x128xf32, #tpu.memory_space<vmem>>
        %dma_wait3A_183 = tpu.memref_squeeze %dma_wait3A_182 : memref<1x128x128xf32, #tpu.memory_space<vmem>> -> memref<128x128xf32, #tpu.memory_space<vmem>>
        %dma_wait3A_184 = arith.constant 0 : i32
        %dma_wait3A_185 = tpu.memref_slice %arg8[%sub3A_178, %dma_wait3A_184] : memref<40x128xi32, #tpu.memory_space<vmem>> -> memref<1x128xi32, #tpu.memory_space<vmem>>
        %dma_wait3A_186 = tpu.memref_squeeze %dma_wait3A_185 : memref<1x128xi32, #tpu.memory_space<vmem>> -> memref<128xi32, #tpu.memory_space<vmem>>
        %dma_wait3A_187 = arith.constant 0 : i32
        %dma_wait3A_188 = arith.constant 0 : i32
        %dma_wait3A_189 = tpu.memref_slice %arg11[%dma_wait3A_187, %dma_wait3A_188] : memref<10240x128xf32, #tpu.memory_space<vmem_shared>> -> memref<10240x128xf32, #tpu.memory_space<vmem_shared>>
        tpu.wait_indirect_dma semaphore(%arg13 : memref<!tpu.dma_semaphore, #tpu.memory_space<semaphore_mem>>) src(%dma_wait3A_183 : memref<128x128xf32, #tpu.memory_space<vmem>>) dst(%dma_wait3A_189 : memref<10240x128xf32, #tpu.memory_space<vmem_shared>>)
      } else {
      }
      %le3A = arith.constant 38 : i32
      %le3A_121 = arith.cmpi sle, %mul3A_107, %le3A : i32
      %convert_element_type3A_122 = arith.extui %le3A_121 : i1 to i32
      %cond3A_123 = arith.constant 0 : i32
      %cond3A_124 = arith.cmpi ne, %convert_element_type3A_122, %cond3A_123 : i32
      scf.if %cond3A_124 {
        %add3A_178 = arith.constant 1 : i32
        %add3A_179 = arith.addi %mul3A_107, %add3A_178 : i32
        %dma_start3A_180 = arith.constant 1 : i32
        %dma_start3A_181 = arith.constant 0 : i32
        %dma_start3A_182 = arith.constant 0 : i32
        %dma_start3A_183 = tpu.memref_slice %arg10[%dma_start3A_180, %dma_start3A_181, %dma_start3A_182] : memref<2x128x128xf32, #tpu.memory_space<vmem>> -> memref<1x128x128xf32, #tpu.memory_space<vmem>>
        %dma_start3A_184 = tpu.memref_squeeze %dma_start3A_183 : memref<1x128x128xf32, #tpu.memory_space<vmem>> -> memref<128x128xf32, #tpu.memory_space<vmem>>
        %dma_start3A_185 = arith.constant 0 : i32
        %dma_start3A_186 = tpu.memref_slice %arg7[%add3A_179, %dma_start3A_185] : memref<40x128xi32, #tpu.memory_space<vmem>> -> memref<1x128xi32, #tpu.memory_space<vmem>>
        %dma_start3A_187 = tpu.memref_squeeze %dma_start3A_186 : memref<1x128xi32, #tpu.memory_space<vmem>> -> memref<128xi32, #tpu.memory_space<vmem>>
        %dma_start3A_188 = arith.constant 0 : i32
        %dma_start3A_189 = arith.constant 0 : i32
        %dma_start3A_190 = tpu.memref_slice %arg2[%dma_start3A_188, %dma_start3A_189] : memref<10000x128xf32, #tpu.memory_space<hbm>> -> memref<10000x128xf32, #tpu.memory_space<hbm>>
        tpu.enqueue_indirect_dma source(%dma_start3A_190 : memref<10000x128xf32, #tpu.memory_space<hbm>>) target(%dma_start3A_184 : memref<128x128xf32, #tpu.memory_space<vmem>>) offsets(%dma_start3A_187 : memref<128xi32, #tpu.memory_space<vmem>>) semaphore(%arg12 : memref<!tpu.dma_semaphore, #tpu.memory_space<semaphore_mem>>)
      } else {
      }
      %parallel_loop3A = arith.constant 0 : i32
      %parallel_loop3A_125 = arith.constant 128 : i32
      %parallel_loop3A_126 = arith.constant 1 : i32
      scf.for %parallel_loop3A_178 = %parallel_loop3A to %parallel_loop3A_125 step %parallel_loop3A_126  : i32 {
        %parallel_loop3A_179 = vector.broadcast %mul3A_107 : i32 to vector<16xi32>
        %parallel_loop3A_180 = vector.broadcast %parallel_loop3A_178 : i32 to vector<16xi32>
        %parallel_loop3A_181 = tpu.vector_load_idx %arg9[%parallel_loop3A_179, %parallel_loop3A_180] : memref<40x128xf32, #tpu.memory_space<vmem>>[vector<16xi32>, vector<16xi32>], vector<16xf32>,
        %parallel_loop3A_182 = arith.constant 0 : i32
        %parallel_loop3A_183 = arith.index_cast %parallel_loop3A_182 : i32 to index
        %parallel_loop3A_184 = arith.index_cast %parallel_loop3A_178 : i32 to index
        %parallel_loop3A_185 = arith.constant 0 : index
        %parallel_loop3A_186 = tpu.vector_load %arg10[%parallel_loop3A_183, %parallel_loop3A_184, %parallel_loop3A_185] {strides = array<i32>} : memref<2x128x128xf32, #tpu.memory_space<vmem>>, vector<16xf32>,
        %parallel_loop3A_187 = arith.mulf %parallel_loop3A_186, %parallel_loop3A_181 : vector<16xf32>
        %parallel_loop3A_188 = arith.constant 0 : i32
        %parallel_loop3A_189 = arith.index_cast %parallel_loop3A_188 : i32 to index
        %parallel_loop3A_190 = arith.index_cast %parallel_loop3A_178 : i32 to index
        %parallel_loop3A_191 = arith.constant 0 : index
        %parallel_loop3A_192 = tpu.vector_load %arg10[%parallel_loop3A_189, %parallel_loop3A_190, %parallel_loop3A_191] {strides = array<i32>} : memref<2x128x128xf32, #tpu.memory_space<vmem>>, vector<16xf32>,
        tpu.vector_store %arg10[%parallel_loop3A_189, %parallel_loop3A_190, %parallel_loop3A_191], %parallel_loop3A_187 {strides = array<i32>} : memref<2x128x128xf32, #tpu.memory_space<vmem>>, vector<16xf32>,
        %parallel_loop3A_193 = arith.constant 0 : i32
        %parallel_loop3A_194 = arith.index_cast %parallel_loop3A_193 : i32 to index
        %parallel_loop3A_195 = arith.index_cast %parallel_loop3A_178 : i32 to index
        %parallel_loop3A_196 = arith.constant 16 : index
        %parallel_loop3A_197 = tpu.vector_load %arg10[%parallel_loop3A_194, %parallel_loop3A_195, %parallel_loop3A_196] {strides = array<i32>} : memref<2x128x128xf32, #tpu.memory_space<vmem>>, vector<16xf32>,
        %parallel_loop3A_198 = arith.mulf %parallel_loop3A_197, %parallel_loop3A_181 : vector<16xf32>
        %parallel_loop3A_199 = arith.constant 0 : i32
        %parallel_loop3A_200 = arith.index_cast %parallel_loop3A_199 : i32 to index
        %parallel_loop3A_201 = arith.index_cast %parallel_loop3A_178 : i32 to index
        %parallel_loop3A_202 = arith.constant 16 : index
        %parallel_loop3A_203 = tpu.vector_load %arg10[%parallel_loop3A_200, %parallel_loop3A_201, %parallel_loop3A_202] {strides = array<i32>} : memref<2x128x128xf32, #tpu.memory_space<vmem>>, vector<16xf32>,
        tpu.vector_store %arg10[%parallel_loop3A_200, %parallel_loop3A_201, %parallel_loop3A_202], %parallel_loop3A_198 {strides = array<i32>} : memref<2x128x128xf32, #tpu.memory_space<vmem>>, vector<16xf32>,
        %parallel_loop3A_204 = arith.constant 0 : i32
        %parallel_loop3A_205 = arith.index_cast %parallel_loop3A_204 : i32 to index
        %parallel_loop3A_206 = arith.index_cast %parallel_loop3A_178 : i32 to index
        %parallel_loop3A_207 = arith.constant 32 : index
        %parallel_loop3A_208 = tpu.vector_load %arg10[%parallel_loop3A_205, %parallel_loop3A_206, %parallel_loop3A_207] {strides = array<i32>} : memref<2x128x128xf32, #tpu.memory_space<vmem>>, vector<16xf32>,
        %parallel_loop3A_209 = arith.mulf %parallel_loop3A_208, %parallel_loop3A_181 : vector<16xf32>
        %parallel_loop3A_210 = arith.constant 0 : i32
        %parallel_loop3A_211 = arith.index_cast %parallel_loop3A_210 : i32 to index
        %parallel_loop3A_212 = arith.index_cast %parallel_loop3A_178 : i32 to index
        %parallel_loop3A_213 = arith.constant 32 : index
        %parallel_loop3A_214 = tpu.vector_load %arg10[%parallel_loop3A_211, %parallel_loop3A_212, %parallel_loop3A_213] {strides = array<i32>} : memref<2x128x128xf32, #tpu.memory_space<vmem>>, vector<16xf32>,
        tpu.vector_store %arg10[%parallel_loop3A_211, %parallel_loop3A_212, %parallel_loop3A_213], %parallel_loop3A_209 {strides = array<i32>} : memref<2x128x128xf32, #tpu.memory_space<vmem>>, vector<16xf32>,
        %parallel_loop3A_215 = arith.constant 0 : i32
        %parallel_loop3A_216 = arith.index_cast %parallel_loop3A_215 : i32 to index
        %parallel_loop3A_217 = arith.index_cast %parallel_loop3A_178 : i32 to index
        %parallel_loop3A_218 = arith.constant 48 : index
        %parallel_loop3A_219 = tpu.vector_load %arg10[%parallel_loop3A_216, %parallel_loop3A_217, %parallel_loop3A_218] {strides = array<i32>} : memref<2x128x128xf32, #tpu.memory_space<vmem>>, vector<16xf32>,
        %parallel_loop3A_220 = arith.mulf %parallel_loop3A_219, %parallel_loop3A_181 : vector<16xf32>
        %parallel_loop3A_221 = arith.constant 0 : i32
        %parallel_loop3A_222 = arith.index_cast %parallel_loop3A_221 : i32 to index
        %parallel_loop3A_223 = arith.index_cast %parallel_loop3A_178 : i32 to index
        %parallel_loop3A_224 = arith.constant 48 : index
        %parallel_loop3A_225 = tpu.vector_load %arg10[%parallel_loop3A_222, %parallel_loop3A_223, %parallel_loop3A_224] {strides = array<i32>} : memref<2x128x128xf32, #tpu.memory_space<vmem>>, vector<16xf32>,
        tpu.vector_store %arg10[%parallel_loop3A_222, %parallel_loop3A_223, %parallel_loop3A_224], %parallel_loop3A_220 {strides = array<i32>} : memref<2x128x128xf32, #tpu.memory_space<vmem>>, vector<16xf32>,
        %parallel_loop3A_226 = arith.constant 0 : i32
        %parallel_loop3A_227 = arith.index_cast %parallel_loop3A_226 : i32 to index
        %parallel_loop3A_228 = arith.index_cast %parallel_loop3A_178 : i32 to index
        %parallel_loop3A_229 = arith.constant 64 : index
        %parallel_loop3A_230 = tpu.vector_load %arg10[%parallel_loop3A_227, %parallel_loop3A_228, %parallel_loop3A_229] {strides = array<i32>} : memref<2x128x128xf32, #tpu.memory_space<vmem>>, vector<16xf32>,
        %parallel_loop3A_231 = arith.mulf %parallel_loop3A_230, %parallel_loop3A_181 : vector<16xf32>
        %parallel_loop3A_232 = arith.constant 0 : i32
        %parallel_loop3A_233 = arith.index_cast %parallel_loop3A_232 : i32 to index
        %parallel_loop3A_234 = arith.index_cast %parallel_loop3A_178 : i32 to index
        %parallel_loop3A_235 = arith.constant 64 : index
        %parallel_loop3A_236 = tpu.vector_load %arg10[%parallel_loop3A_233, %parallel_loop3A_234, %parallel_loop3A_235] {strides = array<i32>} : memref<2x128x128xf32, #tpu.memory_space<vmem>>, vector<16xf32>,
        tpu.vector_store %arg10[%parallel_loop3A_233, %parallel_loop3A_234, %parallel_loop3A_235], %parallel_loop3A_231 {strides = array<i32>} : memref<2x128x128xf32, #tpu.memory_space<vmem>>, vector<16xf32>,
        %parallel_loop3A_237 = arith.constant 0 : i32
        %parallel_loop3A_238 = arith.index_cast %parallel_loop3A_237 : i32 to index
        %parallel_loop3A_239 = arith.index_cast %parallel_loop3A_178 : i32 to index
        %parallel_loop3A_240 = arith.constant 80 : index
        %parallel_loop3A_241 = tpu.vector_load %arg10[%parallel_loop3A_238, %parallel_loop3A_239, %parallel_loop3A_240] {strides = array<i32>} : memref<2x128x128xf32, #tpu.memory_space<vmem>>, vector<16xf32>,
        %parallel_loop3A_242 = arith.mulf %parallel_loop3A_241, %parallel_loop3A_181 : vector<16xf32>
        %parallel_loop3A_243 = arith.constant 0 : i32
        %parallel_loop3A_244 = arith.index_cast %parallel_loop3A_243 : i32 to index
        %parallel_loop3A_245 = arith.index_cast %parallel_loop3A_178 : i32 to index
        %parallel_loop3A_246 = arith.constant 80 : index
        %parallel_loop3A_247 = tpu.vector_load %arg10[%parallel_loop3A_244, %parallel_loop3A_245, %parallel_loop3A_246] {strides = array<i32>} : memref<2x128x128xf32, #tpu.memory_space<vmem>>, vector<16xf32>,
        tpu.vector_store %arg10[%parallel_loop3A_244, %parallel_loop3A_245, %parallel_loop3A_246], %parallel_loop3A_242 {strides = array<i32>} : memref<2x128x128xf32, #tpu.memory_space<vmem>>, vector<16xf32>,
        %parallel_loop3A_248 = arith.constant 0 : i32
        %parallel_loop3A_249 = arith.index_cast %parallel_loop3A_248 : i32 to index
        %parallel_loop3A_250 = arith.index_cast %parallel_loop3A_178 : i32 to index
        %parallel_loop3A_251 = arith.constant 96 : index
        %parallel_loop3A_252 = tpu.vector_load %arg10[%parallel_loop3A_249, %parallel_loop3A_250, %parallel_loop3A_251] {strides = array<i32>} : memref<2x128x128xf32, #tpu.memory_space<vmem>>, vector<16xf32>,
        %parallel_loop3A_253 = arith.mulf %parallel_loop3A_252, %parallel_loop3A_181 : vector<16xf32>
        %parallel_loop3A_254 = arith.constant 0 : i32
        %parallel_loop3A_255 = arith.index_cast %parallel_loop3A_254 : i32 to index
        %parallel_loop3A_256 = arith.index_cast %parallel_loop3A_178 : i32 to index
        %parallel_loop3A_257 = arith.constant 96 : index
        %parallel_loop3A_258 = tpu.vector_load %arg10[%parallel_loop3A_255, %parallel_loop3A_256, %parallel_loop3A_257] {strides = array<i32>} : memref<2x128x128xf32, #tpu.memory_space<vmem>>, vector<16xf32>,
        tpu.vector_store %arg10[%parallel_loop3A_255, %parallel_loop3A_256, %parallel_loop3A_257], %parallel_loop3A_253 {strides = array<i32>} : memref<2x128x128xf32, #tpu.memory_space<vmem>>, vector<16xf32>,
        %parallel_loop3A_259 = arith.constant 0 : i32
        %parallel_loop3A_260 = arith.index_cast %parallel_loop3A_259 : i32 to index
        %parallel_loop3A_261 = arith.index_cast %parallel_loop3A_178 : i32 to index
        %parallel_loop3A_262 = arith.constant 112 : index
        %parallel_loop3A_263 = tpu.vector_load %arg10[%parallel_loop3A_260, %parallel_loop3A_261, %parallel_loop3A_262] {strides = array<i32>} : memref<2x128x128xf32, #tpu.memory_space<vmem>>, vector<16xf32>,
        %parallel_loop3A_264 = arith.mulf %parallel_loop3A_263, %parallel_loop3A_181 : vector<16xf32>
        %parallel_loop3A_265 = arith.constant 0 : i32
        %parallel_loop3A_266 = arith.index_cast %parallel_loop3A_265 : i32 to index
        %parallel_loop3A_267 = arith.index_cast %parallel_loop3A_178 : i32 to index
        %parallel_loop3A_268 = arith.constant 112 : index
        %parallel_loop3A_269 = tpu.vector_load %arg10[%parallel_loop3A_266, %parallel_loop3A_267, %parallel_loop3A_268] {strides = array<i32>} : memref<2x128x128xf32, #tpu.memory_space<vmem>>, vector<16xf32>,
        tpu.vector_store %arg10[%parallel_loop3A_266, %parallel_loop3A_267, %parallel_loop3A_268], %parallel_loop3A_264 {strides = array<i32>} : memref<2x128x128xf32, #tpu.memory_space<vmem>>, vector<16xf32>,
      } {sc.loop_unroll_factor = 4 : i64, sc.parallel_access}
      %dma_start3A_127 = arith.constant 0 : i32
      %dma_start3A_128 = arith.constant 0 : i32
      %dma_start3A_129 = arith.constant 0 : i32
      %dma_start3A_130 = tpu.memref_slice %arg10[%dma_start3A_127, %dma_start3A_128, %dma_start3A_129] : memref<2x128x128xf32, #tpu.memory_space<vmem>> -> memref<1x128x128xf32, #tpu.memory_space<vmem>>
      %dma_start3A_131 = tpu.memref_squeeze %dma_start3A_130 : memref<1x128x128xf32, #tpu.memory_space<vmem>> -> memref<128x128xf32, #tpu.memory_space<vmem>>
      %dma_start3A_132 = arith.constant 0 : i32
      %dma_start3A_133 = tpu.memref_slice %arg8[%mul3A_107, %dma_start3A_132] : memref<40x128xi32, #tpu.memory_space<vmem>> -> memref<1x128xi32, #tpu.memory_space<vmem>>
      %dma_start3A_134 = tpu.memref_squeeze %dma_start3A_133 : memref<1x128xi32, #tpu.memory_space<vmem>> -> memref<128xi32, #tpu.memory_space<vmem>>
      %dma_start3A_135 = arith.constant 0 : i32
      %dma_start3A_136 = arith.constant 0 : i32
      %dma_start3A_137 = tpu.memref_slice %arg11[%dma_start3A_135, %dma_start3A_136] : memref<10240x128xf32, #tpu.memory_space<vmem_shared>> -> memref<10240x128xf32, #tpu.memory_space<vmem_shared>>
      tpu.enqueue_indirect_dma source(%dma_start3A_131 : memref<128x128xf32, #tpu.memory_space<vmem>>) target(%dma_start3A_137 : memref<10240x128xf32, #tpu.memory_space<vmem_shared>>) offsets(%dma_start3A_134 : memref<128xi32, #tpu.memory_space<vmem>>) semaphore(%arg13 : memref<!tpu.dma_semaphore, #tpu.memory_space<semaphore_mem>>) {add = true}
      %mul3A_138 = arith.constant 2 : i32
      %mul3A_139 = arith.muli %mul3A_138, %scan3A_104 : i32
      %add3A_140 = arith.constant 1 : i32
      %add3A_141 = arith.addi %mul3A_139, %add3A_140 : i32
      %dma_wait3A_142 = arith.constant 1 : i32
      %dma_wait3A_143 = arith.constant 0 : i32
      %dma_wait3A_144 = arith.constant 0 : i32
      %dma_wait3A_145 = tpu.memref_slice %arg10[%dma_wait3A_142, %dma_wait3A_143, %dma_wait3A_144] : memref<2x128x128xf32, #tpu.memory_space<vmem>> -> memref<1x128x128xf32, #tpu.memory_space<vmem>>
      %dma_wait3A_146 = tpu.memref_squeeze %dma_wait3A_145 : memref<1x128x128xf32, #tpu.memory_space<vmem>> -> memref<128x128xf32, #tpu.memory_space<vmem>>
      %dma_wait3A_147 = arith.constant 0 : i32
      %dma_wait3A_148 = tpu.memref_slice %arg7[%add3A_141, %dma_wait3A_147] : memref<40x128xi32, #tpu.memory_space<vmem>> -> memref<1x128xi32, #tpu.memory_space<vmem>>
      %dma_wait3A_149 = tpu.memref_squeeze %dma_wait3A_148 : memref<1x128xi32, #tpu.memory_space<vmem>> -> memref<128xi32, #tpu.memory_space<vmem>>
      %dma_wait3A_150 = arith.constant 0 : i32
      %dma_wait3A_151 = arith.constant 0 : i32
      %dma_wait3A_152 = tpu.memref_slice %arg2[%dma_wait3A_150, %dma_wait3A_151] : memref<10000x128xf32, #tpu.memory_space<hbm>> -> memref<10000x128xf32, #tpu.memory_space<hbm>>
      tpu.wait_indirect_dma semaphore(%arg12 : memref<!tpu.dma_semaphore, #tpu.memory_space<semaphore_mem>>) src(%dma_wait3A_152 : memref<10000x128xf32, #tpu.memory_space<hbm>>) dst(%dma_wait3A_146 : memref<128x128xf32, #tpu.memory_space<vmem>>)
      %ge3A_153 = arith.constant 1 : i32
      %ge3A_154 = arith.cmpi sge, %add3A_141, %ge3A_153 : i32
      %convert_element_type3A_155 = arith.extui %ge3A_154 : i1 to i32
      %cond3A_156 = arith.constant 0 : i32
      %cond3A_157 = arith.cmpi ne, %convert_element_type3A_155, %cond3A_156 : i32
      scf.if %cond3A_157 {
        %sub3A = arith.constant 1 : i32
        %sub3A_178 = arith.subi %add3A_141, %sub3A : i32
        %dma_wait3A_179 = arith.constant 0 : i32
        %dma_wait3A_180 = arith.constant 0 : i32
        %dma_wait3A_181 = arith.constant 0 : i32
        %dma_wait3A_182 = tpu.memref_slice %arg10[%dma_wait3A_179, %dma_wait3A_180, %dma_wait3A_181] : memref<2x128x128xf32, #tpu.memory_space<vmem>> -> memref<1x128x128xf32, #tpu.memory_space<vmem>>
        %dma_wait3A_183 = tpu.memref_squeeze %dma_wait3A_182 : memref<1x128x128xf32, #tpu.memory_space<vmem>> -> memref<128x128xf32, #tpu.memory_space<vmem>>
        %dma_wait3A_184 = arith.constant 0 : i32
        %dma_wait3A_185 = tpu.memref_slice %arg8[%sub3A_178, %dma_wait3A_184] : memref<40x128xi32, #tpu.memory_space<vmem>> -> memref<1x128xi32, #tpu.memory_space<vmem>>
        %dma_wait3A_186 = tpu.memref_squeeze %dma_wait3A_185 : memref<1x128xi32, #tpu.memory_space<vmem>> -> memref<128xi32, #tpu.memory_space<vmem>>
        %dma_wait3A_187 = arith.constant 0 : i32
        %dma_wait3A_188 = arith.constant 0 : i32
        %dma_wait3A_189 = tpu.memref_slice %arg11[%dma_wait3A_187, %dma_wait3A_188] : memref<10240x128xf32, #tpu.memory_space<vmem_shared>> -> memref<10240x128xf32, #tpu.memory_space<vmem_shared>>
        tpu.wait_indirect_dma semaphore(%arg13 : memref<!tpu.dma_semaphore, #tpu.memory_space<semaphore_mem>>) src(%dma_wait3A_183 : memref<128x128xf32, #tpu.memory_space<vmem>>) dst(%dma_wait3A_189 : memref<10240x128xf32, #tpu.memory_space<vmem_shared>>)
      } else {
      }
      %le3A_158 = arith.constant 38 : i32
      %le3A_159 = arith.cmpi sle, %add3A_141, %le3A_158 : i32
      %convert_element_type3A_160 = arith.extui %le3A_159 : i1 to i32
      %cond3A_161 = arith.constant 0 : i32
      %cond3A_162 = arith.cmpi ne, %convert_element_type3A_160, %cond3A_161 : i32
      scf.if %cond3A_162 {
        %add3A_178 = arith.constant 1 : i32
        %add3A_179 = arith.addi %add3A_141, %add3A_178 : i32
        %dma_start3A_180 = arith.constant 0 : i32
        %dma_start3A_181 = arith.constant 0 : i32
        %dma_start3A_182 = arith.constant 0 : i32
        %dma_start3A_183 = tpu.memref_slice %arg10[%dma_start3A_180, %dma_start3A_181, %dma_start3A_182] : memref<2x128x128xf32, #tpu.memory_space<vmem>> -> memref<1x128x128xf32, #tpu.memory_space<vmem>>
        %dma_start3A_184 = tpu.memref_squeeze %dma_start3A_183 : memref<1x128x128xf32, #tpu.memory_space<vmem>> -> memref<128x128xf32, #tpu.memory_space<vmem>>
        %dma_start3A_185 = arith.constant 0 : i32
        %dma_start3A_186 = tpu.memref_slice %arg7[%add3A_179, %dma_start3A_185] : memref<40x128xi32, #tpu.memory_space<vmem>> -> memref<1x128xi32, #tpu.memory_space<vmem>>
        %dma_start3A_187 = tpu.memref_squeeze %dma_start3A_186 : memref<1x128xi32, #tpu.memory_space<vmem>> -> memref<128xi32, #tpu.memory_space<vmem>>
        %dma_start3A_188 = arith.constant 0 : i32
        %dma_start3A_189 = arith.constant 0 : i32
        %dma_start3A_190 = tpu.memref_slice %arg2[%dma_start3A_188, %dma_start3A_189] : memref<10000x128xf32, #tpu.memory_space<hbm>> -> memref<10000x128xf32, #tpu.memory_space<hbm>>
        tpu.enqueue_indirect_dma source(%dma_start3A_190 : memref<10000x128xf32, #tpu.memory_space<hbm>>) target(%dma_start3A_184 : memref<128x128xf32, #tpu.memory_space<vmem>>) offsets(%dma_start3A_187 : memref<128xi32, #tpu.memory_space<vmem>>) semaphore(%arg12 : memref<!tpu.dma_semaphore, #tpu.memory_space<semaphore_mem>>)
      } else {
      }
      %parallel_loop3A_163 = arith.constant 0 : i32
      %parallel_loop3A_164 = arith.constant 128 : i32
      %parallel_loop3A_165 = arith.constant 1 : i32
      scf.for %parallel_loop3A_178 = %parallel_loop3A_163 to %parallel_loop3A_164 step %parallel_loop3A_165  : i32 {
        %parallel_loop3A_179 = vector.broadcast %add3A_141 : i32 to vector<16xi32>
        %parallel_loop3A_180 = vector.broadcast %parallel_loop3A_178 : i32 to vector<16xi32>
        %parallel_loop3A_181 = tpu.vector_load_idx %arg9[%parallel_loop3A_179, %parallel_loop3A_180] : memref<40x128xf32, #tpu.memory_space<vmem>>[vector<16xi32>, vector<16xi32>], vector<16xf32>,
        %parallel_loop3A_182 = arith.constant 1 : i32
        %parallel_loop3A_183 = arith.index_cast %parallel_loop3A_182 : i32 to index
        %parallel_loop3A_184 = arith.index_cast %parallel_loop3A_178 : i32 to index
        %parallel_loop3A_185 = arith.constant 0 : index
        %parallel_loop3A_186 = tpu.vector_load %arg10[%parallel_loop3A_183, %parallel_loop3A_184, %parallel_loop3A_185] {strides = array<i32>} : memref<2x128x128xf32, #tpu.memory_space<vmem>>, vector<16xf32>,
        %parallel_loop3A_187 = arith.mulf %parallel_loop3A_186, %parallel_loop3A_181 : vector<16xf32>
        %parallel_loop3A_188 = arith.constant 1 : i32
        %parallel_loop3A_189 = arith.index_cast %parallel_loop3A_188 : i32 to index
        %parallel_loop3A_190 = arith.index_cast %parallel_loop3A_178 : i32 to index
        %parallel_loop3A_191 = arith.constant 0 : index
        %parallel_loop3A_192 = tpu.vector_load %arg10[%parallel_loop3A_189, %parallel_loop3A_190, %parallel_loop3A_191] {strides = array<i32>} : memref<2x128x128xf32, #tpu.memory_space<vmem>>, vector<16xf32>,
        tpu.vector_store %arg10[%parallel_loop3A_189, %parallel_loop3A_190, %parallel_loop3A_191], %parallel_loop3A_187 {strides = array<i32>} : memref<2x128x128xf32, #tpu.memory_space<vmem>>, vector<16xf32>,
        %parallel_loop3A_193 = arith.constant 1 : i32
        %parallel_loop3A_194 = arith.index_cast %parallel_loop3A_193 : i32 to index
        %parallel_loop3A_195 = arith.index_cast %parallel_loop3A_178 : i32 to index
        %parallel_loop3A_196 = arith.constant 16 : index
        %parallel_loop3A_197 = tpu.vector_load %arg10[%parallel_loop3A_194, %parallel_loop3A_195, %parallel_loop3A_196] {strides = array<i32>} : memref<2x128x128xf32, #tpu.memory_space<vmem>>, vector<16xf32>,
        %parallel_loop3A_198 = arith.mulf %parallel_loop3A_197, %parallel_loop3A_181 : vector<16xf32>
        %parallel_loop3A_199 = arith.constant 1 : i32
        %parallel_loop3A_200 = arith.index_cast %parallel_loop3A_199 : i32 to index
        %parallel_loop3A_201 = arith.index_cast %parallel_loop3A_178 : i32 to index
        %parallel_loop3A_202 = arith.constant 16 : index
        %parallel_loop3A_203 = tpu.vector_load %arg10[%parallel_loop3A_200, %parallel_loop3A_201, %parallel_loop3A_202] {strides = array<i32>} : memref<2x128x128xf32, #tpu.memory_space<vmem>>, vector<16xf32>,
        tpu.vector_store %arg10[%parallel_loop3A_200, %parallel_loop3A_201, %parallel_loop3A_202], %parallel_loop3A_198 {strides = array<i32>} : memref<2x128x128xf32, #tpu.memory_space<vmem>>, vector<16xf32>,
        %parallel_loop3A_204 = arith.constant 1 : i32
        %parallel_loop3A_205 = arith.index_cast %parallel_loop3A_204 : i32 to index
        %parallel_loop3A_206 = arith.index_cast %parallel_loop3A_178 : i32 to index
        %parallel_loop3A_207 = arith.constant 32 : index
        %parallel_loop3A_208 = tpu.vector_load %arg10[%parallel_loop3A_205, %parallel_loop3A_206, %parallel_loop3A_207] {strides = array<i32>} : memref<2x128x128xf32, #tpu.memory_space<vmem>>, vector<16xf32>,
        %parallel_loop3A_209 = arith.mulf %parallel_loop3A_208, %parallel_loop3A_181 : vector<16xf32>
        %parallel_loop3A_210 = arith.constant 1 : i32
        %parallel_loop3A_211 = arith.index_cast %parallel_loop3A_210 : i32 to index
        %parallel_loop3A_212 = arith.index_cast %parallel_loop3A_178 : i32 to index
        %parallel_loop3A_213 = arith.constant 32 : index
        %parallel_loop3A_214 = tpu.vector_load %arg10[%parallel_loop3A_211, %parallel_loop3A_212, %parallel_loop3A_213] {strides = array<i32>} : memref<2x128x128xf32, #tpu.memory_space<vmem>>, vector<16xf32>,
        tpu.vector_store %arg10[%parallel_loop3A_211, %parallel_loop3A_212, %parallel_loop3A_213], %parallel_loop3A_209 {strides = array<i32>} : memref<2x128x128xf32, #tpu.memory_space<vmem>>, vector<16xf32>,
        %parallel_loop3A_215 = arith.constant 1 : i32
        %parallel_loop3A_216 = arith.index_cast %parallel_loop3A_215 : i32 to index
        %parallel_loop3A_217 = arith.index_cast %parallel_loop3A_178 : i32 to index
        %parallel_loop3A_218 = arith.constant 48 : index
        %parallel_loop3A_219 = tpu.vector_load %arg10[%parallel_loop3A_216, %parallel_loop3A_217, %parallel_loop3A_218] {strides = array<i32>} : memref<2x128x128xf32, #tpu.memory_space<vmem>>, vector<16xf32>,
        %parallel_loop3A_220 = arith.mulf %parallel_loop3A_219, %parallel_loop3A_181 : vector<16xf32>
        %parallel_loop3A_221 = arith.constant 1 : i32
        %parallel_loop3A_222 = arith.index_cast %parallel_loop3A_221 : i32 to index
        %parallel_loop3A_223 = arith.index_cast %parallel_loop3A_178 : i32 to index
        %parallel_loop3A_224 = arith.constant 48 : index
        %parallel_loop3A_225 = tpu.vector_load %arg10[%parallel_loop3A_222, %parallel_loop3A_223, %parallel_loop3A_224] {strides = array<i32>} : memref<2x128x128xf32, #tpu.memory_space<vmem>>, vector<16xf32>,
        tpu.vector_store %arg10[%parallel_loop3A_222, %parallel_loop3A_223, %parallel_loop3A_224], %parallel_loop3A_220 {strides = array<i32>} : memref<2x128x128xf32, #tpu.memory_space<vmem>>, vector<16xf32>,
        %parallel_loop3A_226 = arith.constant 1 : i32
        %parallel_loop3A_227 = arith.index_cast %parallel_loop3A_226 : i32 to index
        %parallel_loop3A_228 = arith.index_cast %parallel_loop3A_178 : i32 to index
        %parallel_loop3A_229 = arith.constant 64 : index
        %parallel_loop3A_230 = tpu.vector_load %arg10[%parallel_loop3A_227, %parallel_loop3A_228, %parallel_loop3A_229] {strides = array<i32>} : memref<2x128x128xf32, #tpu.memory_space<vmem>>, vector<16xf32>,
        %parallel_loop3A_231 = arith.mulf %parallel_loop3A_230, %parallel_loop3A_181 : vector<16xf32>
        %parallel_loop3A_232 = arith.constant 1 : i32
        %parallel_loop3A_233 = arith.index_cast %parallel_loop3A_232 : i32 to index
        %parallel_loop3A_234 = arith.index_cast %parallel_loop3A_178 : i32 to index
        %parallel_loop3A_235 = arith.constant 64 : index
        %parallel_loop3A_236 = tpu.vector_load %arg10[%parallel_loop3A_233, %parallel_loop3A_234, %parallel_loop3A_235] {strides = array<i32>} : memref<2x128x128xf32, #tpu.memory_space<vmem>>, vector<16xf32>,
        tpu.vector_store %arg10[%parallel_loop3A_233, %parallel_loop3A_234, %parallel_loop3A_235], %parallel_loop3A_231 {strides = array<i32>} : memref<2x128x128xf32, #tpu.memory_space<vmem>>, vector<16xf32>,
        %parallel_loop3A_237 = arith.constant 1 : i32
        %parallel_loop3A_238 = arith.index_cast %parallel_loop3A_237 : i32 to index
        %parallel_loop3A_239 = arith.index_cast %parallel_loop3A_178 : i32 to index
        %parallel_loop3A_240 = arith.constant 80 : index
        %parallel_loop3A_241 = tpu.vector_load %arg10[%parallel_loop3A_238, %parallel_loop3A_239, %parallel_loop3A_240] {strides = array<i32>} : memref<2x128x128xf32, #tpu.memory_space<vmem>>, vector<16xf32>,
        %parallel_loop3A_242 = arith.mulf %parallel_loop3A_241, %parallel_loop3A_181 : vector<16xf32>
        %parallel_loop3A_243 = arith.constant 1 : i32
        %parallel_loop3A_244 = arith.index_cast %parallel_loop3A_243 : i32 to index
        %parallel_loop3A_245 = arith.index_cast %parallel_loop3A_178 : i32 to index
        %parallel_loop3A_246 = arith.constant 80 : index
        %parallel_loop3A_247 = tpu.vector_load %arg10[%parallel_loop3A_244, %parallel_loop3A_245, %parallel_loop3A_246] {strides = array<i32>} : memref<2x128x128xf32, #tpu.memory_space<vmem>>, vector<16xf32>,
        tpu.vector_store %arg10[%parallel_loop3A_244, %parallel_loop3A_245, %parallel_loop3A_246], %parallel_loop3A_242 {strides = array<i32>} : memref<2x128x128xf32, #tpu.memory_space<vmem>>, vector<16xf32>,
        %parallel_loop3A_248 = arith.constant 1 : i32
        %parallel_loop3A_249 = arith.index_cast %parallel_loop3A_248 : i32 to index
        %parallel_loop3A_250 = arith.index_cast %parallel_loop3A_178 : i32 to index
        %parallel_loop3A_251 = arith.constant 96 : index
        %parallel_loop3A_252 = tpu.vector_load %arg10[%parallel_loop3A_249, %parallel_loop3A_250, %parallel_loop3A_251] {strides = array<i32>} : memref<2x128x128xf32, #tpu.memory_space<vmem>>, vector<16xf32>,
        %parallel_loop3A_253 = arith.mulf %parallel_loop3A_252, %parallel_loop3A_181 : vector<16xf32>
        %parallel_loop3A_254 = arith.constant 1 : i32
        %parallel_loop3A_255 = arith.index_cast %parallel_loop3A_254 : i32 to index
        %parallel_loop3A_256 = arith.index_cast %parallel_loop3A_178 : i32 to index
        %parallel_loop3A_257 = arith.constant 96 : index
        %parallel_loop3A_258 = tpu.vector_load %arg10[%parallel_loop3A_255, %parallel_loop3A_256, %parallel_loop3A_257] {strides = array<i32>} : memref<2x128x128xf32, #tpu.memory_space<vmem>>, vector<16xf32>,
        tpu.vector_store %arg10[%parallel_loop3A_255, %parallel_loop3A_256, %parallel_loop3A_257], %parallel_loop3A_253 {strides = array<i32>} : memref<2x128x128xf32, #tpu.memory_space<vmem>>, vector<16xf32>,
        %parallel_loop3A_259 = arith.constant 1 : i32
        %parallel_loop3A_260 = arith.index_cast %parallel_loop3A_259 : i32 to index
        %parallel_loop3A_261 = arith.index_cast %parallel_loop3A_178 : i32 to index
        %parallel_loop3A_262 = arith.constant 112 : index
        %parallel_loop3A_263 = tpu.vector_load %arg10[%parallel_loop3A_260, %parallel_loop3A_261, %parallel_loop3A_262] {strides = array<i32>} : memref<2x128x128xf32, #tpu.memory_space<vmem>>, vector<16xf32>,
        %parallel_loop3A_264 = arith.mulf %parallel_loop3A_263, %parallel_loop3A_181 : vector<16xf32>
        %parallel_loop3A_265 = arith.constant 1 : i32
        %parallel_loop3A_266 = arith.index_cast %parallel_loop3A_265 : i32 to index
        %parallel_loop3A_267 = arith.index_cast %parallel_loop3A_178 : i32 to index
        %parallel_loop3A_268 = arith.constant 112 : index
        %parallel_loop3A_269 = tpu.vector_load %arg10[%parallel_loop3A_266, %parallel_loop3A_267, %parallel_loop3A_268] {strides = array<i32>} : memref<2x128x128xf32, #tpu.memory_space<vmem>>, vector<16xf32>,
        tpu.vector_store %arg10[%parallel_loop3A_266, %parallel_loop3A_267, %parallel_loop3A_268], %parallel_loop3A_264 {strides = array<i32>} : memref<2x128x128xf32, #tpu.memory_space<vmem>>, vector<16xf32>,
      } {sc.loop_unroll_factor = 4 : i64, sc.parallel_access}
      %dma_start3A_166 = arith.constant 1 : i32
      %dma_start3A_167 = arith.constant 0 : i32
      %dma_start3A_168 = arith.constant 0 : i32
      %dma_start3A_169 = tpu.memref_slice %arg10[%dma_start3A_166, %dma_start3A_167, %dma_start3A_168] : memref<2x128x128xf32, #tpu.memory_space<vmem>> -> memref<1x128x128xf32, #tpu.memory_space<vmem>>
      %dma_start3A_170 = tpu.memref_squeeze %dma_start3A_169 : memref<1x128x128xf32, #tpu.memory_space<vmem>> -> memref<128x128xf32, #tpu.memory_space<vmem>>
      %dma_start3A_171 = arith.constant 0 : i32
      %dma_start3A_172 = tpu.memref_slice %arg8[%add3A_141, %dma_start3A_171] : memref<40x128xi32, #tpu.memory_space<vmem>> -> memref<1x128xi32, #tpu.memory_space<vmem>>
      %dma_start3A_173 = tpu.memref_squeeze %dma_start3A_172 : memref<1x128xi32, #tpu.memory_space<vmem>> -> memref<128xi32, #tpu.memory_space<vmem>>
      %dma_start3A_174 = arith.constant 0 : i32
      %dma_start3A_175 = arith.constant 0 : i32
      %dma_start3A_176 = tpu.memref_slice %arg11[%dma_start3A_174, %dma_start3A_175] : memref<10240x128xf32, #tpu.memory_space<vmem_shared>> -> memref<10240x128xf32, #tpu.memory_space<vmem_shared>>
      tpu.enqueue_indirect_dma source(%dma_start3A_170 : memref<128x128xf32, #tpu.memory_space<vmem>>) target(%dma_start3A_176 : memref<10240x128xf32, #tpu.memory_space<vmem_shared>>) offsets(%dma_start3A_173 : memref<128xi32, #tpu.memory_space<vmem>>) semaphore(%arg13 : memref<!tpu.dma_semaphore, #tpu.memory_space<semaphore_mem>>) {add = true}
      %scan3A_177 = arith.constant 0 : i32
      scf.yield %scan3A_177 : i32
    }
    %scan3A_86 = arith.constant 20 : i32
    %dma_wait3A_87 = arith.constant 1 : i32
    %dma_wait3A_88 = arith.constant 39 : i32
    %dma_wait3A_89 = arith.constant 0 : i32
    %dma_wait3A_90 = arith.constant 0 : i32
    %dma_wait3A_91 = tpu.memref_slice %arg10[%dma_wait3A_87, %dma_wait3A_89, %dma_wait3A_90] : memref<2x128x128xf32, #tpu.memory_space<vmem>> -> memref<1x128x128xf32, #tpu.memory_space<vmem>>
    %dma_wait3A_92 = tpu.memref_squeeze %dma_wait3A_91 : memref<1x128x128xf32, #tpu.memory_space<vmem>> -> memref<128x128xf32, #tpu.memory_space<vmem>>
    %dma_wait3A_93 = arith.constant 0 : i32
    %dma_wait3A_94 = tpu.memref_slice %arg8[%dma_wait3A_88, %dma_wait3A_93] : memref<40x128xi32, #tpu.memory_space<vmem>> -> memref<1x128xi32, #tpu.memory_space<vmem>>
    %dma_wait3A_95 = tpu.memref_squeeze %dma_wait3A_94 : memref<1x128xi32, #tpu.memory_space<vmem>> -> memref<128xi32, #tpu.memory_space<vmem>>
    %dma_wait3A_96 = arith.constant 0 : i32
    %dma_wait3A_97 = arith.constant 0 : i32
    %dma_wait3A_98 = tpu.memref_slice %arg11[%dma_wait3A_96, %dma_wait3A_97] : memref<10240x128xf32, #tpu.memory_space<vmem_shared>> -> memref<10240x128xf32, #tpu.memory_space<vmem_shared>>
    tpu.wait_indirect_dma semaphore(%arg13 : memref<!tpu.dma_semaphore, #tpu.memory_space<semaphore_mem>>) src(%dma_wait3A_92 : memref<128x128xf32, #tpu.memory_space<vmem>>) dst(%dma_wait3A_98 : memref<10240x128xf32, #tpu.memory_space<vmem_shared>>)
    %barrier3A_99 = arith.constant 0 : index
    tpu.barrier barrier_id(%barrier3A_99)
    %mul3A_100 = arith.constant 640 : i32
    %mul3A_101 = arith.muli %arg1, %mul3A_100 : i32
    %mul3A_102 = arith.constant 640 : i32
    %mul3A_103 = arith.muli %arg1, %mul3A_102 : i32
    "tpu.region"() ({
      %run_scoped3A_104 = tpu.sem_alloc : memref<!tpu.dma_semaphore, #tpu.memory_space<semaphore_mem>>
      %dma_start3A_105 = arith.constant 0 : i32
      %dma_start3A_106 = tpu.memref_slice %arg6[%arg0, %mul3A_103, %dma_start3A_105] : memref<2x10240x128xf32, #tpu.memory_space<hbm>> -> memref<1x640x128xf32, #tpu.memory_space<hbm>>
      %dma_start3A_107 = tpu.memref_squeeze %dma_start3A_106 : memref<1x640x128xf32, #tpu.memory_space<hbm>> -> memref<640x128xf32, #tpu.memory_space<hbm>>
      %dma_start3A_108 = arith.constant 0 : i32
      %dma_start3A_109 = tpu.memref_slice %arg11[%mul3A_101, %dma_start3A_108] : memref<10240x128xf32, #tpu.memory_space<vmem_shared>> -> memref<640x128xf32, #tpu.memory_space<vmem_shared>>
      tpu.enqueue_dma source(%dma_start3A_109 : memref<640x128xf32, #tpu.memory_space<vmem_shared>>) target(%dma_start3A_107 : memref<640x128xf32, #tpu.memory_space<hbm>>) target_semaphore(%run_scoped3A_104 : memref<!tpu.dma_semaphore, #tpu.memory_space<semaphore_mem>>)
      %dma_wait3A_110 = arith.constant 0 : i32
      %dma_wait3A_111 = tpu.memref_slice %arg6[%arg0, %mul3A_103, %dma_wait3A_110] : memref<2x10240x128xf32, #tpu.memory_space<hbm>> -> memref<1x640x128xf32, #tpu.memory_space<hbm>>
      %dma_wait3A_112 = tpu.memref_squeeze %dma_wait3A_111 : memref<1x640x128xf32, #tpu.memory_space<hbm>> -> memref<640x128xf32, #tpu.memory_space<hbm>>
      %dma_wait3A_113 = arith.constant 0 : i32
      %dma_wait3A_114 = tpu.memref_slice %arg11[%mul3A_101, %dma_wait3A_113] : memref<10240x128xf32, #tpu.memory_space<vmem_shared>> -> memref<640x128xf32, #tpu.memory_space<vmem_shared>>
      tpu.wait_dma2 semaphore(%run_scoped3A_104 : memref<!tpu.dma_semaphore, #tpu.memory_space<semaphore_mem>>) src(%dma_wait3A_114 : memref<640x128xf32, #tpu.memory_space<vmem_shared>>) dst(%dma_wait3A_112 : memref<640x128xf32, #tpu.memory_space<hbm>>)
      tpu.yield
    }) : () -> ()
    return
  }
}

#map = affine_map<(d0, d1) -> (0, 0)>
module attributes {stable_mosaic.version = 14 : i64} {
  func.func @_deg_kernel(%arg0: i32, %arg1: i32, %arg2: memref<2560x128xi32, #tpu.memory_space<hbm>>, %arg3: memref<2560x128xf32, #tpu.memory_space<hbm>>, %arg4: memref<2x10240xf32, #tpu.memory_space<hbm>>, %arg5: memref<80x128xi32, #tpu.memory_space<vmem>>, %arg6: memref<80x128xf32, #tpu.memory_space<vmem>>, %arg7: memref<640xf32, #tpu.memory_space<vmem>>, %arg8: memref<10240xf32, #tpu.memory_space<vmem_shared>>, %arg9: memref<!tpu.dma_semaphore, #tpu.memory_space<semaphore_mem>>) attributes {dimension_semantics = [#tpu.dimension_semantics<core_parallel>, #tpu.dimension_semantics<subcore_parallel>], iteration_bounds = array<i64: 2, 16>, scalar_prefetch = 0 : i64, scratch_operands = 5 : i64, tpu.core_type = #tpu.core_type<sc_vector_subcore>, window_params = [{transform_indices = #map}, {transform_indices = #map}, {transform_indices = #map}]} {
    %mul3A = arith.constant 16 : i32
    %mul3A_0 = arith.muli %arg0, %mul3A : i32
    %add3A = arith.addi %mul3A_0, %arg1 : i32
    %scan3A = arith.constant 0 : i32
    %scan3A_1 = arith.constant 0 : i32
    %scan3A_2 = arith.constant 40 : i32
    %scan3A_3 = arith.addi %scan3A_1, %scan3A_2 : i32
    %scan3A_4 = arith.constant 1 : i32
    %scan3A_5 = scf.for %scan3A_1614 = %scan3A_1 to %scan3A_3 step %scan3A_4 iter_args(%scan3A_1615 = %scan3A) -> (i32)  : i32 {
      %broadcast_in_dim3A = arith.constant 0.000000e+00 : f32
      %broadcast_in_dim3A_1616 = vector.broadcast %broadcast_in_dim3A : f32 to vector<16xf32>
      %mul3A_1617 = arith.constant 16 : i32
      %mul3A_1618 = arith.muli %scan3A_1614, %mul3A_1617 : i32
      %swap3A = arith.index_cast %mul3A_1618 : i32 to index
      %swap3A_1619 = tpu.vector_load %arg7[%swap3A] {strides = array<i32>} : memref<640xf32, #tpu.memory_space<vmem>>, vector<16xf32>,
      %swap3A_1620 = vector.shape_cast %swap3A_1619 : vector<16xf32> to vector<16xf32>
      %swap3A_1621 = vector.shape_cast %broadcast_in_dim3A_1616 : vector<16xf32> to vector<16xf32>
      tpu.vector_store %arg7[%swap3A], %swap3A_1621 {strides = array<i32>} : memref<640xf32, #tpu.memory_space<vmem>>, vector<16xf32>,
      %scan3A_1622 = arith.constant 0 : i32
      scf.yield %scan3A_1622 : i32
    }
    %scan3A_6 = arith.constant 40 : i32
    %mul3A_7 = arith.constant 640 : i32
    %mul3A_8 = arith.muli %arg1, %mul3A_7 : i32
    "tpu.region"() ({
      %run_scoped3A = tpu.sem_alloc : memref<!tpu.dma_semaphore, #tpu.memory_space<semaphore_mem>>
      %dma_start3A_1614 = tpu.memref_slice %arg8[%mul3A_8] : memref<10240xf32, #tpu.memory_space<vmem_shared>> -> memref<640xf32, #tpu.memory_space<vmem_shared>>
      %dma_start3A_1615 = tpu.memref_slice %arg8[%mul3A_8] : memref<10240xf32, #tpu.memory_space<vmem_shared>> -> memref<640xf32, #tpu.memory_space<vmem_shared>>
      tpu.enqueue_dma source(%arg7 : memref<640xf32, #tpu.memory_space<vmem>>) target(%dma_start3A_1615 : memref<640xf32, #tpu.memory_space<vmem_shared>>) target_semaphore(%run_scoped3A : memref<!tpu.dma_semaphore, #tpu.memory_space<semaphore_mem>>)
      %dma_wait3A_1616 = tpu.memref_slice %arg8[%mul3A_8] : memref<10240xf32, #tpu.memory_space<vmem_shared>> -> memref<640xf32, #tpu.memory_space<vmem_shared>>
      %dma_wait3A_1617 = tpu.memref_slice %arg8[%mul3A_8] : memref<10240xf32, #tpu.memory_space<vmem_shared>> -> memref<640xf32, #tpu.memory_space<vmem_shared>>
      tpu.wait_dma2 semaphore(%run_scoped3A : memref<!tpu.dma_semaphore, #tpu.memory_space<semaphore_mem>>) src(%arg7 : memref<640xf32, #tpu.memory_space<vmem>>) dst(%dma_wait3A_1617 : memref<640xf32, #tpu.memory_space<vmem_shared>>)
      tpu.yield
    }) : () -> ()
    %barrier3A = arith.constant 0 : index
    tpu.barrier barrier_id(%barrier3A)
    %mul3A_9 = arith.constant 80 : i32
    %mul3A_10 = arith.muli %add3A, %mul3A_9 : i32
    "tpu.region"() ({
      %run_scoped3A = tpu.sem_alloc : memref<!tpu.dma_semaphore, #tpu.memory_space<semaphore_mem>>
      %dma_start3A_1614 = arith.constant 0 : i32
      %dma_start3A_1615 = tpu.memref_slice %arg2[%mul3A_10, %dma_start3A_1614] : memref<2560x128xi32, #tpu.memory_space<hbm>> -> memref<80x128xi32, #tpu.memory_space<hbm>>
      %dma_start3A_1616 = arith.constant 0 : i32
      %dma_start3A_1617 = tpu.memref_slice %arg2[%mul3A_10, %dma_start3A_1616] : memref<2560x128xi32, #tpu.memory_space<hbm>> -> memref<80x128xi32, #tpu.memory_space<hbm>>
      tpu.enqueue_dma source(%dma_start3A_1617 : memref<80x128xi32, #tpu.memory_space<hbm>>) target(%arg5 : memref<80x128xi32, #tpu.memory_space<vmem>>) target_semaphore(%run_scoped3A : memref<!tpu.dma_semaphore, #tpu.memory_space<semaphore_mem>>)
      %dma_wait3A_1618 = arith.constant 0 : i32
      %dma_wait3A_1619 = tpu.memref_slice %arg2[%mul3A_10, %dma_wait3A_1618] : memref<2560x128xi32, #tpu.memory_space<hbm>> -> memref<80x128xi32, #tpu.memory_space<hbm>>
      %dma_wait3A_1620 = arith.constant 0 : i32
      %dma_wait3A_1621 = tpu.memref_slice %arg2[%mul3A_10, %dma_wait3A_1620] : memref<2560x128xi32, #tpu.memory_space<hbm>> -> memref<80x128xi32, #tpu.memory_space<hbm>>
      tpu.wait_dma2 semaphore(%run_scoped3A : memref<!tpu.dma_semaphore, #tpu.memory_space<semaphore_mem>>) src(%dma_wait3A_1621 : memref<80x128xi32, #tpu.memory_space<hbm>>) dst(%arg5 : memref<80x128xi32, #tpu.memory_space<vmem>>)
      tpu.yield
    }) : () -> ()
    "tpu.region"() ({
      %run_scoped3A = tpu.sem_alloc : memref<!tpu.dma_semaphore, #tpu.memory_space<semaphore_mem>>
      %dma_start3A_1614 = arith.constant 0 : i32
      %dma_start3A_1615 = tpu.memref_slice %arg3[%mul3A_10, %dma_start3A_1614] : memref<2560x128xf32, #tpu.memory_space<hbm>> -> memref<80x128xf32, #tpu.memory_space<hbm>>
      %dma_start3A_1616 = arith.constant 0 : i32
      %dma_start3A_1617 = tpu.memref_slice %arg3[%mul3A_10, %dma_start3A_1616] : memref<2560x128xf32, #tpu.memory_space<hbm>> -> memref<80x128xf32, #tpu.memory_space<hbm>>
      tpu.enqueue_dma source(%dma_start3A_1617 : memref<80x128xf32, #tpu.memory_space<hbm>>) target(%arg6 : memref<80x128xf32, #tpu.memory_space<vmem>>) target_semaphore(%run_scoped3A : memref<!tpu.dma_semaphore, #tpu.memory_space<semaphore_mem>>)
      %dma_wait3A_1618 = arith.constant 0 : i32
      %dma_wait3A_1619 = tpu.memref_slice %arg3[%mul3A_10, %dma_wait3A_1618] : memref<2560x128xf32, #tpu.memory_space<hbm>> -> memref<80x128xf32, #tpu.memory_space<hbm>>
      %dma_wait3A_1620 = arith.constant 0 : i32
      %dma_wait3A_1621 = tpu.memref_slice %arg3[%mul3A_10, %dma_wait3A_1620] : memref<2560x128xf32, #tpu.memory_space<hbm>> -> memref<80x128xf32, #tpu.memory_space<hbm>>
      tpu.wait_dma2 semaphore(%run_scoped3A : memref<!tpu.dma_semaphore, #tpu.memory_space<semaphore_mem>>) src(%dma_wait3A_1621 : memref<80x128xf32, #tpu.memory_space<hbm>>) dst(%arg6 : memref<80x128xf32, #tpu.memory_space<vmem>>)
      tpu.yield
    }) : () -> ()
    %dma_start3A = arith.constant 0 : i32
    %dma_start3A_11 = arith.constant 0 : i32
    %dma_start3A_12 = arith.constant 0 : i32
    %dma_start3A_13 = tpu.memref_slice %arg6[%dma_start3A, %dma_start3A_12] : memref<80x128xf32, #tpu.memory_space<vmem>> -> memref<1x128xf32, #tpu.memory_space<vmem>>
    %dma_start3A_14 = tpu.memref_squeeze %dma_start3A_13 : memref<1x128xf32, #tpu.memory_space<vmem>> -> memref<128xf32, #tpu.memory_space<vmem>>
    %dma_start3A_15 = arith.constant 0 : i32
    %dma_start3A_16 = tpu.memref_slice %arg5[%dma_start3A_11, %dma_start3A_15] : memref<80x128xi32, #tpu.memory_space<vmem>> -> memref<1x128xi32, #tpu.memory_space<vmem>>
    %dma_start3A_17 = tpu.memref_squeeze %dma_start3A_16 : memref<1x128xi32, #tpu.memory_space<vmem>> -> memref<128xi32, #tpu.memory_space<vmem>>
    %dma_start3A_18 = arith.constant 0 : i32
    %dma_start3A_19 = tpu.memref_slice %arg8[%dma_start3A_18] : memref<10240xf32, #tpu.memory_space<vmem_shared>> -> memref<10240xf32, #tpu.memory_space<vmem_shared>>
    tpu.enqueue_indirect_dma source(%dma_start3A_14 : memref<128xf32, #tpu.memory_space<vmem>>) target(%dma_start3A_19 : memref<10240xf32, #tpu.memory_space<vmem_shared>>) offsets(%dma_start3A_17 : memref<128xi32, #tpu.memory_space<vmem>>) semaphore(%arg9 : memref<!tpu.dma_semaphore, #tpu.memory_space<semaphore_mem>>) {add = true}
    %dma_start3A_20 = arith.constant 1 : i32
    %dma_start3A_21 = arith.constant 1 : i32
    %dma_start3A_22 = arith.constant 0 : i32
    %dma_start3A_23 = tpu.memref_slice %arg6[%dma_start3A_20, %dma_start3A_22] : memref<80x128xf32, #tpu.memory_space<vmem>> -> memref<1x128xf32, #tpu.memory_space<vmem>>
    %dma_start3A_24 = tpu.memref_squeeze %dma_start3A_23 : memref<1x128xf32, #tpu.memory_space<vmem>> -> memref<128xf32, #tpu.memory_space<vmem>>
    %dma_start3A_25 = arith.constant 0 : i32
    %dma_start3A_26 = tpu.memref_slice %arg5[%dma_start3A_21, %dma_start3A_25] : memref<80x128xi32, #tpu.memory_space<vmem>> -> memref<1x128xi32, #tpu.memory_space<vmem>>
    %dma_start3A_27 = tpu.memref_squeeze %dma_start3A_26 : memref<1x128xi32, #tpu.memory_space<vmem>> -> memref<128xi32, #tpu.memory_space<vmem>>
    %dma_start3A_28 = arith.constant 0 : i32
    %dma_start3A_29 = tpu.memref_slice %arg8[%dma_start3A_28] : memref<10240xf32, #tpu.memory_space<vmem_shared>> -> memref<10240xf32, #tpu.memory_space<vmem_shared>>
    tpu.enqueue_indirect_dma source(%dma_start3A_24 : memref<128xf32, #tpu.memory_space<vmem>>) target(%dma_start3A_29 : memref<10240xf32, #tpu.memory_space<vmem_shared>>) offsets(%dma_start3A_27 : memref<128xi32, #tpu.memory_space<vmem>>) semaphore(%arg9 : memref<!tpu.dma_semaphore, #tpu.memory_space<semaphore_mem>>) {add = true}
    %dma_start3A_30 = arith.constant 2 : i32
    %dma_start3A_31 = arith.constant 2 : i32
    %dma_start3A_32 = arith.constant 0 : i32
    %dma_start3A_33 = tpu.memref_slice %arg6[%dma_start3A_30, %dma_start3A_32] : memref<80x128xf32, #tpu.memory_space<vmem>> -> memref<1x128xf32, #tpu.memory_space<vmem>>
    %dma_start3A_34 = tpu.memref_squeeze %dma_start3A_33 : memref<1x128xf32, #tpu.memory_space<vmem>> -> memref<128xf32, #tpu.memory_space<vmem>>
    %dma_start3A_35 = arith.constant 0 : i32
    %dma_start3A_36 = tpu.memref_slice %arg5[%dma_start3A_31, %dma_start3A_35] : memref<80x128xi32, #tpu.memory_space<vmem>> -> memref<1x128xi32, #tpu.memory_space<vmem>>
    %dma_start3A_37 = tpu.memref_squeeze %dma_start3A_36 : memref<1x128xi32, #tpu.memory_space<vmem>> -> memref<128xi32, #tpu.memory_space<vmem>>
    %dma_start3A_38 = arith.constant 0 : i32
    %dma_start3A_39 = tpu.memref_slice %arg8[%dma_start3A_38] : memref<10240xf32, #tpu.memory_space<vmem_shared>> -> memref<10240xf32, #tpu.memory_space<vmem_shared>>
    tpu.enqueue_indirect_dma source(%dma_start3A_34 : memref<128xf32, #tpu.memory_space<vmem>>) target(%dma_start3A_39 : memref<10240xf32, #tpu.memory_space<vmem_shared>>) offsets(%dma_start3A_37 : memref<128xi32, #tpu.memory_space<vmem>>) semaphore(%arg9 : memref<!tpu.dma_semaphore, #tpu.memory_space<semaphore_mem>>) {add = true}
    %dma_start3A_40 = arith.constant 3 : i32
    %dma_start3A_41 = arith.constant 3 : i32
    %dma_start3A_42 = arith.constant 0 : i32
    %dma_start3A_43 = tpu.memref_slice %arg6[%dma_start3A_40, %dma_start3A_42] : memref<80x128xf32, #tpu.memory_space<vmem>> -> memref<1x128xf32, #tpu.memory_space<vmem>>
    %dma_start3A_44 = tpu.memref_squeeze %dma_start3A_43 : memref<1x128xf32, #tpu.memory_space<vmem>> -> memref<128xf32, #tpu.memory_space<vmem>>
    %dma_start3A_45 = arith.constant 0 : i32
    %dma_start3A_46 = tpu.memref_slice %arg5[%dma_start3A_41, %dma_start3A_45] : memref<80x128xi32, #tpu.memory_space<vmem>> -> memref<1x128xi32, #tpu.memory_space<vmem>>
    %dma_start3A_47 = tpu.memref_squeeze %dma_start3A_46 : memref<1x128xi32, #tpu.memory_space<vmem>> -> memref<128xi32, #tpu.memory_space<vmem>>
    %dma_start3A_48 = arith.constant 0 : i32
    %dma_start3A_49 = tpu.memref_slice %arg8[%dma_start3A_48] : memref<10240xf32, #tpu.memory_space<vmem_shared>> -> memref<10240xf32, #tpu.memory_space<vmem_shared>>
    tpu.enqueue_indirect_dma source(%dma_start3A_44 : memref<128xf32, #tpu.memory_space<vmem>>) target(%dma_start3A_49 : memref<10240xf32, #tpu.memory_space<vmem_shared>>) offsets(%dma_start3A_47 : memref<128xi32, #tpu.memory_space<vmem>>) semaphore(%arg9 : memref<!tpu.dma_semaphore, #tpu.memory_space<semaphore_mem>>) {add = true}
    %dma_start3A_50 = arith.constant 4 : i32
    %dma_start3A_51 = arith.constant 4 : i32
    %dma_start3A_52 = arith.constant 0 : i32
    %dma_start3A_53 = tpu.memref_slice %arg6[%dma_start3A_50, %dma_start3A_52] : memref<80x128xf32, #tpu.memory_space<vmem>> -> memref<1x128xf32, #tpu.memory_space<vmem>>
    %dma_start3A_54 = tpu.memref_squeeze %dma_start3A_53 : memref<1x128xf32, #tpu.memory_space<vmem>> -> memref<128xf32, #tpu.memory_space<vmem>>
    %dma_start3A_55 = arith.constant 0 : i32
    %dma_start3A_56 = tpu.memref_slice %arg5[%dma_start3A_51, %dma_start3A_55] : memref<80x128xi32, #tpu.memory_space<vmem>> -> memref<1x128xi32, #tpu.memory_space<vmem>>
    %dma_start3A_57 = tpu.memref_squeeze %dma_start3A_56 : memref<1x128xi32, #tpu.memory_space<vmem>> -> memref<128xi32, #tpu.memory_space<vmem>>
    %dma_start3A_58 = arith.constant 0 : i32
    %dma_start3A_59 = tpu.memref_slice %arg8[%dma_start3A_58] : memref<10240xf32, #tpu.memory_space<vmem_shared>> -> memref<10240xf32, #tpu.memory_space<vmem_shared>>
    tpu.enqueue_indirect_dma source(%dma_start3A_54 : memref<128xf32, #tpu.memory_space<vmem>>) target(%dma_start3A_59 : memref<10240xf32, #tpu.memory_space<vmem_shared>>) offsets(%dma_start3A_57 : memref<128xi32, #tpu.memory_space<vmem>>) semaphore(%arg9 : memref<!tpu.dma_semaphore, #tpu.memory_space<semaphore_mem>>) {add = true}
    %dma_start3A_60 = arith.constant 5 : i32
    %dma_start3A_61 = arith.constant 5 : i32
    %dma_start3A_62 = arith.constant 0 : i32
    %dma_start3A_63 = tpu.memref_slice %arg6[%dma_start3A_60, %dma_start3A_62] : memref<80x128xf32, #tpu.memory_space<vmem>> -> memref<1x128xf32, #tpu.memory_space<vmem>>
    %dma_start3A_64 = tpu.memref_squeeze %dma_start3A_63 : memref<1x128xf32, #tpu.memory_space<vmem>> -> memref<128xf32, #tpu.memory_space<vmem>>
    %dma_start3A_65 = arith.constant 0 : i32
    %dma_start3A_66 = tpu.memref_slice %arg5[%dma_start3A_61, %dma_start3A_65] : memref<80x128xi32, #tpu.memory_space<vmem>> -> memref<1x128xi32, #tpu.memory_space<vmem>>
    %dma_start3A_67 = tpu.memref_squeeze %dma_start3A_66 : memref<1x128xi32, #tpu.memory_space<vmem>> -> memref<128xi32, #tpu.memory_space<vmem>>
    %dma_start3A_68 = arith.constant 0 : i32
    %dma_start3A_69 = tpu.memref_slice %arg8[%dma_start3A_68] : memref<10240xf32, #tpu.memory_space<vmem_shared>> -> memref<10240xf32, #tpu.memory_space<vmem_shared>>
    tpu.enqueue_indirect_dma source(%dma_start3A_64 : memref<128xf32, #tpu.memory_space<vmem>>) target(%dma_start3A_69 : memref<10240xf32, #tpu.memory_space<vmem_shared>>) offsets(%dma_start3A_67 : memref<128xi32, #tpu.memory_space<vmem>>) semaphore(%arg9 : memref<!tpu.dma_semaphore, #tpu.memory_space<semaphore_mem>>) {add = true}
    %dma_start3A_70 = arith.constant 6 : i32
    %dma_start3A_71 = arith.constant 6 : i32
    %dma_start3A_72 = arith.constant 0 : i32
    %dma_start3A_73 = tpu.memref_slice %arg6[%dma_start3A_70, %dma_start3A_72] : memref<80x128xf32, #tpu.memory_space<vmem>> -> memref<1x128xf32, #tpu.memory_space<vmem>>
    %dma_start3A_74 = tpu.memref_squeeze %dma_start3A_73 : memref<1x128xf32, #tpu.memory_space<vmem>> -> memref<128xf32, #tpu.memory_space<vmem>>
    %dma_start3A_75 = arith.constant 0 : i32
    %dma_start3A_76 = tpu.memref_slice %arg5[%dma_start3A_71, %dma_start3A_75] : memref<80x128xi32, #tpu.memory_space<vmem>> -> memref<1x128xi32, #tpu.memory_space<vmem>>
    %dma_start3A_77 = tpu.memref_squeeze %dma_start3A_76 : memref<1x128xi32, #tpu.memory_space<vmem>> -> memref<128xi32, #tpu.memory_space<vmem>>
    %dma_start3A_78 = arith.constant 0 : i32
    %dma_start3A_79 = tpu.memref_slice %arg8[%dma_start3A_78] : memref<10240xf32, #tpu.memory_space<vmem_shared>> -> memref<10240xf32, #tpu.memory_space<vmem_shared>>
    tpu.enqueue_indirect_dma source(%dma_start3A_74 : memref<128xf32, #tpu.memory_space<vmem>>) target(%dma_start3A_79 : memref<10240xf32, #tpu.memory_space<vmem_shared>>) offsets(%dma_start3A_77 : memref<128xi32, #tpu.memory_space<vmem>>) semaphore(%arg9 : memref<!tpu.dma_semaphore, #tpu.memory_space<semaphore_mem>>) {add = true}
    %dma_start3A_80 = arith.constant 7 : i32
    %dma_start3A_81 = arith.constant 7 : i32
    %dma_start3A_82 = arith.constant 0 : i32
    %dma_start3A_83 = tpu.memref_slice %arg6[%dma_start3A_80, %dma_start3A_82] : memref<80x128xf32, #tpu.memory_space<vmem>> -> memref<1x128xf32, #tpu.memory_space<vmem>>
    %dma_start3A_84 = tpu.memref_squeeze %dma_start3A_83 : memref<1x128xf32, #tpu.memory_space<vmem>> -> memref<128xf32, #tpu.memory_space<vmem>>
    %dma_start3A_85 = arith.constant 0 : i32
    %dma_start3A_86 = tpu.memref_slice %arg5[%dma_start3A_81, %dma_start3A_85] : memref<80x128xi32, #tpu.memory_space<vmem>> -> memref<1x128xi32, #tpu.memory_space<vmem>>
    %dma_start3A_87 = tpu.memref_squeeze %dma_start3A_86 : memref<1x128xi32, #tpu.memory_space<vmem>> -> memref<128xi32, #tpu.memory_space<vmem>>
    %dma_start3A_88 = arith.constant 0 : i32
    %dma_start3A_89 = tpu.memref_slice %arg8[%dma_start3A_88] : memref<10240xf32, #tpu.memory_space<vmem_shared>> -> memref<10240xf32, #tpu.memory_space<vmem_shared>>
    tpu.enqueue_indirect_dma source(%dma_start3A_84 : memref<128xf32, #tpu.memory_space<vmem>>) target(%dma_start3A_89 : memref<10240xf32, #tpu.memory_space<vmem_shared>>) offsets(%dma_start3A_87 : memref<128xi32, #tpu.memory_space<vmem>>) semaphore(%arg9 : memref<!tpu.dma_semaphore, #tpu.memory_space<semaphore_mem>>) {add = true}
    %dma_start3A_90 = arith.constant 8 : i32
    %dma_start3A_91 = arith.constant 8 : i32
    %dma_start3A_92 = arith.constant 0 : i32
    %dma_start3A_93 = tpu.memref_slice %arg6[%dma_start3A_90, %dma_start3A_92] : memref<80x128xf32, #tpu.memory_space<vmem>> -> memref<1x128xf32, #tpu.memory_space<vmem>>
    %dma_start3A_94 = tpu.memref_squeeze %dma_start3A_93 : memref<1x128xf32, #tpu.memory_space<vmem>> -> memref<128xf32, #tpu.memory_space<vmem>>
    %dma_start3A_95 = arith.constant 0 : i32
    %dma_start3A_96 = tpu.memref_slice %arg5[%dma_start3A_91, %dma_start3A_95] : memref<80x128xi32, #tpu.memory_space<vmem>> -> memref<1x128xi32, #tpu.memory_space<vmem>>
    %dma_start3A_97 = tpu.memref_squeeze %dma_start3A_96 : memref<1x128xi32, #tpu.memory_space<vmem>> -> memref<128xi32, #tpu.memory_space<vmem>>
    %dma_start3A_98 = arith.constant 0 : i32
    %dma_start3A_99 = tpu.memref_slice %arg8[%dma_start3A_98] : memref<10240xf32, #tpu.memory_space<vmem_shared>> -> memref<10240xf32, #tpu.memory_space<vmem_shared>>
    tpu.enqueue_indirect_dma source(%dma_start3A_94 : memref<128xf32, #tpu.memory_space<vmem>>) target(%dma_start3A_99 : memref<10240xf32, #tpu.memory_space<vmem_shared>>) offsets(%dma_start3A_97 : memref<128xi32, #tpu.memory_space<vmem>>) semaphore(%arg9 : memref<!tpu.dma_semaphore, #tpu.memory_space<semaphore_mem>>) {add = true}
    %dma_start3A_100 = arith.constant 9 : i32
    %dma_start3A_101 = arith.constant 9 : i32
    %dma_start3A_102 = arith.constant 0 : i32
    %dma_start3A_103 = tpu.memref_slice %arg6[%dma_start3A_100, %dma_start3A_102] : memref<80x128xf32, #tpu.memory_space<vmem>> -> memref<1x128xf32, #tpu.memory_space<vmem>>
    %dma_start3A_104 = tpu.memref_squeeze %dma_start3A_103 : memref<1x128xf32, #tpu.memory_space<vmem>> -> memref<128xf32, #tpu.memory_space<vmem>>
    %dma_start3A_105 = arith.constant 0 : i32
    %dma_start3A_106 = tpu.memref_slice %arg5[%dma_start3A_101, %dma_start3A_105] : memref<80x128xi32, #tpu.memory_space<vmem>> -> memref<1x128xi32, #tpu.memory_space<vmem>>
    %dma_start3A_107 = tpu.memref_squeeze %dma_start3A_106 : memref<1x128xi32, #tpu.memory_space<vmem>> -> memref<128xi32, #tpu.memory_space<vmem>>
    %dma_start3A_108 = arith.constant 0 : i32
    %dma_start3A_109 = tpu.memref_slice %arg8[%dma_start3A_108] : memref<10240xf32, #tpu.memory_space<vmem_shared>> -> memref<10240xf32, #tpu.memory_space<vmem_shared>>
    tpu.enqueue_indirect_dma source(%dma_start3A_104 : memref<128xf32, #tpu.memory_space<vmem>>) target(%dma_start3A_109 : memref<10240xf32, #tpu.memory_space<vmem_shared>>) offsets(%dma_start3A_107 : memref<128xi32, #tpu.memory_space<vmem>>) semaphore(%arg9 : memref<!tpu.dma_semaphore, #tpu.memory_space<semaphore_mem>>) {add = true}
    %dma_start3A_110 = arith.constant 10 : i32
    %dma_start3A_111 = arith.constant 10 : i32
    %dma_start3A_112 = arith.constant 0 : i32
    %dma_start3A_113 = tpu.memref_slice %arg6[%dma_start3A_110, %dma_start3A_112] : memref<80x128xf32, #tpu.memory_space<vmem>> -> memref<1x128xf32, #tpu.memory_space<vmem>>
    %dma_start3A_114 = tpu.memref_squeeze %dma_start3A_113 : memref<1x128xf32, #tpu.memory_space<vmem>> -> memref<128xf32, #tpu.memory_space<vmem>>
    %dma_start3A_115 = arith.constant 0 : i32
    %dma_start3A_116 = tpu.memref_slice %arg5[%dma_start3A_111, %dma_start3A_115] : memref<80x128xi32, #tpu.memory_space<vmem>> -> memref<1x128xi32, #tpu.memory_space<vmem>>
    %dma_start3A_117 = tpu.memref_squeeze %dma_start3A_116 : memref<1x128xi32, #tpu.memory_space<vmem>> -> memref<128xi32, #tpu.memory_space<vmem>>
    %dma_start3A_118 = arith.constant 0 : i32
    %dma_start3A_119 = tpu.memref_slice %arg8[%dma_start3A_118] : memref<10240xf32, #tpu.memory_space<vmem_shared>> -> memref<10240xf32, #tpu.memory_space<vmem_shared>>
    tpu.enqueue_indirect_dma source(%dma_start3A_114 : memref<128xf32, #tpu.memory_space<vmem>>) target(%dma_start3A_119 : memref<10240xf32, #tpu.memory_space<vmem_shared>>) offsets(%dma_start3A_117 : memref<128xi32, #tpu.memory_space<vmem>>) semaphore(%arg9 : memref<!tpu.dma_semaphore, #tpu.memory_space<semaphore_mem>>) {add = true}
    %dma_start3A_120 = arith.constant 11 : i32
    %dma_start3A_121 = arith.constant 11 : i32
    %dma_start3A_122 = arith.constant 0 : i32
    %dma_start3A_123 = tpu.memref_slice %arg6[%dma_start3A_120, %dma_start3A_122] : memref<80x128xf32, #tpu.memory_space<vmem>> -> memref<1x128xf32, #tpu.memory_space<vmem>>
    %dma_start3A_124 = tpu.memref_squeeze %dma_start3A_123 : memref<1x128xf32, #tpu.memory_space<vmem>> -> memref<128xf32, #tpu.memory_space<vmem>>
    %dma_start3A_125 = arith.constant 0 : i32
    %dma_start3A_126 = tpu.memref_slice %arg5[%dma_start3A_121, %dma_start3A_125] : memref<80x128xi32, #tpu.memory_space<vmem>> -> memref<1x128xi32, #tpu.memory_space<vmem>>
    %dma_start3A_127 = tpu.memref_squeeze %dma_start3A_126 : memref<1x128xi32, #tpu.memory_space<vmem>> -> memref<128xi32, #tpu.memory_space<vmem>>
    %dma_start3A_128 = arith.constant 0 : i32
    %dma_start3A_129 = tpu.memref_slice %arg8[%dma_start3A_128] : memref<10240xf32, #tpu.memory_space<vmem_shared>> -> memref<10240xf32, #tpu.memory_space<vmem_shared>>
    tpu.enqueue_indirect_dma source(%dma_start3A_124 : memref<128xf32, #tpu.memory_space<vmem>>) target(%dma_start3A_129 : memref<10240xf32, #tpu.memory_space<vmem_shared>>) offsets(%dma_start3A_127 : memref<128xi32, #tpu.memory_space<vmem>>) semaphore(%arg9 : memref<!tpu.dma_semaphore, #tpu.memory_space<semaphore_mem>>) {add = true}
    %dma_start3A_130 = arith.constant 12 : i32
    %dma_start3A_131 = arith.constant 12 : i32
    %dma_start3A_132 = arith.constant 0 : i32
    %dma_start3A_133 = tpu.memref_slice %arg6[%dma_start3A_130, %dma_start3A_132] : memref<80x128xf32, #tpu.memory_space<vmem>> -> memref<1x128xf32, #tpu.memory_space<vmem>>
    %dma_start3A_134 = tpu.memref_squeeze %dma_start3A_133 : memref<1x128xf32, #tpu.memory_space<vmem>> -> memref<128xf32, #tpu.memory_space<vmem>>
    %dma_start3A_135 = arith.constant 0 : i32
    %dma_start3A_136 = tpu.memref_slice %arg5[%dma_start3A_131, %dma_start3A_135] : memref<80x128xi32, #tpu.memory_space<vmem>> -> memref<1x128xi32, #tpu.memory_space<vmem>>
    %dma_start3A_137 = tpu.memref_squeeze %dma_start3A_136 : memref<1x128xi32, #tpu.memory_space<vmem>> -> memref<128xi32, #tpu.memory_space<vmem>>
    %dma_start3A_138 = arith.constant 0 : i32
    %dma_start3A_139 = tpu.memref_slice %arg8[%dma_start3A_138] : memref<10240xf32, #tpu.memory_space<vmem_shared>> -> memref<10240xf32, #tpu.memory_space<vmem_shared>>
    tpu.enqueue_indirect_dma source(%dma_start3A_134 : memref<128xf32, #tpu.memory_space<vmem>>) target(%dma_start3A_139 : memref<10240xf32, #tpu.memory_space<vmem_shared>>) offsets(%dma_start3A_137 : memref<128xi32, #tpu.memory_space<vmem>>) semaphore(%arg9 : memref<!tpu.dma_semaphore, #tpu.memory_space<semaphore_mem>>) {add = true}
    %dma_start3A_140 = arith.constant 13 : i32
    %dma_start3A_141 = arith.constant 13 : i32
    %dma_start3A_142 = arith.constant 0 : i32
    %dma_start3A_143 = tpu.memref_slice %arg6[%dma_start3A_140, %dma_start3A_142] : memref<80x128xf32, #tpu.memory_space<vmem>> -> memref<1x128xf32, #tpu.memory_space<vmem>>
    %dma_start3A_144 = tpu.memref_squeeze %dma_start3A_143 : memref<1x128xf32, #tpu.memory_space<vmem>> -> memref<128xf32, #tpu.memory_space<vmem>>
    %dma_start3A_145 = arith.constant 0 : i32
    %dma_start3A_146 = tpu.memref_slice %arg5[%dma_start3A_141, %dma_start3A_145] : memref<80x128xi32, #tpu.memory_space<vmem>> -> memref<1x128xi32, #tpu.memory_space<vmem>>
    %dma_start3A_147 = tpu.memref_squeeze %dma_start3A_146 : memref<1x128xi32, #tpu.memory_space<vmem>> -> memref<128xi32, #tpu.memory_space<vmem>>
    %dma_start3A_148 = arith.constant 0 : i32
    %dma_start3A_149 = tpu.memref_slice %arg8[%dma_start3A_148] : memref<10240xf32, #tpu.memory_space<vmem_shared>> -> memref<10240xf32, #tpu.memory_space<vmem_shared>>
    tpu.enqueue_indirect_dma source(%dma_start3A_144 : memref<128xf32, #tpu.memory_space<vmem>>) target(%dma_start3A_149 : memref<10240xf32, #tpu.memory_space<vmem_shared>>) offsets(%dma_start3A_147 : memref<128xi32, #tpu.memory_space<vmem>>) semaphore(%arg9 : memref<!tpu.dma_semaphore, #tpu.memory_space<semaphore_mem>>) {add = true}
    %dma_start3A_150 = arith.constant 14 : i32
    %dma_start3A_151 = arith.constant 14 : i32
    %dma_start3A_152 = arith.constant 0 : i32
    %dma_start3A_153 = tpu.memref_slice %arg6[%dma_start3A_150, %dma_start3A_152] : memref<80x128xf32, #tpu.memory_space<vmem>> -> memref<1x128xf32, #tpu.memory_space<vmem>>
    %dma_start3A_154 = tpu.memref_squeeze %dma_start3A_153 : memref<1x128xf32, #tpu.memory_space<vmem>> -> memref<128xf32, #tpu.memory_space<vmem>>
    %dma_start3A_155 = arith.constant 0 : i32
    %dma_start3A_156 = tpu.memref_slice %arg5[%dma_start3A_151, %dma_start3A_155] : memref<80x128xi32, #tpu.memory_space<vmem>> -> memref<1x128xi32, #tpu.memory_space<vmem>>
    %dma_start3A_157 = tpu.memref_squeeze %dma_start3A_156 : memref<1x128xi32, #tpu.memory_space<vmem>> -> memref<128xi32, #tpu.memory_space<vmem>>
    %dma_start3A_158 = arith.constant 0 : i32
    %dma_start3A_159 = tpu.memref_slice %arg8[%dma_start3A_158] : memref<10240xf32, #tpu.memory_space<vmem_shared>> -> memref<10240xf32, #tpu.memory_space<vmem_shared>>
    tpu.enqueue_indirect_dma source(%dma_start3A_154 : memref<128xf32, #tpu.memory_space<vmem>>) target(%dma_start3A_159 : memref<10240xf32, #tpu.memory_space<vmem_shared>>) offsets(%dma_start3A_157 : memref<128xi32, #tpu.memory_space<vmem>>) semaphore(%arg9 : memref<!tpu.dma_semaphore, #tpu.memory_space<semaphore_mem>>) {add = true}
    %dma_start3A_160 = arith.constant 15 : i32
    %dma_start3A_161 = arith.constant 15 : i32
    %dma_start3A_162 = arith.constant 0 : i32
    %dma_start3A_163 = tpu.memref_slice %arg6[%dma_start3A_160, %dma_start3A_162] : memref<80x128xf32, #tpu.memory_space<vmem>> -> memref<1x128xf32, #tpu.memory_space<vmem>>
    %dma_start3A_164 = tpu.memref_squeeze %dma_start3A_163 : memref<1x128xf32, #tpu.memory_space<vmem>> -> memref<128xf32, #tpu.memory_space<vmem>>
    %dma_start3A_165 = arith.constant 0 : i32
    %dma_start3A_166 = tpu.memref_slice %arg5[%dma_start3A_161, %dma_start3A_165] : memref<80x128xi32, #tpu.memory_space<vmem>> -> memref<1x128xi32, #tpu.memory_space<vmem>>
    %dma_start3A_167 = tpu.memref_squeeze %dma_start3A_166 : memref<1x128xi32, #tpu.memory_space<vmem>> -> memref<128xi32, #tpu.memory_space<vmem>>
    %dma_start3A_168 = arith.constant 0 : i32
    %dma_start3A_169 = tpu.memref_slice %arg8[%dma_start3A_168] : memref<10240xf32, #tpu.memory_space<vmem_shared>> -> memref<10240xf32, #tpu.memory_space<vmem_shared>>
    tpu.enqueue_indirect_dma source(%dma_start3A_164 : memref<128xf32, #tpu.memory_space<vmem>>) target(%dma_start3A_169 : memref<10240xf32, #tpu.memory_space<vmem_shared>>) offsets(%dma_start3A_167 : memref<128xi32, #tpu.memory_space<vmem>>) semaphore(%arg9 : memref<!tpu.dma_semaphore, #tpu.memory_space<semaphore_mem>>) {add = true}
    %dma_wait3A = arith.constant 0 : i32
    %dma_wait3A_170 = arith.constant 0 : i32
    %dma_wait3A_171 = arith.constant 0 : i32
    %dma_wait3A_172 = tpu.memref_slice %arg6[%dma_wait3A, %dma_wait3A_171] : memref<80x128xf32, #tpu.memory_space<vmem>> -> memref<1x128xf32, #tpu.memory_space<vmem>>
    %dma_wait3A_173 = tpu.memref_squeeze %dma_wait3A_172 : memref<1x128xf32, #tpu.memory_space<vmem>> -> memref<128xf32, #tpu.memory_space<vmem>>
    %dma_wait3A_174 = arith.constant 0 : i32
    %dma_wait3A_175 = tpu.memref_slice %arg5[%dma_wait3A_170, %dma_wait3A_174] : memref<80x128xi32, #tpu.memory_space<vmem>> -> memref<1x128xi32, #tpu.memory_space<vmem>>
    %dma_wait3A_176 = tpu.memref_squeeze %dma_wait3A_175 : memref<1x128xi32, #tpu.memory_space<vmem>> -> memref<128xi32, #tpu.memory_space<vmem>>
    %dma_wait3A_177 = arith.constant 0 : i32
    %dma_wait3A_178 = tpu.memref_slice %arg8[%dma_wait3A_177] : memref<10240xf32, #tpu.memory_space<vmem_shared>> -> memref<10240xf32, #tpu.memory_space<vmem_shared>>
    tpu.wait_indirect_dma semaphore(%arg9 : memref<!tpu.dma_semaphore, #tpu.memory_space<semaphore_mem>>) src(%dma_wait3A_173 : memref<128xf32, #tpu.memory_space<vmem>>) dst(%dma_wait3A_178 : memref<10240xf32, #tpu.memory_space<vmem_shared>>)
    %dma_wait3A_179 = arith.constant 1 : i32
    %dma_wait3A_180 = arith.constant 1 : i32
    %dma_wait3A_181 = arith.constant 0 : i32
    %dma_wait3A_182 = tpu.memref_slice %arg6[%dma_wait3A_179, %dma_wait3A_181] : memref<80x128xf32, #tpu.memory_space<vmem>> -> memref<1x128xf32, #tpu.memory_space<vmem>>
    %dma_wait3A_183 = tpu.memref_squeeze %dma_wait3A_182 : memref<1x128xf32, #tpu.memory_space<vmem>> -> memref<128xf32, #tpu.memory_space<vmem>>
    %dma_wait3A_184 = arith.constant 0 : i32
    %dma_wait3A_185 = tpu.memref_slice %arg5[%dma_wait3A_180, %dma_wait3A_184] : memref<80x128xi32, #tpu.memory_space<vmem>> -> memref<1x128xi32, #tpu.memory_space<vmem>>
    %dma_wait3A_186 = tpu.memref_squeeze %dma_wait3A_185 : memref<1x128xi32, #tpu.memory_space<vmem>> -> memref<128xi32, #tpu.memory_space<vmem>>
    %dma_wait3A_187 = arith.constant 0 : i32
    %dma_wait3A_188 = tpu.memref_slice %arg8[%dma_wait3A_187] : memref<10240xf32, #tpu.memory_space<vmem_shared>> -> memref<10240xf32, #tpu.memory_space<vmem_shared>>
    tpu.wait_indirect_dma semaphore(%arg9 : memref<!tpu.dma_semaphore, #tpu.memory_space<semaphore_mem>>) src(%dma_wait3A_183 : memref<128xf32, #tpu.memory_space<vmem>>) dst(%dma_wait3A_188 : memref<10240xf32, #tpu.memory_space<vmem_shared>>)
    %dma_wait3A_189 = arith.constant 2 : i32
    %dma_wait3A_190 = arith.constant 2 : i32
    %dma_wait3A_191 = arith.constant 0 : i32
    %dma_wait3A_192 = tpu.memref_slice %arg6[%dma_wait3A_189, %dma_wait3A_191] : memref<80x128xf32, #tpu.memory_space<vmem>> -> memref<1x128xf32, #tpu.memory_space<vmem>>
    %dma_wait3A_193 = tpu.memref_squeeze %dma_wait3A_192 : memref<1x128xf32, #tpu.memory_space<vmem>> -> memref<128xf32, #tpu.memory_space<vmem>>
    %dma_wait3A_194 = arith.constant 0 : i32
    %dma_wait3A_195 = tpu.memref_slice %arg5[%dma_wait3A_190, %dma_wait3A_194] : memref<80x128xi32, #tpu.memory_space<vmem>> -> memref<1x128xi32, #tpu.memory_space<vmem>>
    %dma_wait3A_196 = tpu.memref_squeeze %dma_wait3A_195 : memref<1x128xi32, #tpu.memory_space<vmem>> -> memref<128xi32, #tpu.memory_space<vmem>>
    %dma_wait3A_197 = arith.constant 0 : i32
    %dma_wait3A_198 = tpu.memref_slice %arg8[%dma_wait3A_197] : memref<10240xf32, #tpu.memory_space<vmem_shared>> -> memref<10240xf32, #tpu.memory_space<vmem_shared>>
    tpu.wait_indirect_dma semaphore(%arg9 : memref<!tpu.dma_semaphore, #tpu.memory_space<semaphore_mem>>) src(%dma_wait3A_193 : memref<128xf32, #tpu.memory_space<vmem>>) dst(%dma_wait3A_198 : memref<10240xf32, #tpu.memory_space<vmem_shared>>)
    %dma_wait3A_199 = arith.constant 3 : i32
    %dma_wait3A_200 = arith.constant 3 : i32
    %dma_wait3A_201 = arith.constant 0 : i32
    %dma_wait3A_202 = tpu.memref_slice %arg6[%dma_wait3A_199, %dma_wait3A_201] : memref<80x128xf32, #tpu.memory_space<vmem>> -> memref<1x128xf32, #tpu.memory_space<vmem>>
    %dma_wait3A_203 = tpu.memref_squeeze %dma_wait3A_202 : memref<1x128xf32, #tpu.memory_space<vmem>> -> memref<128xf32, #tpu.memory_space<vmem>>
    %dma_wait3A_204 = arith.constant 0 : i32
    %dma_wait3A_205 = tpu.memref_slice %arg5[%dma_wait3A_200, %dma_wait3A_204] : memref<80x128xi32, #tpu.memory_space<vmem>> -> memref<1x128xi32, #tpu.memory_space<vmem>>
    %dma_wait3A_206 = tpu.memref_squeeze %dma_wait3A_205 : memref<1x128xi32, #tpu.memory_space<vmem>> -> memref<128xi32, #tpu.memory_space<vmem>>
    %dma_wait3A_207 = arith.constant 0 : i32
    %dma_wait3A_208 = tpu.memref_slice %arg8[%dma_wait3A_207] : memref<10240xf32, #tpu.memory_space<vmem_shared>> -> memref<10240xf32, #tpu.memory_space<vmem_shared>>
    tpu.wait_indirect_dma semaphore(%arg9 : memref<!tpu.dma_semaphore, #tpu.memory_space<semaphore_mem>>) src(%dma_wait3A_203 : memref<128xf32, #tpu.memory_space<vmem>>) dst(%dma_wait3A_208 : memref<10240xf32, #tpu.memory_space<vmem_shared>>)
    %dma_wait3A_209 = arith.constant 4 : i32
    %dma_wait3A_210 = arith.constant 4 : i32
    %dma_wait3A_211 = arith.constant 0 : i32
    %dma_wait3A_212 = tpu.memref_slice %arg6[%dma_wait3A_209, %dma_wait3A_211] : memref<80x128xf32, #tpu.memory_space<vmem>> -> memref<1x128xf32, #tpu.memory_space<vmem>>
    %dma_wait3A_213 = tpu.memref_squeeze %dma_wait3A_212 : memref<1x128xf32, #tpu.memory_space<vmem>> -> memref<128xf32, #tpu.memory_space<vmem>>
    %dma_wait3A_214 = arith.constant 0 : i32
    %dma_wait3A_215 = tpu.memref_slice %arg5[%dma_wait3A_210, %dma_wait3A_214] : memref<80x128xi32, #tpu.memory_space<vmem>> -> memref<1x128xi32, #tpu.memory_space<vmem>>
    %dma_wait3A_216 = tpu.memref_squeeze %dma_wait3A_215 : memref<1x128xi32, #tpu.memory_space<vmem>> -> memref<128xi32, #tpu.memory_space<vmem>>
    %dma_wait3A_217 = arith.constant 0 : i32
    %dma_wait3A_218 = tpu.memref_slice %arg8[%dma_wait3A_217] : memref<10240xf32, #tpu.memory_space<vmem_shared>> -> memref<10240xf32, #tpu.memory_space<vmem_shared>>
    tpu.wait_indirect_dma semaphore(%arg9 : memref<!tpu.dma_semaphore, #tpu.memory_space<semaphore_mem>>) src(%dma_wait3A_213 : memref<128xf32, #tpu.memory_space<vmem>>) dst(%dma_wait3A_218 : memref<10240xf32, #tpu.memory_space<vmem_shared>>)
    %dma_wait3A_219 = arith.constant 5 : i32
    %dma_wait3A_220 = arith.constant 5 : i32
    %dma_wait3A_221 = arith.constant 0 : i32
    %dma_wait3A_222 = tpu.memref_slice %arg6[%dma_wait3A_219, %dma_wait3A_221] : memref<80x128xf32, #tpu.memory_space<vmem>> -> memref<1x128xf32, #tpu.memory_space<vmem>>
    %dma_wait3A_223 = tpu.memref_squeeze %dma_wait3A_222 : memref<1x128xf32, #tpu.memory_space<vmem>> -> memref<128xf32, #tpu.memory_space<vmem>>
    %dma_wait3A_224 = arith.constant 0 : i32
    %dma_wait3A_225 = tpu.memref_slice %arg5[%dma_wait3A_220, %dma_wait3A_224] : memref<80x128xi32, #tpu.memory_space<vmem>> -> memref<1x128xi32, #tpu.memory_space<vmem>>
    %dma_wait3A_226 = tpu.memref_squeeze %dma_wait3A_225 : memref<1x128xi32, #tpu.memory_space<vmem>> -> memref<128xi32, #tpu.memory_space<vmem>>
    %dma_wait3A_227 = arith.constant 0 : i32
    %dma_wait3A_228 = tpu.memref_slice %arg8[%dma_wait3A_227] : memref<10240xf32, #tpu.memory_space<vmem_shared>> -> memref<10240xf32, #tpu.memory_space<vmem_shared>>
    tpu.wait_indirect_dma semaphore(%arg9 : memref<!tpu.dma_semaphore, #tpu.memory_space<semaphore_mem>>) src(%dma_wait3A_223 : memref<128xf32, #tpu.memory_space<vmem>>) dst(%dma_wait3A_228 : memref<10240xf32, #tpu.memory_space<vmem_shared>>)
    %dma_wait3A_229 = arith.constant 6 : i32
    %dma_wait3A_230 = arith.constant 6 : i32
    %dma_wait3A_231 = arith.constant 0 : i32
    %dma_wait3A_232 = tpu.memref_slice %arg6[%dma_wait3A_229, %dma_wait3A_231] : memref<80x128xf32, #tpu.memory_space<vmem>> -> memref<1x128xf32, #tpu.memory_space<vmem>>
    %dma_wait3A_233 = tpu.memref_squeeze %dma_wait3A_232 : memref<1x128xf32, #tpu.memory_space<vmem>> -> memref<128xf32, #tpu.memory_space<vmem>>
    %dma_wait3A_234 = arith.constant 0 : i32
    %dma_wait3A_235 = tpu.memref_slice %arg5[%dma_wait3A_230, %dma_wait3A_234] : memref<80x128xi32, #tpu.memory_space<vmem>> -> memref<1x128xi32, #tpu.memory_space<vmem>>
    %dma_wait3A_236 = tpu.memref_squeeze %dma_wait3A_235 : memref<1x128xi32, #tpu.memory_space<vmem>> -> memref<128xi32, #tpu.memory_space<vmem>>
    %dma_wait3A_237 = arith.constant 0 : i32
    %dma_wait3A_238 = tpu.memref_slice %arg8[%dma_wait3A_237] : memref<10240xf32, #tpu.memory_space<vmem_shared>> -> memref<10240xf32, #tpu.memory_space<vmem_shared>>
    tpu.wait_indirect_dma semaphore(%arg9 : memref<!tpu.dma_semaphore, #tpu.memory_space<semaphore_mem>>) src(%dma_wait3A_233 : memref<128xf32, #tpu.memory_space<vmem>>) dst(%dma_wait3A_238 : memref<10240xf32, #tpu.memory_space<vmem_shared>>)
    %dma_wait3A_239 = arith.constant 7 : i32
    %dma_wait3A_240 = arith.constant 7 : i32
    %dma_wait3A_241 = arith.constant 0 : i32
    %dma_wait3A_242 = tpu.memref_slice %arg6[%dma_wait3A_239, %dma_wait3A_241] : memref<80x128xf32, #tpu.memory_space<vmem>> -> memref<1x128xf32, #tpu.memory_space<vmem>>
    %dma_wait3A_243 = tpu.memref_squeeze %dma_wait3A_242 : memref<1x128xf32, #tpu.memory_space<vmem>> -> memref<128xf32, #tpu.memory_space<vmem>>
    %dma_wait3A_244 = arith.constant 0 : i32
    %dma_wait3A_245 = tpu.memref_slice %arg5[%dma_wait3A_240, %dma_wait3A_244] : memref<80x128xi32, #tpu.memory_space<vmem>> -> memref<1x128xi32, #tpu.memory_space<vmem>>
    %dma_wait3A_246 = tpu.memref_squeeze %dma_wait3A_245 : memref<1x128xi32, #tpu.memory_space<vmem>> -> memref<128xi32, #tpu.memory_space<vmem>>
    %dma_wait3A_247 = arith.constant 0 : i32
    %dma_wait3A_248 = tpu.memref_slice %arg8[%dma_wait3A_247] : memref<10240xf32, #tpu.memory_space<vmem_shared>> -> memref<10240xf32, #tpu.memory_space<vmem_shared>>
    tpu.wait_indirect_dma semaphore(%arg9 : memref<!tpu.dma_semaphore, #tpu.memory_space<semaphore_mem>>) src(%dma_wait3A_243 : memref<128xf32, #tpu.memory_space<vmem>>) dst(%dma_wait3A_248 : memref<10240xf32, #tpu.memory_space<vmem_shared>>)
    %dma_wait3A_249 = arith.constant 8 : i32
    %dma_wait3A_250 = arith.constant 8 : i32
    %dma_wait3A_251 = arith.constant 0 : i32
    %dma_wait3A_252 = tpu.memref_slice %arg6[%dma_wait3A_249, %dma_wait3A_251] : memref<80x128xf32, #tpu.memory_space<vmem>> -> memref<1x128xf32, #tpu.memory_space<vmem>>
    %dma_wait3A_253 = tpu.memref_squeeze %dma_wait3A_252 : memref<1x128xf32, #tpu.memory_space<vmem>> -> memref<128xf32, #tpu.memory_space<vmem>>
    %dma_wait3A_254 = arith.constant 0 : i32
    %dma_wait3A_255 = tpu.memref_slice %arg5[%dma_wait3A_250, %dma_wait3A_254] : memref<80x128xi32, #tpu.memory_space<vmem>> -> memref<1x128xi32, #tpu.memory_space<vmem>>
    %dma_wait3A_256 = tpu.memref_squeeze %dma_wait3A_255 : memref<1x128xi32, #tpu.memory_space<vmem>> -> memref<128xi32, #tpu.memory_space<vmem>>
    %dma_wait3A_257 = arith.constant 0 : i32
    %dma_wait3A_258 = tpu.memref_slice %arg8[%dma_wait3A_257] : memref<10240xf32, #tpu.memory_space<vmem_shared>> -> memref<10240xf32, #tpu.memory_space<vmem_shared>>
    tpu.wait_indirect_dma semaphore(%arg9 : memref<!tpu.dma_semaphore, #tpu.memory_space<semaphore_mem>>) src(%dma_wait3A_253 : memref<128xf32, #tpu.memory_space<vmem>>) dst(%dma_wait3A_258 : memref<10240xf32, #tpu.memory_space<vmem_shared>>)
    %dma_wait3A_259 = arith.constant 9 : i32
    %dma_wait3A_260 = arith.constant 9 : i32
    %dma_wait3A_261 = arith.constant 0 : i32
    %dma_wait3A_262 = tpu.memref_slice %arg6[%dma_wait3A_259, %dma_wait3A_261] : memref<80x128xf32, #tpu.memory_space<vmem>> -> memref<1x128xf32, #tpu.memory_space<vmem>>
    %dma_wait3A_263 = tpu.memref_squeeze %dma_wait3A_262 : memref<1x128xf32, #tpu.memory_space<vmem>> -> memref<128xf32, #tpu.memory_space<vmem>>
    %dma_wait3A_264 = arith.constant 0 : i32
    %dma_wait3A_265 = tpu.memref_slice %arg5[%dma_wait3A_260, %dma_wait3A_264] : memref<80x128xi32, #tpu.memory_space<vmem>> -> memref<1x128xi32, #tpu.memory_space<vmem>>
    %dma_wait3A_266 = tpu.memref_squeeze %dma_wait3A_265 : memref<1x128xi32, #tpu.memory_space<vmem>> -> memref<128xi32, #tpu.memory_space<vmem>>
    %dma_wait3A_267 = arith.constant 0 : i32
    %dma_wait3A_268 = tpu.memref_slice %arg8[%dma_wait3A_267] : memref<10240xf32, #tpu.memory_space<vmem_shared>> -> memref<10240xf32, #tpu.memory_space<vmem_shared>>
    tpu.wait_indirect_dma semaphore(%arg9 : memref<!tpu.dma_semaphore, #tpu.memory_space<semaphore_mem>>) src(%dma_wait3A_263 : memref<128xf32, #tpu.memory_space<vmem>>) dst(%dma_wait3A_268 : memref<10240xf32, #tpu.memory_space<vmem_shared>>)
    %dma_wait3A_269 = arith.constant 10 : i32
    %dma_wait3A_270 = arith.constant 10 : i32
    %dma_wait3A_271 = arith.constant 0 : i32
    %dma_wait3A_272 = tpu.memref_slice %arg6[%dma_wait3A_269, %dma_wait3A_271] : memref<80x128xf32, #tpu.memory_space<vmem>> -> memref<1x128xf32, #tpu.memory_space<vmem>>
    %dma_wait3A_273 = tpu.memref_squeeze %dma_wait3A_272 : memref<1x128xf32, #tpu.memory_space<vmem>> -> memref<128xf32, #tpu.memory_space<vmem>>
    %dma_wait3A_274 = arith.constant 0 : i32
    %dma_wait3A_275 = tpu.memref_slice %arg5[%dma_wait3A_270, %dma_wait3A_274] : memref<80x128xi32, #tpu.memory_space<vmem>> -> memref<1x128xi32, #tpu.memory_space<vmem>>
    %dma_wait3A_276 = tpu.memref_squeeze %dma_wait3A_275 : memref<1x128xi32, #tpu.memory_space<vmem>> -> memref<128xi32, #tpu.memory_space<vmem>>
    %dma_wait3A_277 = arith.constant 0 : i32
    %dma_wait3A_278 = tpu.memref_slice %arg8[%dma_wait3A_277] : memref<10240xf32, #tpu.memory_space<vmem_shared>> -> memref<10240xf32, #tpu.memory_space<vmem_shared>>
    tpu.wait_indirect_dma semaphore(%arg9 : memref<!tpu.dma_semaphore, #tpu.memory_space<semaphore_mem>>) src(%dma_wait3A_273 : memref<128xf32, #tpu.memory_space<vmem>>) dst(%dma_wait3A_278 : memref<10240xf32, #tpu.memory_space<vmem_shared>>)
    %dma_wait3A_279 = arith.constant 11 : i32
    %dma_wait3A_280 = arith.constant 11 : i32
    %dma_wait3A_281 = arith.constant 0 : i32
    %dma_wait3A_282 = tpu.memref_slice %arg6[%dma_wait3A_279, %dma_wait3A_281] : memref<80x128xf32, #tpu.memory_space<vmem>> -> memref<1x128xf32, #tpu.memory_space<vmem>>
    %dma_wait3A_283 = tpu.memref_squeeze %dma_wait3A_282 : memref<1x128xf32, #tpu.memory_space<vmem>> -> memref<128xf32, #tpu.memory_space<vmem>>
    %dma_wait3A_284 = arith.constant 0 : i32
    %dma_wait3A_285 = tpu.memref_slice %arg5[%dma_wait3A_280, %dma_wait3A_284] : memref<80x128xi32, #tpu.memory_space<vmem>> -> memref<1x128xi32, #tpu.memory_space<vmem>>
    %dma_wait3A_286 = tpu.memref_squeeze %dma_wait3A_285 : memref<1x128xi32, #tpu.memory_space<vmem>> -> memref<128xi32, #tpu.memory_space<vmem>>
    %dma_wait3A_287 = arith.constant 0 : i32
    %dma_wait3A_288 = tpu.memref_slice %arg8[%dma_wait3A_287] : memref<10240xf32, #tpu.memory_space<vmem_shared>> -> memref<10240xf32, #tpu.memory_space<vmem_shared>>
    tpu.wait_indirect_dma semaphore(%arg9 : memref<!tpu.dma_semaphore, #tpu.memory_space<semaphore_mem>>) src(%dma_wait3A_283 : memref<128xf32, #tpu.memory_space<vmem>>) dst(%dma_wait3A_288 : memref<10240xf32, #tpu.memory_space<vmem_shared>>)
    %dma_wait3A_289 = arith.constant 12 : i32
    %dma_wait3A_290 = arith.constant 12 : i32
    %dma_wait3A_291 = arith.constant 0 : i32
    %dma_wait3A_292 = tpu.memref_slice %arg6[%dma_wait3A_289, %dma_wait3A_291] : memref<80x128xf32, #tpu.memory_space<vmem>> -> memref<1x128xf32, #tpu.memory_space<vmem>>
    %dma_wait3A_293 = tpu.memref_squeeze %dma_wait3A_292 : memref<1x128xf32, #tpu.memory_space<vmem>> -> memref<128xf32, #tpu.memory_space<vmem>>
    %dma_wait3A_294 = arith.constant 0 : i32
    %dma_wait3A_295 = tpu.memref_slice %arg5[%dma_wait3A_290, %dma_wait3A_294] : memref<80x128xi32, #tpu.memory_space<vmem>> -> memref<1x128xi32, #tpu.memory_space<vmem>>
    %dma_wait3A_296 = tpu.memref_squeeze %dma_wait3A_295 : memref<1x128xi32, #tpu.memory_space<vmem>> -> memref<128xi32, #tpu.memory_space<vmem>>
    %dma_wait3A_297 = arith.constant 0 : i32
    %dma_wait3A_298 = tpu.memref_slice %arg8[%dma_wait3A_297] : memref<10240xf32, #tpu.memory_space<vmem_shared>> -> memref<10240xf32, #tpu.memory_space<vmem_shared>>
    tpu.wait_indirect_dma semaphore(%arg9 : memref<!tpu.dma_semaphore, #tpu.memory_space<semaphore_mem>>) src(%dma_wait3A_293 : memref<128xf32, #tpu.memory_space<vmem>>) dst(%dma_wait3A_298 : memref<10240xf32, #tpu.memory_space<vmem_shared>>)
    %dma_wait3A_299 = arith.constant 13 : i32
    %dma_wait3A_300 = arith.constant 13 : i32
    %dma_wait3A_301 = arith.constant 0 : i32
    %dma_wait3A_302 = tpu.memref_slice %arg6[%dma_wait3A_299, %dma_wait3A_301] : memref<80x128xf32, #tpu.memory_space<vmem>> -> memref<1x128xf32, #tpu.memory_space<vmem>>
    %dma_wait3A_303 = tpu.memref_squeeze %dma_wait3A_302 : memref<1x128xf32, #tpu.memory_space<vmem>> -> memref<128xf32, #tpu.memory_space<vmem>>
    %dma_wait3A_304 = arith.constant 0 : i32
    %dma_wait3A_305 = tpu.memref_slice %arg5[%dma_wait3A_300, %dma_wait3A_304] : memref<80x128xi32, #tpu.memory_space<vmem>> -> memref<1x128xi32, #tpu.memory_space<vmem>>
    %dma_wait3A_306 = tpu.memref_squeeze %dma_wait3A_305 : memref<1x128xi32, #tpu.memory_space<vmem>> -> memref<128xi32, #tpu.memory_space<vmem>>
    %dma_wait3A_307 = arith.constant 0 : i32
    %dma_wait3A_308 = tpu.memref_slice %arg8[%dma_wait3A_307] : memref<10240xf32, #tpu.memory_space<vmem_shared>> -> memref<10240xf32, #tpu.memory_space<vmem_shared>>
    tpu.wait_indirect_dma semaphore(%arg9 : memref<!tpu.dma_semaphore, #tpu.memory_space<semaphore_mem>>) src(%dma_wait3A_303 : memref<128xf32, #tpu.memory_space<vmem>>) dst(%dma_wait3A_308 : memref<10240xf32, #tpu.memory_space<vmem_shared>>)
    %dma_wait3A_309 = arith.constant 14 : i32
    %dma_wait3A_310 = arith.constant 14 : i32
    %dma_wait3A_311 = arith.constant 0 : i32
    %dma_wait3A_312 = tpu.memref_slice %arg6[%dma_wait3A_309, %dma_wait3A_311] : memref<80x128xf32, #tpu.memory_space<vmem>> -> memref<1x128xf32, #tpu.memory_space<vmem>>
    %dma_wait3A_313 = tpu.memref_squeeze %dma_wait3A_312 : memref<1x128xf32, #tpu.memory_space<vmem>> -> memref<128xf32, #tpu.memory_space<vmem>>
    %dma_wait3A_314 = arith.constant 0 : i32
    %dma_wait3A_315 = tpu.memref_slice %arg5[%dma_wait3A_310, %dma_wait3A_314] : memref<80x128xi32, #tpu.memory_space<vmem>> -> memref<1x128xi32, #tpu.memory_space<vmem>>
    %dma_wait3A_316 = tpu.memref_squeeze %dma_wait3A_315 : memref<1x128xi32, #tpu.memory_space<vmem>> -> memref<128xi32, #tpu.memory_space<vmem>>
    %dma_wait3A_317 = arith.constant 0 : i32
    %dma_wait3A_318 = tpu.memref_slice %arg8[%dma_wait3A_317] : memref<10240xf32, #tpu.memory_space<vmem_shared>> -> memref<10240xf32, #tpu.memory_space<vmem_shared>>
    tpu.wait_indirect_dma semaphore(%arg9 : memref<!tpu.dma_semaphore, #tpu.memory_space<semaphore_mem>>) src(%dma_wait3A_313 : memref<128xf32, #tpu.memory_space<vmem>>) dst(%dma_wait3A_318 : memref<10240xf32, #tpu.memory_space<vmem_shared>>)
    %dma_wait3A_319 = arith.constant 15 : i32
    %dma_wait3A_320 = arith.constant 15 : i32
    %dma_wait3A_321 = arith.constant 0 : i32
    %dma_wait3A_322 = tpu.memref_slice %arg6[%dma_wait3A_319, %dma_wait3A_321] : memref<80x128xf32, #tpu.memory_space<vmem>> -> memref<1x128xf32, #tpu.memory_space<vmem>>
    %dma_wait3A_323 = tpu.memref_squeeze %dma_wait3A_322 : memref<1x128xf32, #tpu.memory_space<vmem>> -> memref<128xf32, #tpu.memory_space<vmem>>
    %dma_wait3A_324 = arith.constant 0 : i32
    %dma_wait3A_325 = tpu.memref_slice %arg5[%dma_wait3A_320, %dma_wait3A_324] : memref<80x128xi32, #tpu.memory_space<vmem>> -> memref<1x128xi32, #tpu.memory_space<vmem>>
    %dma_wait3A_326 = tpu.memref_squeeze %dma_wait3A_325 : memref<1x128xi32, #tpu.memory_space<vmem>> -> memref<128xi32, #tpu.memory_space<vmem>>
    %dma_wait3A_327 = arith.constant 0 : i32
    %dma_wait3A_328 = tpu.memref_slice %arg8[%dma_wait3A_327] : memref<10240xf32, #tpu.memory_space<vmem_shared>> -> memref<10240xf32, #tpu.memory_space<vmem_shared>>
    tpu.wait_indirect_dma semaphore(%arg9 : memref<!tpu.dma_semaphore, #tpu.memory_space<semaphore_mem>>) src(%dma_wait3A_323 : memref<128xf32, #tpu.memory_space<vmem>>) dst(%dma_wait3A_328 : memref<10240xf32, #tpu.memory_space<vmem_shared>>)
    %dma_start3A_329 = arith.constant 16 : i32
    %dma_start3A_330 = arith.constant 16 : i32
    %dma_start3A_331 = arith.constant 0 : i32
    %dma_start3A_332 = tpu.memref_slice %arg6[%dma_start3A_329, %dma_start3A_331] : memref<80x128xf32, #tpu.memory_space<vmem>> -> memref<1x128xf32, #tpu.memory_space<vmem>>
    %dma_start3A_333 = tpu.memref_squeeze %dma_start3A_332 : memref<1x128xf32, #tpu.memory_space<vmem>> -> memref<128xf32, #tpu.memory_space<vmem>>
    %dma_start3A_334 = arith.constant 0 : i32
    %dma_start3A_335 = tpu.memref_slice %arg5[%dma_start3A_330, %dma_start3A_334] : memref<80x128xi32, #tpu.memory_space<vmem>> -> memref<1x128xi32, #tpu.memory_space<vmem>>
    %dma_start3A_336 = tpu.memref_squeeze %dma_start3A_335 : memref<1x128xi32, #tpu.memory_space<vmem>> -> memref<128xi32, #tpu.memory_space<vmem>>
    %dma_start3A_337 = arith.constant 0 : i32
    %dma_start3A_338 = tpu.memref_slice %arg8[%dma_start3A_337] : memref<10240xf32, #tpu.memory_space<vmem_shared>> -> memref<10240xf32, #tpu.memory_space<vmem_shared>>
    tpu.enqueue_indirect_dma source(%dma_start3A_333 : memref<128xf32, #tpu.memory_space<vmem>>) target(%dma_start3A_338 : memref<10240xf32, #tpu.memory_space<vmem_shared>>) offsets(%dma_start3A_336 : memref<128xi32, #tpu.memory_space<vmem>>) semaphore(%arg9 : memref<!tpu.dma_semaphore, #tpu.memory_space<semaphore_mem>>) {add = true}
    %dma_start3A_339 = arith.constant 17 : i32
    %dma_start3A_340 = arith.constant 17 : i32
    %dma_start3A_341 = arith.constant 0 : i32
    %dma_start3A_342 = tpu.memref_slice %arg6[%dma_start3A_339, %dma_start3A_341] : memref<80x128xf32, #tpu.memory_space<vmem>> -> memref<1x128xf32, #tpu.memory_space<vmem>>
    %dma_start3A_343 = tpu.memref_squeeze %dma_start3A_342 : memref<1x128xf32, #tpu.memory_space<vmem>> -> memref<128xf32, #tpu.memory_space<vmem>>
    %dma_start3A_344 = arith.constant 0 : i32
    %dma_start3A_345 = tpu.memref_slice %arg5[%dma_start3A_340, %dma_start3A_344] : memref<80x128xi32, #tpu.memory_space<vmem>> -> memref<1x128xi32, #tpu.memory_space<vmem>>
    %dma_start3A_346 = tpu.memref_squeeze %dma_start3A_345 : memref<1x128xi32, #tpu.memory_space<vmem>> -> memref<128xi32, #tpu.memory_space<vmem>>
    %dma_start3A_347 = arith.constant 0 : i32
    %dma_start3A_348 = tpu.memref_slice %arg8[%dma_start3A_347] : memref<10240xf32, #tpu.memory_space<vmem_shared>> -> memref<10240xf32, #tpu.memory_space<vmem_shared>>
    tpu.enqueue_indirect_dma source(%dma_start3A_343 : memref<128xf32, #tpu.memory_space<vmem>>) target(%dma_start3A_348 : memref<10240xf32, #tpu.memory_space<vmem_shared>>) offsets(%dma_start3A_346 : memref<128xi32, #tpu.memory_space<vmem>>) semaphore(%arg9 : memref<!tpu.dma_semaphore, #tpu.memory_space<semaphore_mem>>) {add = true}
    %dma_start3A_349 = arith.constant 18 : i32
    %dma_start3A_350 = arith.constant 18 : i32
    %dma_start3A_351 = arith.constant 0 : i32
    %dma_start3A_352 = tpu.memref_slice %arg6[%dma_start3A_349, %dma_start3A_351] : memref<80x128xf32, #tpu.memory_space<vmem>> -> memref<1x128xf32, #tpu.memory_space<vmem>>
    %dma_start3A_353 = tpu.memref_squeeze %dma_start3A_352 : memref<1x128xf32, #tpu.memory_space<vmem>> -> memref<128xf32, #tpu.memory_space<vmem>>
    %dma_start3A_354 = arith.constant 0 : i32
    %dma_start3A_355 = tpu.memref_slice %arg5[%dma_start3A_350, %dma_start3A_354] : memref<80x128xi32, #tpu.memory_space<vmem>> -> memref<1x128xi32, #tpu.memory_space<vmem>>
    %dma_start3A_356 = tpu.memref_squeeze %dma_start3A_355 : memref<1x128xi32, #tpu.memory_space<vmem>> -> memref<128xi32, #tpu.memory_space<vmem>>
    %dma_start3A_357 = arith.constant 0 : i32
    %dma_start3A_358 = tpu.memref_slice %arg8[%dma_start3A_357] : memref<10240xf32, #tpu.memory_space<vmem_shared>> -> memref<10240xf32, #tpu.memory_space<vmem_shared>>
    tpu.enqueue_indirect_dma source(%dma_start3A_353 : memref<128xf32, #tpu.memory_space<vmem>>) target(%dma_start3A_358 : memref<10240xf32, #tpu.memory_space<vmem_shared>>) offsets(%dma_start3A_356 : memref<128xi32, #tpu.memory_space<vmem>>) semaphore(%arg9 : memref<!tpu.dma_semaphore, #tpu.memory_space<semaphore_mem>>) {add = true}
    %dma_start3A_359 = arith.constant 19 : i32
    %dma_start3A_360 = arith.constant 19 : i32
    %dma_start3A_361 = arith.constant 0 : i32
    %dma_start3A_362 = tpu.memref_slice %arg6[%dma_start3A_359, %dma_start3A_361] : memref<80x128xf32, #tpu.memory_space<vmem>> -> memref<1x128xf32, #tpu.memory_space<vmem>>
    %dma_start3A_363 = tpu.memref_squeeze %dma_start3A_362 : memref<1x128xf32, #tpu.memory_space<vmem>> -> memref<128xf32, #tpu.memory_space<vmem>>
    %dma_start3A_364 = arith.constant 0 : i32
    %dma_start3A_365 = tpu.memref_slice %arg5[%dma_start3A_360, %dma_start3A_364] : memref<80x128xi32, #tpu.memory_space<vmem>> -> memref<1x128xi32, #tpu.memory_space<vmem>>
    %dma_start3A_366 = tpu.memref_squeeze %dma_start3A_365 : memref<1x128xi32, #tpu.memory_space<vmem>> -> memref<128xi32, #tpu.memory_space<vmem>>
    %dma_start3A_367 = arith.constant 0 : i32
    %dma_start3A_368 = tpu.memref_slice %arg8[%dma_start3A_367] : memref<10240xf32, #tpu.memory_space<vmem_shared>> -> memref<10240xf32, #tpu.memory_space<vmem_shared>>
    tpu.enqueue_indirect_dma source(%dma_start3A_363 : memref<128xf32, #tpu.memory_space<vmem>>) target(%dma_start3A_368 : memref<10240xf32, #tpu.memory_space<vmem_shared>>) offsets(%dma_start3A_366 : memref<128xi32, #tpu.memory_space<vmem>>) semaphore(%arg9 : memref<!tpu.dma_semaphore, #tpu.memory_space<semaphore_mem>>) {add = true}
    %dma_start3A_369 = arith.constant 20 : i32
    %dma_start3A_370 = arith.constant 20 : i32
    %dma_start3A_371 = arith.constant 0 : i32
    %dma_start3A_372 = tpu.memref_slice %arg6[%dma_start3A_369, %dma_start3A_371] : memref<80x128xf32, #tpu.memory_space<vmem>> -> memref<1x128xf32, #tpu.memory_space<vmem>>
    %dma_start3A_373 = tpu.memref_squeeze %dma_start3A_372 : memref<1x128xf32, #tpu.memory_space<vmem>> -> memref<128xf32, #tpu.memory_space<vmem>>
    %dma_start3A_374 = arith.constant 0 : i32
    %dma_start3A_375 = tpu.memref_slice %arg5[%dma_start3A_370, %dma_start3A_374] : memref<80x128xi32, #tpu.memory_space<vmem>> -> memref<1x128xi32, #tpu.memory_space<vmem>>
    %dma_start3A_376 = tpu.memref_squeeze %dma_start3A_375 : memref<1x128xi32, #tpu.memory_space<vmem>> -> memref<128xi32, #tpu.memory_space<vmem>>
    %dma_start3A_377 = arith.constant 0 : i32
    %dma_start3A_378 = tpu.memref_slice %arg8[%dma_start3A_377] : memref<10240xf32, #tpu.memory_space<vmem_shared>> -> memref<10240xf32, #tpu.memory_space<vmem_shared>>
    tpu.enqueue_indirect_dma source(%dma_start3A_373 : memref<128xf32, #tpu.memory_space<vmem>>) target(%dma_start3A_378 : memref<10240xf32, #tpu.memory_space<vmem_shared>>) offsets(%dma_start3A_376 : memref<128xi32, #tpu.memory_space<vmem>>) semaphore(%arg9 : memref<!tpu.dma_semaphore, #tpu.memory_space<semaphore_mem>>) {add = true}
    %dma_start3A_379 = arith.constant 21 : i32
    %dma_start3A_380 = arith.constant 21 : i32
    %dma_start3A_381 = arith.constant 0 : i32
    %dma_start3A_382 = tpu.memref_slice %arg6[%dma_start3A_379, %dma_start3A_381] : memref<80x128xf32, #tpu.memory_space<vmem>> -> memref<1x128xf32, #tpu.memory_space<vmem>>
    %dma_start3A_383 = tpu.memref_squeeze %dma_start3A_382 : memref<1x128xf32, #tpu.memory_space<vmem>> -> memref<128xf32, #tpu.memory_space<vmem>>
    %dma_start3A_384 = arith.constant 0 : i32
    %dma_start3A_385 = tpu.memref_slice %arg5[%dma_start3A_380, %dma_start3A_384] : memref<80x128xi32, #tpu.memory_space<vmem>> -> memref<1x128xi32, #tpu.memory_space<vmem>>
    %dma_start3A_386 = tpu.memref_squeeze %dma_start3A_385 : memref<1x128xi32, #tpu.memory_space<vmem>> -> memref<128xi32, #tpu.memory_space<vmem>>
    %dma_start3A_387 = arith.constant 0 : i32
    %dma_start3A_388 = tpu.memref_slice %arg8[%dma_start3A_387] : memref<10240xf32, #tpu.memory_space<vmem_shared>> -> memref<10240xf32, #tpu.memory_space<vmem_shared>>
    tpu.enqueue_indirect_dma source(%dma_start3A_383 : memref<128xf32, #tpu.memory_space<vmem>>) target(%dma_start3A_388 : memref<10240xf32, #tpu.memory_space<vmem_shared>>) offsets(%dma_start3A_386 : memref<128xi32, #tpu.memory_space<vmem>>) semaphore(%arg9 : memref<!tpu.dma_semaphore, #tpu.memory_space<semaphore_mem>>) {add = true}
    %dma_start3A_389 = arith.constant 22 : i32
    %dma_start3A_390 = arith.constant 22 : i32
    %dma_start3A_391 = arith.constant 0 : i32
    %dma_start3A_392 = tpu.memref_slice %arg6[%dma_start3A_389, %dma_start3A_391] : memref<80x128xf32, #tpu.memory_space<vmem>> -> memref<1x128xf32, #tpu.memory_space<vmem>>
    %dma_start3A_393 = tpu.memref_squeeze %dma_start3A_392 : memref<1x128xf32, #tpu.memory_space<vmem>> -> memref<128xf32, #tpu.memory_space<vmem>>
    %dma_start3A_394 = arith.constant 0 : i32
    %dma_start3A_395 = tpu.memref_slice %arg5[%dma_start3A_390, %dma_start3A_394] : memref<80x128xi32, #tpu.memory_space<vmem>> -> memref<1x128xi32, #tpu.memory_space<vmem>>
    %dma_start3A_396 = tpu.memref_squeeze %dma_start3A_395 : memref<1x128xi32, #tpu.memory_space<vmem>> -> memref<128xi32, #tpu.memory_space<vmem>>
    %dma_start3A_397 = arith.constant 0 : i32
    %dma_start3A_398 = tpu.memref_slice %arg8[%dma_start3A_397] : memref<10240xf32, #tpu.memory_space<vmem_shared>> -> memref<10240xf32, #tpu.memory_space<vmem_shared>>
    tpu.enqueue_indirect_dma source(%dma_start3A_393 : memref<128xf32, #tpu.memory_space<vmem>>) target(%dma_start3A_398 : memref<10240xf32, #tpu.memory_space<vmem_shared>>) offsets(%dma_start3A_396 : memref<128xi32, #tpu.memory_space<vmem>>) semaphore(%arg9 : memref<!tpu.dma_semaphore, #tpu.memory_space<semaphore_mem>>) {add = true}
    %dma_start3A_399 = arith.constant 23 : i32
    %dma_start3A_400 = arith.constant 23 : i32
    %dma_start3A_401 = arith.constant 0 : i32
    %dma_start3A_402 = tpu.memref_slice %arg6[%dma_start3A_399, %dma_start3A_401] : memref<80x128xf32, #tpu.memory_space<vmem>> -> memref<1x128xf32, #tpu.memory_space<vmem>>
    %dma_start3A_403 = tpu.memref_squeeze %dma_start3A_402 : memref<1x128xf32, #tpu.memory_space<vmem>> -> memref<128xf32, #tpu.memory_space<vmem>>
    %dma_start3A_404 = arith.constant 0 : i32
    %dma_start3A_405 = tpu.memref_slice %arg5[%dma_start3A_400, %dma_start3A_404] : memref<80x128xi32, #tpu.memory_space<vmem>> -> memref<1x128xi32, #tpu.memory_space<vmem>>
    %dma_start3A_406 = tpu.memref_squeeze %dma_start3A_405 : memref<1x128xi32, #tpu.memory_space<vmem>> -> memref<128xi32, #tpu.memory_space<vmem>>
    %dma_start3A_407 = arith.constant 0 : i32
    %dma_start3A_408 = tpu.memref_slice %arg8[%dma_start3A_407] : memref<10240xf32, #tpu.memory_space<vmem_shared>> -> memref<10240xf32, #tpu.memory_space<vmem_shared>>
    tpu.enqueue_indirect_dma source(%dma_start3A_403 : memref<128xf32, #tpu.memory_space<vmem>>) target(%dma_start3A_408 : memref<10240xf32, #tpu.memory_space<vmem_shared>>) offsets(%dma_start3A_406 : memref<128xi32, #tpu.memory_space<vmem>>) semaphore(%arg9 : memref<!tpu.dma_semaphore, #tpu.memory_space<semaphore_mem>>) {add = true}
    %dma_start3A_409 = arith.constant 24 : i32
    %dma_start3A_410 = arith.constant 24 : i32
    %dma_start3A_411 = arith.constant 0 : i32
    %dma_start3A_412 = tpu.memref_slice %arg6[%dma_start3A_409, %dma_start3A_411] : memref<80x128xf32, #tpu.memory_space<vmem>> -> memref<1x128xf32, #tpu.memory_space<vmem>>
    %dma_start3A_413 = tpu.memref_squeeze %dma_start3A_412 : memref<1x128xf32, #tpu.memory_space<vmem>> -> memref<128xf32, #tpu.memory_space<vmem>>
    %dma_start3A_414 = arith.constant 0 : i32
    %dma_start3A_415 = tpu.memref_slice %arg5[%dma_start3A_410, %dma_start3A_414] : memref<80x128xi32, #tpu.memory_space<vmem>> -> memref<1x128xi32, #tpu.memory_space<vmem>>
    %dma_start3A_416 = tpu.memref_squeeze %dma_start3A_415 : memref<1x128xi32, #tpu.memory_space<vmem>> -> memref<128xi32, #tpu.memory_space<vmem>>
    %dma_start3A_417 = arith.constant 0 : i32
    %dma_start3A_418 = tpu.memref_slice %arg8[%dma_start3A_417] : memref<10240xf32, #tpu.memory_space<vmem_shared>> -> memref<10240xf32, #tpu.memory_space<vmem_shared>>
    tpu.enqueue_indirect_dma source(%dma_start3A_413 : memref<128xf32, #tpu.memory_space<vmem>>) target(%dma_start3A_418 : memref<10240xf32, #tpu.memory_space<vmem_shared>>) offsets(%dma_start3A_416 : memref<128xi32, #tpu.memory_space<vmem>>) semaphore(%arg9 : memref<!tpu.dma_semaphore, #tpu.memory_space<semaphore_mem>>) {add = true}
    %dma_start3A_419 = arith.constant 25 : i32
    %dma_start3A_420 = arith.constant 25 : i32
    %dma_start3A_421 = arith.constant 0 : i32
    %dma_start3A_422 = tpu.memref_slice %arg6[%dma_start3A_419, %dma_start3A_421] : memref<80x128xf32, #tpu.memory_space<vmem>> -> memref<1x128xf32, #tpu.memory_space<vmem>>
    %dma_start3A_423 = tpu.memref_squeeze %dma_start3A_422 : memref<1x128xf32, #tpu.memory_space<vmem>> -> memref<128xf32, #tpu.memory_space<vmem>>
    %dma_start3A_424 = arith.constant 0 : i32
    %dma_start3A_425 = tpu.memref_slice %arg5[%dma_start3A_420, %dma_start3A_424] : memref<80x128xi32, #tpu.memory_space<vmem>> -> memref<1x128xi32, #tpu.memory_space<vmem>>
    %dma_start3A_426 = tpu.memref_squeeze %dma_start3A_425 : memref<1x128xi32, #tpu.memory_space<vmem>> -> memref<128xi32, #tpu.memory_space<vmem>>
    %dma_start3A_427 = arith.constant 0 : i32
    %dma_start3A_428 = tpu.memref_slice %arg8[%dma_start3A_427] : memref<10240xf32, #tpu.memory_space<vmem_shared>> -> memref<10240xf32, #tpu.memory_space<vmem_shared>>
    tpu.enqueue_indirect_dma source(%dma_start3A_423 : memref<128xf32, #tpu.memory_space<vmem>>) target(%dma_start3A_428 : memref<10240xf32, #tpu.memory_space<vmem_shared>>) offsets(%dma_start3A_426 : memref<128xi32, #tpu.memory_space<vmem>>) semaphore(%arg9 : memref<!tpu.dma_semaphore, #tpu.memory_space<semaphore_mem>>) {add = true}
    %dma_start3A_429 = arith.constant 26 : i32
    %dma_start3A_430 = arith.constant 26 : i32
    %dma_start3A_431 = arith.constant 0 : i32
    %dma_start3A_432 = tpu.memref_slice %arg6[%dma_start3A_429, %dma_start3A_431] : memref<80x128xf32, #tpu.memory_space<vmem>> -> memref<1x128xf32, #tpu.memory_space<vmem>>
    %dma_start3A_433 = tpu.memref_squeeze %dma_start3A_432 : memref<1x128xf32, #tpu.memory_space<vmem>> -> memref<128xf32, #tpu.memory_space<vmem>>
    %dma_start3A_434 = arith.constant 0 : i32
    %dma_start3A_435 = tpu.memref_slice %arg5[%dma_start3A_430, %dma_start3A_434] : memref<80x128xi32, #tpu.memory_space<vmem>> -> memref<1x128xi32, #tpu.memory_space<vmem>>
    %dma_start3A_436 = tpu.memref_squeeze %dma_start3A_435 : memref<1x128xi32, #tpu.memory_space<vmem>> -> memref<128xi32, #tpu.memory_space<vmem>>
    %dma_start3A_437 = arith.constant 0 : i32
    %dma_start3A_438 = tpu.memref_slice %arg8[%dma_start3A_437] : memref<10240xf32, #tpu.memory_space<vmem_shared>> -> memref<10240xf32, #tpu.memory_space<vmem_shared>>
    tpu.enqueue_indirect_dma source(%dma_start3A_433 : memref<128xf32, #tpu.memory_space<vmem>>) target(%dma_start3A_438 : memref<10240xf32, #tpu.memory_space<vmem_shared>>) offsets(%dma_start3A_436 : memref<128xi32, #tpu.memory_space<vmem>>) semaphore(%arg9 : memref<!tpu.dma_semaphore, #tpu.memory_space<semaphore_mem>>) {add = true}
    %dma_start3A_439 = arith.constant 27 : i32
    %dma_start3A_440 = arith.constant 27 : i32
    %dma_start3A_441 = arith.constant 0 : i32
    %dma_start3A_442 = tpu.memref_slice %arg6[%dma_start3A_439, %dma_start3A_441] : memref<80x128xf32, #tpu.memory_space<vmem>> -> memref<1x128xf32, #tpu.memory_space<vmem>>
    %dma_start3A_443 = tpu.memref_squeeze %dma_start3A_442 : memref<1x128xf32, #tpu.memory_space<vmem>> -> memref<128xf32, #tpu.memory_space<vmem>>
    %dma_start3A_444 = arith.constant 0 : i32
    %dma_start3A_445 = tpu.memref_slice %arg5[%dma_start3A_440, %dma_start3A_444] : memref<80x128xi32, #tpu.memory_space<vmem>> -> memref<1x128xi32, #tpu.memory_space<vmem>>
    %dma_start3A_446 = tpu.memref_squeeze %dma_start3A_445 : memref<1x128xi32, #tpu.memory_space<vmem>> -> memref<128xi32, #tpu.memory_space<vmem>>
    %dma_start3A_447 = arith.constant 0 : i32
    %dma_start3A_448 = tpu.memref_slice %arg8[%dma_start3A_447] : memref<10240xf32, #tpu.memory_space<vmem_shared>> -> memref<10240xf32, #tpu.memory_space<vmem_shared>>
    tpu.enqueue_indirect_dma source(%dma_start3A_443 : memref<128xf32, #tpu.memory_space<vmem>>) target(%dma_start3A_448 : memref<10240xf32, #tpu.memory_space<vmem_shared>>) offsets(%dma_start3A_446 : memref<128xi32, #tpu.memory_space<vmem>>) semaphore(%arg9 : memref<!tpu.dma_semaphore, #tpu.memory_space<semaphore_mem>>) {add = true}
    %dma_start3A_449 = arith.constant 28 : i32
    %dma_start3A_450 = arith.constant 28 : i32
    %dma_start3A_451 = arith.constant 0 : i32
    %dma_start3A_452 = tpu.memref_slice %arg6[%dma_start3A_449, %dma_start3A_451] : memref<80x128xf32, #tpu.memory_space<vmem>> -> memref<1x128xf32, #tpu.memory_space<vmem>>
    %dma_start3A_453 = tpu.memref_squeeze %dma_start3A_452 : memref<1x128xf32, #tpu.memory_space<vmem>> -> memref<128xf32, #tpu.memory_space<vmem>>
    %dma_start3A_454 = arith.constant 0 : i32
    %dma_start3A_455 = tpu.memref_slice %arg5[%dma_start3A_450, %dma_start3A_454] : memref<80x128xi32, #tpu.memory_space<vmem>> -> memref<1x128xi32, #tpu.memory_space<vmem>>
    %dma_start3A_456 = tpu.memref_squeeze %dma_start3A_455 : memref<1x128xi32, #tpu.memory_space<vmem>> -> memref<128xi32, #tpu.memory_space<vmem>>
    %dma_start3A_457 = arith.constant 0 : i32
    %dma_start3A_458 = tpu.memref_slice %arg8[%dma_start3A_457] : memref<10240xf32, #tpu.memory_space<vmem_shared>> -> memref<10240xf32, #tpu.memory_space<vmem_shared>>
    tpu.enqueue_indirect_dma source(%dma_start3A_453 : memref<128xf32, #tpu.memory_space<vmem>>) target(%dma_start3A_458 : memref<10240xf32, #tpu.memory_space<vmem_shared>>) offsets(%dma_start3A_456 : memref<128xi32, #tpu.memory_space<vmem>>) semaphore(%arg9 : memref<!tpu.dma_semaphore, #tpu.memory_space<semaphore_mem>>) {add = true}
    %dma_start3A_459 = arith.constant 29 : i32
    %dma_start3A_460 = arith.constant 29 : i32
    %dma_start3A_461 = arith.constant 0 : i32
    %dma_start3A_462 = tpu.memref_slice %arg6[%dma_start3A_459, %dma_start3A_461] : memref<80x128xf32, #tpu.memory_space<vmem>> -> memref<1x128xf32, #tpu.memory_space<vmem>>
    %dma_start3A_463 = tpu.memref_squeeze %dma_start3A_462 : memref<1x128xf32, #tpu.memory_space<vmem>> -> memref<128xf32, #tpu.memory_space<vmem>>
    %dma_start3A_464 = arith.constant 0 : i32
    %dma_start3A_465 = tpu.memref_slice %arg5[%dma_start3A_460, %dma_start3A_464] : memref<80x128xi32, #tpu.memory_space<vmem>> -> memref<1x128xi32, #tpu.memory_space<vmem>>
    %dma_start3A_466 = tpu.memref_squeeze %dma_start3A_465 : memref<1x128xi32, #tpu.memory_space<vmem>> -> memref<128xi32, #tpu.memory_space<vmem>>
    %dma_start3A_467 = arith.constant 0 : i32
    %dma_start3A_468 = tpu.memref_slice %arg8[%dma_start3A_467] : memref<10240xf32, #tpu.memory_space<vmem_shared>> -> memref<10240xf32, #tpu.memory_space<vmem_shared>>
    tpu.enqueue_indirect_dma source(%dma_start3A_463 : memref<128xf32, #tpu.memory_space<vmem>>) target(%dma_start3A_468 : memref<10240xf32, #tpu.memory_space<vmem_shared>>) offsets(%dma_start3A_466 : memref<128xi32, #tpu.memory_space<vmem>>) semaphore(%arg9 : memref<!tpu.dma_semaphore, #tpu.memory_space<semaphore_mem>>) {add = true}
    %dma_start3A_469 = arith.constant 30 : i32
    %dma_start3A_470 = arith.constant 30 : i32
    %dma_start3A_471 = arith.constant 0 : i32
    %dma_start3A_472 = tpu.memref_slice %arg6[%dma_start3A_469, %dma_start3A_471] : memref<80x128xf32, #tpu.memory_space<vmem>> -> memref<1x128xf32, #tpu.memory_space<vmem>>
    %dma_start3A_473 = tpu.memref_squeeze %dma_start3A_472 : memref<1x128xf32, #tpu.memory_space<vmem>> -> memref<128xf32, #tpu.memory_space<vmem>>
    %dma_start3A_474 = arith.constant 0 : i32
    %dma_start3A_475 = tpu.memref_slice %arg5[%dma_start3A_470, %dma_start3A_474] : memref<80x128xi32, #tpu.memory_space<vmem>> -> memref<1x128xi32, #tpu.memory_space<vmem>>
    %dma_start3A_476 = tpu.memref_squeeze %dma_start3A_475 : memref<1x128xi32, #tpu.memory_space<vmem>> -> memref<128xi32, #tpu.memory_space<vmem>>
    %dma_start3A_477 = arith.constant 0 : i32
    %dma_start3A_478 = tpu.memref_slice %arg8[%dma_start3A_477] : memref<10240xf32, #tpu.memory_space<vmem_shared>> -> memref<10240xf32, #tpu.memory_space<vmem_shared>>
    tpu.enqueue_indirect_dma source(%dma_start3A_473 : memref<128xf32, #tpu.memory_space<vmem>>) target(%dma_start3A_478 : memref<10240xf32, #tpu.memory_space<vmem_shared>>) offsets(%dma_start3A_476 : memref<128xi32, #tpu.memory_space<vmem>>) semaphore(%arg9 : memref<!tpu.dma_semaphore, #tpu.memory_space<semaphore_mem>>) {add = true}
    %dma_start3A_479 = arith.constant 31 : i32
    %dma_start3A_480 = arith.constant 31 : i32
    %dma_start3A_481 = arith.constant 0 : i32
    %dma_start3A_482 = tpu.memref_slice %arg6[%dma_start3A_479, %dma_start3A_481] : memref<80x128xf32, #tpu.memory_space<vmem>> -> memref<1x128xf32, #tpu.memory_space<vmem>>
    %dma_start3A_483 = tpu.memref_squeeze %dma_start3A_482 : memref<1x128xf32, #tpu.memory_space<vmem>> -> memref<128xf32, #tpu.memory_space<vmem>>
    %dma_start3A_484 = arith.constant 0 : i32
    %dma_start3A_485 = tpu.memref_slice %arg5[%dma_start3A_480, %dma_start3A_484] : memref<80x128xi32, #tpu.memory_space<vmem>> -> memref<1x128xi32, #tpu.memory_space<vmem>>
    %dma_start3A_486 = tpu.memref_squeeze %dma_start3A_485 : memref<1x128xi32, #tpu.memory_space<vmem>> -> memref<128xi32, #tpu.memory_space<vmem>>
    %dma_start3A_487 = arith.constant 0 : i32
    %dma_start3A_488 = tpu.memref_slice %arg8[%dma_start3A_487] : memref<10240xf32, #tpu.memory_space<vmem_shared>> -> memref<10240xf32, #tpu.memory_space<vmem_shared>>
    tpu.enqueue_indirect_dma source(%dma_start3A_483 : memref<128xf32, #tpu.memory_space<vmem>>) target(%dma_start3A_488 : memref<10240xf32, #tpu.memory_space<vmem_shared>>) offsets(%dma_start3A_486 : memref<128xi32, #tpu.memory_space<vmem>>) semaphore(%arg9 : memref<!tpu.dma_semaphore, #tpu.memory_space<semaphore_mem>>) {add = true}
    %dma_wait3A_489 = arith.constant 16 : i32
    %dma_wait3A_490 = arith.constant 16 : i32
    %dma_wait3A_491 = arith.constant 0 : i32
    %dma_wait3A_492 = tpu.memref_slice %arg6[%dma_wait3A_489, %dma_wait3A_491] : memref<80x128xf32, #tpu.memory_space<vmem>> -> memref<1x128xf32, #tpu.memory_space<vmem>>
    %dma_wait3A_493 = tpu.memref_squeeze %dma_wait3A_492 : memref<1x128xf32, #tpu.memory_space<vmem>> -> memref<128xf32, #tpu.memory_space<vmem>>
    %dma_wait3A_494 = arith.constant 0 : i32
    %dma_wait3A_495 = tpu.memref_slice %arg5[%dma_wait3A_490, %dma_wait3A_494] : memref<80x128xi32, #tpu.memory_space<vmem>> -> memref<1x128xi32, #tpu.memory_space<vmem>>
    %dma_wait3A_496 = tpu.memref_squeeze %dma_wait3A_495 : memref<1x128xi32, #tpu.memory_space<vmem>> -> memref<128xi32, #tpu.memory_space<vmem>>
    %dma_wait3A_497 = arith.constant 0 : i32
    %dma_wait3A_498 = tpu.memref_slice %arg8[%dma_wait3A_497] : memref<10240xf32, #tpu.memory_space<vmem_shared>> -> memref<10240xf32, #tpu.memory_space<vmem_shared>>
    tpu.wait_indirect_dma semaphore(%arg9 : memref<!tpu.dma_semaphore, #tpu.memory_space<semaphore_mem>>) src(%dma_wait3A_493 : memref<128xf32, #tpu.memory_space<vmem>>) dst(%dma_wait3A_498 : memref<10240xf32, #tpu.memory_space<vmem_shared>>)
    %dma_wait3A_499 = arith.constant 17 : i32
    %dma_wait3A_500 = arith.constant 17 : i32
    %dma_wait3A_501 = arith.constant 0 : i32
    %dma_wait3A_502 = tpu.memref_slice %arg6[%dma_wait3A_499, %dma_wait3A_501] : memref<80x128xf32, #tpu.memory_space<vmem>> -> memref<1x128xf32, #tpu.memory_space<vmem>>
    %dma_wait3A_503 = tpu.memref_squeeze %dma_wait3A_502 : memref<1x128xf32, #tpu.memory_space<vmem>> -> memref<128xf32, #tpu.memory_space<vmem>>
    %dma_wait3A_504 = arith.constant 0 : i32
    %dma_wait3A_505 = tpu.memref_slice %arg5[%dma_wait3A_500, %dma_wait3A_504] : memref<80x128xi32, #tpu.memory_space<vmem>> -> memref<1x128xi32, #tpu.memory_space<vmem>>
    %dma_wait3A_506 = tpu.memref_squeeze %dma_wait3A_505 : memref<1x128xi32, #tpu.memory_space<vmem>> -> memref<128xi32, #tpu.memory_space<vmem>>
    %dma_wait3A_507 = arith.constant 0 : i32
    %dma_wait3A_508 = tpu.memref_slice %arg8[%dma_wait3A_507] : memref<10240xf32, #tpu.memory_space<vmem_shared>> -> memref<10240xf32, #tpu.memory_space<vmem_shared>>
    tpu.wait_indirect_dma semaphore(%arg9 : memref<!tpu.dma_semaphore, #tpu.memory_space<semaphore_mem>>) src(%dma_wait3A_503 : memref<128xf32, #tpu.memory_space<vmem>>) dst(%dma_wait3A_508 : memref<10240xf32, #tpu.memory_space<vmem_shared>>)
    %dma_wait3A_509 = arith.constant 18 : i32
    %dma_wait3A_510 = arith.constant 18 : i32
    %dma_wait3A_511 = arith.constant 0 : i32
    %dma_wait3A_512 = tpu.memref_slice %arg6[%dma_wait3A_509, %dma_wait3A_511] : memref<80x128xf32, #tpu.memory_space<vmem>> -> memref<1x128xf32, #tpu.memory_space<vmem>>
    %dma_wait3A_513 = tpu.memref_squeeze %dma_wait3A_512 : memref<1x128xf32, #tpu.memory_space<vmem>> -> memref<128xf32, #tpu.memory_space<vmem>>
    %dma_wait3A_514 = arith.constant 0 : i32
    %dma_wait3A_515 = tpu.memref_slice %arg5[%dma_wait3A_510, %dma_wait3A_514] : memref<80x128xi32, #tpu.memory_space<vmem>> -> memref<1x128xi32, #tpu.memory_space<vmem>>
    %dma_wait3A_516 = tpu.memref_squeeze %dma_wait3A_515 : memref<1x128xi32, #tpu.memory_space<vmem>> -> memref<128xi32, #tpu.memory_space<vmem>>
    %dma_wait3A_517 = arith.constant 0 : i32
    %dma_wait3A_518 = tpu.memref_slice %arg8[%dma_wait3A_517] : memref<10240xf32, #tpu.memory_space<vmem_shared>> -> memref<10240xf32, #tpu.memory_space<vmem_shared>>
    tpu.wait_indirect_dma semaphore(%arg9 : memref<!tpu.dma_semaphore, #tpu.memory_space<semaphore_mem>>) src(%dma_wait3A_513 : memref<128xf32, #tpu.memory_space<vmem>>) dst(%dma_wait3A_518 : memref<10240xf32, #tpu.memory_space<vmem_shared>>)
    %dma_wait3A_519 = arith.constant 19 : i32
    %dma_wait3A_520 = arith.constant 19 : i32
    %dma_wait3A_521 = arith.constant 0 : i32
    %dma_wait3A_522 = tpu.memref_slice %arg6[%dma_wait3A_519, %dma_wait3A_521] : memref<80x128xf32, #tpu.memory_space<vmem>> -> memref<1x128xf32, #tpu.memory_space<vmem>>
    %dma_wait3A_523 = tpu.memref_squeeze %dma_wait3A_522 : memref<1x128xf32, #tpu.memory_space<vmem>> -> memref<128xf32, #tpu.memory_space<vmem>>
    %dma_wait3A_524 = arith.constant 0 : i32
    %dma_wait3A_525 = tpu.memref_slice %arg5[%dma_wait3A_520, %dma_wait3A_524] : memref<80x128xi32, #tpu.memory_space<vmem>> -> memref<1x128xi32, #tpu.memory_space<vmem>>
    %dma_wait3A_526 = tpu.memref_squeeze %dma_wait3A_525 : memref<1x128xi32, #tpu.memory_space<vmem>> -> memref<128xi32, #tpu.memory_space<vmem>>
    %dma_wait3A_527 = arith.constant 0 : i32
    %dma_wait3A_528 = tpu.memref_slice %arg8[%dma_wait3A_527] : memref<10240xf32, #tpu.memory_space<vmem_shared>> -> memref<10240xf32, #tpu.memory_space<vmem_shared>>
    tpu.wait_indirect_dma semaphore(%arg9 : memref<!tpu.dma_semaphore, #tpu.memory_space<semaphore_mem>>) src(%dma_wait3A_523 : memref<128xf32, #tpu.memory_space<vmem>>) dst(%dma_wait3A_528 : memref<10240xf32, #tpu.memory_space<vmem_shared>>)
    %dma_wait3A_529 = arith.constant 20 : i32
    %dma_wait3A_530 = arith.constant 20 : i32
    %dma_wait3A_531 = arith.constant 0 : i32
    %dma_wait3A_532 = tpu.memref_slice %arg6[%dma_wait3A_529, %dma_wait3A_531] : memref<80x128xf32, #tpu.memory_space<vmem>> -> memref<1x128xf32, #tpu.memory_space<vmem>>
    %dma_wait3A_533 = tpu.memref_squeeze %dma_wait3A_532 : memref<1x128xf32, #tpu.memory_space<vmem>> -> memref<128xf32, #tpu.memory_space<vmem>>
    %dma_wait3A_534 = arith.constant 0 : i32
    %dma_wait3A_535 = tpu.memref_slice %arg5[%dma_wait3A_530, %dma_wait3A_534] : memref<80x128xi32, #tpu.memory_space<vmem>> -> memref<1x128xi32, #tpu.memory_space<vmem>>
    %dma_wait3A_536 = tpu.memref_squeeze %dma_wait3A_535 : memref<1x128xi32, #tpu.memory_space<vmem>> -> memref<128xi32, #tpu.memory_space<vmem>>
    %dma_wait3A_537 = arith.constant 0 : i32
    %dma_wait3A_538 = tpu.memref_slice %arg8[%dma_wait3A_537] : memref<10240xf32, #tpu.memory_space<vmem_shared>> -> memref<10240xf32, #tpu.memory_space<vmem_shared>>
    tpu.wait_indirect_dma semaphore(%arg9 : memref<!tpu.dma_semaphore, #tpu.memory_space<semaphore_mem>>) src(%dma_wait3A_533 : memref<128xf32, #tpu.memory_space<vmem>>) dst(%dma_wait3A_538 : memref<10240xf32, #tpu.memory_space<vmem_shared>>)
    %dma_wait3A_539 = arith.constant 21 : i32
    %dma_wait3A_540 = arith.constant 21 : i32
    %dma_wait3A_541 = arith.constant 0 : i32
    %dma_wait3A_542 = tpu.memref_slice %arg6[%dma_wait3A_539, %dma_wait3A_541] : memref<80x128xf32, #tpu.memory_space<vmem>> -> memref<1x128xf32, #tpu.memory_space<vmem>>
    %dma_wait3A_543 = tpu.memref_squeeze %dma_wait3A_542 : memref<1x128xf32, #tpu.memory_space<vmem>> -> memref<128xf32, #tpu.memory_space<vmem>>
    %dma_wait3A_544 = arith.constant 0 : i32
    %dma_wait3A_545 = tpu.memref_slice %arg5[%dma_wait3A_540, %dma_wait3A_544] : memref<80x128xi32, #tpu.memory_space<vmem>> -> memref<1x128xi32, #tpu.memory_space<vmem>>
    %dma_wait3A_546 = tpu.memref_squeeze %dma_wait3A_545 : memref<1x128xi32, #tpu.memory_space<vmem>> -> memref<128xi32, #tpu.memory_space<vmem>>
    %dma_wait3A_547 = arith.constant 0 : i32
    %dma_wait3A_548 = tpu.memref_slice %arg8[%dma_wait3A_547] : memref<10240xf32, #tpu.memory_space<vmem_shared>> -> memref<10240xf32, #tpu.memory_space<vmem_shared>>
    tpu.wait_indirect_dma semaphore(%arg9 : memref<!tpu.dma_semaphore, #tpu.memory_space<semaphore_mem>>) src(%dma_wait3A_543 : memref<128xf32, #tpu.memory_space<vmem>>) dst(%dma_wait3A_548 : memref<10240xf32, #tpu.memory_space<vmem_shared>>)
    %dma_wait3A_549 = arith.constant 22 : i32
    %dma_wait3A_550 = arith.constant 22 : i32
    %dma_wait3A_551 = arith.constant 0 : i32
    %dma_wait3A_552 = tpu.memref_slice %arg6[%dma_wait3A_549, %dma_wait3A_551] : memref<80x128xf32, #tpu.memory_space<vmem>> -> memref<1x128xf32, #tpu.memory_space<vmem>>
    %dma_wait3A_553 = tpu.memref_squeeze %dma_wait3A_552 : memref<1x128xf32, #tpu.memory_space<vmem>> -> memref<128xf32, #tpu.memory_space<vmem>>
    %dma_wait3A_554 = arith.constant 0 : i32
    %dma_wait3A_555 = tpu.memref_slice %arg5[%dma_wait3A_550, %dma_wait3A_554] : memref<80x128xi32, #tpu.memory_space<vmem>> -> memref<1x128xi32, #tpu.memory_space<vmem>>
    %dma_wait3A_556 = tpu.memref_squeeze %dma_wait3A_555 : memref<1x128xi32, #tpu.memory_space<vmem>> -> memref<128xi32, #tpu.memory_space<vmem>>
    %dma_wait3A_557 = arith.constant 0 : i32
    %dma_wait3A_558 = tpu.memref_slice %arg8[%dma_wait3A_557] : memref<10240xf32, #tpu.memory_space<vmem_shared>> -> memref<10240xf32, #tpu.memory_space<vmem_shared>>
    tpu.wait_indirect_dma semaphore(%arg9 : memref<!tpu.dma_semaphore, #tpu.memory_space<semaphore_mem>>) src(%dma_wait3A_553 : memref<128xf32, #tpu.memory_space<vmem>>) dst(%dma_wait3A_558 : memref<10240xf32, #tpu.memory_space<vmem_shared>>)
    %dma_wait3A_559 = arith.constant 23 : i32
    %dma_wait3A_560 = arith.constant 23 : i32
    %dma_wait3A_561 = arith.constant 0 : i32
    %dma_wait3A_562 = tpu.memref_slice %arg6[%dma_wait3A_559, %dma_wait3A_561] : memref<80x128xf32, #tpu.memory_space<vmem>> -> memref<1x128xf32, #tpu.memory_space<vmem>>
    %dma_wait3A_563 = tpu.memref_squeeze %dma_wait3A_562 : memref<1x128xf32, #tpu.memory_space<vmem>> -> memref<128xf32, #tpu.memory_space<vmem>>
    %dma_wait3A_564 = arith.constant 0 : i32
    %dma_wait3A_565 = tpu.memref_slice %arg5[%dma_wait3A_560, %dma_wait3A_564] : memref<80x128xi32, #tpu.memory_space<vmem>> -> memref<1x128xi32, #tpu.memory_space<vmem>>
    %dma_wait3A_566 = tpu.memref_squeeze %dma_wait3A_565 : memref<1x128xi32, #tpu.memory_space<vmem>> -> memref<128xi32, #tpu.memory_space<vmem>>
    %dma_wait3A_567 = arith.constant 0 : i32
    %dma_wait3A_568 = tpu.memref_slice %arg8[%dma_wait3A_567] : memref<10240xf32, #tpu.memory_space<vmem_shared>> -> memref<10240xf32, #tpu.memory_space<vmem_shared>>
    tpu.wait_indirect_dma semaphore(%arg9 : memref<!tpu.dma_semaphore, #tpu.memory_space<semaphore_mem>>) src(%dma_wait3A_563 : memref<128xf32, #tpu.memory_space<vmem>>) dst(%dma_wait3A_568 : memref<10240xf32, #tpu.memory_space<vmem_shared>>)
    %dma_wait3A_569 = arith.constant 24 : i32
    %dma_wait3A_570 = arith.constant 24 : i32
    %dma_wait3A_571 = arith.constant 0 : i32
    %dma_wait3A_572 = tpu.memref_slice %arg6[%dma_wait3A_569, %dma_wait3A_571] : memref<80x128xf32, #tpu.memory_space<vmem>> -> memref<1x128xf32, #tpu.memory_space<vmem>>
    %dma_wait3A_573 = tpu.memref_squeeze %dma_wait3A_572 : memref<1x128xf32, #tpu.memory_space<vmem>> -> memref<128xf32, #tpu.memory_space<vmem>>
    %dma_wait3A_574 = arith.constant 0 : i32
    %dma_wait3A_575 = tpu.memref_slice %arg5[%dma_wait3A_570, %dma_wait3A_574] : memref<80x128xi32, #tpu.memory_space<vmem>> -> memref<1x128xi32, #tpu.memory_space<vmem>>
    %dma_wait3A_576 = tpu.memref_squeeze %dma_wait3A_575 : memref<1x128xi32, #tpu.memory_space<vmem>> -> memref<128xi32, #tpu.memory_space<vmem>>
    %dma_wait3A_577 = arith.constant 0 : i32
    %dma_wait3A_578 = tpu.memref_slice %arg8[%dma_wait3A_577] : memref<10240xf32, #tpu.memory_space<vmem_shared>> -> memref<10240xf32, #tpu.memory_space<vmem_shared>>
    tpu.wait_indirect_dma semaphore(%arg9 : memref<!tpu.dma_semaphore, #tpu.memory_space<semaphore_mem>>) src(%dma_wait3A_573 : memref<128xf32, #tpu.memory_space<vmem>>) dst(%dma_wait3A_578 : memref<10240xf32, #tpu.memory_space<vmem_shared>>)
    %dma_wait3A_579 = arith.constant 25 : i32
    %dma_wait3A_580 = arith.constant 25 : i32
    %dma_wait3A_581 = arith.constant 0 : i32
    %dma_wait3A_582 = tpu.memref_slice %arg6[%dma_wait3A_579, %dma_wait3A_581] : memref<80x128xf32, #tpu.memory_space<vmem>> -> memref<1x128xf32, #tpu.memory_space<vmem>>
    %dma_wait3A_583 = tpu.memref_squeeze %dma_wait3A_582 : memref<1x128xf32, #tpu.memory_space<vmem>> -> memref<128xf32, #tpu.memory_space<vmem>>
    %dma_wait3A_584 = arith.constant 0 : i32
    %dma_wait3A_585 = tpu.memref_slice %arg5[%dma_wait3A_580, %dma_wait3A_584] : memref<80x128xi32, #tpu.memory_space<vmem>> -> memref<1x128xi32, #tpu.memory_space<vmem>>
    %dma_wait3A_586 = tpu.memref_squeeze %dma_wait3A_585 : memref<1x128xi32, #tpu.memory_space<vmem>> -> memref<128xi32, #tpu.memory_space<vmem>>
    %dma_wait3A_587 = arith.constant 0 : i32
    %dma_wait3A_588 = tpu.memref_slice %arg8[%dma_wait3A_587] : memref<10240xf32, #tpu.memory_space<vmem_shared>> -> memref<10240xf32, #tpu.memory_space<vmem_shared>>
    tpu.wait_indirect_dma semaphore(%arg9 : memref<!tpu.dma_semaphore, #tpu.memory_space<semaphore_mem>>) src(%dma_wait3A_583 : memref<128xf32, #tpu.memory_space<vmem>>) dst(%dma_wait3A_588 : memref<10240xf32, #tpu.memory_space<vmem_shared>>)
    %dma_wait3A_589 = arith.constant 26 : i32
    %dma_wait3A_590 = arith.constant 26 : i32
    %dma_wait3A_591 = arith.constant 0 : i32
    %dma_wait3A_592 = tpu.memref_slice %arg6[%dma_wait3A_589, %dma_wait3A_591] : memref<80x128xf32, #tpu.memory_space<vmem>> -> memref<1x128xf32, #tpu.memory_space<vmem>>
    %dma_wait3A_593 = tpu.memref_squeeze %dma_wait3A_592 : memref<1x128xf32, #tpu.memory_space<vmem>> -> memref<128xf32, #tpu.memory_space<vmem>>
    %dma_wait3A_594 = arith.constant 0 : i32
    %dma_wait3A_595 = tpu.memref_slice %arg5[%dma_wait3A_590, %dma_wait3A_594] : memref<80x128xi32, #tpu.memory_space<vmem>> -> memref<1x128xi32, #tpu.memory_space<vmem>>
    %dma_wait3A_596 = tpu.memref_squeeze %dma_wait3A_595 : memref<1x128xi32, #tpu.memory_space<vmem>> -> memref<128xi32, #tpu.memory_space<vmem>>
    %dma_wait3A_597 = arith.constant 0 : i32
    %dma_wait3A_598 = tpu.memref_slice %arg8[%dma_wait3A_597] : memref<10240xf32, #tpu.memory_space<vmem_shared>> -> memref<10240xf32, #tpu.memory_space<vmem_shared>>
    tpu.wait_indirect_dma semaphore(%arg9 : memref<!tpu.dma_semaphore, #tpu.memory_space<semaphore_mem>>) src(%dma_wait3A_593 : memref<128xf32, #tpu.memory_space<vmem>>) dst(%dma_wait3A_598 : memref<10240xf32, #tpu.memory_space<vmem_shared>>)
    %dma_wait3A_599 = arith.constant 27 : i32
    %dma_wait3A_600 = arith.constant 27 : i32
    %dma_wait3A_601 = arith.constant 0 : i32
    %dma_wait3A_602 = tpu.memref_slice %arg6[%dma_wait3A_599, %dma_wait3A_601] : memref<80x128xf32, #tpu.memory_space<vmem>> -> memref<1x128xf32, #tpu.memory_space<vmem>>
    %dma_wait3A_603 = tpu.memref_squeeze %dma_wait3A_602 : memref<1x128xf32, #tpu.memory_space<vmem>> -> memref<128xf32, #tpu.memory_space<vmem>>
    %dma_wait3A_604 = arith.constant 0 : i32
    %dma_wait3A_605 = tpu.memref_slice %arg5[%dma_wait3A_600, %dma_wait3A_604] : memref<80x128xi32, #tpu.memory_space<vmem>> -> memref<1x128xi32, #tpu.memory_space<vmem>>
    %dma_wait3A_606 = tpu.memref_squeeze %dma_wait3A_605 : memref<1x128xi32, #tpu.memory_space<vmem>> -> memref<128xi32, #tpu.memory_space<vmem>>
    %dma_wait3A_607 = arith.constant 0 : i32
    %dma_wait3A_608 = tpu.memref_slice %arg8[%dma_wait3A_607] : memref<10240xf32, #tpu.memory_space<vmem_shared>> -> memref<10240xf32, #tpu.memory_space<vmem_shared>>
    tpu.wait_indirect_dma semaphore(%arg9 : memref<!tpu.dma_semaphore, #tpu.memory_space<semaphore_mem>>) src(%dma_wait3A_603 : memref<128xf32, #tpu.memory_space<vmem>>) dst(%dma_wait3A_608 : memref<10240xf32, #tpu.memory_space<vmem_shared>>)
    %dma_wait3A_609 = arith.constant 28 : i32
    %dma_wait3A_610 = arith.constant 28 : i32
    %dma_wait3A_611 = arith.constant 0 : i32
    %dma_wait3A_612 = tpu.memref_slice %arg6[%dma_wait3A_609, %dma_wait3A_611] : memref<80x128xf32, #tpu.memory_space<vmem>> -> memref<1x128xf32, #tpu.memory_space<vmem>>
    %dma_wait3A_613 = tpu.memref_squeeze %dma_wait3A_612 : memref<1x128xf32, #tpu.memory_space<vmem>> -> memref<128xf32, #tpu.memory_space<vmem>>
    %dma_wait3A_614 = arith.constant 0 : i32
    %dma_wait3A_615 = tpu.memref_slice %arg5[%dma_wait3A_610, %dma_wait3A_614] : memref<80x128xi32, #tpu.memory_space<vmem>> -> memref<1x128xi32, #tpu.memory_space<vmem>>
    %dma_wait3A_616 = tpu.memref_squeeze %dma_wait3A_615 : memref<1x128xi32, #tpu.memory_space<vmem>> -> memref<128xi32, #tpu.memory_space<vmem>>
    %dma_wait3A_617 = arith.constant 0 : i32
    %dma_wait3A_618 = tpu.memref_slice %arg8[%dma_wait3A_617] : memref<10240xf32, #tpu.memory_space<vmem_shared>> -> memref<10240xf32, #tpu.memory_space<vmem_shared>>
    tpu.wait_indirect_dma semaphore(%arg9 : memref<!tpu.dma_semaphore, #tpu.memory_space<semaphore_mem>>) src(%dma_wait3A_613 : memref<128xf32, #tpu.memory_space<vmem>>) dst(%dma_wait3A_618 : memref<10240xf32, #tpu.memory_space<vmem_shared>>)
    %dma_wait3A_619 = arith.constant 29 : i32
    %dma_wait3A_620 = arith.constant 29 : i32
    %dma_wait3A_621 = arith.constant 0 : i32
    %dma_wait3A_622 = tpu.memref_slice %arg6[%dma_wait3A_619, %dma_wait3A_621] : memref<80x128xf32, #tpu.memory_space<vmem>> -> memref<1x128xf32, #tpu.memory_space<vmem>>
    %dma_wait3A_623 = tpu.memref_squeeze %dma_wait3A_622 : memref<1x128xf32, #tpu.memory_space<vmem>> -> memref<128xf32, #tpu.memory_space<vmem>>
    %dma_wait3A_624 = arith.constant 0 : i32
    %dma_wait3A_625 = tpu.memref_slice %arg5[%dma_wait3A_620, %dma_wait3A_624] : memref<80x128xi32, #tpu.memory_space<vmem>> -> memref<1x128xi32, #tpu.memory_space<vmem>>
    %dma_wait3A_626 = tpu.memref_squeeze %dma_wait3A_625 : memref<1x128xi32, #tpu.memory_space<vmem>> -> memref<128xi32, #tpu.memory_space<vmem>>
    %dma_wait3A_627 = arith.constant 0 : i32
    %dma_wait3A_628 = tpu.memref_slice %arg8[%dma_wait3A_627] : memref<10240xf32, #tpu.memory_space<vmem_shared>> -> memref<10240xf32, #tpu.memory_space<vmem_shared>>
    tpu.wait_indirect_dma semaphore(%arg9 : memref<!tpu.dma_semaphore, #tpu.memory_space<semaphore_mem>>) src(%dma_wait3A_623 : memref<128xf32, #tpu.memory_space<vmem>>) dst(%dma_wait3A_628 : memref<10240xf32, #tpu.memory_space<vmem_shared>>)
    %dma_wait3A_629 = arith.constant 30 : i32
    %dma_wait3A_630 = arith.constant 30 : i32
    %dma_wait3A_631 = arith.constant 0 : i32
    %dma_wait3A_632 = tpu.memref_slice %arg6[%dma_wait3A_629, %dma_wait3A_631] : memref<80x128xf32, #tpu.memory_space<vmem>> -> memref<1x128xf32, #tpu.memory_space<vmem>>
    %dma_wait3A_633 = tpu.memref_squeeze %dma_wait3A_632 : memref<1x128xf32, #tpu.memory_space<vmem>> -> memref<128xf32, #tpu.memory_space<vmem>>
    %dma_wait3A_634 = arith.constant 0 : i32
    %dma_wait3A_635 = tpu.memref_slice %arg5[%dma_wait3A_630, %dma_wait3A_634] : memref<80x128xi32, #tpu.memory_space<vmem>> -> memref<1x128xi32, #tpu.memory_space<vmem>>
    %dma_wait3A_636 = tpu.memref_squeeze %dma_wait3A_635 : memref<1x128xi32, #tpu.memory_space<vmem>> -> memref<128xi32, #tpu.memory_space<vmem>>
    %dma_wait3A_637 = arith.constant 0 : i32
    %dma_wait3A_638 = tpu.memref_slice %arg8[%dma_wait3A_637] : memref<10240xf32, #tpu.memory_space<vmem_shared>> -> memref<10240xf32, #tpu.memory_space<vmem_shared>>
    tpu.wait_indirect_dma semaphore(%arg9 : memref<!tpu.dma_semaphore, #tpu.memory_space<semaphore_mem>>) src(%dma_wait3A_633 : memref<128xf32, #tpu.memory_space<vmem>>) dst(%dma_wait3A_638 : memref<10240xf32, #tpu.memory_space<vmem_shared>>)
    %dma_wait3A_639 = arith.constant 31 : i32
    %dma_wait3A_640 = arith.constant 31 : i32
    %dma_wait3A_641 = arith.constant 0 : i32
    %dma_wait3A_642 = tpu.memref_slice %arg6[%dma_wait3A_639, %dma_wait3A_641] : memref<80x128xf32, #tpu.memory_space<vmem>> -> memref<1x128xf32, #tpu.memory_space<vmem>>
    %dma_wait3A_643 = tpu.memref_squeeze %dma_wait3A_642 : memref<1x128xf32, #tpu.memory_space<vmem>> -> memref<128xf32, #tpu.memory_space<vmem>>
    %dma_wait3A_644 = arith.constant 0 : i32
    %dma_wait3A_645 = tpu.memref_slice %arg5[%dma_wait3A_640, %dma_wait3A_644] : memref<80x128xi32, #tpu.memory_space<vmem>> -> memref<1x128xi32, #tpu.memory_space<vmem>>
    %dma_wait3A_646 = tpu.memref_squeeze %dma_wait3A_645 : memref<1x128xi32, #tpu.memory_space<vmem>> -> memref<128xi32, #tpu.memory_space<vmem>>
    %dma_wait3A_647 = arith.constant 0 : i32
    %dma_wait3A_648 = tpu.memref_slice %arg8[%dma_wait3A_647] : memref<10240xf32, #tpu.memory_space<vmem_shared>> -> memref<10240xf32, #tpu.memory_space<vmem_shared>>
    tpu.wait_indirect_dma semaphore(%arg9 : memref<!tpu.dma_semaphore, #tpu.memory_space<semaphore_mem>>) src(%dma_wait3A_643 : memref<128xf32, #tpu.memory_space<vmem>>) dst(%dma_wait3A_648 : memref<10240xf32, #tpu.memory_space<vmem_shared>>)
    %dma_start3A_649 = arith.constant 32 : i32
    %dma_start3A_650 = arith.constant 32 : i32
    %dma_start3A_651 = arith.constant 0 : i32
    %dma_start3A_652 = tpu.memref_slice %arg6[%dma_start3A_649, %dma_start3A_651] : memref<80x128xf32, #tpu.memory_space<vmem>> -> memref<1x128xf32, #tpu.memory_space<vmem>>
    %dma_start3A_653 = tpu.memref_squeeze %dma_start3A_652 : memref<1x128xf32, #tpu.memory_space<vmem>> -> memref<128xf32, #tpu.memory_space<vmem>>
    %dma_start3A_654 = arith.constant 0 : i32
    %dma_start3A_655 = tpu.memref_slice %arg5[%dma_start3A_650, %dma_start3A_654] : memref<80x128xi32, #tpu.memory_space<vmem>> -> memref<1x128xi32, #tpu.memory_space<vmem>>
    %dma_start3A_656 = tpu.memref_squeeze %dma_start3A_655 : memref<1x128xi32, #tpu.memory_space<vmem>> -> memref<128xi32, #tpu.memory_space<vmem>>
    %dma_start3A_657 = arith.constant 0 : i32
    %dma_start3A_658 = tpu.memref_slice %arg8[%dma_start3A_657] : memref<10240xf32, #tpu.memory_space<vmem_shared>> -> memref<10240xf32, #tpu.memory_space<vmem_shared>>
    tpu.enqueue_indirect_dma source(%dma_start3A_653 : memref<128xf32, #tpu.memory_space<vmem>>) target(%dma_start3A_658 : memref<10240xf32, #tpu.memory_space<vmem_shared>>) offsets(%dma_start3A_656 : memref<128xi32, #tpu.memory_space<vmem>>) semaphore(%arg9 : memref<!tpu.dma_semaphore, #tpu.memory_space<semaphore_mem>>) {add = true}
    %dma_start3A_659 = arith.constant 33 : i32
    %dma_start3A_660 = arith.constant 33 : i32
    %dma_start3A_661 = arith.constant 0 : i32
    %dma_start3A_662 = tpu.memref_slice %arg6[%dma_start3A_659, %dma_start3A_661] : memref<80x128xf32, #tpu.memory_space<vmem>> -> memref<1x128xf32, #tpu.memory_space<vmem>>
    %dma_start3A_663 = tpu.memref_squeeze %dma_start3A_662 : memref<1x128xf32, #tpu.memory_space<vmem>> -> memref<128xf32, #tpu.memory_space<vmem>>
    %dma_start3A_664 = arith.constant 0 : i32
    %dma_start3A_665 = tpu.memref_slice %arg5[%dma_start3A_660, %dma_start3A_664] : memref<80x128xi32, #tpu.memory_space<vmem>> -> memref<1x128xi32, #tpu.memory_space<vmem>>
    %dma_start3A_666 = tpu.memref_squeeze %dma_start3A_665 : memref<1x128xi32, #tpu.memory_space<vmem>> -> memref<128xi32, #tpu.memory_space<vmem>>
    %dma_start3A_667 = arith.constant 0 : i32
    %dma_start3A_668 = tpu.memref_slice %arg8[%dma_start3A_667] : memref<10240xf32, #tpu.memory_space<vmem_shared>> -> memref<10240xf32, #tpu.memory_space<vmem_shared>>
    tpu.enqueue_indirect_dma source(%dma_start3A_663 : memref<128xf32, #tpu.memory_space<vmem>>) target(%dma_start3A_668 : memref<10240xf32, #tpu.memory_space<vmem_shared>>) offsets(%dma_start3A_666 : memref<128xi32, #tpu.memory_space<vmem>>) semaphore(%arg9 : memref<!tpu.dma_semaphore, #tpu.memory_space<semaphore_mem>>) {add = true}
    %dma_start3A_669 = arith.constant 34 : i32
    %dma_start3A_670 = arith.constant 34 : i32
    %dma_start3A_671 = arith.constant 0 : i32
    %dma_start3A_672 = tpu.memref_slice %arg6[%dma_start3A_669, %dma_start3A_671] : memref<80x128xf32, #tpu.memory_space<vmem>> -> memref<1x128xf32, #tpu.memory_space<vmem>>
    %dma_start3A_673 = tpu.memref_squeeze %dma_start3A_672 : memref<1x128xf32, #tpu.memory_space<vmem>> -> memref<128xf32, #tpu.memory_space<vmem>>
    %dma_start3A_674 = arith.constant 0 : i32
    %dma_start3A_675 = tpu.memref_slice %arg5[%dma_start3A_670, %dma_start3A_674] : memref<80x128xi32, #tpu.memory_space<vmem>> -> memref<1x128xi32, #tpu.memory_space<vmem>>
    %dma_start3A_676 = tpu.memref_squeeze %dma_start3A_675 : memref<1x128xi32, #tpu.memory_space<vmem>> -> memref<128xi32, #tpu.memory_space<vmem>>
    %dma_start3A_677 = arith.constant 0 : i32
    %dma_start3A_678 = tpu.memref_slice %arg8[%dma_start3A_677] : memref<10240xf32, #tpu.memory_space<vmem_shared>> -> memref<10240xf32, #tpu.memory_space<vmem_shared>>
    tpu.enqueue_indirect_dma source(%dma_start3A_673 : memref<128xf32, #tpu.memory_space<vmem>>) target(%dma_start3A_678 : memref<10240xf32, #tpu.memory_space<vmem_shared>>) offsets(%dma_start3A_676 : memref<128xi32, #tpu.memory_space<vmem>>) semaphore(%arg9 : memref<!tpu.dma_semaphore, #tpu.memory_space<semaphore_mem>>) {add = true}
    %dma_start3A_679 = arith.constant 35 : i32
    %dma_start3A_680 = arith.constant 35 : i32
    %dma_start3A_681 = arith.constant 0 : i32
    %dma_start3A_682 = tpu.memref_slice %arg6[%dma_start3A_679, %dma_start3A_681] : memref<80x128xf32, #tpu.memory_space<vmem>> -> memref<1x128xf32, #tpu.memory_space<vmem>>
    %dma_start3A_683 = tpu.memref_squeeze %dma_start3A_682 : memref<1x128xf32, #tpu.memory_space<vmem>> -> memref<128xf32, #tpu.memory_space<vmem>>
    %dma_start3A_684 = arith.constant 0 : i32
    %dma_start3A_685 = tpu.memref_slice %arg5[%dma_start3A_680, %dma_start3A_684] : memref<80x128xi32, #tpu.memory_space<vmem>> -> memref<1x128xi32, #tpu.memory_space<vmem>>
    %dma_start3A_686 = tpu.memref_squeeze %dma_start3A_685 : memref<1x128xi32, #tpu.memory_space<vmem>> -> memref<128xi32, #tpu.memory_space<vmem>>
    %dma_start3A_687 = arith.constant 0 : i32
    %dma_start3A_688 = tpu.memref_slice %arg8[%dma_start3A_687] : memref<10240xf32, #tpu.memory_space<vmem_shared>> -> memref<10240xf32, #tpu.memory_space<vmem_shared>>
    tpu.enqueue_indirect_dma source(%dma_start3A_683 : memref<128xf32, #tpu.memory_space<vmem>>) target(%dma_start3A_688 : memref<10240xf32, #tpu.memory_space<vmem_shared>>) offsets(%dma_start3A_686 : memref<128xi32, #tpu.memory_space<vmem>>) semaphore(%arg9 : memref<!tpu.dma_semaphore, #tpu.memory_space<semaphore_mem>>) {add = true}
    %dma_start3A_689 = arith.constant 36 : i32
    %dma_start3A_690 = arith.constant 36 : i32
    %dma_start3A_691 = arith.constant 0 : i32
    %dma_start3A_692 = tpu.memref_slice %arg6[%dma_start3A_689, %dma_start3A_691] : memref<80x128xf32, #tpu.memory_space<vmem>> -> memref<1x128xf32, #tpu.memory_space<vmem>>
    %dma_start3A_693 = tpu.memref_squeeze %dma_start3A_692 : memref<1x128xf32, #tpu.memory_space<vmem>> -> memref<128xf32, #tpu.memory_space<vmem>>
    %dma_start3A_694 = arith.constant 0 : i32
    %dma_start3A_695 = tpu.memref_slice %arg5[%dma_start3A_690, %dma_start3A_694] : memref<80x128xi32, #tpu.memory_space<vmem>> -> memref<1x128xi32, #tpu.memory_space<vmem>>
    %dma_start3A_696 = tpu.memref_squeeze %dma_start3A_695 : memref<1x128xi32, #tpu.memory_space<vmem>> -> memref<128xi32, #tpu.memory_space<vmem>>
    %dma_start3A_697 = arith.constant 0 : i32
    %dma_start3A_698 = tpu.memref_slice %arg8[%dma_start3A_697] : memref<10240xf32, #tpu.memory_space<vmem_shared>> -> memref<10240xf32, #tpu.memory_space<vmem_shared>>
    tpu.enqueue_indirect_dma source(%dma_start3A_693 : memref<128xf32, #tpu.memory_space<vmem>>) target(%dma_start3A_698 : memref<10240xf32, #tpu.memory_space<vmem_shared>>) offsets(%dma_start3A_696 : memref<128xi32, #tpu.memory_space<vmem>>) semaphore(%arg9 : memref<!tpu.dma_semaphore, #tpu.memory_space<semaphore_mem>>) {add = true}
    %dma_start3A_699 = arith.constant 37 : i32
    %dma_start3A_700 = arith.constant 37 : i32
    %dma_start3A_701 = arith.constant 0 : i32
    %dma_start3A_702 = tpu.memref_slice %arg6[%dma_start3A_699, %dma_start3A_701] : memref<80x128xf32, #tpu.memory_space<vmem>> -> memref<1x128xf32, #tpu.memory_space<vmem>>
    %dma_start3A_703 = tpu.memref_squeeze %dma_start3A_702 : memref<1x128xf32, #tpu.memory_space<vmem>> -> memref<128xf32, #tpu.memory_space<vmem>>
    %dma_start3A_704 = arith.constant 0 : i32
    %dma_start3A_705 = tpu.memref_slice %arg5[%dma_start3A_700, %dma_start3A_704] : memref<80x128xi32, #tpu.memory_space<vmem>> -> memref<1x128xi32, #tpu.memory_space<vmem>>
    %dma_start3A_706 = tpu.memref_squeeze %dma_start3A_705 : memref<1x128xi32, #tpu.memory_space<vmem>> -> memref<128xi32, #tpu.memory_space<vmem>>
    %dma_start3A_707 = arith.constant 0 : i32
    %dma_start3A_708 = tpu.memref_slice %arg8[%dma_start3A_707] : memref<10240xf32, #tpu.memory_space<vmem_shared>> -> memref<10240xf32, #tpu.memory_space<vmem_shared>>
    tpu.enqueue_indirect_dma source(%dma_start3A_703 : memref<128xf32, #tpu.memory_space<vmem>>) target(%dma_start3A_708 : memref<10240xf32, #tpu.memory_space<vmem_shared>>) offsets(%dma_start3A_706 : memref<128xi32, #tpu.memory_space<vmem>>) semaphore(%arg9 : memref<!tpu.dma_semaphore, #tpu.memory_space<semaphore_mem>>) {add = true}
    %dma_start3A_709 = arith.constant 38 : i32
    %dma_start3A_710 = arith.constant 38 : i32
    %dma_start3A_711 = arith.constant 0 : i32
    %dma_start3A_712 = tpu.memref_slice %arg6[%dma_start3A_709, %dma_start3A_711] : memref<80x128xf32, #tpu.memory_space<vmem>> -> memref<1x128xf32, #tpu.memory_space<vmem>>
    %dma_start3A_713 = tpu.memref_squeeze %dma_start3A_712 : memref<1x128xf32, #tpu.memory_space<vmem>> -> memref<128xf32, #tpu.memory_space<vmem>>
    %dma_start3A_714 = arith.constant 0 : i32
    %dma_start3A_715 = tpu.memref_slice %arg5[%dma_start3A_710, %dma_start3A_714] : memref<80x128xi32, #tpu.memory_space<vmem>> -> memref<1x128xi32, #tpu.memory_space<vmem>>
    %dma_start3A_716 = tpu.memref_squeeze %dma_start3A_715 : memref<1x128xi32, #tpu.memory_space<vmem>> -> memref<128xi32, #tpu.memory_space<vmem>>
    %dma_start3A_717 = arith.constant 0 : i32
    %dma_start3A_718 = tpu.memref_slice %arg8[%dma_start3A_717] : memref<10240xf32, #tpu.memory_space<vmem_shared>> -> memref<10240xf32, #tpu.memory_space<vmem_shared>>
    tpu.enqueue_indirect_dma source(%dma_start3A_713 : memref<128xf32, #tpu.memory_space<vmem>>) target(%dma_start3A_718 : memref<10240xf32, #tpu.memory_space<vmem_shared>>) offsets(%dma_start3A_716 : memref<128xi32, #tpu.memory_space<vmem>>) semaphore(%arg9 : memref<!tpu.dma_semaphore, #tpu.memory_space<semaphore_mem>>) {add = true}
    %dma_start3A_719 = arith.constant 39 : i32
    %dma_start3A_720 = arith.constant 39 : i32
    %dma_start3A_721 = arith.constant 0 : i32
    %dma_start3A_722 = tpu.memref_slice %arg6[%dma_start3A_719, %dma_start3A_721] : memref<80x128xf32, #tpu.memory_space<vmem>> -> memref<1x128xf32, #tpu.memory_space<vmem>>
    %dma_start3A_723 = tpu.memref_squeeze %dma_start3A_722 : memref<1x128xf32, #tpu.memory_space<vmem>> -> memref<128xf32, #tpu.memory_space<vmem>>
    %dma_start3A_724 = arith.constant 0 : i32
    %dma_start3A_725 = tpu.memref_slice %arg5[%dma_start3A_720, %dma_start3A_724] : memref<80x128xi32, #tpu.memory_space<vmem>> -> memref<1x128xi32, #tpu.memory_space<vmem>>
    %dma_start3A_726 = tpu.memref_squeeze %dma_start3A_725 : memref<1x128xi32, #tpu.memory_space<vmem>> -> memref<128xi32, #tpu.memory_space<vmem>>
    %dma_start3A_727 = arith.constant 0 : i32
    %dma_start3A_728 = tpu.memref_slice %arg8[%dma_start3A_727] : memref<10240xf32, #tpu.memory_space<vmem_shared>> -> memref<10240xf32, #tpu.memory_space<vmem_shared>>
    tpu.enqueue_indirect_dma source(%dma_start3A_723 : memref<128xf32, #tpu.memory_space<vmem>>) target(%dma_start3A_728 : memref<10240xf32, #tpu.memory_space<vmem_shared>>) offsets(%dma_start3A_726 : memref<128xi32, #tpu.memory_space<vmem>>) semaphore(%arg9 : memref<!tpu.dma_semaphore, #tpu.memory_space<semaphore_mem>>) {add = true}
    %dma_start3A_729 = arith.constant 40 : i32
    %dma_start3A_730 = arith.constant 40 : i32
    %dma_start3A_731 = arith.constant 0 : i32
    %dma_start3A_732 = tpu.memref_slice %arg6[%dma_start3A_729, %dma_start3A_731] : memref<80x128xf32, #tpu.memory_space<vmem>> -> memref<1x128xf32, #tpu.memory_space<vmem>>
    %dma_start3A_733 = tpu.memref_squeeze %dma_start3A_732 : memref<1x128xf32, #tpu.memory_space<vmem>> -> memref<128xf32, #tpu.memory_space<vmem>>
    %dma_start3A_734 = arith.constant 0 : i32
    %dma_start3A_735 = tpu.memref_slice %arg5[%dma_start3A_730, %dma_start3A_734] : memref<80x128xi32, #tpu.memory_space<vmem>> -> memref<1x128xi32, #tpu.memory_space<vmem>>
    %dma_start3A_736 = tpu.memref_squeeze %dma_start3A_735 : memref<1x128xi32, #tpu.memory_space<vmem>> -> memref<128xi32, #tpu.memory_space<vmem>>
    %dma_start3A_737 = arith.constant 0 : i32
    %dma_start3A_738 = tpu.memref_slice %arg8[%dma_start3A_737] : memref<10240xf32, #tpu.memory_space<vmem_shared>> -> memref<10240xf32, #tpu.memory_space<vmem_shared>>
    tpu.enqueue_indirect_dma source(%dma_start3A_733 : memref<128xf32, #tpu.memory_space<vmem>>) target(%dma_start3A_738 : memref<10240xf32, #tpu.memory_space<vmem_shared>>) offsets(%dma_start3A_736 : memref<128xi32, #tpu.memory_space<vmem>>) semaphore(%arg9 : memref<!tpu.dma_semaphore, #tpu.memory_space<semaphore_mem>>) {add = true}
    %dma_start3A_739 = arith.constant 41 : i32
    %dma_start3A_740 = arith.constant 41 : i32
    %dma_start3A_741 = arith.constant 0 : i32
    %dma_start3A_742 = tpu.memref_slice %arg6[%dma_start3A_739, %dma_start3A_741] : memref<80x128xf32, #tpu.memory_space<vmem>> -> memref<1x128xf32, #tpu.memory_space<vmem>>
    %dma_start3A_743 = tpu.memref_squeeze %dma_start3A_742 : memref<1x128xf32, #tpu.memory_space<vmem>> -> memref<128xf32, #tpu.memory_space<vmem>>
    %dma_start3A_744 = arith.constant 0 : i32
    %dma_start3A_745 = tpu.memref_slice %arg5[%dma_start3A_740, %dma_start3A_744] : memref<80x128xi32, #tpu.memory_space<vmem>> -> memref<1x128xi32, #tpu.memory_space<vmem>>
    %dma_start3A_746 = tpu.memref_squeeze %dma_start3A_745 : memref<1x128xi32, #tpu.memory_space<vmem>> -> memref<128xi32, #tpu.memory_space<vmem>>
    %dma_start3A_747 = arith.constant 0 : i32
    %dma_start3A_748 = tpu.memref_slice %arg8[%dma_start3A_747] : memref<10240xf32, #tpu.memory_space<vmem_shared>> -> memref<10240xf32, #tpu.memory_space<vmem_shared>>
    tpu.enqueue_indirect_dma source(%dma_start3A_743 : memref<128xf32, #tpu.memory_space<vmem>>) target(%dma_start3A_748 : memref<10240xf32, #tpu.memory_space<vmem_shared>>) offsets(%dma_start3A_746 : memref<128xi32, #tpu.memory_space<vmem>>) semaphore(%arg9 : memref<!tpu.dma_semaphore, #tpu.memory_space<semaphore_mem>>) {add = true}
    %dma_start3A_749 = arith.constant 42 : i32
    %dma_start3A_750 = arith.constant 42 : i32
    %dma_start3A_751 = arith.constant 0 : i32
    %dma_start3A_752 = tpu.memref_slice %arg6[%dma_start3A_749, %dma_start3A_751] : memref<80x128xf32, #tpu.memory_space<vmem>> -> memref<1x128xf32, #tpu.memory_space<vmem>>
    %dma_start3A_753 = tpu.memref_squeeze %dma_start3A_752 : memref<1x128xf32, #tpu.memory_space<vmem>> -> memref<128xf32, #tpu.memory_space<vmem>>
    %dma_start3A_754 = arith.constant 0 : i32
    %dma_start3A_755 = tpu.memref_slice %arg5[%dma_start3A_750, %dma_start3A_754] : memref<80x128xi32, #tpu.memory_space<vmem>> -> memref<1x128xi32, #tpu.memory_space<vmem>>
    %dma_start3A_756 = tpu.memref_squeeze %dma_start3A_755 : memref<1x128xi32, #tpu.memory_space<vmem>> -> memref<128xi32, #tpu.memory_space<vmem>>
    %dma_start3A_757 = arith.constant 0 : i32
    %dma_start3A_758 = tpu.memref_slice %arg8[%dma_start3A_757] : memref<10240xf32, #tpu.memory_space<vmem_shared>> -> memref<10240xf32, #tpu.memory_space<vmem_shared>>
    tpu.enqueue_indirect_dma source(%dma_start3A_753 : memref<128xf32, #tpu.memory_space<vmem>>) target(%dma_start3A_758 : memref<10240xf32, #tpu.memory_space<vmem_shared>>) offsets(%dma_start3A_756 : memref<128xi32, #tpu.memory_space<vmem>>) semaphore(%arg9 : memref<!tpu.dma_semaphore, #tpu.memory_space<semaphore_mem>>) {add = true}
    %dma_start3A_759 = arith.constant 43 : i32
    %dma_start3A_760 = arith.constant 43 : i32
    %dma_start3A_761 = arith.constant 0 : i32
    %dma_start3A_762 = tpu.memref_slice %arg6[%dma_start3A_759, %dma_start3A_761] : memref<80x128xf32, #tpu.memory_space<vmem>> -> memref<1x128xf32, #tpu.memory_space<vmem>>
    %dma_start3A_763 = tpu.memref_squeeze %dma_start3A_762 : memref<1x128xf32, #tpu.memory_space<vmem>> -> memref<128xf32, #tpu.memory_space<vmem>>
    %dma_start3A_764 = arith.constant 0 : i32
    %dma_start3A_765 = tpu.memref_slice %arg5[%dma_start3A_760, %dma_start3A_764] : memref<80x128xi32, #tpu.memory_space<vmem>> -> memref<1x128xi32, #tpu.memory_space<vmem>>
    %dma_start3A_766 = tpu.memref_squeeze %dma_start3A_765 : memref<1x128xi32, #tpu.memory_space<vmem>> -> memref<128xi32, #tpu.memory_space<vmem>>
    %dma_start3A_767 = arith.constant 0 : i32
    %dma_start3A_768 = tpu.memref_slice %arg8[%dma_start3A_767] : memref<10240xf32, #tpu.memory_space<vmem_shared>> -> memref<10240xf32, #tpu.memory_space<vmem_shared>>
    tpu.enqueue_indirect_dma source(%dma_start3A_763 : memref<128xf32, #tpu.memory_space<vmem>>) target(%dma_start3A_768 : memref<10240xf32, #tpu.memory_space<vmem_shared>>) offsets(%dma_start3A_766 : memref<128xi32, #tpu.memory_space<vmem>>) semaphore(%arg9 : memref<!tpu.dma_semaphore, #tpu.memory_space<semaphore_mem>>) {add = true}
    %dma_start3A_769 = arith.constant 44 : i32
    %dma_start3A_770 = arith.constant 44 : i32
    %dma_start3A_771 = arith.constant 0 : i32
    %dma_start3A_772 = tpu.memref_slice %arg6[%dma_start3A_769, %dma_start3A_771] : memref<80x128xf32, #tpu.memory_space<vmem>> -> memref<1x128xf32, #tpu.memory_space<vmem>>
    %dma_start3A_773 = tpu.memref_squeeze %dma_start3A_772 : memref<1x128xf32, #tpu.memory_space<vmem>> -> memref<128xf32, #tpu.memory_space<vmem>>
    %dma_start3A_774 = arith.constant 0 : i32
    %dma_start3A_775 = tpu.memref_slice %arg5[%dma_start3A_770, %dma_start3A_774] : memref<80x128xi32, #tpu.memory_space<vmem>> -> memref<1x128xi32, #tpu.memory_space<vmem>>
    %dma_start3A_776 = tpu.memref_squeeze %dma_start3A_775 : memref<1x128xi32, #tpu.memory_space<vmem>> -> memref<128xi32, #tpu.memory_space<vmem>>
    %dma_start3A_777 = arith.constant 0 : i32
    %dma_start3A_778 = tpu.memref_slice %arg8[%dma_start3A_777] : memref<10240xf32, #tpu.memory_space<vmem_shared>> -> memref<10240xf32, #tpu.memory_space<vmem_shared>>
    tpu.enqueue_indirect_dma source(%dma_start3A_773 : memref<128xf32, #tpu.memory_space<vmem>>) target(%dma_start3A_778 : memref<10240xf32, #tpu.memory_space<vmem_shared>>) offsets(%dma_start3A_776 : memref<128xi32, #tpu.memory_space<vmem>>) semaphore(%arg9 : memref<!tpu.dma_semaphore, #tpu.memory_space<semaphore_mem>>) {add = true}
    %dma_start3A_779 = arith.constant 45 : i32
    %dma_start3A_780 = arith.constant 45 : i32
    %dma_start3A_781 = arith.constant 0 : i32
    %dma_start3A_782 = tpu.memref_slice %arg6[%dma_start3A_779, %dma_start3A_781] : memref<80x128xf32, #tpu.memory_space<vmem>> -> memref<1x128xf32, #tpu.memory_space<vmem>>
    %dma_start3A_783 = tpu.memref_squeeze %dma_start3A_782 : memref<1x128xf32, #tpu.memory_space<vmem>> -> memref<128xf32, #tpu.memory_space<vmem>>
    %dma_start3A_784 = arith.constant 0 : i32
    %dma_start3A_785 = tpu.memref_slice %arg5[%dma_start3A_780, %dma_start3A_784] : memref<80x128xi32, #tpu.memory_space<vmem>> -> memref<1x128xi32, #tpu.memory_space<vmem>>
    %dma_start3A_786 = tpu.memref_squeeze %dma_start3A_785 : memref<1x128xi32, #tpu.memory_space<vmem>> -> memref<128xi32, #tpu.memory_space<vmem>>
    %dma_start3A_787 = arith.constant 0 : i32
    %dma_start3A_788 = tpu.memref_slice %arg8[%dma_start3A_787] : memref<10240xf32, #tpu.memory_space<vmem_shared>> -> memref<10240xf32, #tpu.memory_space<vmem_shared>>
    tpu.enqueue_indirect_dma source(%dma_start3A_783 : memref<128xf32, #tpu.memory_space<vmem>>) target(%dma_start3A_788 : memref<10240xf32, #tpu.memory_space<vmem_shared>>) offsets(%dma_start3A_786 : memref<128xi32, #tpu.memory_space<vmem>>) semaphore(%arg9 : memref<!tpu.dma_semaphore, #tpu.memory_space<semaphore_mem>>) {add = true}
    %dma_start3A_789 = arith.constant 46 : i32
    %dma_start3A_790 = arith.constant 46 : i32
    %dma_start3A_791 = arith.constant 0 : i32
    %dma_start3A_792 = tpu.memref_slice %arg6[%dma_start3A_789, %dma_start3A_791] : memref<80x128xf32, #tpu.memory_space<vmem>> -> memref<1x128xf32, #tpu.memory_space<vmem>>
    %dma_start3A_793 = tpu.memref_squeeze %dma_start3A_792 : memref<1x128xf32, #tpu.memory_space<vmem>> -> memref<128xf32, #tpu.memory_space<vmem>>
    %dma_start3A_794 = arith.constant 0 : i32
    %dma_start3A_795 = tpu.memref_slice %arg5[%dma_start3A_790, %dma_start3A_794] : memref<80x128xi32, #tpu.memory_space<vmem>> -> memref<1x128xi32, #tpu.memory_space<vmem>>
    %dma_start3A_796 = tpu.memref_squeeze %dma_start3A_795 : memref<1x128xi32, #tpu.memory_space<vmem>> -> memref<128xi32, #tpu.memory_space<vmem>>
    %dma_start3A_797 = arith.constant 0 : i32
    %dma_start3A_798 = tpu.memref_slice %arg8[%dma_start3A_797] : memref<10240xf32, #tpu.memory_space<vmem_shared>> -> memref<10240xf32, #tpu.memory_space<vmem_shared>>
    tpu.enqueue_indirect_dma source(%dma_start3A_793 : memref<128xf32, #tpu.memory_space<vmem>>) target(%dma_start3A_798 : memref<10240xf32, #tpu.memory_space<vmem_shared>>) offsets(%dma_start3A_796 : memref<128xi32, #tpu.memory_space<vmem>>) semaphore(%arg9 : memref<!tpu.dma_semaphore, #tpu.memory_space<semaphore_mem>>) {add = true}
    %dma_start3A_799 = arith.constant 47 : i32
    %dma_start3A_800 = arith.constant 47 : i32
    %dma_start3A_801 = arith.constant 0 : i32
    %dma_start3A_802 = tpu.memref_slice %arg6[%dma_start3A_799, %dma_start3A_801] : memref<80x128xf32, #tpu.memory_space<vmem>> -> memref<1x128xf32, #tpu.memory_space<vmem>>
    %dma_start3A_803 = tpu.memref_squeeze %dma_start3A_802 : memref<1x128xf32, #tpu.memory_space<vmem>> -> memref<128xf32, #tpu.memory_space<vmem>>
    %dma_start3A_804 = arith.constant 0 : i32
    %dma_start3A_805 = tpu.memref_slice %arg5[%dma_start3A_800, %dma_start3A_804] : memref<80x128xi32, #tpu.memory_space<vmem>> -> memref<1x128xi32, #tpu.memory_space<vmem>>
    %dma_start3A_806 = tpu.memref_squeeze %dma_start3A_805 : memref<1x128xi32, #tpu.memory_space<vmem>> -> memref<128xi32, #tpu.memory_space<vmem>>
    %dma_start3A_807 = arith.constant 0 : i32
    %dma_start3A_808 = tpu.memref_slice %arg8[%dma_start3A_807] : memref<10240xf32, #tpu.memory_space<vmem_shared>> -> memref<10240xf32, #tpu.memory_space<vmem_shared>>
    tpu.enqueue_indirect_dma source(%dma_start3A_803 : memref<128xf32, #tpu.memory_space<vmem>>) target(%dma_start3A_808 : memref<10240xf32, #tpu.memory_space<vmem_shared>>) offsets(%dma_start3A_806 : memref<128xi32, #tpu.memory_space<vmem>>) semaphore(%arg9 : memref<!tpu.dma_semaphore, #tpu.memory_space<semaphore_mem>>) {add = true}
    %dma_wait3A_809 = arith.constant 32 : i32
    %dma_wait3A_810 = arith.constant 32 : i32
    %dma_wait3A_811 = arith.constant 0 : i32
    %dma_wait3A_812 = tpu.memref_slice %arg6[%dma_wait3A_809, %dma_wait3A_811] : memref<80x128xf32, #tpu.memory_space<vmem>> -> memref<1x128xf32, #tpu.memory_space<vmem>>
    %dma_wait3A_813 = tpu.memref_squeeze %dma_wait3A_812 : memref<1x128xf32, #tpu.memory_space<vmem>> -> memref<128xf32, #tpu.memory_space<vmem>>
    %dma_wait3A_814 = arith.constant 0 : i32
    %dma_wait3A_815 = tpu.memref_slice %arg5[%dma_wait3A_810, %dma_wait3A_814] : memref<80x128xi32, #tpu.memory_space<vmem>> -> memref<1x128xi32, #tpu.memory_space<vmem>>
    %dma_wait3A_816 = tpu.memref_squeeze %dma_wait3A_815 : memref<1x128xi32, #tpu.memory_space<vmem>> -> memref<128xi32, #tpu.memory_space<vmem>>
    %dma_wait3A_817 = arith.constant 0 : i32
    %dma_wait3A_818 = tpu.memref_slice %arg8[%dma_wait3A_817] : memref<10240xf32, #tpu.memory_space<vmem_shared>> -> memref<10240xf32, #tpu.memory_space<vmem_shared>>
    tpu.wait_indirect_dma semaphore(%arg9 : memref<!tpu.dma_semaphore, #tpu.memory_space<semaphore_mem>>) src(%dma_wait3A_813 : memref<128xf32, #tpu.memory_space<vmem>>) dst(%dma_wait3A_818 : memref<10240xf32, #tpu.memory_space<vmem_shared>>)
    %dma_wait3A_819 = arith.constant 33 : i32
    %dma_wait3A_820 = arith.constant 33 : i32
    %dma_wait3A_821 = arith.constant 0 : i32
    %dma_wait3A_822 = tpu.memref_slice %arg6[%dma_wait3A_819, %dma_wait3A_821] : memref<80x128xf32, #tpu.memory_space<vmem>> -> memref<1x128xf32, #tpu.memory_space<vmem>>
    %dma_wait3A_823 = tpu.memref_squeeze %dma_wait3A_822 : memref<1x128xf32, #tpu.memory_space<vmem>> -> memref<128xf32, #tpu.memory_space<vmem>>
    %dma_wait3A_824 = arith.constant 0 : i32
    %dma_wait3A_825 = tpu.memref_slice %arg5[%dma_wait3A_820, %dma_wait3A_824] : memref<80x128xi32, #tpu.memory_space<vmem>> -> memref<1x128xi32, #tpu.memory_space<vmem>>
    %dma_wait3A_826 = tpu.memref_squeeze %dma_wait3A_825 : memref<1x128xi32, #tpu.memory_space<vmem>> -> memref<128xi32, #tpu.memory_space<vmem>>
    %dma_wait3A_827 = arith.constant 0 : i32
    %dma_wait3A_828 = tpu.memref_slice %arg8[%dma_wait3A_827] : memref<10240xf32, #tpu.memory_space<vmem_shared>> -> memref<10240xf32, #tpu.memory_space<vmem_shared>>
    tpu.wait_indirect_dma semaphore(%arg9 : memref<!tpu.dma_semaphore, #tpu.memory_space<semaphore_mem>>) src(%dma_wait3A_823 : memref<128xf32, #tpu.memory_space<vmem>>) dst(%dma_wait3A_828 : memref<10240xf32, #tpu.memory_space<vmem_shared>>)
    %dma_wait3A_829 = arith.constant 34 : i32
    %dma_wait3A_830 = arith.constant 34 : i32
    %dma_wait3A_831 = arith.constant 0 : i32
    %dma_wait3A_832 = tpu.memref_slice %arg6[%dma_wait3A_829, %dma_wait3A_831] : memref<80x128xf32, #tpu.memory_space<vmem>> -> memref<1x128xf32, #tpu.memory_space<vmem>>
    %dma_wait3A_833 = tpu.memref_squeeze %dma_wait3A_832 : memref<1x128xf32, #tpu.memory_space<vmem>> -> memref<128xf32, #tpu.memory_space<vmem>>
    %dma_wait3A_834 = arith.constant 0 : i32
    %dma_wait3A_835 = tpu.memref_slice %arg5[%dma_wait3A_830, %dma_wait3A_834] : memref<80x128xi32, #tpu.memory_space<vmem>> -> memref<1x128xi32, #tpu.memory_space<vmem>>
    %dma_wait3A_836 = tpu.memref_squeeze %dma_wait3A_835 : memref<1x128xi32, #tpu.memory_space<vmem>> -> memref<128xi32, #tpu.memory_space<vmem>>
    %dma_wait3A_837 = arith.constant 0 : i32
    %dma_wait3A_838 = tpu.memref_slice %arg8[%dma_wait3A_837] : memref<10240xf32, #tpu.memory_space<vmem_shared>> -> memref<10240xf32, #tpu.memory_space<vmem_shared>>
    tpu.wait_indirect_dma semaphore(%arg9 : memref<!tpu.dma_semaphore, #tpu.memory_space<semaphore_mem>>) src(%dma_wait3A_833 : memref<128xf32, #tpu.memory_space<vmem>>) dst(%dma_wait3A_838 : memref<10240xf32, #tpu.memory_space<vmem_shared>>)
    %dma_wait3A_839 = arith.constant 35 : i32
    %dma_wait3A_840 = arith.constant 35 : i32
    %dma_wait3A_841 = arith.constant 0 : i32
    %dma_wait3A_842 = tpu.memref_slice %arg6[%dma_wait3A_839, %dma_wait3A_841] : memref<80x128xf32, #tpu.memory_space<vmem>> -> memref<1x128xf32, #tpu.memory_space<vmem>>
    %dma_wait3A_843 = tpu.memref_squeeze %dma_wait3A_842 : memref<1x128xf32, #tpu.memory_space<vmem>> -> memref<128xf32, #tpu.memory_space<vmem>>
    %dma_wait3A_844 = arith.constant 0 : i32
    %dma_wait3A_845 = tpu.memref_slice %arg5[%dma_wait3A_840, %dma_wait3A_844] : memref<80x128xi32, #tpu.memory_space<vmem>> -> memref<1x128xi32, #tpu.memory_space<vmem>>
    %dma_wait3A_846 = tpu.memref_squeeze %dma_wait3A_845 : memref<1x128xi32, #tpu.memory_space<vmem>> -> memref<128xi32, #tpu.memory_space<vmem>>
    %dma_wait3A_847 = arith.constant 0 : i32
    %dma_wait3A_848 = tpu.memref_slice %arg8[%dma_wait3A_847] : memref<10240xf32, #tpu.memory_space<vmem_shared>> -> memref<10240xf32, #tpu.memory_space<vmem_shared>>
    tpu.wait_indirect_dma semaphore(%arg9 : memref<!tpu.dma_semaphore, #tpu.memory_space<semaphore_mem>>) src(%dma_wait3A_843 : memref<128xf32, #tpu.memory_space<vmem>>) dst(%dma_wait3A_848 : memref<10240xf32, #tpu.memory_space<vmem_shared>>)
    %dma_wait3A_849 = arith.constant 36 : i32
    %dma_wait3A_850 = arith.constant 36 : i32
    %dma_wait3A_851 = arith.constant 0 : i32
    %dma_wait3A_852 = tpu.memref_slice %arg6[%dma_wait3A_849, %dma_wait3A_851] : memref<80x128xf32, #tpu.memory_space<vmem>> -> memref<1x128xf32, #tpu.memory_space<vmem>>
    %dma_wait3A_853 = tpu.memref_squeeze %dma_wait3A_852 : memref<1x128xf32, #tpu.memory_space<vmem>> -> memref<128xf32, #tpu.memory_space<vmem>>
    %dma_wait3A_854 = arith.constant 0 : i32
    %dma_wait3A_855 = tpu.memref_slice %arg5[%dma_wait3A_850, %dma_wait3A_854] : memref<80x128xi32, #tpu.memory_space<vmem>> -> memref<1x128xi32, #tpu.memory_space<vmem>>
    %dma_wait3A_856 = tpu.memref_squeeze %dma_wait3A_855 : memref<1x128xi32, #tpu.memory_space<vmem>> -> memref<128xi32, #tpu.memory_space<vmem>>
    %dma_wait3A_857 = arith.constant 0 : i32
    %dma_wait3A_858 = tpu.memref_slice %arg8[%dma_wait3A_857] : memref<10240xf32, #tpu.memory_space<vmem_shared>> -> memref<10240xf32, #tpu.memory_space<vmem_shared>>
    tpu.wait_indirect_dma semaphore(%arg9 : memref<!tpu.dma_semaphore, #tpu.memory_space<semaphore_mem>>) src(%dma_wait3A_853 : memref<128xf32, #tpu.memory_space<vmem>>) dst(%dma_wait3A_858 : memref<10240xf32, #tpu.memory_space<vmem_shared>>)
    %dma_wait3A_859 = arith.constant 37 : i32
    %dma_wait3A_860 = arith.constant 37 : i32
    %dma_wait3A_861 = arith.constant 0 : i32
    %dma_wait3A_862 = tpu.memref_slice %arg6[%dma_wait3A_859, %dma_wait3A_861] : memref<80x128xf32, #tpu.memory_space<vmem>> -> memref<1x128xf32, #tpu.memory_space<vmem>>
    %dma_wait3A_863 = tpu.memref_squeeze %dma_wait3A_862 : memref<1x128xf32, #tpu.memory_space<vmem>> -> memref<128xf32, #tpu.memory_space<vmem>>
    %dma_wait3A_864 = arith.constant 0 : i32
    %dma_wait3A_865 = tpu.memref_slice %arg5[%dma_wait3A_860, %dma_wait3A_864] : memref<80x128xi32, #tpu.memory_space<vmem>> -> memref<1x128xi32, #tpu.memory_space<vmem>>
    %dma_wait3A_866 = tpu.memref_squeeze %dma_wait3A_865 : memref<1x128xi32, #tpu.memory_space<vmem>> -> memref<128xi32, #tpu.memory_space<vmem>>
    %dma_wait3A_867 = arith.constant 0 : i32
    %dma_wait3A_868 = tpu.memref_slice %arg8[%dma_wait3A_867] : memref<10240xf32, #tpu.memory_space<vmem_shared>> -> memref<10240xf32, #tpu.memory_space<vmem_shared>>
    tpu.wait_indirect_dma semaphore(%arg9 : memref<!tpu.dma_semaphore, #tpu.memory_space<semaphore_mem>>) src(%dma_wait3A_863 : memref<128xf32, #tpu.memory_space<vmem>>) dst(%dma_wait3A_868 : memref<10240xf32, #tpu.memory_space<vmem_shared>>)
    %dma_wait3A_869 = arith.constant 38 : i32
    %dma_wait3A_870 = arith.constant 38 : i32
    %dma_wait3A_871 = arith.constant 0 : i32
    %dma_wait3A_872 = tpu.memref_slice %arg6[%dma_wait3A_869, %dma_wait3A_871] : memref<80x128xf32, #tpu.memory_space<vmem>> -> memref<1x128xf32, #tpu.memory_space<vmem>>
    %dma_wait3A_873 = tpu.memref_squeeze %dma_wait3A_872 : memref<1x128xf32, #tpu.memory_space<vmem>> -> memref<128xf32, #tpu.memory_space<vmem>>
    %dma_wait3A_874 = arith.constant 0 : i32
    %dma_wait3A_875 = tpu.memref_slice %arg5[%dma_wait3A_870, %dma_wait3A_874] : memref<80x128xi32, #tpu.memory_space<vmem>> -> memref<1x128xi32, #tpu.memory_space<vmem>>
    %dma_wait3A_876 = tpu.memref_squeeze %dma_wait3A_875 : memref<1x128xi32, #tpu.memory_space<vmem>> -> memref<128xi32, #tpu.memory_space<vmem>>
    %dma_wait3A_877 = arith.constant 0 : i32
    %dma_wait3A_878 = tpu.memref_slice %arg8[%dma_wait3A_877] : memref<10240xf32, #tpu.memory_space<vmem_shared>> -> memref<10240xf32, #tpu.memory_space<vmem_shared>>
    tpu.wait_indirect_dma semaphore(%arg9 : memref<!tpu.dma_semaphore, #tpu.memory_space<semaphore_mem>>) src(%dma_wait3A_873 : memref<128xf32, #tpu.memory_space<vmem>>) dst(%dma_wait3A_878 : memref<10240xf32, #tpu.memory_space<vmem_shared>>)
    %dma_wait3A_879 = arith.constant 39 : i32
    %dma_wait3A_880 = arith.constant 39 : i32
    %dma_wait3A_881 = arith.constant 0 : i32
    %dma_wait3A_882 = tpu.memref_slice %arg6[%dma_wait3A_879, %dma_wait3A_881] : memref<80x128xf32, #tpu.memory_space<vmem>> -> memref<1x128xf32, #tpu.memory_space<vmem>>
    %dma_wait3A_883 = tpu.memref_squeeze %dma_wait3A_882 : memref<1x128xf32, #tpu.memory_space<vmem>> -> memref<128xf32, #tpu.memory_space<vmem>>
    %dma_wait3A_884 = arith.constant 0 : i32
    %dma_wait3A_885 = tpu.memref_slice %arg5[%dma_wait3A_880, %dma_wait3A_884] : memref<80x128xi32, #tpu.memory_space<vmem>> -> memref<1x128xi32, #tpu.memory_space<vmem>>
    %dma_wait3A_886 = tpu.memref_squeeze %dma_wait3A_885 : memref<1x128xi32, #tpu.memory_space<vmem>> -> memref<128xi32, #tpu.memory_space<vmem>>
    %dma_wait3A_887 = arith.constant 0 : i32
    %dma_wait3A_888 = tpu.memref_slice %arg8[%dma_wait3A_887] : memref<10240xf32, #tpu.memory_space<vmem_shared>> -> memref<10240xf32, #tpu.memory_space<vmem_shared>>
    tpu.wait_indirect_dma semaphore(%arg9 : memref<!tpu.dma_semaphore, #tpu.memory_space<semaphore_mem>>) src(%dma_wait3A_883 : memref<128xf32, #tpu.memory_space<vmem>>) dst(%dma_wait3A_888 : memref<10240xf32, #tpu.memory_space<vmem_shared>>)
    %dma_wait3A_889 = arith.constant 40 : i32
    %dma_wait3A_890 = arith.constant 40 : i32
    %dma_wait3A_891 = arith.constant 0 : i32
    %dma_wait3A_892 = tpu.memref_slice %arg6[%dma_wait3A_889, %dma_wait3A_891] : memref<80x128xf32, #tpu.memory_space<vmem>> -> memref<1x128xf32, #tpu.memory_space<vmem>>
    %dma_wait3A_893 = tpu.memref_squeeze %dma_wait3A_892 : memref<1x128xf32, #tpu.memory_space<vmem>> -> memref<128xf32, #tpu.memory_space<vmem>>
    %dma_wait3A_894 = arith.constant 0 : i32
    %dma_wait3A_895 = tpu.memref_slice %arg5[%dma_wait3A_890, %dma_wait3A_894] : memref<80x128xi32, #tpu.memory_space<vmem>> -> memref<1x128xi32, #tpu.memory_space<vmem>>
    %dma_wait3A_896 = tpu.memref_squeeze %dma_wait3A_895 : memref<1x128xi32, #tpu.memory_space<vmem>> -> memref<128xi32, #tpu.memory_space<vmem>>
    %dma_wait3A_897 = arith.constant 0 : i32
    %dma_wait3A_898 = tpu.memref_slice %arg8[%dma_wait3A_897] : memref<10240xf32, #tpu.memory_space<vmem_shared>> -> memref<10240xf32, #tpu.memory_space<vmem_shared>>
    tpu.wait_indirect_dma semaphore(%arg9 : memref<!tpu.dma_semaphore, #tpu.memory_space<semaphore_mem>>) src(%dma_wait3A_893 : memref<128xf32, #tpu.memory_space<vmem>>) dst(%dma_wait3A_898 : memref<10240xf32, #tpu.memory_space<vmem_shared>>)
    %dma_wait3A_899 = arith.constant 41 : i32
    %dma_wait3A_900 = arith.constant 41 : i32
    %dma_wait3A_901 = arith.constant 0 : i32
    %dma_wait3A_902 = tpu.memref_slice %arg6[%dma_wait3A_899, %dma_wait3A_901] : memref<80x128xf32, #tpu.memory_space<vmem>> -> memref<1x128xf32, #tpu.memory_space<vmem>>
    %dma_wait3A_903 = tpu.memref_squeeze %dma_wait3A_902 : memref<1x128xf32, #tpu.memory_space<vmem>> -> memref<128xf32, #tpu.memory_space<vmem>>
    %dma_wait3A_904 = arith.constant 0 : i32
    %dma_wait3A_905 = tpu.memref_slice %arg5[%dma_wait3A_900, %dma_wait3A_904] : memref<80x128xi32, #tpu.memory_space<vmem>> -> memref<1x128xi32, #tpu.memory_space<vmem>>
    %dma_wait3A_906 = tpu.memref_squeeze %dma_wait3A_905 : memref<1x128xi32, #tpu.memory_space<vmem>> -> memref<128xi32, #tpu.memory_space<vmem>>
    %dma_wait3A_907 = arith.constant 0 : i32
    %dma_wait3A_908 = tpu.memref_slice %arg8[%dma_wait3A_907] : memref<10240xf32, #tpu.memory_space<vmem_shared>> -> memref<10240xf32, #tpu.memory_space<vmem_shared>>
    tpu.wait_indirect_dma semaphore(%arg9 : memref<!tpu.dma_semaphore, #tpu.memory_space<semaphore_mem>>) src(%dma_wait3A_903 : memref<128xf32, #tpu.memory_space<vmem>>) dst(%dma_wait3A_908 : memref<10240xf32, #tpu.memory_space<vmem_shared>>)
    %dma_wait3A_909 = arith.constant 42 : i32
    %dma_wait3A_910 = arith.constant 42 : i32
    %dma_wait3A_911 = arith.constant 0 : i32
    %dma_wait3A_912 = tpu.memref_slice %arg6[%dma_wait3A_909, %dma_wait3A_911] : memref<80x128xf32, #tpu.memory_space<vmem>> -> memref<1x128xf32, #tpu.memory_space<vmem>>
    %dma_wait3A_913 = tpu.memref_squeeze %dma_wait3A_912 : memref<1x128xf32, #tpu.memory_space<vmem>> -> memref<128xf32, #tpu.memory_space<vmem>>
    %dma_wait3A_914 = arith.constant 0 : i32
    %dma_wait3A_915 = tpu.memref_slice %arg5[%dma_wait3A_910, %dma_wait3A_914] : memref<80x128xi32, #tpu.memory_space<vmem>> -> memref<1x128xi32, #tpu.memory_space<vmem>>
    %dma_wait3A_916 = tpu.memref_squeeze %dma_wait3A_915 : memref<1x128xi32, #tpu.memory_space<vmem>> -> memref<128xi32, #tpu.memory_space<vmem>>
    %dma_wait3A_917 = arith.constant 0 : i32
    %dma_wait3A_918 = tpu.memref_slice %arg8[%dma_wait3A_917] : memref<10240xf32, #tpu.memory_space<vmem_shared>> -> memref<10240xf32, #tpu.memory_space<vmem_shared>>
    tpu.wait_indirect_dma semaphore(%arg9 : memref<!tpu.dma_semaphore, #tpu.memory_space<semaphore_mem>>) src(%dma_wait3A_913 : memref<128xf32, #tpu.memory_space<vmem>>) dst(%dma_wait3A_918 : memref<10240xf32, #tpu.memory_space<vmem_shared>>)
    %dma_wait3A_919 = arith.constant 43 : i32
    %dma_wait3A_920 = arith.constant 43 : i32
    %dma_wait3A_921 = arith.constant 0 : i32
    %dma_wait3A_922 = tpu.memref_slice %arg6[%dma_wait3A_919, %dma_wait3A_921] : memref<80x128xf32, #tpu.memory_space<vmem>> -> memref<1x128xf32, #tpu.memory_space<vmem>>
    %dma_wait3A_923 = tpu.memref_squeeze %dma_wait3A_922 : memref<1x128xf32, #tpu.memory_space<vmem>> -> memref<128xf32, #tpu.memory_space<vmem>>
    %dma_wait3A_924 = arith.constant 0 : i32
    %dma_wait3A_925 = tpu.memref_slice %arg5[%dma_wait3A_920, %dma_wait3A_924] : memref<80x128xi32, #tpu.memory_space<vmem>> -> memref<1x128xi32, #tpu.memory_space<vmem>>
    %dma_wait3A_926 = tpu.memref_squeeze %dma_wait3A_925 : memref<1x128xi32, #tpu.memory_space<vmem>> -> memref<128xi32, #tpu.memory_space<vmem>>
    %dma_wait3A_927 = arith.constant 0 : i32
    %dma_wait3A_928 = tpu.memref_slice %arg8[%dma_wait3A_927] : memref<10240xf32, #tpu.memory_space<vmem_shared>> -> memref<10240xf32, #tpu.memory_space<vmem_shared>>
    tpu.wait_indirect_dma semaphore(%arg9 : memref<!tpu.dma_semaphore, #tpu.memory_space<semaphore_mem>>) src(%dma_wait3A_923 : memref<128xf32, #tpu.memory_space<vmem>>) dst(%dma_wait3A_928 : memref<10240xf32, #tpu.memory_space<vmem_shared>>)
    %dma_wait3A_929 = arith.constant 44 : i32
    %dma_wait3A_930 = arith.constant 44 : i32
    %dma_wait3A_931 = arith.constant 0 : i32
    %dma_wait3A_932 = tpu.memref_slice %arg6[%dma_wait3A_929, %dma_wait3A_931] : memref<80x128xf32, #tpu.memory_space<vmem>> -> memref<1x128xf32, #tpu.memory_space<vmem>>
    %dma_wait3A_933 = tpu.memref_squeeze %dma_wait3A_932 : memref<1x128xf32, #tpu.memory_space<vmem>> -> memref<128xf32, #tpu.memory_space<vmem>>
    %dma_wait3A_934 = arith.constant 0 : i32
    %dma_wait3A_935 = tpu.memref_slice %arg5[%dma_wait3A_930, %dma_wait3A_934] : memref<80x128xi32, #tpu.memory_space<vmem>> -> memref<1x128xi32, #tpu.memory_space<vmem>>
    %dma_wait3A_936 = tpu.memref_squeeze %dma_wait3A_935 : memref<1x128xi32, #tpu.memory_space<vmem>> -> memref<128xi32, #tpu.memory_space<vmem>>
    %dma_wait3A_937 = arith.constant 0 : i32
    %dma_wait3A_938 = tpu.memref_slice %arg8[%dma_wait3A_937] : memref<10240xf32, #tpu.memory_space<vmem_shared>> -> memref<10240xf32, #tpu.memory_space<vmem_shared>>
    tpu.wait_indirect_dma semaphore(%arg9 : memref<!tpu.dma_semaphore, #tpu.memory_space<semaphore_mem>>) src(%dma_wait3A_933 : memref<128xf32, #tpu.memory_space<vmem>>) dst(%dma_wait3A_938 : memref<10240xf32, #tpu.memory_space<vmem_shared>>)
    %dma_wait3A_939 = arith.constant 45 : i32
    %dma_wait3A_940 = arith.constant 45 : i32
    %dma_wait3A_941 = arith.constant 0 : i32
    %dma_wait3A_942 = tpu.memref_slice %arg6[%dma_wait3A_939, %dma_wait3A_941] : memref<80x128xf32, #tpu.memory_space<vmem>> -> memref<1x128xf32, #tpu.memory_space<vmem>>
    %dma_wait3A_943 = tpu.memref_squeeze %dma_wait3A_942 : memref<1x128xf32, #tpu.memory_space<vmem>> -> memref<128xf32, #tpu.memory_space<vmem>>
    %dma_wait3A_944 = arith.constant 0 : i32
    %dma_wait3A_945 = tpu.memref_slice %arg5[%dma_wait3A_940, %dma_wait3A_944] : memref<80x128xi32, #tpu.memory_space<vmem>> -> memref<1x128xi32, #tpu.memory_space<vmem>>
    %dma_wait3A_946 = tpu.memref_squeeze %dma_wait3A_945 : memref<1x128xi32, #tpu.memory_space<vmem>> -> memref<128xi32, #tpu.memory_space<vmem>>
    %dma_wait3A_947 = arith.constant 0 : i32
    %dma_wait3A_948 = tpu.memref_slice %arg8[%dma_wait3A_947] : memref<10240xf32, #tpu.memory_space<vmem_shared>> -> memref<10240xf32, #tpu.memory_space<vmem_shared>>
    tpu.wait_indirect_dma semaphore(%arg9 : memref<!tpu.dma_semaphore, #tpu.memory_space<semaphore_mem>>) src(%dma_wait3A_943 : memref<128xf32, #tpu.memory_space<vmem>>) dst(%dma_wait3A_948 : memref<10240xf32, #tpu.memory_space<vmem_shared>>)
    %dma_wait3A_949 = arith.constant 46 : i32
    %dma_wait3A_950 = arith.constant 46 : i32
    %dma_wait3A_951 = arith.constant 0 : i32
    %dma_wait3A_952 = tpu.memref_slice %arg6[%dma_wait3A_949, %dma_wait3A_951] : memref<80x128xf32, #tpu.memory_space<vmem>> -> memref<1x128xf32, #tpu.memory_space<vmem>>
    %dma_wait3A_953 = tpu.memref_squeeze %dma_wait3A_952 : memref<1x128xf32, #tpu.memory_space<vmem>> -> memref<128xf32, #tpu.memory_space<vmem>>
    %dma_wait3A_954 = arith.constant 0 : i32
    %dma_wait3A_955 = tpu.memref_slice %arg5[%dma_wait3A_950, %dma_wait3A_954] : memref<80x128xi32, #tpu.memory_space<vmem>> -> memref<1x128xi32, #tpu.memory_space<vmem>>
    %dma_wait3A_956 = tpu.memref_squeeze %dma_wait3A_955 : memref<1x128xi32, #tpu.memory_space<vmem>> -> memref<128xi32, #tpu.memory_space<vmem>>
    %dma_wait3A_957 = arith.constant 0 : i32
    %dma_wait3A_958 = tpu.memref_slice %arg8[%dma_wait3A_957] : memref<10240xf32, #tpu.memory_space<vmem_shared>> -> memref<10240xf32, #tpu.memory_space<vmem_shared>>
    tpu.wait_indirect_dma semaphore(%arg9 : memref<!tpu.dma_semaphore, #tpu.memory_space<semaphore_mem>>) src(%dma_wait3A_953 : memref<128xf32, #tpu.memory_space<vmem>>) dst(%dma_wait3A_958 : memref<10240xf32, #tpu.memory_space<vmem_shared>>)
    %dma_wait3A_959 = arith.constant 47 : i32
    %dma_wait3A_960 = arith.constant 47 : i32
    %dma_wait3A_961 = arith.constant 0 : i32
    %dma_wait3A_962 = tpu.memref_slice %arg6[%dma_wait3A_959, %dma_wait3A_961] : memref<80x128xf32, #tpu.memory_space<vmem>> -> memref<1x128xf32, #tpu.memory_space<vmem>>
    %dma_wait3A_963 = tpu.memref_squeeze %dma_wait3A_962 : memref<1x128xf32, #tpu.memory_space<vmem>> -> memref<128xf32, #tpu.memory_space<vmem>>
    %dma_wait3A_964 = arith.constant 0 : i32
    %dma_wait3A_965 = tpu.memref_slice %arg5[%dma_wait3A_960, %dma_wait3A_964] : memref<80x128xi32, #tpu.memory_space<vmem>> -> memref<1x128xi32, #tpu.memory_space<vmem>>
    %dma_wait3A_966 = tpu.memref_squeeze %dma_wait3A_965 : memref<1x128xi32, #tpu.memory_space<vmem>> -> memref<128xi32, #tpu.memory_space<vmem>>
    %dma_wait3A_967 = arith.constant 0 : i32
    %dma_wait3A_968 = tpu.memref_slice %arg8[%dma_wait3A_967] : memref<10240xf32, #tpu.memory_space<vmem_shared>> -> memref<10240xf32, #tpu.memory_space<vmem_shared>>
    tpu.wait_indirect_dma semaphore(%arg9 : memref<!tpu.dma_semaphore, #tpu.memory_space<semaphore_mem>>) src(%dma_wait3A_963 : memref<128xf32, #tpu.memory_space<vmem>>) dst(%dma_wait3A_968 : memref<10240xf32, #tpu.memory_space<vmem_shared>>)
    %dma_start3A_969 = arith.constant 48 : i32
    %dma_start3A_970 = arith.constant 48 : i32
    %dma_start3A_971 = arith.constant 0 : i32
    %dma_start3A_972 = tpu.memref_slice %arg6[%dma_start3A_969, %dma_start3A_971] : memref<80x128xf32, #tpu.memory_space<vmem>> -> memref<1x128xf32, #tpu.memory_space<vmem>>
    %dma_start3A_973 = tpu.memref_squeeze %dma_start3A_972 : memref<1x128xf32, #tpu.memory_space<vmem>> -> memref<128xf32, #tpu.memory_space<vmem>>
    %dma_start3A_974 = arith.constant 0 : i32
    %dma_start3A_975 = tpu.memref_slice %arg5[%dma_start3A_970, %dma_start3A_974] : memref<80x128xi32, #tpu.memory_space<vmem>> -> memref<1x128xi32, #tpu.memory_space<vmem>>
    %dma_start3A_976 = tpu.memref_squeeze %dma_start3A_975 : memref<1x128xi32, #tpu.memory_space<vmem>> -> memref<128xi32, #tpu.memory_space<vmem>>
    %dma_start3A_977 = arith.constant 0 : i32
    %dma_start3A_978 = tpu.memref_slice %arg8[%dma_start3A_977] : memref<10240xf32, #tpu.memory_space<vmem_shared>> -> memref<10240xf32, #tpu.memory_space<vmem_shared>>
    tpu.enqueue_indirect_dma source(%dma_start3A_973 : memref<128xf32, #tpu.memory_space<vmem>>) target(%dma_start3A_978 : memref<10240xf32, #tpu.memory_space<vmem_shared>>) offsets(%dma_start3A_976 : memref<128xi32, #tpu.memory_space<vmem>>) semaphore(%arg9 : memref<!tpu.dma_semaphore, #tpu.memory_space<semaphore_mem>>) {add = true}
    %dma_start3A_979 = arith.constant 49 : i32
    %dma_start3A_980 = arith.constant 49 : i32
    %dma_start3A_981 = arith.constant 0 : i32
    %dma_start3A_982 = tpu.memref_slice %arg6[%dma_start3A_979, %dma_start3A_981] : memref<80x128xf32, #tpu.memory_space<vmem>> -> memref<1x128xf32, #tpu.memory_space<vmem>>
    %dma_start3A_983 = tpu.memref_squeeze %dma_start3A_982 : memref<1x128xf32, #tpu.memory_space<vmem>> -> memref<128xf32, #tpu.memory_space<vmem>>
    %dma_start3A_984 = arith.constant 0 : i32
    %dma_start3A_985 = tpu.memref_slice %arg5[%dma_start3A_980, %dma_start3A_984] : memref<80x128xi32, #tpu.memory_space<vmem>> -> memref<1x128xi32, #tpu.memory_space<vmem>>
    %dma_start3A_986 = tpu.memref_squeeze %dma_start3A_985 : memref<1x128xi32, #tpu.memory_space<vmem>> -> memref<128xi32, #tpu.memory_space<vmem>>
    %dma_start3A_987 = arith.constant 0 : i32
    %dma_start3A_988 = tpu.memref_slice %arg8[%dma_start3A_987] : memref<10240xf32, #tpu.memory_space<vmem_shared>> -> memref<10240xf32, #tpu.memory_space<vmem_shared>>
    tpu.enqueue_indirect_dma source(%dma_start3A_983 : memref<128xf32, #tpu.memory_space<vmem>>) target(%dma_start3A_988 : memref<10240xf32, #tpu.memory_space<vmem_shared>>) offsets(%dma_start3A_986 : memref<128xi32, #tpu.memory_space<vmem>>) semaphore(%arg9 : memref<!tpu.dma_semaphore, #tpu.memory_space<semaphore_mem>>) {add = true}
    %dma_start3A_989 = arith.constant 50 : i32
    %dma_start3A_990 = arith.constant 50 : i32
    %dma_start3A_991 = arith.constant 0 : i32
    %dma_start3A_992 = tpu.memref_slice %arg6[%dma_start3A_989, %dma_start3A_991] : memref<80x128xf32, #tpu.memory_space<vmem>> -> memref<1x128xf32, #tpu.memory_space<vmem>>
    %dma_start3A_993 = tpu.memref_squeeze %dma_start3A_992 : memref<1x128xf32, #tpu.memory_space<vmem>> -> memref<128xf32, #tpu.memory_space<vmem>>
    %dma_start3A_994 = arith.constant 0 : i32
    %dma_start3A_995 = tpu.memref_slice %arg5[%dma_start3A_990, %dma_start3A_994] : memref<80x128xi32, #tpu.memory_space<vmem>> -> memref<1x128xi32, #tpu.memory_space<vmem>>
    %dma_start3A_996 = tpu.memref_squeeze %dma_start3A_995 : memref<1x128xi32, #tpu.memory_space<vmem>> -> memref<128xi32, #tpu.memory_space<vmem>>
    %dma_start3A_997 = arith.constant 0 : i32
    %dma_start3A_998 = tpu.memref_slice %arg8[%dma_start3A_997] : memref<10240xf32, #tpu.memory_space<vmem_shared>> -> memref<10240xf32, #tpu.memory_space<vmem_shared>>
    tpu.enqueue_indirect_dma source(%dma_start3A_993 : memref<128xf32, #tpu.memory_space<vmem>>) target(%dma_start3A_998 : memref<10240xf32, #tpu.memory_space<vmem_shared>>) offsets(%dma_start3A_996 : memref<128xi32, #tpu.memory_space<vmem>>) semaphore(%arg9 : memref<!tpu.dma_semaphore, #tpu.memory_space<semaphore_mem>>) {add = true}
    %dma_start3A_999 = arith.constant 51 : i32
    %dma_start3A_1000 = arith.constant 51 : i32
    %dma_start3A_1001 = arith.constant 0 : i32
    %dma_start3A_1002 = tpu.memref_slice %arg6[%dma_start3A_999, %dma_start3A_1001] : memref<80x128xf32, #tpu.memory_space<vmem>> -> memref<1x128xf32, #tpu.memory_space<vmem>>
    %dma_start3A_1003 = tpu.memref_squeeze %dma_start3A_1002 : memref<1x128xf32, #tpu.memory_space<vmem>> -> memref<128xf32, #tpu.memory_space<vmem>>
    %dma_start3A_1004 = arith.constant 0 : i32
    %dma_start3A_1005 = tpu.memref_slice %arg5[%dma_start3A_1000, %dma_start3A_1004] : memref<80x128xi32, #tpu.memory_space<vmem>> -> memref<1x128xi32, #tpu.memory_space<vmem>>
    %dma_start3A_1006 = tpu.memref_squeeze %dma_start3A_1005 : memref<1x128xi32, #tpu.memory_space<vmem>> -> memref<128xi32, #tpu.memory_space<vmem>>
    %dma_start3A_1007 = arith.constant 0 : i32
    %dma_start3A_1008 = tpu.memref_slice %arg8[%dma_start3A_1007] : memref<10240xf32, #tpu.memory_space<vmem_shared>> -> memref<10240xf32, #tpu.memory_space<vmem_shared>>
    tpu.enqueue_indirect_dma source(%dma_start3A_1003 : memref<128xf32, #tpu.memory_space<vmem>>) target(%dma_start3A_1008 : memref<10240xf32, #tpu.memory_space<vmem_shared>>) offsets(%dma_start3A_1006 : memref<128xi32, #tpu.memory_space<vmem>>) semaphore(%arg9 : memref<!tpu.dma_semaphore, #tpu.memory_space<semaphore_mem>>) {add = true}
    %dma_start3A_1009 = arith.constant 52 : i32
    %dma_start3A_1010 = arith.constant 52 : i32
    %dma_start3A_1011 = arith.constant 0 : i32
    %dma_start3A_1012 = tpu.memref_slice %arg6[%dma_start3A_1009, %dma_start3A_1011] : memref<80x128xf32, #tpu.memory_space<vmem>> -> memref<1x128xf32, #tpu.memory_space<vmem>>
    %dma_start3A_1013 = tpu.memref_squeeze %dma_start3A_1012 : memref<1x128xf32, #tpu.memory_space<vmem>> -> memref<128xf32, #tpu.memory_space<vmem>>
    %dma_start3A_1014 = arith.constant 0 : i32
    %dma_start3A_1015 = tpu.memref_slice %arg5[%dma_start3A_1010, %dma_start3A_1014] : memref<80x128xi32, #tpu.memory_space<vmem>> -> memref<1x128xi32, #tpu.memory_space<vmem>>
    %dma_start3A_1016 = tpu.memref_squeeze %dma_start3A_1015 : memref<1x128xi32, #tpu.memory_space<vmem>> -> memref<128xi32, #tpu.memory_space<vmem>>
    %dma_start3A_1017 = arith.constant 0 : i32
    %dma_start3A_1018 = tpu.memref_slice %arg8[%dma_start3A_1017] : memref<10240xf32, #tpu.memory_space<vmem_shared>> -> memref<10240xf32, #tpu.memory_space<vmem_shared>>
    tpu.enqueue_indirect_dma source(%dma_start3A_1013 : memref<128xf32, #tpu.memory_space<vmem>>) target(%dma_start3A_1018 : memref<10240xf32, #tpu.memory_space<vmem_shared>>) offsets(%dma_start3A_1016 : memref<128xi32, #tpu.memory_space<vmem>>) semaphore(%arg9 : memref<!tpu.dma_semaphore, #tpu.memory_space<semaphore_mem>>) {add = true}
    %dma_start3A_1019 = arith.constant 53 : i32
    %dma_start3A_1020 = arith.constant 53 : i32
    %dma_start3A_1021 = arith.constant 0 : i32
    %dma_start3A_1022 = tpu.memref_slice %arg6[%dma_start3A_1019, %dma_start3A_1021] : memref<80x128xf32, #tpu.memory_space<vmem>> -> memref<1x128xf32, #tpu.memory_space<vmem>>
    %dma_start3A_1023 = tpu.memref_squeeze %dma_start3A_1022 : memref<1x128xf32, #tpu.memory_space<vmem>> -> memref<128xf32, #tpu.memory_space<vmem>>
    %dma_start3A_1024 = arith.constant 0 : i32
    %dma_start3A_1025 = tpu.memref_slice %arg5[%dma_start3A_1020, %dma_start3A_1024] : memref<80x128xi32, #tpu.memory_space<vmem>> -> memref<1x128xi32, #tpu.memory_space<vmem>>
    %dma_start3A_1026 = tpu.memref_squeeze %dma_start3A_1025 : memref<1x128xi32, #tpu.memory_space<vmem>> -> memref<128xi32, #tpu.memory_space<vmem>>
    %dma_start3A_1027 = arith.constant 0 : i32
    %dma_start3A_1028 = tpu.memref_slice %arg8[%dma_start3A_1027] : memref<10240xf32, #tpu.memory_space<vmem_shared>> -> memref<10240xf32, #tpu.memory_space<vmem_shared>>
    tpu.enqueue_indirect_dma source(%dma_start3A_1023 : memref<128xf32, #tpu.memory_space<vmem>>) target(%dma_start3A_1028 : memref<10240xf32, #tpu.memory_space<vmem_shared>>) offsets(%dma_start3A_1026 : memref<128xi32, #tpu.memory_space<vmem>>) semaphore(%arg9 : memref<!tpu.dma_semaphore, #tpu.memory_space<semaphore_mem>>) {add = true}
    %dma_start3A_1029 = arith.constant 54 : i32
    %dma_start3A_1030 = arith.constant 54 : i32
    %dma_start3A_1031 = arith.constant 0 : i32
    %dma_start3A_1032 = tpu.memref_slice %arg6[%dma_start3A_1029, %dma_start3A_1031] : memref<80x128xf32, #tpu.memory_space<vmem>> -> memref<1x128xf32, #tpu.memory_space<vmem>>
    %dma_start3A_1033 = tpu.memref_squeeze %dma_start3A_1032 : memref<1x128xf32, #tpu.memory_space<vmem>> -> memref<128xf32, #tpu.memory_space<vmem>>
    %dma_start3A_1034 = arith.constant 0 : i32
    %dma_start3A_1035 = tpu.memref_slice %arg5[%dma_start3A_1030, %dma_start3A_1034] : memref<80x128xi32, #tpu.memory_space<vmem>> -> memref<1x128xi32, #tpu.memory_space<vmem>>
    %dma_start3A_1036 = tpu.memref_squeeze %dma_start3A_1035 : memref<1x128xi32, #tpu.memory_space<vmem>> -> memref<128xi32, #tpu.memory_space<vmem>>
    %dma_start3A_1037 = arith.constant 0 : i32
    %dma_start3A_1038 = tpu.memref_slice %arg8[%dma_start3A_1037] : memref<10240xf32, #tpu.memory_space<vmem_shared>> -> memref<10240xf32, #tpu.memory_space<vmem_shared>>
    tpu.enqueue_indirect_dma source(%dma_start3A_1033 : memref<128xf32, #tpu.memory_space<vmem>>) target(%dma_start3A_1038 : memref<10240xf32, #tpu.memory_space<vmem_shared>>) offsets(%dma_start3A_1036 : memref<128xi32, #tpu.memory_space<vmem>>) semaphore(%arg9 : memref<!tpu.dma_semaphore, #tpu.memory_space<semaphore_mem>>) {add = true}
    %dma_start3A_1039 = arith.constant 55 : i32
    %dma_start3A_1040 = arith.constant 55 : i32
    %dma_start3A_1041 = arith.constant 0 : i32
    %dma_start3A_1042 = tpu.memref_slice %arg6[%dma_start3A_1039, %dma_start3A_1041] : memref<80x128xf32, #tpu.memory_space<vmem>> -> memref<1x128xf32, #tpu.memory_space<vmem>>
    %dma_start3A_1043 = tpu.memref_squeeze %dma_start3A_1042 : memref<1x128xf32, #tpu.memory_space<vmem>> -> memref<128xf32, #tpu.memory_space<vmem>>
    %dma_start3A_1044 = arith.constant 0 : i32
    %dma_start3A_1045 = tpu.memref_slice %arg5[%dma_start3A_1040, %dma_start3A_1044] : memref<80x128xi32, #tpu.memory_space<vmem>> -> memref<1x128xi32, #tpu.memory_space<vmem>>
    %dma_start3A_1046 = tpu.memref_squeeze %dma_start3A_1045 : memref<1x128xi32, #tpu.memory_space<vmem>> -> memref<128xi32, #tpu.memory_space<vmem>>
    %dma_start3A_1047 = arith.constant 0 : i32
    %dma_start3A_1048 = tpu.memref_slice %arg8[%dma_start3A_1047] : memref<10240xf32, #tpu.memory_space<vmem_shared>> -> memref<10240xf32, #tpu.memory_space<vmem_shared>>
    tpu.enqueue_indirect_dma source(%dma_start3A_1043 : memref<128xf32, #tpu.memory_space<vmem>>) target(%dma_start3A_1048 : memref<10240xf32, #tpu.memory_space<vmem_shared>>) offsets(%dma_start3A_1046 : memref<128xi32, #tpu.memory_space<vmem>>) semaphore(%arg9 : memref<!tpu.dma_semaphore, #tpu.memory_space<semaphore_mem>>) {add = true}
    %dma_start3A_1049 = arith.constant 56 : i32
    %dma_start3A_1050 = arith.constant 56 : i32
    %dma_start3A_1051 = arith.constant 0 : i32
    %dma_start3A_1052 = tpu.memref_slice %arg6[%dma_start3A_1049, %dma_start3A_1051] : memref<80x128xf32, #tpu.memory_space<vmem>> -> memref<1x128xf32, #tpu.memory_space<vmem>>
    %dma_start3A_1053 = tpu.memref_squeeze %dma_start3A_1052 : memref<1x128xf32, #tpu.memory_space<vmem>> -> memref<128xf32, #tpu.memory_space<vmem>>
    %dma_start3A_1054 = arith.constant 0 : i32
    %dma_start3A_1055 = tpu.memref_slice %arg5[%dma_start3A_1050, %dma_start3A_1054] : memref<80x128xi32, #tpu.memory_space<vmem>> -> memref<1x128xi32, #tpu.memory_space<vmem>>
    %dma_start3A_1056 = tpu.memref_squeeze %dma_start3A_1055 : memref<1x128xi32, #tpu.memory_space<vmem>> -> memref<128xi32, #tpu.memory_space<vmem>>
    %dma_start3A_1057 = arith.constant 0 : i32
    %dma_start3A_1058 = tpu.memref_slice %arg8[%dma_start3A_1057] : memref<10240xf32, #tpu.memory_space<vmem_shared>> -> memref<10240xf32, #tpu.memory_space<vmem_shared>>
    tpu.enqueue_indirect_dma source(%dma_start3A_1053 : memref<128xf32, #tpu.memory_space<vmem>>) target(%dma_start3A_1058 : memref<10240xf32, #tpu.memory_space<vmem_shared>>) offsets(%dma_start3A_1056 : memref<128xi32, #tpu.memory_space<vmem>>) semaphore(%arg9 : memref<!tpu.dma_semaphore, #tpu.memory_space<semaphore_mem>>) {add = true}
    %dma_start3A_1059 = arith.constant 57 : i32
    %dma_start3A_1060 = arith.constant 57 : i32
    %dma_start3A_1061 = arith.constant 0 : i32
    %dma_start3A_1062 = tpu.memref_slice %arg6[%dma_start3A_1059, %dma_start3A_1061] : memref<80x128xf32, #tpu.memory_space<vmem>> -> memref<1x128xf32, #tpu.memory_space<vmem>>
    %dma_start3A_1063 = tpu.memref_squeeze %dma_start3A_1062 : memref<1x128xf32, #tpu.memory_space<vmem>> -> memref<128xf32, #tpu.memory_space<vmem>>
    %dma_start3A_1064 = arith.constant 0 : i32
    %dma_start3A_1065 = tpu.memref_slice %arg5[%dma_start3A_1060, %dma_start3A_1064] : memref<80x128xi32, #tpu.memory_space<vmem>> -> memref<1x128xi32, #tpu.memory_space<vmem>>
    %dma_start3A_1066 = tpu.memref_squeeze %dma_start3A_1065 : memref<1x128xi32, #tpu.memory_space<vmem>> -> memref<128xi32, #tpu.memory_space<vmem>>
    %dma_start3A_1067 = arith.constant 0 : i32
    %dma_start3A_1068 = tpu.memref_slice %arg8[%dma_start3A_1067] : memref<10240xf32, #tpu.memory_space<vmem_shared>> -> memref<10240xf32, #tpu.memory_space<vmem_shared>>
    tpu.enqueue_indirect_dma source(%dma_start3A_1063 : memref<128xf32, #tpu.memory_space<vmem>>) target(%dma_start3A_1068 : memref<10240xf32, #tpu.memory_space<vmem_shared>>) offsets(%dma_start3A_1066 : memref<128xi32, #tpu.memory_space<vmem>>) semaphore(%arg9 : memref<!tpu.dma_semaphore, #tpu.memory_space<semaphore_mem>>) {add = true}
    %dma_start3A_1069 = arith.constant 58 : i32
    %dma_start3A_1070 = arith.constant 58 : i32
    %dma_start3A_1071 = arith.constant 0 : i32
    %dma_start3A_1072 = tpu.memref_slice %arg6[%dma_start3A_1069, %dma_start3A_1071] : memref<80x128xf32, #tpu.memory_space<vmem>> -> memref<1x128xf32, #tpu.memory_space<vmem>>
    %dma_start3A_1073 = tpu.memref_squeeze %dma_start3A_1072 : memref<1x128xf32, #tpu.memory_space<vmem>> -> memref<128xf32, #tpu.memory_space<vmem>>
    %dma_start3A_1074 = arith.constant 0 : i32
    %dma_start3A_1075 = tpu.memref_slice %arg5[%dma_start3A_1070, %dma_start3A_1074] : memref<80x128xi32, #tpu.memory_space<vmem>> -> memref<1x128xi32, #tpu.memory_space<vmem>>
    %dma_start3A_1076 = tpu.memref_squeeze %dma_start3A_1075 : memref<1x128xi32, #tpu.memory_space<vmem>> -> memref<128xi32, #tpu.memory_space<vmem>>
    %dma_start3A_1077 = arith.constant 0 : i32
    %dma_start3A_1078 = tpu.memref_slice %arg8[%dma_start3A_1077] : memref<10240xf32, #tpu.memory_space<vmem_shared>> -> memref<10240xf32, #tpu.memory_space<vmem_shared>>
    tpu.enqueue_indirect_dma source(%dma_start3A_1073 : memref<128xf32, #tpu.memory_space<vmem>>) target(%dma_start3A_1078 : memref<10240xf32, #tpu.memory_space<vmem_shared>>) offsets(%dma_start3A_1076 : memref<128xi32, #tpu.memory_space<vmem>>) semaphore(%arg9 : memref<!tpu.dma_semaphore, #tpu.memory_space<semaphore_mem>>) {add = true}
    %dma_start3A_1079 = arith.constant 59 : i32
    %dma_start3A_1080 = arith.constant 59 : i32
    %dma_start3A_1081 = arith.constant 0 : i32
    %dma_start3A_1082 = tpu.memref_slice %arg6[%dma_start3A_1079, %dma_start3A_1081] : memref<80x128xf32, #tpu.memory_space<vmem>> -> memref<1x128xf32, #tpu.memory_space<vmem>>
    %dma_start3A_1083 = tpu.memref_squeeze %dma_start3A_1082 : memref<1x128xf32, #tpu.memory_space<vmem>> -> memref<128xf32, #tpu.memory_space<vmem>>
    %dma_start3A_1084 = arith.constant 0 : i32
    %dma_start3A_1085 = tpu.memref_slice %arg5[%dma_start3A_1080, %dma_start3A_1084] : memref<80x128xi32, #tpu.memory_space<vmem>> -> memref<1x128xi32, #tpu.memory_space<vmem>>
    %dma_start3A_1086 = tpu.memref_squeeze %dma_start3A_1085 : memref<1x128xi32, #tpu.memory_space<vmem>> -> memref<128xi32, #tpu.memory_space<vmem>>
    %dma_start3A_1087 = arith.constant 0 : i32
    %dma_start3A_1088 = tpu.memref_slice %arg8[%dma_start3A_1087] : memref<10240xf32, #tpu.memory_space<vmem_shared>> -> memref<10240xf32, #tpu.memory_space<vmem_shared>>
    tpu.enqueue_indirect_dma source(%dma_start3A_1083 : memref<128xf32, #tpu.memory_space<vmem>>) target(%dma_start3A_1088 : memref<10240xf32, #tpu.memory_space<vmem_shared>>) offsets(%dma_start3A_1086 : memref<128xi32, #tpu.memory_space<vmem>>) semaphore(%arg9 : memref<!tpu.dma_semaphore, #tpu.memory_space<semaphore_mem>>) {add = true}
    %dma_start3A_1089 = arith.constant 60 : i32
    %dma_start3A_1090 = arith.constant 60 : i32
    %dma_start3A_1091 = arith.constant 0 : i32
    %dma_start3A_1092 = tpu.memref_slice %arg6[%dma_start3A_1089, %dma_start3A_1091] : memref<80x128xf32, #tpu.memory_space<vmem>> -> memref<1x128xf32, #tpu.memory_space<vmem>>
    %dma_start3A_1093 = tpu.memref_squeeze %dma_start3A_1092 : memref<1x128xf32, #tpu.memory_space<vmem>> -> memref<128xf32, #tpu.memory_space<vmem>>
    %dma_start3A_1094 = arith.constant 0 : i32
    %dma_start3A_1095 = tpu.memref_slice %arg5[%dma_start3A_1090, %dma_start3A_1094] : memref<80x128xi32, #tpu.memory_space<vmem>> -> memref<1x128xi32, #tpu.memory_space<vmem>>
    %dma_start3A_1096 = tpu.memref_squeeze %dma_start3A_1095 : memref<1x128xi32, #tpu.memory_space<vmem>> -> memref<128xi32, #tpu.memory_space<vmem>>
    %dma_start3A_1097 = arith.constant 0 : i32
    %dma_start3A_1098 = tpu.memref_slice %arg8[%dma_start3A_1097] : memref<10240xf32, #tpu.memory_space<vmem_shared>> -> memref<10240xf32, #tpu.memory_space<vmem_shared>>
    tpu.enqueue_indirect_dma source(%dma_start3A_1093 : memref<128xf32, #tpu.memory_space<vmem>>) target(%dma_start3A_1098 : memref<10240xf32, #tpu.memory_space<vmem_shared>>) offsets(%dma_start3A_1096 : memref<128xi32, #tpu.memory_space<vmem>>) semaphore(%arg9 : memref<!tpu.dma_semaphore, #tpu.memory_space<semaphore_mem>>) {add = true}
    %dma_start3A_1099 = arith.constant 61 : i32
    %dma_start3A_1100 = arith.constant 61 : i32
    %dma_start3A_1101 = arith.constant 0 : i32
    %dma_start3A_1102 = tpu.memref_slice %arg6[%dma_start3A_1099, %dma_start3A_1101] : memref<80x128xf32, #tpu.memory_space<vmem>> -> memref<1x128xf32, #tpu.memory_space<vmem>>
    %dma_start3A_1103 = tpu.memref_squeeze %dma_start3A_1102 : memref<1x128xf32, #tpu.memory_space<vmem>> -> memref<128xf32, #tpu.memory_space<vmem>>
    %dma_start3A_1104 = arith.constant 0 : i32
    %dma_start3A_1105 = tpu.memref_slice %arg5[%dma_start3A_1100, %dma_start3A_1104] : memref<80x128xi32, #tpu.memory_space<vmem>> -> memref<1x128xi32, #tpu.memory_space<vmem>>
    %dma_start3A_1106 = tpu.memref_squeeze %dma_start3A_1105 : memref<1x128xi32, #tpu.memory_space<vmem>> -> memref<128xi32, #tpu.memory_space<vmem>>
    %dma_start3A_1107 = arith.constant 0 : i32
    %dma_start3A_1108 = tpu.memref_slice %arg8[%dma_start3A_1107] : memref<10240xf32, #tpu.memory_space<vmem_shared>> -> memref<10240xf32, #tpu.memory_space<vmem_shared>>
    tpu.enqueue_indirect_dma source(%dma_start3A_1103 : memref<128xf32, #tpu.memory_space<vmem>>) target(%dma_start3A_1108 : memref<10240xf32, #tpu.memory_space<vmem_shared>>) offsets(%dma_start3A_1106 : memref<128xi32, #tpu.memory_space<vmem>>) semaphore(%arg9 : memref<!tpu.dma_semaphore, #tpu.memory_space<semaphore_mem>>) {add = true}
    %dma_start3A_1109 = arith.constant 62 : i32
    %dma_start3A_1110 = arith.constant 62 : i32
    %dma_start3A_1111 = arith.constant 0 : i32
    %dma_start3A_1112 = tpu.memref_slice %arg6[%dma_start3A_1109, %dma_start3A_1111] : memref<80x128xf32, #tpu.memory_space<vmem>> -> memref<1x128xf32, #tpu.memory_space<vmem>>
    %dma_start3A_1113 = tpu.memref_squeeze %dma_start3A_1112 : memref<1x128xf32, #tpu.memory_space<vmem>> -> memref<128xf32, #tpu.memory_space<vmem>>
    %dma_start3A_1114 = arith.constant 0 : i32
    %dma_start3A_1115 = tpu.memref_slice %arg5[%dma_start3A_1110, %dma_start3A_1114] : memref<80x128xi32, #tpu.memory_space<vmem>> -> memref<1x128xi32, #tpu.memory_space<vmem>>
    %dma_start3A_1116 = tpu.memref_squeeze %dma_start3A_1115 : memref<1x128xi32, #tpu.memory_space<vmem>> -> memref<128xi32, #tpu.memory_space<vmem>>
    %dma_start3A_1117 = arith.constant 0 : i32
    %dma_start3A_1118 = tpu.memref_slice %arg8[%dma_start3A_1117] : memref<10240xf32, #tpu.memory_space<vmem_shared>> -> memref<10240xf32, #tpu.memory_space<vmem_shared>>
    tpu.enqueue_indirect_dma source(%dma_start3A_1113 : memref<128xf32, #tpu.memory_space<vmem>>) target(%dma_start3A_1118 : memref<10240xf32, #tpu.memory_space<vmem_shared>>) offsets(%dma_start3A_1116 : memref<128xi32, #tpu.memory_space<vmem>>) semaphore(%arg9 : memref<!tpu.dma_semaphore, #tpu.memory_space<semaphore_mem>>) {add = true}
    %dma_start3A_1119 = arith.constant 63 : i32
    %dma_start3A_1120 = arith.constant 63 : i32
    %dma_start3A_1121 = arith.constant 0 : i32
    %dma_start3A_1122 = tpu.memref_slice %arg6[%dma_start3A_1119, %dma_start3A_1121] : memref<80x128xf32, #tpu.memory_space<vmem>> -> memref<1x128xf32, #tpu.memory_space<vmem>>
    %dma_start3A_1123 = tpu.memref_squeeze %dma_start3A_1122 : memref<1x128xf32, #tpu.memory_space<vmem>> -> memref<128xf32, #tpu.memory_space<vmem>>
    %dma_start3A_1124 = arith.constant 0 : i32
    %dma_start3A_1125 = tpu.memref_slice %arg5[%dma_start3A_1120, %dma_start3A_1124] : memref<80x128xi32, #tpu.memory_space<vmem>> -> memref<1x128xi32, #tpu.memory_space<vmem>>
    %dma_start3A_1126 = tpu.memref_squeeze %dma_start3A_1125 : memref<1x128xi32, #tpu.memory_space<vmem>> -> memref<128xi32, #tpu.memory_space<vmem>>
    %dma_start3A_1127 = arith.constant 0 : i32
    %dma_start3A_1128 = tpu.memref_slice %arg8[%dma_start3A_1127] : memref<10240xf32, #tpu.memory_space<vmem_shared>> -> memref<10240xf32, #tpu.memory_space<vmem_shared>>
    tpu.enqueue_indirect_dma source(%dma_start3A_1123 : memref<128xf32, #tpu.memory_space<vmem>>) target(%dma_start3A_1128 : memref<10240xf32, #tpu.memory_space<vmem_shared>>) offsets(%dma_start3A_1126 : memref<128xi32, #tpu.memory_space<vmem>>) semaphore(%arg9 : memref<!tpu.dma_semaphore, #tpu.memory_space<semaphore_mem>>) {add = true}
    %dma_wait3A_1129 = arith.constant 48 : i32
    %dma_wait3A_1130 = arith.constant 48 : i32
    %dma_wait3A_1131 = arith.constant 0 : i32
    %dma_wait3A_1132 = tpu.memref_slice %arg6[%dma_wait3A_1129, %dma_wait3A_1131] : memref<80x128xf32, #tpu.memory_space<vmem>> -> memref<1x128xf32, #tpu.memory_space<vmem>>
    %dma_wait3A_1133 = tpu.memref_squeeze %dma_wait3A_1132 : memref<1x128xf32, #tpu.memory_space<vmem>> -> memref<128xf32, #tpu.memory_space<vmem>>
    %dma_wait3A_1134 = arith.constant 0 : i32
    %dma_wait3A_1135 = tpu.memref_slice %arg5[%dma_wait3A_1130, %dma_wait3A_1134] : memref<80x128xi32, #tpu.memory_space<vmem>> -> memref<1x128xi32, #tpu.memory_space<vmem>>
    %dma_wait3A_1136 = tpu.memref_squeeze %dma_wait3A_1135 : memref<1x128xi32, #tpu.memory_space<vmem>> -> memref<128xi32, #tpu.memory_space<vmem>>
    %dma_wait3A_1137 = arith.constant 0 : i32
    %dma_wait3A_1138 = tpu.memref_slice %arg8[%dma_wait3A_1137] : memref<10240xf32, #tpu.memory_space<vmem_shared>> -> memref<10240xf32, #tpu.memory_space<vmem_shared>>
    tpu.wait_indirect_dma semaphore(%arg9 : memref<!tpu.dma_semaphore, #tpu.memory_space<semaphore_mem>>) src(%dma_wait3A_1133 : memref<128xf32, #tpu.memory_space<vmem>>) dst(%dma_wait3A_1138 : memref<10240xf32, #tpu.memory_space<vmem_shared>>)
    %dma_wait3A_1139 = arith.constant 49 : i32
    %dma_wait3A_1140 = arith.constant 49 : i32
    %dma_wait3A_1141 = arith.constant 0 : i32
    %dma_wait3A_1142 = tpu.memref_slice %arg6[%dma_wait3A_1139, %dma_wait3A_1141] : memref<80x128xf32, #tpu.memory_space<vmem>> -> memref<1x128xf32, #tpu.memory_space<vmem>>
    %dma_wait3A_1143 = tpu.memref_squeeze %dma_wait3A_1142 : memref<1x128xf32, #tpu.memory_space<vmem>> -> memref<128xf32, #tpu.memory_space<vmem>>
    %dma_wait3A_1144 = arith.constant 0 : i32
    %dma_wait3A_1145 = tpu.memref_slice %arg5[%dma_wait3A_1140, %dma_wait3A_1144] : memref<80x128xi32, #tpu.memory_space<vmem>> -> memref<1x128xi32, #tpu.memory_space<vmem>>
    %dma_wait3A_1146 = tpu.memref_squeeze %dma_wait3A_1145 : memref<1x128xi32, #tpu.memory_space<vmem>> -> memref<128xi32, #tpu.memory_space<vmem>>
    %dma_wait3A_1147 = arith.constant 0 : i32
    %dma_wait3A_1148 = tpu.memref_slice %arg8[%dma_wait3A_1147] : memref<10240xf32, #tpu.memory_space<vmem_shared>> -> memref<10240xf32, #tpu.memory_space<vmem_shared>>
    tpu.wait_indirect_dma semaphore(%arg9 : memref<!tpu.dma_semaphore, #tpu.memory_space<semaphore_mem>>) src(%dma_wait3A_1143 : memref<128xf32, #tpu.memory_space<vmem>>) dst(%dma_wait3A_1148 : memref<10240xf32, #tpu.memory_space<vmem_shared>>)
    %dma_wait3A_1149 = arith.constant 50 : i32
    %dma_wait3A_1150 = arith.constant 50 : i32
    %dma_wait3A_1151 = arith.constant 0 : i32
    %dma_wait3A_1152 = tpu.memref_slice %arg6[%dma_wait3A_1149, %dma_wait3A_1151] : memref<80x128xf32, #tpu.memory_space<vmem>> -> memref<1x128xf32, #tpu.memory_space<vmem>>
    %dma_wait3A_1153 = tpu.memref_squeeze %dma_wait3A_1152 : memref<1x128xf32, #tpu.memory_space<vmem>> -> memref<128xf32, #tpu.memory_space<vmem>>
    %dma_wait3A_1154 = arith.constant 0 : i32
    %dma_wait3A_1155 = tpu.memref_slice %arg5[%dma_wait3A_1150, %dma_wait3A_1154] : memref<80x128xi32, #tpu.memory_space<vmem>> -> memref<1x128xi32, #tpu.memory_space<vmem>>
    %dma_wait3A_1156 = tpu.memref_squeeze %dma_wait3A_1155 : memref<1x128xi32, #tpu.memory_space<vmem>> -> memref<128xi32, #tpu.memory_space<vmem>>
    %dma_wait3A_1157 = arith.constant 0 : i32
    %dma_wait3A_1158 = tpu.memref_slice %arg8[%dma_wait3A_1157] : memref<10240xf32, #tpu.memory_space<vmem_shared>> -> memref<10240xf32, #tpu.memory_space<vmem_shared>>
    tpu.wait_indirect_dma semaphore(%arg9 : memref<!tpu.dma_semaphore, #tpu.memory_space<semaphore_mem>>) src(%dma_wait3A_1153 : memref<128xf32, #tpu.memory_space<vmem>>) dst(%dma_wait3A_1158 : memref<10240xf32, #tpu.memory_space<vmem_shared>>)
    %dma_wait3A_1159 = arith.constant 51 : i32
    %dma_wait3A_1160 = arith.constant 51 : i32
    %dma_wait3A_1161 = arith.constant 0 : i32
    %dma_wait3A_1162 = tpu.memref_slice %arg6[%dma_wait3A_1159, %dma_wait3A_1161] : memref<80x128xf32, #tpu.memory_space<vmem>> -> memref<1x128xf32, #tpu.memory_space<vmem>>
    %dma_wait3A_1163 = tpu.memref_squeeze %dma_wait3A_1162 : memref<1x128xf32, #tpu.memory_space<vmem>> -> memref<128xf32, #tpu.memory_space<vmem>>
    %dma_wait3A_1164 = arith.constant 0 : i32
    %dma_wait3A_1165 = tpu.memref_slice %arg5[%dma_wait3A_1160, %dma_wait3A_1164] : memref<80x128xi32, #tpu.memory_space<vmem>> -> memref<1x128xi32, #tpu.memory_space<vmem>>
    %dma_wait3A_1166 = tpu.memref_squeeze %dma_wait3A_1165 : memref<1x128xi32, #tpu.memory_space<vmem>> -> memref<128xi32, #tpu.memory_space<vmem>>
    %dma_wait3A_1167 = arith.constant 0 : i32
    %dma_wait3A_1168 = tpu.memref_slice %arg8[%dma_wait3A_1167] : memref<10240xf32, #tpu.memory_space<vmem_shared>> -> memref<10240xf32, #tpu.memory_space<vmem_shared>>
    tpu.wait_indirect_dma semaphore(%arg9 : memref<!tpu.dma_semaphore, #tpu.memory_space<semaphore_mem>>) src(%dma_wait3A_1163 : memref<128xf32, #tpu.memory_space<vmem>>) dst(%dma_wait3A_1168 : memref<10240xf32, #tpu.memory_space<vmem_shared>>)
    %dma_wait3A_1169 = arith.constant 52 : i32
    %dma_wait3A_1170 = arith.constant 52 : i32
    %dma_wait3A_1171 = arith.constant 0 : i32
    %dma_wait3A_1172 = tpu.memref_slice %arg6[%dma_wait3A_1169, %dma_wait3A_1171] : memref<80x128xf32, #tpu.memory_space<vmem>> -> memref<1x128xf32, #tpu.memory_space<vmem>>
    %dma_wait3A_1173 = tpu.memref_squeeze %dma_wait3A_1172 : memref<1x128xf32, #tpu.memory_space<vmem>> -> memref<128xf32, #tpu.memory_space<vmem>>
    %dma_wait3A_1174 = arith.constant 0 : i32
    %dma_wait3A_1175 = tpu.memref_slice %arg5[%dma_wait3A_1170, %dma_wait3A_1174] : memref<80x128xi32, #tpu.memory_space<vmem>> -> memref<1x128xi32, #tpu.memory_space<vmem>>
    %dma_wait3A_1176 = tpu.memref_squeeze %dma_wait3A_1175 : memref<1x128xi32, #tpu.memory_space<vmem>> -> memref<128xi32, #tpu.memory_space<vmem>>
    %dma_wait3A_1177 = arith.constant 0 : i32
    %dma_wait3A_1178 = tpu.memref_slice %arg8[%dma_wait3A_1177] : memref<10240xf32, #tpu.memory_space<vmem_shared>> -> memref<10240xf32, #tpu.memory_space<vmem_shared>>
    tpu.wait_indirect_dma semaphore(%arg9 : memref<!tpu.dma_semaphore, #tpu.memory_space<semaphore_mem>>) src(%dma_wait3A_1173 : memref<128xf32, #tpu.memory_space<vmem>>) dst(%dma_wait3A_1178 : memref<10240xf32, #tpu.memory_space<vmem_shared>>)
    %dma_wait3A_1179 = arith.constant 53 : i32
    %dma_wait3A_1180 = arith.constant 53 : i32
    %dma_wait3A_1181 = arith.constant 0 : i32
    %dma_wait3A_1182 = tpu.memref_slice %arg6[%dma_wait3A_1179, %dma_wait3A_1181] : memref<80x128xf32, #tpu.memory_space<vmem>> -> memref<1x128xf32, #tpu.memory_space<vmem>>
    %dma_wait3A_1183 = tpu.memref_squeeze %dma_wait3A_1182 : memref<1x128xf32, #tpu.memory_space<vmem>> -> memref<128xf32, #tpu.memory_space<vmem>>
    %dma_wait3A_1184 = arith.constant 0 : i32
    %dma_wait3A_1185 = tpu.memref_slice %arg5[%dma_wait3A_1180, %dma_wait3A_1184] : memref<80x128xi32, #tpu.memory_space<vmem>> -> memref<1x128xi32, #tpu.memory_space<vmem>>
    %dma_wait3A_1186 = tpu.memref_squeeze %dma_wait3A_1185 : memref<1x128xi32, #tpu.memory_space<vmem>> -> memref<128xi32, #tpu.memory_space<vmem>>
    %dma_wait3A_1187 = arith.constant 0 : i32
    %dma_wait3A_1188 = tpu.memref_slice %arg8[%dma_wait3A_1187] : memref<10240xf32, #tpu.memory_space<vmem_shared>> -> memref<10240xf32, #tpu.memory_space<vmem_shared>>
    tpu.wait_indirect_dma semaphore(%arg9 : memref<!tpu.dma_semaphore, #tpu.memory_space<semaphore_mem>>) src(%dma_wait3A_1183 : memref<128xf32, #tpu.memory_space<vmem>>) dst(%dma_wait3A_1188 : memref<10240xf32, #tpu.memory_space<vmem_shared>>)
    %dma_wait3A_1189 = arith.constant 54 : i32
    %dma_wait3A_1190 = arith.constant 54 : i32
    %dma_wait3A_1191 = arith.constant 0 : i32
    %dma_wait3A_1192 = tpu.memref_slice %arg6[%dma_wait3A_1189, %dma_wait3A_1191] : memref<80x128xf32, #tpu.memory_space<vmem>> -> memref<1x128xf32, #tpu.memory_space<vmem>>
    %dma_wait3A_1193 = tpu.memref_squeeze %dma_wait3A_1192 : memref<1x128xf32, #tpu.memory_space<vmem>> -> memref<128xf32, #tpu.memory_space<vmem>>
    %dma_wait3A_1194 = arith.constant 0 : i32
    %dma_wait3A_1195 = tpu.memref_slice %arg5[%dma_wait3A_1190, %dma_wait3A_1194] : memref<80x128xi32, #tpu.memory_space<vmem>> -> memref<1x128xi32, #tpu.memory_space<vmem>>
    %dma_wait3A_1196 = tpu.memref_squeeze %dma_wait3A_1195 : memref<1x128xi32, #tpu.memory_space<vmem>> -> memref<128xi32, #tpu.memory_space<vmem>>
    %dma_wait3A_1197 = arith.constant 0 : i32
    %dma_wait3A_1198 = tpu.memref_slice %arg8[%dma_wait3A_1197] : memref<10240xf32, #tpu.memory_space<vmem_shared>> -> memref<10240xf32, #tpu.memory_space<vmem_shared>>
    tpu.wait_indirect_dma semaphore(%arg9 : memref<!tpu.dma_semaphore, #tpu.memory_space<semaphore_mem>>) src(%dma_wait3A_1193 : memref<128xf32, #tpu.memory_space<vmem>>) dst(%dma_wait3A_1198 : memref<10240xf32, #tpu.memory_space<vmem_shared>>)
    %dma_wait3A_1199 = arith.constant 55 : i32
    %dma_wait3A_1200 = arith.constant 55 : i32
    %dma_wait3A_1201 = arith.constant 0 : i32
    %dma_wait3A_1202 = tpu.memref_slice %arg6[%dma_wait3A_1199, %dma_wait3A_1201] : memref<80x128xf32, #tpu.memory_space<vmem>> -> memref<1x128xf32, #tpu.memory_space<vmem>>
    %dma_wait3A_1203 = tpu.memref_squeeze %dma_wait3A_1202 : memref<1x128xf32, #tpu.memory_space<vmem>> -> memref<128xf32, #tpu.memory_space<vmem>>
    %dma_wait3A_1204 = arith.constant 0 : i32
    %dma_wait3A_1205 = tpu.memref_slice %arg5[%dma_wait3A_1200, %dma_wait3A_1204] : memref<80x128xi32, #tpu.memory_space<vmem>> -> memref<1x128xi32, #tpu.memory_space<vmem>>
    %dma_wait3A_1206 = tpu.memref_squeeze %dma_wait3A_1205 : memref<1x128xi32, #tpu.memory_space<vmem>> -> memref<128xi32, #tpu.memory_space<vmem>>
    %dma_wait3A_1207 = arith.constant 0 : i32
    %dma_wait3A_1208 = tpu.memref_slice %arg8[%dma_wait3A_1207] : memref<10240xf32, #tpu.memory_space<vmem_shared>> -> memref<10240xf32, #tpu.memory_space<vmem_shared>>
    tpu.wait_indirect_dma semaphore(%arg9 : memref<!tpu.dma_semaphore, #tpu.memory_space<semaphore_mem>>) src(%dma_wait3A_1203 : memref<128xf32, #tpu.memory_space<vmem>>) dst(%dma_wait3A_1208 : memref<10240xf32, #tpu.memory_space<vmem_shared>>)
    %dma_wait3A_1209 = arith.constant 56 : i32
    %dma_wait3A_1210 = arith.constant 56 : i32
    %dma_wait3A_1211 = arith.constant 0 : i32
    %dma_wait3A_1212 = tpu.memref_slice %arg6[%dma_wait3A_1209, %dma_wait3A_1211] : memref<80x128xf32, #tpu.memory_space<vmem>> -> memref<1x128xf32, #tpu.memory_space<vmem>>
    %dma_wait3A_1213 = tpu.memref_squeeze %dma_wait3A_1212 : memref<1x128xf32, #tpu.memory_space<vmem>> -> memref<128xf32, #tpu.memory_space<vmem>>
    %dma_wait3A_1214 = arith.constant 0 : i32
    %dma_wait3A_1215 = tpu.memref_slice %arg5[%dma_wait3A_1210, %dma_wait3A_1214] : memref<80x128xi32, #tpu.memory_space<vmem>> -> memref<1x128xi32, #tpu.memory_space<vmem>>
    %dma_wait3A_1216 = tpu.memref_squeeze %dma_wait3A_1215 : memref<1x128xi32, #tpu.memory_space<vmem>> -> memref<128xi32, #tpu.memory_space<vmem>>
    %dma_wait3A_1217 = arith.constant 0 : i32
    %dma_wait3A_1218 = tpu.memref_slice %arg8[%dma_wait3A_1217] : memref<10240xf32, #tpu.memory_space<vmem_shared>> -> memref<10240xf32, #tpu.memory_space<vmem_shared>>
    tpu.wait_indirect_dma semaphore(%arg9 : memref<!tpu.dma_semaphore, #tpu.memory_space<semaphore_mem>>) src(%dma_wait3A_1213 : memref<128xf32, #tpu.memory_space<vmem>>) dst(%dma_wait3A_1218 : memref<10240xf32, #tpu.memory_space<vmem_shared>>)
    %dma_wait3A_1219 = arith.constant 57 : i32
    %dma_wait3A_1220 = arith.constant 57 : i32
    %dma_wait3A_1221 = arith.constant 0 : i32
    %dma_wait3A_1222 = tpu.memref_slice %arg6[%dma_wait3A_1219, %dma_wait3A_1221] : memref<80x128xf32, #tpu.memory_space<vmem>> -> memref<1x128xf32, #tpu.memory_space<vmem>>
    %dma_wait3A_1223 = tpu.memref_squeeze %dma_wait3A_1222 : memref<1x128xf32, #tpu.memory_space<vmem>> -> memref<128xf32, #tpu.memory_space<vmem>>
    %dma_wait3A_1224 = arith.constant 0 : i32
    %dma_wait3A_1225 = tpu.memref_slice %arg5[%dma_wait3A_1220, %dma_wait3A_1224] : memref<80x128xi32, #tpu.memory_space<vmem>> -> memref<1x128xi32, #tpu.memory_space<vmem>>
    %dma_wait3A_1226 = tpu.memref_squeeze %dma_wait3A_1225 : memref<1x128xi32, #tpu.memory_space<vmem>> -> memref<128xi32, #tpu.memory_space<vmem>>
    %dma_wait3A_1227 = arith.constant 0 : i32
    %dma_wait3A_1228 = tpu.memref_slice %arg8[%dma_wait3A_1227] : memref<10240xf32, #tpu.memory_space<vmem_shared>> -> memref<10240xf32, #tpu.memory_space<vmem_shared>>
    tpu.wait_indirect_dma semaphore(%arg9 : memref<!tpu.dma_semaphore, #tpu.memory_space<semaphore_mem>>) src(%dma_wait3A_1223 : memref<128xf32, #tpu.memory_space<vmem>>) dst(%dma_wait3A_1228 : memref<10240xf32, #tpu.memory_space<vmem_shared>>)
    %dma_wait3A_1229 = arith.constant 58 : i32
    %dma_wait3A_1230 = arith.constant 58 : i32
    %dma_wait3A_1231 = arith.constant 0 : i32
    %dma_wait3A_1232 = tpu.memref_slice %arg6[%dma_wait3A_1229, %dma_wait3A_1231] : memref<80x128xf32, #tpu.memory_space<vmem>> -> memref<1x128xf32, #tpu.memory_space<vmem>>
    %dma_wait3A_1233 = tpu.memref_squeeze %dma_wait3A_1232 : memref<1x128xf32, #tpu.memory_space<vmem>> -> memref<128xf32, #tpu.memory_space<vmem>>
    %dma_wait3A_1234 = arith.constant 0 : i32
    %dma_wait3A_1235 = tpu.memref_slice %arg5[%dma_wait3A_1230, %dma_wait3A_1234] : memref<80x128xi32, #tpu.memory_space<vmem>> -> memref<1x128xi32, #tpu.memory_space<vmem>>
    %dma_wait3A_1236 = tpu.memref_squeeze %dma_wait3A_1235 : memref<1x128xi32, #tpu.memory_space<vmem>> -> memref<128xi32, #tpu.memory_space<vmem>>
    %dma_wait3A_1237 = arith.constant 0 : i32
    %dma_wait3A_1238 = tpu.memref_slice %arg8[%dma_wait3A_1237] : memref<10240xf32, #tpu.memory_space<vmem_shared>> -> memref<10240xf32, #tpu.memory_space<vmem_shared>>
    tpu.wait_indirect_dma semaphore(%arg9 : memref<!tpu.dma_semaphore, #tpu.memory_space<semaphore_mem>>) src(%dma_wait3A_1233 : memref<128xf32, #tpu.memory_space<vmem>>) dst(%dma_wait3A_1238 : memref<10240xf32, #tpu.memory_space<vmem_shared>>)
    %dma_wait3A_1239 = arith.constant 59 : i32
    %dma_wait3A_1240 = arith.constant 59 : i32
    %dma_wait3A_1241 = arith.constant 0 : i32
    %dma_wait3A_1242 = tpu.memref_slice %arg6[%dma_wait3A_1239, %dma_wait3A_1241] : memref<80x128xf32, #tpu.memory_space<vmem>> -> memref<1x128xf32, #tpu.memory_space<vmem>>
    %dma_wait3A_1243 = tpu.memref_squeeze %dma_wait3A_1242 : memref<1x128xf32, #tpu.memory_space<vmem>> -> memref<128xf32, #tpu.memory_space<vmem>>
    %dma_wait3A_1244 = arith.constant 0 : i32
    %dma_wait3A_1245 = tpu.memref_slice %arg5[%dma_wait3A_1240, %dma_wait3A_1244] : memref<80x128xi32, #tpu.memory_space<vmem>> -> memref<1x128xi32, #tpu.memory_space<vmem>>
    %dma_wait3A_1246 = tpu.memref_squeeze %dma_wait3A_1245 : memref<1x128xi32, #tpu.memory_space<vmem>> -> memref<128xi32, #tpu.memory_space<vmem>>
    %dma_wait3A_1247 = arith.constant 0 : i32
    %dma_wait3A_1248 = tpu.memref_slice %arg8[%dma_wait3A_1247] : memref<10240xf32, #tpu.memory_space<vmem_shared>> -> memref<10240xf32, #tpu.memory_space<vmem_shared>>
    tpu.wait_indirect_dma semaphore(%arg9 : memref<!tpu.dma_semaphore, #tpu.memory_space<semaphore_mem>>) src(%dma_wait3A_1243 : memref<128xf32, #tpu.memory_space<vmem>>) dst(%dma_wait3A_1248 : memref<10240xf32, #tpu.memory_space<vmem_shared>>)
    %dma_wait3A_1249 = arith.constant 60 : i32
    %dma_wait3A_1250 = arith.constant 60 : i32
    %dma_wait3A_1251 = arith.constant 0 : i32
    %dma_wait3A_1252 = tpu.memref_slice %arg6[%dma_wait3A_1249, %dma_wait3A_1251] : memref<80x128xf32, #tpu.memory_space<vmem>> -> memref<1x128xf32, #tpu.memory_space<vmem>>
    %dma_wait3A_1253 = tpu.memref_squeeze %dma_wait3A_1252 : memref<1x128xf32, #tpu.memory_space<vmem>> -> memref<128xf32, #tpu.memory_space<vmem>>
    %dma_wait3A_1254 = arith.constant 0 : i32
    %dma_wait3A_1255 = tpu.memref_slice %arg5[%dma_wait3A_1250, %dma_wait3A_1254] : memref<80x128xi32, #tpu.memory_space<vmem>> -> memref<1x128xi32, #tpu.memory_space<vmem>>
    %dma_wait3A_1256 = tpu.memref_squeeze %dma_wait3A_1255 : memref<1x128xi32, #tpu.memory_space<vmem>> -> memref<128xi32, #tpu.memory_space<vmem>>
    %dma_wait3A_1257 = arith.constant 0 : i32
    %dma_wait3A_1258 = tpu.memref_slice %arg8[%dma_wait3A_1257] : memref<10240xf32, #tpu.memory_space<vmem_shared>> -> memref<10240xf32, #tpu.memory_space<vmem_shared>>
    tpu.wait_indirect_dma semaphore(%arg9 : memref<!tpu.dma_semaphore, #tpu.memory_space<semaphore_mem>>) src(%dma_wait3A_1253 : memref<128xf32, #tpu.memory_space<vmem>>) dst(%dma_wait3A_1258 : memref<10240xf32, #tpu.memory_space<vmem_shared>>)
    %dma_wait3A_1259 = arith.constant 61 : i32
    %dma_wait3A_1260 = arith.constant 61 : i32
    %dma_wait3A_1261 = arith.constant 0 : i32
    %dma_wait3A_1262 = tpu.memref_slice %arg6[%dma_wait3A_1259, %dma_wait3A_1261] : memref<80x128xf32, #tpu.memory_space<vmem>> -> memref<1x128xf32, #tpu.memory_space<vmem>>
    %dma_wait3A_1263 = tpu.memref_squeeze %dma_wait3A_1262 : memref<1x128xf32, #tpu.memory_space<vmem>> -> memref<128xf32, #tpu.memory_space<vmem>>
    %dma_wait3A_1264 = arith.constant 0 : i32
    %dma_wait3A_1265 = tpu.memref_slice %arg5[%dma_wait3A_1260, %dma_wait3A_1264] : memref<80x128xi32, #tpu.memory_space<vmem>> -> memref<1x128xi32, #tpu.memory_space<vmem>>
    %dma_wait3A_1266 = tpu.memref_squeeze %dma_wait3A_1265 : memref<1x128xi32, #tpu.memory_space<vmem>> -> memref<128xi32, #tpu.memory_space<vmem>>
    %dma_wait3A_1267 = arith.constant 0 : i32
    %dma_wait3A_1268 = tpu.memref_slice %arg8[%dma_wait3A_1267] : memref<10240xf32, #tpu.memory_space<vmem_shared>> -> memref<10240xf32, #tpu.memory_space<vmem_shared>>
    tpu.wait_indirect_dma semaphore(%arg9 : memref<!tpu.dma_semaphore, #tpu.memory_space<semaphore_mem>>) src(%dma_wait3A_1263 : memref<128xf32, #tpu.memory_space<vmem>>) dst(%dma_wait3A_1268 : memref<10240xf32, #tpu.memory_space<vmem_shared>>)
    %dma_wait3A_1269 = arith.constant 62 : i32
    %dma_wait3A_1270 = arith.constant 62 : i32
    %dma_wait3A_1271 = arith.constant 0 : i32
    %dma_wait3A_1272 = tpu.memref_slice %arg6[%dma_wait3A_1269, %dma_wait3A_1271] : memref<80x128xf32, #tpu.memory_space<vmem>> -> memref<1x128xf32, #tpu.memory_space<vmem>>
    %dma_wait3A_1273 = tpu.memref_squeeze %dma_wait3A_1272 : memref<1x128xf32, #tpu.memory_space<vmem>> -> memref<128xf32, #tpu.memory_space<vmem>>
    %dma_wait3A_1274 = arith.constant 0 : i32
    %dma_wait3A_1275 = tpu.memref_slice %arg5[%dma_wait3A_1270, %dma_wait3A_1274] : memref<80x128xi32, #tpu.memory_space<vmem>> -> memref<1x128xi32, #tpu.memory_space<vmem>>
    %dma_wait3A_1276 = tpu.memref_squeeze %dma_wait3A_1275 : memref<1x128xi32, #tpu.memory_space<vmem>> -> memref<128xi32, #tpu.memory_space<vmem>>
    %dma_wait3A_1277 = arith.constant 0 : i32
    %dma_wait3A_1278 = tpu.memref_slice %arg8[%dma_wait3A_1277] : memref<10240xf32, #tpu.memory_space<vmem_shared>> -> memref<10240xf32, #tpu.memory_space<vmem_shared>>
    tpu.wait_indirect_dma semaphore(%arg9 : memref<!tpu.dma_semaphore, #tpu.memory_space<semaphore_mem>>) src(%dma_wait3A_1273 : memref<128xf32, #tpu.memory_space<vmem>>) dst(%dma_wait3A_1278 : memref<10240xf32, #tpu.memory_space<vmem_shared>>)
    %dma_wait3A_1279 = arith.constant 63 : i32
    %dma_wait3A_1280 = arith.constant 63 : i32
    %dma_wait3A_1281 = arith.constant 0 : i32
    %dma_wait3A_1282 = tpu.memref_slice %arg6[%dma_wait3A_1279, %dma_wait3A_1281] : memref<80x128xf32, #tpu.memory_space<vmem>> -> memref<1x128xf32, #tpu.memory_space<vmem>>
    %dma_wait3A_1283 = tpu.memref_squeeze %dma_wait3A_1282 : memref<1x128xf32, #tpu.memory_space<vmem>> -> memref<128xf32, #tpu.memory_space<vmem>>
    %dma_wait3A_1284 = arith.constant 0 : i32
    %dma_wait3A_1285 = tpu.memref_slice %arg5[%dma_wait3A_1280, %dma_wait3A_1284] : memref<80x128xi32, #tpu.memory_space<vmem>> -> memref<1x128xi32, #tpu.memory_space<vmem>>
    %dma_wait3A_1286 = tpu.memref_squeeze %dma_wait3A_1285 : memref<1x128xi32, #tpu.memory_space<vmem>> -> memref<128xi32, #tpu.memory_space<vmem>>
    %dma_wait3A_1287 = arith.constant 0 : i32
    %dma_wait3A_1288 = tpu.memref_slice %arg8[%dma_wait3A_1287] : memref<10240xf32, #tpu.memory_space<vmem_shared>> -> memref<10240xf32, #tpu.memory_space<vmem_shared>>
    tpu.wait_indirect_dma semaphore(%arg9 : memref<!tpu.dma_semaphore, #tpu.memory_space<semaphore_mem>>) src(%dma_wait3A_1283 : memref<128xf32, #tpu.memory_space<vmem>>) dst(%dma_wait3A_1288 : memref<10240xf32, #tpu.memory_space<vmem_shared>>)
    %dma_start3A_1289 = arith.constant 64 : i32
    %dma_start3A_1290 = arith.constant 64 : i32
    %dma_start3A_1291 = arith.constant 0 : i32
    %dma_start3A_1292 = tpu.memref_slice %arg6[%dma_start3A_1289, %dma_start3A_1291] : memref<80x128xf32, #tpu.memory_space<vmem>> -> memref<1x128xf32, #tpu.memory_space<vmem>>
    %dma_start3A_1293 = tpu.memref_squeeze %dma_start3A_1292 : memref<1x128xf32, #tpu.memory_space<vmem>> -> memref<128xf32, #tpu.memory_space<vmem>>
    %dma_start3A_1294 = arith.constant 0 : i32
    %dma_start3A_1295 = tpu.memref_slice %arg5[%dma_start3A_1290, %dma_start3A_1294] : memref<80x128xi32, #tpu.memory_space<vmem>> -> memref<1x128xi32, #tpu.memory_space<vmem>>
    %dma_start3A_1296 = tpu.memref_squeeze %dma_start3A_1295 : memref<1x128xi32, #tpu.memory_space<vmem>> -> memref<128xi32, #tpu.memory_space<vmem>>
    %dma_start3A_1297 = arith.constant 0 : i32
    %dma_start3A_1298 = tpu.memref_slice %arg8[%dma_start3A_1297] : memref<10240xf32, #tpu.memory_space<vmem_shared>> -> memref<10240xf32, #tpu.memory_space<vmem_shared>>
    tpu.enqueue_indirect_dma source(%dma_start3A_1293 : memref<128xf32, #tpu.memory_space<vmem>>) target(%dma_start3A_1298 : memref<10240xf32, #tpu.memory_space<vmem_shared>>) offsets(%dma_start3A_1296 : memref<128xi32, #tpu.memory_space<vmem>>) semaphore(%arg9 : memref<!tpu.dma_semaphore, #tpu.memory_space<semaphore_mem>>) {add = true}
    %dma_start3A_1299 = arith.constant 65 : i32
    %dma_start3A_1300 = arith.constant 65 : i32
    %dma_start3A_1301 = arith.constant 0 : i32
    %dma_start3A_1302 = tpu.memref_slice %arg6[%dma_start3A_1299, %dma_start3A_1301] : memref<80x128xf32, #tpu.memory_space<vmem>> -> memref<1x128xf32, #tpu.memory_space<vmem>>
    %dma_start3A_1303 = tpu.memref_squeeze %dma_start3A_1302 : memref<1x128xf32, #tpu.memory_space<vmem>> -> memref<128xf32, #tpu.memory_space<vmem>>
    %dma_start3A_1304 = arith.constant 0 : i32
    %dma_start3A_1305 = tpu.memref_slice %arg5[%dma_start3A_1300, %dma_start3A_1304] : memref<80x128xi32, #tpu.memory_space<vmem>> -> memref<1x128xi32, #tpu.memory_space<vmem>>
    %dma_start3A_1306 = tpu.memref_squeeze %dma_start3A_1305 : memref<1x128xi32, #tpu.memory_space<vmem>> -> memref<128xi32, #tpu.memory_space<vmem>>
    %dma_start3A_1307 = arith.constant 0 : i32
    %dma_start3A_1308 = tpu.memref_slice %arg8[%dma_start3A_1307] : memref<10240xf32, #tpu.memory_space<vmem_shared>> -> memref<10240xf32, #tpu.memory_space<vmem_shared>>
    tpu.enqueue_indirect_dma source(%dma_start3A_1303 : memref<128xf32, #tpu.memory_space<vmem>>) target(%dma_start3A_1308 : memref<10240xf32, #tpu.memory_space<vmem_shared>>) offsets(%dma_start3A_1306 : memref<128xi32, #tpu.memory_space<vmem>>) semaphore(%arg9 : memref<!tpu.dma_semaphore, #tpu.memory_space<semaphore_mem>>) {add = true}
    %dma_start3A_1309 = arith.constant 66 : i32
    %dma_start3A_1310 = arith.constant 66 : i32
    %dma_start3A_1311 = arith.constant 0 : i32
    %dma_start3A_1312 = tpu.memref_slice %arg6[%dma_start3A_1309, %dma_start3A_1311] : memref<80x128xf32, #tpu.memory_space<vmem>> -> memref<1x128xf32, #tpu.memory_space<vmem>>
    %dma_start3A_1313 = tpu.memref_squeeze %dma_start3A_1312 : memref<1x128xf32, #tpu.memory_space<vmem>> -> memref<128xf32, #tpu.memory_space<vmem>>
    %dma_start3A_1314 = arith.constant 0 : i32
    %dma_start3A_1315 = tpu.memref_slice %arg5[%dma_start3A_1310, %dma_start3A_1314] : memref<80x128xi32, #tpu.memory_space<vmem>> -> memref<1x128xi32, #tpu.memory_space<vmem>>
    %dma_start3A_1316 = tpu.memref_squeeze %dma_start3A_1315 : memref<1x128xi32, #tpu.memory_space<vmem>> -> memref<128xi32, #tpu.memory_space<vmem>>
    %dma_start3A_1317 = arith.constant 0 : i32
    %dma_start3A_1318 = tpu.memref_slice %arg8[%dma_start3A_1317] : memref<10240xf32, #tpu.memory_space<vmem_shared>> -> memref<10240xf32, #tpu.memory_space<vmem_shared>>
    tpu.enqueue_indirect_dma source(%dma_start3A_1313 : memref<128xf32, #tpu.memory_space<vmem>>) target(%dma_start3A_1318 : memref<10240xf32, #tpu.memory_space<vmem_shared>>) offsets(%dma_start3A_1316 : memref<128xi32, #tpu.memory_space<vmem>>) semaphore(%arg9 : memref<!tpu.dma_semaphore, #tpu.memory_space<semaphore_mem>>) {add = true}
    %dma_start3A_1319 = arith.constant 67 : i32
    %dma_start3A_1320 = arith.constant 67 : i32
    %dma_start3A_1321 = arith.constant 0 : i32
    %dma_start3A_1322 = tpu.memref_slice %arg6[%dma_start3A_1319, %dma_start3A_1321] : memref<80x128xf32, #tpu.memory_space<vmem>> -> memref<1x128xf32, #tpu.memory_space<vmem>>
    %dma_start3A_1323 = tpu.memref_squeeze %dma_start3A_1322 : memref<1x128xf32, #tpu.memory_space<vmem>> -> memref<128xf32, #tpu.memory_space<vmem>>
    %dma_start3A_1324 = arith.constant 0 : i32
    %dma_start3A_1325 = tpu.memref_slice %arg5[%dma_start3A_1320, %dma_start3A_1324] : memref<80x128xi32, #tpu.memory_space<vmem>> -> memref<1x128xi32, #tpu.memory_space<vmem>>
    %dma_start3A_1326 = tpu.memref_squeeze %dma_start3A_1325 : memref<1x128xi32, #tpu.memory_space<vmem>> -> memref<128xi32, #tpu.memory_space<vmem>>
    %dma_start3A_1327 = arith.constant 0 : i32
    %dma_start3A_1328 = tpu.memref_slice %arg8[%dma_start3A_1327] : memref<10240xf32, #tpu.memory_space<vmem_shared>> -> memref<10240xf32, #tpu.memory_space<vmem_shared>>
    tpu.enqueue_indirect_dma source(%dma_start3A_1323 : memref<128xf32, #tpu.memory_space<vmem>>) target(%dma_start3A_1328 : memref<10240xf32, #tpu.memory_space<vmem_shared>>) offsets(%dma_start3A_1326 : memref<128xi32, #tpu.memory_space<vmem>>) semaphore(%arg9 : memref<!tpu.dma_semaphore, #tpu.memory_space<semaphore_mem>>) {add = true}
    %dma_start3A_1329 = arith.constant 68 : i32
    %dma_start3A_1330 = arith.constant 68 : i32
    %dma_start3A_1331 = arith.constant 0 : i32
    %dma_start3A_1332 = tpu.memref_slice %arg6[%dma_start3A_1329, %dma_start3A_1331] : memref<80x128xf32, #tpu.memory_space<vmem>> -> memref<1x128xf32, #tpu.memory_space<vmem>>
    %dma_start3A_1333 = tpu.memref_squeeze %dma_start3A_1332 : memref<1x128xf32, #tpu.memory_space<vmem>> -> memref<128xf32, #tpu.memory_space<vmem>>
    %dma_start3A_1334 = arith.constant 0 : i32
    %dma_start3A_1335 = tpu.memref_slice %arg5[%dma_start3A_1330, %dma_start3A_1334] : memref<80x128xi32, #tpu.memory_space<vmem>> -> memref<1x128xi32, #tpu.memory_space<vmem>>
    %dma_start3A_1336 = tpu.memref_squeeze %dma_start3A_1335 : memref<1x128xi32, #tpu.memory_space<vmem>> -> memref<128xi32, #tpu.memory_space<vmem>>
    %dma_start3A_1337 = arith.constant 0 : i32
    %dma_start3A_1338 = tpu.memref_slice %arg8[%dma_start3A_1337] : memref<10240xf32, #tpu.memory_space<vmem_shared>> -> memref<10240xf32, #tpu.memory_space<vmem_shared>>
    tpu.enqueue_indirect_dma source(%dma_start3A_1333 : memref<128xf32, #tpu.memory_space<vmem>>) target(%dma_start3A_1338 : memref<10240xf32, #tpu.memory_space<vmem_shared>>) offsets(%dma_start3A_1336 : memref<128xi32, #tpu.memory_space<vmem>>) semaphore(%arg9 : memref<!tpu.dma_semaphore, #tpu.memory_space<semaphore_mem>>) {add = true}
    %dma_start3A_1339 = arith.constant 69 : i32
    %dma_start3A_1340 = arith.constant 69 : i32
    %dma_start3A_1341 = arith.constant 0 : i32
    %dma_start3A_1342 = tpu.memref_slice %arg6[%dma_start3A_1339, %dma_start3A_1341] : memref<80x128xf32, #tpu.memory_space<vmem>> -> memref<1x128xf32, #tpu.memory_space<vmem>>
    %dma_start3A_1343 = tpu.memref_squeeze %dma_start3A_1342 : memref<1x128xf32, #tpu.memory_space<vmem>> -> memref<128xf32, #tpu.memory_space<vmem>>
    %dma_start3A_1344 = arith.constant 0 : i32
    %dma_start3A_1345 = tpu.memref_slice %arg5[%dma_start3A_1340, %dma_start3A_1344] : memref<80x128xi32, #tpu.memory_space<vmem>> -> memref<1x128xi32, #tpu.memory_space<vmem>>
    %dma_start3A_1346 = tpu.memref_squeeze %dma_start3A_1345 : memref<1x128xi32, #tpu.memory_space<vmem>> -> memref<128xi32, #tpu.memory_space<vmem>>
    %dma_start3A_1347 = arith.constant 0 : i32
    %dma_start3A_1348 = tpu.memref_slice %arg8[%dma_start3A_1347] : memref<10240xf32, #tpu.memory_space<vmem_shared>> -> memref<10240xf32, #tpu.memory_space<vmem_shared>>
    tpu.enqueue_indirect_dma source(%dma_start3A_1343 : memref<128xf32, #tpu.memory_space<vmem>>) target(%dma_start3A_1348 : memref<10240xf32, #tpu.memory_space<vmem_shared>>) offsets(%dma_start3A_1346 : memref<128xi32, #tpu.memory_space<vmem>>) semaphore(%arg9 : memref<!tpu.dma_semaphore, #tpu.memory_space<semaphore_mem>>) {add = true}
    %dma_start3A_1349 = arith.constant 70 : i32
    %dma_start3A_1350 = arith.constant 70 : i32
    %dma_start3A_1351 = arith.constant 0 : i32
    %dma_start3A_1352 = tpu.memref_slice %arg6[%dma_start3A_1349, %dma_start3A_1351] : memref<80x128xf32, #tpu.memory_space<vmem>> -> memref<1x128xf32, #tpu.memory_space<vmem>>
    %dma_start3A_1353 = tpu.memref_squeeze %dma_start3A_1352 : memref<1x128xf32, #tpu.memory_space<vmem>> -> memref<128xf32, #tpu.memory_space<vmem>>
    %dma_start3A_1354 = arith.constant 0 : i32
    %dma_start3A_1355 = tpu.memref_slice %arg5[%dma_start3A_1350, %dma_start3A_1354] : memref<80x128xi32, #tpu.memory_space<vmem>> -> memref<1x128xi32, #tpu.memory_space<vmem>>
    %dma_start3A_1356 = tpu.memref_squeeze %dma_start3A_1355 : memref<1x128xi32, #tpu.memory_space<vmem>> -> memref<128xi32, #tpu.memory_space<vmem>>
    %dma_start3A_1357 = arith.constant 0 : i32
    %dma_start3A_1358 = tpu.memref_slice %arg8[%dma_start3A_1357] : memref<10240xf32, #tpu.memory_space<vmem_shared>> -> memref<10240xf32, #tpu.memory_space<vmem_shared>>
    tpu.enqueue_indirect_dma source(%dma_start3A_1353 : memref<128xf32, #tpu.memory_space<vmem>>) target(%dma_start3A_1358 : memref<10240xf32, #tpu.memory_space<vmem_shared>>) offsets(%dma_start3A_1356 : memref<128xi32, #tpu.memory_space<vmem>>) semaphore(%arg9 : memref<!tpu.dma_semaphore, #tpu.memory_space<semaphore_mem>>) {add = true}
    %dma_start3A_1359 = arith.constant 71 : i32
    %dma_start3A_1360 = arith.constant 71 : i32
    %dma_start3A_1361 = arith.constant 0 : i32
    %dma_start3A_1362 = tpu.memref_slice %arg6[%dma_start3A_1359, %dma_start3A_1361] : memref<80x128xf32, #tpu.memory_space<vmem>> -> memref<1x128xf32, #tpu.memory_space<vmem>>
    %dma_start3A_1363 = tpu.memref_squeeze %dma_start3A_1362 : memref<1x128xf32, #tpu.memory_space<vmem>> -> memref<128xf32, #tpu.memory_space<vmem>>
    %dma_start3A_1364 = arith.constant 0 : i32
    %dma_start3A_1365 = tpu.memref_slice %arg5[%dma_start3A_1360, %dma_start3A_1364] : memref<80x128xi32, #tpu.memory_space<vmem>> -> memref<1x128xi32, #tpu.memory_space<vmem>>
    %dma_start3A_1366 = tpu.memref_squeeze %dma_start3A_1365 : memref<1x128xi32, #tpu.memory_space<vmem>> -> memref<128xi32, #tpu.memory_space<vmem>>
    %dma_start3A_1367 = arith.constant 0 : i32
    %dma_start3A_1368 = tpu.memref_slice %arg8[%dma_start3A_1367] : memref<10240xf32, #tpu.memory_space<vmem_shared>> -> memref<10240xf32, #tpu.memory_space<vmem_shared>>
    tpu.enqueue_indirect_dma source(%dma_start3A_1363 : memref<128xf32, #tpu.memory_space<vmem>>) target(%dma_start3A_1368 : memref<10240xf32, #tpu.memory_space<vmem_shared>>) offsets(%dma_start3A_1366 : memref<128xi32, #tpu.memory_space<vmem>>) semaphore(%arg9 : memref<!tpu.dma_semaphore, #tpu.memory_space<semaphore_mem>>) {add = true}
    %dma_start3A_1369 = arith.constant 72 : i32
    %dma_start3A_1370 = arith.constant 72 : i32
    %dma_start3A_1371 = arith.constant 0 : i32
    %dma_start3A_1372 = tpu.memref_slice %arg6[%dma_start3A_1369, %dma_start3A_1371] : memref<80x128xf32, #tpu.memory_space<vmem>> -> memref<1x128xf32, #tpu.memory_space<vmem>>
    %dma_start3A_1373 = tpu.memref_squeeze %dma_start3A_1372 : memref<1x128xf32, #tpu.memory_space<vmem>> -> memref<128xf32, #tpu.memory_space<vmem>>
    %dma_start3A_1374 = arith.constant 0 : i32
    %dma_start3A_1375 = tpu.memref_slice %arg5[%dma_start3A_1370, %dma_start3A_1374] : memref<80x128xi32, #tpu.memory_space<vmem>> -> memref<1x128xi32, #tpu.memory_space<vmem>>
    %dma_start3A_1376 = tpu.memref_squeeze %dma_start3A_1375 : memref<1x128xi32, #tpu.memory_space<vmem>> -> memref<128xi32, #tpu.memory_space<vmem>>
    %dma_start3A_1377 = arith.constant 0 : i32
    %dma_start3A_1378 = tpu.memref_slice %arg8[%dma_start3A_1377] : memref<10240xf32, #tpu.memory_space<vmem_shared>> -> memref<10240xf32, #tpu.memory_space<vmem_shared>>
    tpu.enqueue_indirect_dma source(%dma_start3A_1373 : memref<128xf32, #tpu.memory_space<vmem>>) target(%dma_start3A_1378 : memref<10240xf32, #tpu.memory_space<vmem_shared>>) offsets(%dma_start3A_1376 : memref<128xi32, #tpu.memory_space<vmem>>) semaphore(%arg9 : memref<!tpu.dma_semaphore, #tpu.memory_space<semaphore_mem>>) {add = true}
    %dma_start3A_1379 = arith.constant 73 : i32
    %dma_start3A_1380 = arith.constant 73 : i32
    %dma_start3A_1381 = arith.constant 0 : i32
    %dma_start3A_1382 = tpu.memref_slice %arg6[%dma_start3A_1379, %dma_start3A_1381] : memref<80x128xf32, #tpu.memory_space<vmem>> -> memref<1x128xf32, #tpu.memory_space<vmem>>
    %dma_start3A_1383 = tpu.memref_squeeze %dma_start3A_1382 : memref<1x128xf32, #tpu.memory_space<vmem>> -> memref<128xf32, #tpu.memory_space<vmem>>
    %dma_start3A_1384 = arith.constant 0 : i32
    %dma_start3A_1385 = tpu.memref_slice %arg5[%dma_start3A_1380, %dma_start3A_1384] : memref<80x128xi32, #tpu.memory_space<vmem>> -> memref<1x128xi32, #tpu.memory_space<vmem>>
    %dma_start3A_1386 = tpu.memref_squeeze %dma_start3A_1385 : memref<1x128xi32, #tpu.memory_space<vmem>> -> memref<128xi32, #tpu.memory_space<vmem>>
    %dma_start3A_1387 = arith.constant 0 : i32
    %dma_start3A_1388 = tpu.memref_slice %arg8[%dma_start3A_1387] : memref<10240xf32, #tpu.memory_space<vmem_shared>> -> memref<10240xf32, #tpu.memory_space<vmem_shared>>
    tpu.enqueue_indirect_dma source(%dma_start3A_1383 : memref<128xf32, #tpu.memory_space<vmem>>) target(%dma_start3A_1388 : memref<10240xf32, #tpu.memory_space<vmem_shared>>) offsets(%dma_start3A_1386 : memref<128xi32, #tpu.memory_space<vmem>>) semaphore(%arg9 : memref<!tpu.dma_semaphore, #tpu.memory_space<semaphore_mem>>) {add = true}
    %dma_start3A_1389 = arith.constant 74 : i32
    %dma_start3A_1390 = arith.constant 74 : i32
    %dma_start3A_1391 = arith.constant 0 : i32
    %dma_start3A_1392 = tpu.memref_slice %arg6[%dma_start3A_1389, %dma_start3A_1391] : memref<80x128xf32, #tpu.memory_space<vmem>> -> memref<1x128xf32, #tpu.memory_space<vmem>>
    %dma_start3A_1393 = tpu.memref_squeeze %dma_start3A_1392 : memref<1x128xf32, #tpu.memory_space<vmem>> -> memref<128xf32, #tpu.memory_space<vmem>>
    %dma_start3A_1394 = arith.constant 0 : i32
    %dma_start3A_1395 = tpu.memref_slice %arg5[%dma_start3A_1390, %dma_start3A_1394] : memref<80x128xi32, #tpu.memory_space<vmem>> -> memref<1x128xi32, #tpu.memory_space<vmem>>
    %dma_start3A_1396 = tpu.memref_squeeze %dma_start3A_1395 : memref<1x128xi32, #tpu.memory_space<vmem>> -> memref<128xi32, #tpu.memory_space<vmem>>
    %dma_start3A_1397 = arith.constant 0 : i32
    %dma_start3A_1398 = tpu.memref_slice %arg8[%dma_start3A_1397] : memref<10240xf32, #tpu.memory_space<vmem_shared>> -> memref<10240xf32, #tpu.memory_space<vmem_shared>>
    tpu.enqueue_indirect_dma source(%dma_start3A_1393 : memref<128xf32, #tpu.memory_space<vmem>>) target(%dma_start3A_1398 : memref<10240xf32, #tpu.memory_space<vmem_shared>>) offsets(%dma_start3A_1396 : memref<128xi32, #tpu.memory_space<vmem>>) semaphore(%arg9 : memref<!tpu.dma_semaphore, #tpu.memory_space<semaphore_mem>>) {add = true}
    %dma_start3A_1399 = arith.constant 75 : i32
    %dma_start3A_1400 = arith.constant 75 : i32
    %dma_start3A_1401 = arith.constant 0 : i32
    %dma_start3A_1402 = tpu.memref_slice %arg6[%dma_start3A_1399, %dma_start3A_1401] : memref<80x128xf32, #tpu.memory_space<vmem>> -> memref<1x128xf32, #tpu.memory_space<vmem>>
    %dma_start3A_1403 = tpu.memref_squeeze %dma_start3A_1402 : memref<1x128xf32, #tpu.memory_space<vmem>> -> memref<128xf32, #tpu.memory_space<vmem>>
    %dma_start3A_1404 = arith.constant 0 : i32
    %dma_start3A_1405 = tpu.memref_slice %arg5[%dma_start3A_1400, %dma_start3A_1404] : memref<80x128xi32, #tpu.memory_space<vmem>> -> memref<1x128xi32, #tpu.memory_space<vmem>>
    %dma_start3A_1406 = tpu.memref_squeeze %dma_start3A_1405 : memref<1x128xi32, #tpu.memory_space<vmem>> -> memref<128xi32, #tpu.memory_space<vmem>>
    %dma_start3A_1407 = arith.constant 0 : i32
    %dma_start3A_1408 = tpu.memref_slice %arg8[%dma_start3A_1407] : memref<10240xf32, #tpu.memory_space<vmem_shared>> -> memref<10240xf32, #tpu.memory_space<vmem_shared>>
    tpu.enqueue_indirect_dma source(%dma_start3A_1403 : memref<128xf32, #tpu.memory_space<vmem>>) target(%dma_start3A_1408 : memref<10240xf32, #tpu.memory_space<vmem_shared>>) offsets(%dma_start3A_1406 : memref<128xi32, #tpu.memory_space<vmem>>) semaphore(%arg9 : memref<!tpu.dma_semaphore, #tpu.memory_space<semaphore_mem>>) {add = true}
    %dma_start3A_1409 = arith.constant 76 : i32
    %dma_start3A_1410 = arith.constant 76 : i32
    %dma_start3A_1411 = arith.constant 0 : i32
    %dma_start3A_1412 = tpu.memref_slice %arg6[%dma_start3A_1409, %dma_start3A_1411] : memref<80x128xf32, #tpu.memory_space<vmem>> -> memref<1x128xf32, #tpu.memory_space<vmem>>
    %dma_start3A_1413 = tpu.memref_squeeze %dma_start3A_1412 : memref<1x128xf32, #tpu.memory_space<vmem>> -> memref<128xf32, #tpu.memory_space<vmem>>
    %dma_start3A_1414 = arith.constant 0 : i32
    %dma_start3A_1415 = tpu.memref_slice %arg5[%dma_start3A_1410, %dma_start3A_1414] : memref<80x128xi32, #tpu.memory_space<vmem>> -> memref<1x128xi32, #tpu.memory_space<vmem>>
    %dma_start3A_1416 = tpu.memref_squeeze %dma_start3A_1415 : memref<1x128xi32, #tpu.memory_space<vmem>> -> memref<128xi32, #tpu.memory_space<vmem>>
    %dma_start3A_1417 = arith.constant 0 : i32
    %dma_start3A_1418 = tpu.memref_slice %arg8[%dma_start3A_1417] : memref<10240xf32, #tpu.memory_space<vmem_shared>> -> memref<10240xf32, #tpu.memory_space<vmem_shared>>
    tpu.enqueue_indirect_dma source(%dma_start3A_1413 : memref<128xf32, #tpu.memory_space<vmem>>) target(%dma_start3A_1418 : memref<10240xf32, #tpu.memory_space<vmem_shared>>) offsets(%dma_start3A_1416 : memref<128xi32, #tpu.memory_space<vmem>>) semaphore(%arg9 : memref<!tpu.dma_semaphore, #tpu.memory_space<semaphore_mem>>) {add = true}
    %dma_start3A_1419 = arith.constant 77 : i32
    %dma_start3A_1420 = arith.constant 77 : i32
    %dma_start3A_1421 = arith.constant 0 : i32
    %dma_start3A_1422 = tpu.memref_slice %arg6[%dma_start3A_1419, %dma_start3A_1421] : memref<80x128xf32, #tpu.memory_space<vmem>> -> memref<1x128xf32, #tpu.memory_space<vmem>>
    %dma_start3A_1423 = tpu.memref_squeeze %dma_start3A_1422 : memref<1x128xf32, #tpu.memory_space<vmem>> -> memref<128xf32, #tpu.memory_space<vmem>>
    %dma_start3A_1424 = arith.constant 0 : i32
    %dma_start3A_1425 = tpu.memref_slice %arg5[%dma_start3A_1420, %dma_start3A_1424] : memref<80x128xi32, #tpu.memory_space<vmem>> -> memref<1x128xi32, #tpu.memory_space<vmem>>
    %dma_start3A_1426 = tpu.memref_squeeze %dma_start3A_1425 : memref<1x128xi32, #tpu.memory_space<vmem>> -> memref<128xi32, #tpu.memory_space<vmem>>
    %dma_start3A_1427 = arith.constant 0 : i32
    %dma_start3A_1428 = tpu.memref_slice %arg8[%dma_start3A_1427] : memref<10240xf32, #tpu.memory_space<vmem_shared>> -> memref<10240xf32, #tpu.memory_space<vmem_shared>>
    tpu.enqueue_indirect_dma source(%dma_start3A_1423 : memref<128xf32, #tpu.memory_space<vmem>>) target(%dma_start3A_1428 : memref<10240xf32, #tpu.memory_space<vmem_shared>>) offsets(%dma_start3A_1426 : memref<128xi32, #tpu.memory_space<vmem>>) semaphore(%arg9 : memref<!tpu.dma_semaphore, #tpu.memory_space<semaphore_mem>>) {add = true}
    %dma_start3A_1429 = arith.constant 78 : i32
    %dma_start3A_1430 = arith.constant 78 : i32
    %dma_start3A_1431 = arith.constant 0 : i32
    %dma_start3A_1432 = tpu.memref_slice %arg6[%dma_start3A_1429, %dma_start3A_1431] : memref<80x128xf32, #tpu.memory_space<vmem>> -> memref<1x128xf32, #tpu.memory_space<vmem>>
    %dma_start3A_1433 = tpu.memref_squeeze %dma_start3A_1432 : memref<1x128xf32, #tpu.memory_space<vmem>> -> memref<128xf32, #tpu.memory_space<vmem>>
    %dma_start3A_1434 = arith.constant 0 : i32
    %dma_start3A_1435 = tpu.memref_slice %arg5[%dma_start3A_1430, %dma_start3A_1434] : memref<80x128xi32, #tpu.memory_space<vmem>> -> memref<1x128xi32, #tpu.memory_space<vmem>>
    %dma_start3A_1436 = tpu.memref_squeeze %dma_start3A_1435 : memref<1x128xi32, #tpu.memory_space<vmem>> -> memref<128xi32, #tpu.memory_space<vmem>>
    %dma_start3A_1437 = arith.constant 0 : i32
    %dma_start3A_1438 = tpu.memref_slice %arg8[%dma_start3A_1437] : memref<10240xf32, #tpu.memory_space<vmem_shared>> -> memref<10240xf32, #tpu.memory_space<vmem_shared>>
    tpu.enqueue_indirect_dma source(%dma_start3A_1433 : memref<128xf32, #tpu.memory_space<vmem>>) target(%dma_start3A_1438 : memref<10240xf32, #tpu.memory_space<vmem_shared>>) offsets(%dma_start3A_1436 : memref<128xi32, #tpu.memory_space<vmem>>) semaphore(%arg9 : memref<!tpu.dma_semaphore, #tpu.memory_space<semaphore_mem>>) {add = true}
    %dma_start3A_1439 = arith.constant 79 : i32
    %dma_start3A_1440 = arith.constant 79 : i32
    %dma_start3A_1441 = arith.constant 0 : i32
    %dma_start3A_1442 = tpu.memref_slice %arg6[%dma_start3A_1439, %dma_start3A_1441] : memref<80x128xf32, #tpu.memory_space<vmem>> -> memref<1x128xf32, #tpu.memory_space<vmem>>
    %dma_start3A_1443 = tpu.memref_squeeze %dma_start3A_1442 : memref<1x128xf32, #tpu.memory_space<vmem>> -> memref<128xf32, #tpu.memory_space<vmem>>
    %dma_start3A_1444 = arith.constant 0 : i32
    %dma_start3A_1445 = tpu.memref_slice %arg5[%dma_start3A_1440, %dma_start3A_1444] : memref<80x128xi32, #tpu.memory_space<vmem>> -> memref<1x128xi32, #tpu.memory_space<vmem>>
    %dma_start3A_1446 = tpu.memref_squeeze %dma_start3A_1445 : memref<1x128xi32, #tpu.memory_space<vmem>> -> memref<128xi32, #tpu.memory_space<vmem>>
    %dma_start3A_1447 = arith.constant 0 : i32
    %dma_start3A_1448 = tpu.memref_slice %arg8[%dma_start3A_1447] : memref<10240xf32, #tpu.memory_space<vmem_shared>> -> memref<10240xf32, #tpu.memory_space<vmem_shared>>
    tpu.enqueue_indirect_dma source(%dma_start3A_1443 : memref<128xf32, #tpu.memory_space<vmem>>) target(%dma_start3A_1448 : memref<10240xf32, #tpu.memory_space<vmem_shared>>) offsets(%dma_start3A_1446 : memref<128xi32, #tpu.memory_space<vmem>>) semaphore(%arg9 : memref<!tpu.dma_semaphore, #tpu.memory_space<semaphore_mem>>) {add = true}
    %dma_wait3A_1449 = arith.constant 64 : i32
    %dma_wait3A_1450 = arith.constant 64 : i32
    %dma_wait3A_1451 = arith.constant 0 : i32
    %dma_wait3A_1452 = tpu.memref_slice %arg6[%dma_wait3A_1449, %dma_wait3A_1451] : memref<80x128xf32, #tpu.memory_space<vmem>> -> memref<1x128xf32, #tpu.memory_space<vmem>>
    %dma_wait3A_1453 = tpu.memref_squeeze %dma_wait3A_1452 : memref<1x128xf32, #tpu.memory_space<vmem>> -> memref<128xf32, #tpu.memory_space<vmem>>
    %dma_wait3A_1454 = arith.constant 0 : i32
    %dma_wait3A_1455 = tpu.memref_slice %arg5[%dma_wait3A_1450, %dma_wait3A_1454] : memref<80x128xi32, #tpu.memory_space<vmem>> -> memref<1x128xi32, #tpu.memory_space<vmem>>
    %dma_wait3A_1456 = tpu.memref_squeeze %dma_wait3A_1455 : memref<1x128xi32, #tpu.memory_space<vmem>> -> memref<128xi32, #tpu.memory_space<vmem>>
    %dma_wait3A_1457 = arith.constant 0 : i32
    %dma_wait3A_1458 = tpu.memref_slice %arg8[%dma_wait3A_1457] : memref<10240xf32, #tpu.memory_space<vmem_shared>> -> memref<10240xf32, #tpu.memory_space<vmem_shared>>
    tpu.wait_indirect_dma semaphore(%arg9 : memref<!tpu.dma_semaphore, #tpu.memory_space<semaphore_mem>>) src(%dma_wait3A_1453 : memref<128xf32, #tpu.memory_space<vmem>>) dst(%dma_wait3A_1458 : memref<10240xf32, #tpu.memory_space<vmem_shared>>)
    %dma_wait3A_1459 = arith.constant 65 : i32
    %dma_wait3A_1460 = arith.constant 65 : i32
    %dma_wait3A_1461 = arith.constant 0 : i32
    %dma_wait3A_1462 = tpu.memref_slice %arg6[%dma_wait3A_1459, %dma_wait3A_1461] : memref<80x128xf32, #tpu.memory_space<vmem>> -> memref<1x128xf32, #tpu.memory_space<vmem>>
    %dma_wait3A_1463 = tpu.memref_squeeze %dma_wait3A_1462 : memref<1x128xf32, #tpu.memory_space<vmem>> -> memref<128xf32, #tpu.memory_space<vmem>>
    %dma_wait3A_1464 = arith.constant 0 : i32
    %dma_wait3A_1465 = tpu.memref_slice %arg5[%dma_wait3A_1460, %dma_wait3A_1464] : memref<80x128xi32, #tpu.memory_space<vmem>> -> memref<1x128xi32, #tpu.memory_space<vmem>>
    %dma_wait3A_1466 = tpu.memref_squeeze %dma_wait3A_1465 : memref<1x128xi32, #tpu.memory_space<vmem>> -> memref<128xi32, #tpu.memory_space<vmem>>
    %dma_wait3A_1467 = arith.constant 0 : i32
    %dma_wait3A_1468 = tpu.memref_slice %arg8[%dma_wait3A_1467] : memref<10240xf32, #tpu.memory_space<vmem_shared>> -> memref<10240xf32, #tpu.memory_space<vmem_shared>>
    tpu.wait_indirect_dma semaphore(%arg9 : memref<!tpu.dma_semaphore, #tpu.memory_space<semaphore_mem>>) src(%dma_wait3A_1463 : memref<128xf32, #tpu.memory_space<vmem>>) dst(%dma_wait3A_1468 : memref<10240xf32, #tpu.memory_space<vmem_shared>>)
    %dma_wait3A_1469 = arith.constant 66 : i32
    %dma_wait3A_1470 = arith.constant 66 : i32
    %dma_wait3A_1471 = arith.constant 0 : i32
    %dma_wait3A_1472 = tpu.memref_slice %arg6[%dma_wait3A_1469, %dma_wait3A_1471] : memref<80x128xf32, #tpu.memory_space<vmem>> -> memref<1x128xf32, #tpu.memory_space<vmem>>
    %dma_wait3A_1473 = tpu.memref_squeeze %dma_wait3A_1472 : memref<1x128xf32, #tpu.memory_space<vmem>> -> memref<128xf32, #tpu.memory_space<vmem>>
    %dma_wait3A_1474 = arith.constant 0 : i32
    %dma_wait3A_1475 = tpu.memref_slice %arg5[%dma_wait3A_1470, %dma_wait3A_1474] : memref<80x128xi32, #tpu.memory_space<vmem>> -> memref<1x128xi32, #tpu.memory_space<vmem>>
    %dma_wait3A_1476 = tpu.memref_squeeze %dma_wait3A_1475 : memref<1x128xi32, #tpu.memory_space<vmem>> -> memref<128xi32, #tpu.memory_space<vmem>>
    %dma_wait3A_1477 = arith.constant 0 : i32
    %dma_wait3A_1478 = tpu.memref_slice %arg8[%dma_wait3A_1477] : memref<10240xf32, #tpu.memory_space<vmem_shared>> -> memref<10240xf32, #tpu.memory_space<vmem_shared>>
    tpu.wait_indirect_dma semaphore(%arg9 : memref<!tpu.dma_semaphore, #tpu.memory_space<semaphore_mem>>) src(%dma_wait3A_1473 : memref<128xf32, #tpu.memory_space<vmem>>) dst(%dma_wait3A_1478 : memref<10240xf32, #tpu.memory_space<vmem_shared>>)
    %dma_wait3A_1479 = arith.constant 67 : i32
    %dma_wait3A_1480 = arith.constant 67 : i32
    %dma_wait3A_1481 = arith.constant 0 : i32
    %dma_wait3A_1482 = tpu.memref_slice %arg6[%dma_wait3A_1479, %dma_wait3A_1481] : memref<80x128xf32, #tpu.memory_space<vmem>> -> memref<1x128xf32, #tpu.memory_space<vmem>>
    %dma_wait3A_1483 = tpu.memref_squeeze %dma_wait3A_1482 : memref<1x128xf32, #tpu.memory_space<vmem>> -> memref<128xf32, #tpu.memory_space<vmem>>
    %dma_wait3A_1484 = arith.constant 0 : i32
    %dma_wait3A_1485 = tpu.memref_slice %arg5[%dma_wait3A_1480, %dma_wait3A_1484] : memref<80x128xi32, #tpu.memory_space<vmem>> -> memref<1x128xi32, #tpu.memory_space<vmem>>
    %dma_wait3A_1486 = tpu.memref_squeeze %dma_wait3A_1485 : memref<1x128xi32, #tpu.memory_space<vmem>> -> memref<128xi32, #tpu.memory_space<vmem>>
    %dma_wait3A_1487 = arith.constant 0 : i32
    %dma_wait3A_1488 = tpu.memref_slice %arg8[%dma_wait3A_1487] : memref<10240xf32, #tpu.memory_space<vmem_shared>> -> memref<10240xf32, #tpu.memory_space<vmem_shared>>
    tpu.wait_indirect_dma semaphore(%arg9 : memref<!tpu.dma_semaphore, #tpu.memory_space<semaphore_mem>>) src(%dma_wait3A_1483 : memref<128xf32, #tpu.memory_space<vmem>>) dst(%dma_wait3A_1488 : memref<10240xf32, #tpu.memory_space<vmem_shared>>)
    %dma_wait3A_1489 = arith.constant 68 : i32
    %dma_wait3A_1490 = arith.constant 68 : i32
    %dma_wait3A_1491 = arith.constant 0 : i32
    %dma_wait3A_1492 = tpu.memref_slice %arg6[%dma_wait3A_1489, %dma_wait3A_1491] : memref<80x128xf32, #tpu.memory_space<vmem>> -> memref<1x128xf32, #tpu.memory_space<vmem>>
    %dma_wait3A_1493 = tpu.memref_squeeze %dma_wait3A_1492 : memref<1x128xf32, #tpu.memory_space<vmem>> -> memref<128xf32, #tpu.memory_space<vmem>>
    %dma_wait3A_1494 = arith.constant 0 : i32
    %dma_wait3A_1495 = tpu.memref_slice %arg5[%dma_wait3A_1490, %dma_wait3A_1494] : memref<80x128xi32, #tpu.memory_space<vmem>> -> memref<1x128xi32, #tpu.memory_space<vmem>>
    %dma_wait3A_1496 = tpu.memref_squeeze %dma_wait3A_1495 : memref<1x128xi32, #tpu.memory_space<vmem>> -> memref<128xi32, #tpu.memory_space<vmem>>
    %dma_wait3A_1497 = arith.constant 0 : i32
    %dma_wait3A_1498 = tpu.memref_slice %arg8[%dma_wait3A_1497] : memref<10240xf32, #tpu.memory_space<vmem_shared>> -> memref<10240xf32, #tpu.memory_space<vmem_shared>>
    tpu.wait_indirect_dma semaphore(%arg9 : memref<!tpu.dma_semaphore, #tpu.memory_space<semaphore_mem>>) src(%dma_wait3A_1493 : memref<128xf32, #tpu.memory_space<vmem>>) dst(%dma_wait3A_1498 : memref<10240xf32, #tpu.memory_space<vmem_shared>>)
    %dma_wait3A_1499 = arith.constant 69 : i32
    %dma_wait3A_1500 = arith.constant 69 : i32
    %dma_wait3A_1501 = arith.constant 0 : i32
    %dma_wait3A_1502 = tpu.memref_slice %arg6[%dma_wait3A_1499, %dma_wait3A_1501] : memref<80x128xf32, #tpu.memory_space<vmem>> -> memref<1x128xf32, #tpu.memory_space<vmem>>
    %dma_wait3A_1503 = tpu.memref_squeeze %dma_wait3A_1502 : memref<1x128xf32, #tpu.memory_space<vmem>> -> memref<128xf32, #tpu.memory_space<vmem>>
    %dma_wait3A_1504 = arith.constant 0 : i32
    %dma_wait3A_1505 = tpu.memref_slice %arg5[%dma_wait3A_1500, %dma_wait3A_1504] : memref<80x128xi32, #tpu.memory_space<vmem>> -> memref<1x128xi32, #tpu.memory_space<vmem>>
    %dma_wait3A_1506 = tpu.memref_squeeze %dma_wait3A_1505 : memref<1x128xi32, #tpu.memory_space<vmem>> -> memref<128xi32, #tpu.memory_space<vmem>>
    %dma_wait3A_1507 = arith.constant 0 : i32
    %dma_wait3A_1508 = tpu.memref_slice %arg8[%dma_wait3A_1507] : memref<10240xf32, #tpu.memory_space<vmem_shared>> -> memref<10240xf32, #tpu.memory_space<vmem_shared>>
    tpu.wait_indirect_dma semaphore(%arg9 : memref<!tpu.dma_semaphore, #tpu.memory_space<semaphore_mem>>) src(%dma_wait3A_1503 : memref<128xf32, #tpu.memory_space<vmem>>) dst(%dma_wait3A_1508 : memref<10240xf32, #tpu.memory_space<vmem_shared>>)
    %dma_wait3A_1509 = arith.constant 70 : i32
    %dma_wait3A_1510 = arith.constant 70 : i32
    %dma_wait3A_1511 = arith.constant 0 : i32
    %dma_wait3A_1512 = tpu.memref_slice %arg6[%dma_wait3A_1509, %dma_wait3A_1511] : memref<80x128xf32, #tpu.memory_space<vmem>> -> memref<1x128xf32, #tpu.memory_space<vmem>>
    %dma_wait3A_1513 = tpu.memref_squeeze %dma_wait3A_1512 : memref<1x128xf32, #tpu.memory_space<vmem>> -> memref<128xf32, #tpu.memory_space<vmem>>
    %dma_wait3A_1514 = arith.constant 0 : i32
    %dma_wait3A_1515 = tpu.memref_slice %arg5[%dma_wait3A_1510, %dma_wait3A_1514] : memref<80x128xi32, #tpu.memory_space<vmem>> -> memref<1x128xi32, #tpu.memory_space<vmem>>
    %dma_wait3A_1516 = tpu.memref_squeeze %dma_wait3A_1515 : memref<1x128xi32, #tpu.memory_space<vmem>> -> memref<128xi32, #tpu.memory_space<vmem>>
    %dma_wait3A_1517 = arith.constant 0 : i32
    %dma_wait3A_1518 = tpu.memref_slice %arg8[%dma_wait3A_1517] : memref<10240xf32, #tpu.memory_space<vmem_shared>> -> memref<10240xf32, #tpu.memory_space<vmem_shared>>
    tpu.wait_indirect_dma semaphore(%arg9 : memref<!tpu.dma_semaphore, #tpu.memory_space<semaphore_mem>>) src(%dma_wait3A_1513 : memref<128xf32, #tpu.memory_space<vmem>>) dst(%dma_wait3A_1518 : memref<10240xf32, #tpu.memory_space<vmem_shared>>)
    %dma_wait3A_1519 = arith.constant 71 : i32
    %dma_wait3A_1520 = arith.constant 71 : i32
    %dma_wait3A_1521 = arith.constant 0 : i32
    %dma_wait3A_1522 = tpu.memref_slice %arg6[%dma_wait3A_1519, %dma_wait3A_1521] : memref<80x128xf32, #tpu.memory_space<vmem>> -> memref<1x128xf32, #tpu.memory_space<vmem>>
    %dma_wait3A_1523 = tpu.memref_squeeze %dma_wait3A_1522 : memref<1x128xf32, #tpu.memory_space<vmem>> -> memref<128xf32, #tpu.memory_space<vmem>>
    %dma_wait3A_1524 = arith.constant 0 : i32
    %dma_wait3A_1525 = tpu.memref_slice %arg5[%dma_wait3A_1520, %dma_wait3A_1524] : memref<80x128xi32, #tpu.memory_space<vmem>> -> memref<1x128xi32, #tpu.memory_space<vmem>>
    %dma_wait3A_1526 = tpu.memref_squeeze %dma_wait3A_1525 : memref<1x128xi32, #tpu.memory_space<vmem>> -> memref<128xi32, #tpu.memory_space<vmem>>
    %dma_wait3A_1527 = arith.constant 0 : i32
    %dma_wait3A_1528 = tpu.memref_slice %arg8[%dma_wait3A_1527] : memref<10240xf32, #tpu.memory_space<vmem_shared>> -> memref<10240xf32, #tpu.memory_space<vmem_shared>>
    tpu.wait_indirect_dma semaphore(%arg9 : memref<!tpu.dma_semaphore, #tpu.memory_space<semaphore_mem>>) src(%dma_wait3A_1523 : memref<128xf32, #tpu.memory_space<vmem>>) dst(%dma_wait3A_1528 : memref<10240xf32, #tpu.memory_space<vmem_shared>>)
    %dma_wait3A_1529 = arith.constant 72 : i32
    %dma_wait3A_1530 = arith.constant 72 : i32
    %dma_wait3A_1531 = arith.constant 0 : i32
    %dma_wait3A_1532 = tpu.memref_slice %arg6[%dma_wait3A_1529, %dma_wait3A_1531] : memref<80x128xf32, #tpu.memory_space<vmem>> -> memref<1x128xf32, #tpu.memory_space<vmem>>
    %dma_wait3A_1533 = tpu.memref_squeeze %dma_wait3A_1532 : memref<1x128xf32, #tpu.memory_space<vmem>> -> memref<128xf32, #tpu.memory_space<vmem>>
    %dma_wait3A_1534 = arith.constant 0 : i32
    %dma_wait3A_1535 = tpu.memref_slice %arg5[%dma_wait3A_1530, %dma_wait3A_1534] : memref<80x128xi32, #tpu.memory_space<vmem>> -> memref<1x128xi32, #tpu.memory_space<vmem>>
    %dma_wait3A_1536 = tpu.memref_squeeze %dma_wait3A_1535 : memref<1x128xi32, #tpu.memory_space<vmem>> -> memref<128xi32, #tpu.memory_space<vmem>>
    %dma_wait3A_1537 = arith.constant 0 : i32
    %dma_wait3A_1538 = tpu.memref_slice %arg8[%dma_wait3A_1537] : memref<10240xf32, #tpu.memory_space<vmem_shared>> -> memref<10240xf32, #tpu.memory_space<vmem_shared>>
    tpu.wait_indirect_dma semaphore(%arg9 : memref<!tpu.dma_semaphore, #tpu.memory_space<semaphore_mem>>) src(%dma_wait3A_1533 : memref<128xf32, #tpu.memory_space<vmem>>) dst(%dma_wait3A_1538 : memref<10240xf32, #tpu.memory_space<vmem_shared>>)
    %dma_wait3A_1539 = arith.constant 73 : i32
    %dma_wait3A_1540 = arith.constant 73 : i32
    %dma_wait3A_1541 = arith.constant 0 : i32
    %dma_wait3A_1542 = tpu.memref_slice %arg6[%dma_wait3A_1539, %dma_wait3A_1541] : memref<80x128xf32, #tpu.memory_space<vmem>> -> memref<1x128xf32, #tpu.memory_space<vmem>>
    %dma_wait3A_1543 = tpu.memref_squeeze %dma_wait3A_1542 : memref<1x128xf32, #tpu.memory_space<vmem>> -> memref<128xf32, #tpu.memory_space<vmem>>
    %dma_wait3A_1544 = arith.constant 0 : i32
    %dma_wait3A_1545 = tpu.memref_slice %arg5[%dma_wait3A_1540, %dma_wait3A_1544] : memref<80x128xi32, #tpu.memory_space<vmem>> -> memref<1x128xi32, #tpu.memory_space<vmem>>
    %dma_wait3A_1546 = tpu.memref_squeeze %dma_wait3A_1545 : memref<1x128xi32, #tpu.memory_space<vmem>> -> memref<128xi32, #tpu.memory_space<vmem>>
    %dma_wait3A_1547 = arith.constant 0 : i32
    %dma_wait3A_1548 = tpu.memref_slice %arg8[%dma_wait3A_1547] : memref<10240xf32, #tpu.memory_space<vmem_shared>> -> memref<10240xf32, #tpu.memory_space<vmem_shared>>
    tpu.wait_indirect_dma semaphore(%arg9 : memref<!tpu.dma_semaphore, #tpu.memory_space<semaphore_mem>>) src(%dma_wait3A_1543 : memref<128xf32, #tpu.memory_space<vmem>>) dst(%dma_wait3A_1548 : memref<10240xf32, #tpu.memory_space<vmem_shared>>)
    %dma_wait3A_1549 = arith.constant 74 : i32
    %dma_wait3A_1550 = arith.constant 74 : i32
    %dma_wait3A_1551 = arith.constant 0 : i32
    %dma_wait3A_1552 = tpu.memref_slice %arg6[%dma_wait3A_1549, %dma_wait3A_1551] : memref<80x128xf32, #tpu.memory_space<vmem>> -> memref<1x128xf32, #tpu.memory_space<vmem>>
    %dma_wait3A_1553 = tpu.memref_squeeze %dma_wait3A_1552 : memref<1x128xf32, #tpu.memory_space<vmem>> -> memref<128xf32, #tpu.memory_space<vmem>>
    %dma_wait3A_1554 = arith.constant 0 : i32
    %dma_wait3A_1555 = tpu.memref_slice %arg5[%dma_wait3A_1550, %dma_wait3A_1554] : memref<80x128xi32, #tpu.memory_space<vmem>> -> memref<1x128xi32, #tpu.memory_space<vmem>>
    %dma_wait3A_1556 = tpu.memref_squeeze %dma_wait3A_1555 : memref<1x128xi32, #tpu.memory_space<vmem>> -> memref<128xi32, #tpu.memory_space<vmem>>
    %dma_wait3A_1557 = arith.constant 0 : i32
    %dma_wait3A_1558 = tpu.memref_slice %arg8[%dma_wait3A_1557] : memref<10240xf32, #tpu.memory_space<vmem_shared>> -> memref<10240xf32, #tpu.memory_space<vmem_shared>>
    tpu.wait_indirect_dma semaphore(%arg9 : memref<!tpu.dma_semaphore, #tpu.memory_space<semaphore_mem>>) src(%dma_wait3A_1553 : memref<128xf32, #tpu.memory_space<vmem>>) dst(%dma_wait3A_1558 : memref<10240xf32, #tpu.memory_space<vmem_shared>>)
    %dma_wait3A_1559 = arith.constant 75 : i32
    %dma_wait3A_1560 = arith.constant 75 : i32
    %dma_wait3A_1561 = arith.constant 0 : i32
    %dma_wait3A_1562 = tpu.memref_slice %arg6[%dma_wait3A_1559, %dma_wait3A_1561] : memref<80x128xf32, #tpu.memory_space<vmem>> -> memref<1x128xf32, #tpu.memory_space<vmem>>
    %dma_wait3A_1563 = tpu.memref_squeeze %dma_wait3A_1562 : memref<1x128xf32, #tpu.memory_space<vmem>> -> memref<128xf32, #tpu.memory_space<vmem>>
    %dma_wait3A_1564 = arith.constant 0 : i32
    %dma_wait3A_1565 = tpu.memref_slice %arg5[%dma_wait3A_1560, %dma_wait3A_1564] : memref<80x128xi32, #tpu.memory_space<vmem>> -> memref<1x128xi32, #tpu.memory_space<vmem>>
    %dma_wait3A_1566 = tpu.memref_squeeze %dma_wait3A_1565 : memref<1x128xi32, #tpu.memory_space<vmem>> -> memref<128xi32, #tpu.memory_space<vmem>>
    %dma_wait3A_1567 = arith.constant 0 : i32
    %dma_wait3A_1568 = tpu.memref_slice %arg8[%dma_wait3A_1567] : memref<10240xf32, #tpu.memory_space<vmem_shared>> -> memref<10240xf32, #tpu.memory_space<vmem_shared>>
    tpu.wait_indirect_dma semaphore(%arg9 : memref<!tpu.dma_semaphore, #tpu.memory_space<semaphore_mem>>) src(%dma_wait3A_1563 : memref<128xf32, #tpu.memory_space<vmem>>) dst(%dma_wait3A_1568 : memref<10240xf32, #tpu.memory_space<vmem_shared>>)
    %dma_wait3A_1569 = arith.constant 76 : i32
    %dma_wait3A_1570 = arith.constant 76 : i32
    %dma_wait3A_1571 = arith.constant 0 : i32
    %dma_wait3A_1572 = tpu.memref_slice %arg6[%dma_wait3A_1569, %dma_wait3A_1571] : memref<80x128xf32, #tpu.memory_space<vmem>> -> memref<1x128xf32, #tpu.memory_space<vmem>>
    %dma_wait3A_1573 = tpu.memref_squeeze %dma_wait3A_1572 : memref<1x128xf32, #tpu.memory_space<vmem>> -> memref<128xf32, #tpu.memory_space<vmem>>
    %dma_wait3A_1574 = arith.constant 0 : i32
    %dma_wait3A_1575 = tpu.memref_slice %arg5[%dma_wait3A_1570, %dma_wait3A_1574] : memref<80x128xi32, #tpu.memory_space<vmem>> -> memref<1x128xi32, #tpu.memory_space<vmem>>
    %dma_wait3A_1576 = tpu.memref_squeeze %dma_wait3A_1575 : memref<1x128xi32, #tpu.memory_space<vmem>> -> memref<128xi32, #tpu.memory_space<vmem>>
    %dma_wait3A_1577 = arith.constant 0 : i32
    %dma_wait3A_1578 = tpu.memref_slice %arg8[%dma_wait3A_1577] : memref<10240xf32, #tpu.memory_space<vmem_shared>> -> memref<10240xf32, #tpu.memory_space<vmem_shared>>
    tpu.wait_indirect_dma semaphore(%arg9 : memref<!tpu.dma_semaphore, #tpu.memory_space<semaphore_mem>>) src(%dma_wait3A_1573 : memref<128xf32, #tpu.memory_space<vmem>>) dst(%dma_wait3A_1578 : memref<10240xf32, #tpu.memory_space<vmem_shared>>)
    %dma_wait3A_1579 = arith.constant 77 : i32
    %dma_wait3A_1580 = arith.constant 77 : i32
    %dma_wait3A_1581 = arith.constant 0 : i32
    %dma_wait3A_1582 = tpu.memref_slice %arg6[%dma_wait3A_1579, %dma_wait3A_1581] : memref<80x128xf32, #tpu.memory_space<vmem>> -> memref<1x128xf32, #tpu.memory_space<vmem>>
    %dma_wait3A_1583 = tpu.memref_squeeze %dma_wait3A_1582 : memref<1x128xf32, #tpu.memory_space<vmem>> -> memref<128xf32, #tpu.memory_space<vmem>>
    %dma_wait3A_1584 = arith.constant 0 : i32
    %dma_wait3A_1585 = tpu.memref_slice %arg5[%dma_wait3A_1580, %dma_wait3A_1584] : memref<80x128xi32, #tpu.memory_space<vmem>> -> memref<1x128xi32, #tpu.memory_space<vmem>>
    %dma_wait3A_1586 = tpu.memref_squeeze %dma_wait3A_1585 : memref<1x128xi32, #tpu.memory_space<vmem>> -> memref<128xi32, #tpu.memory_space<vmem>>
    %dma_wait3A_1587 = arith.constant 0 : i32
    %dma_wait3A_1588 = tpu.memref_slice %arg8[%dma_wait3A_1587] : memref<10240xf32, #tpu.memory_space<vmem_shared>> -> memref<10240xf32, #tpu.memory_space<vmem_shared>>
    tpu.wait_indirect_dma semaphore(%arg9 : memref<!tpu.dma_semaphore, #tpu.memory_space<semaphore_mem>>) src(%dma_wait3A_1583 : memref<128xf32, #tpu.memory_space<vmem>>) dst(%dma_wait3A_1588 : memref<10240xf32, #tpu.memory_space<vmem_shared>>)
    %dma_wait3A_1589 = arith.constant 78 : i32
    %dma_wait3A_1590 = arith.constant 78 : i32
    %dma_wait3A_1591 = arith.constant 0 : i32
    %dma_wait3A_1592 = tpu.memref_slice %arg6[%dma_wait3A_1589, %dma_wait3A_1591] : memref<80x128xf32, #tpu.memory_space<vmem>> -> memref<1x128xf32, #tpu.memory_space<vmem>>
    %dma_wait3A_1593 = tpu.memref_squeeze %dma_wait3A_1592 : memref<1x128xf32, #tpu.memory_space<vmem>> -> memref<128xf32, #tpu.memory_space<vmem>>
    %dma_wait3A_1594 = arith.constant 0 : i32
    %dma_wait3A_1595 = tpu.memref_slice %arg5[%dma_wait3A_1590, %dma_wait3A_1594] : memref<80x128xi32, #tpu.memory_space<vmem>> -> memref<1x128xi32, #tpu.memory_space<vmem>>
    %dma_wait3A_1596 = tpu.memref_squeeze %dma_wait3A_1595 : memref<1x128xi32, #tpu.memory_space<vmem>> -> memref<128xi32, #tpu.memory_space<vmem>>
    %dma_wait3A_1597 = arith.constant 0 : i32
    %dma_wait3A_1598 = tpu.memref_slice %arg8[%dma_wait3A_1597] : memref<10240xf32, #tpu.memory_space<vmem_shared>> -> memref<10240xf32, #tpu.memory_space<vmem_shared>>
    tpu.wait_indirect_dma semaphore(%arg9 : memref<!tpu.dma_semaphore, #tpu.memory_space<semaphore_mem>>) src(%dma_wait3A_1593 : memref<128xf32, #tpu.memory_space<vmem>>) dst(%dma_wait3A_1598 : memref<10240xf32, #tpu.memory_space<vmem_shared>>)
    %dma_wait3A_1599 = arith.constant 79 : i32
    %dma_wait3A_1600 = arith.constant 79 : i32
    %dma_wait3A_1601 = arith.constant 0 : i32
    %dma_wait3A_1602 = tpu.memref_slice %arg6[%dma_wait3A_1599, %dma_wait3A_1601] : memref<80x128xf32, #tpu.memory_space<vmem>> -> memref<1x128xf32, #tpu.memory_space<vmem>>
    %dma_wait3A_1603 = tpu.memref_squeeze %dma_wait3A_1602 : memref<1x128xf32, #tpu.memory_space<vmem>> -> memref<128xf32, #tpu.memory_space<vmem>>
    %dma_wait3A_1604 = arith.constant 0 : i32
    %dma_wait3A_1605 = tpu.memref_slice %arg5[%dma_wait3A_1600, %dma_wait3A_1604] : memref<80x128xi32, #tpu.memory_space<vmem>> -> memref<1x128xi32, #tpu.memory_space<vmem>>
    %dma_wait3A_1606 = tpu.memref_squeeze %dma_wait3A_1605 : memref<1x128xi32, #tpu.memory_space<vmem>> -> memref<128xi32, #tpu.memory_space<vmem>>
    %dma_wait3A_1607 = arith.constant 0 : i32
    %dma_wait3A_1608 = tpu.memref_slice %arg8[%dma_wait3A_1607] : memref<10240xf32, #tpu.memory_space<vmem_shared>> -> memref<10240xf32, #tpu.memory_space<vmem_shared>>
    tpu.wait_indirect_dma semaphore(%arg9 : memref<!tpu.dma_semaphore, #tpu.memory_space<semaphore_mem>>) src(%dma_wait3A_1603 : memref<128xf32, #tpu.memory_space<vmem>>) dst(%dma_wait3A_1608 : memref<10240xf32, #tpu.memory_space<vmem_shared>>)
    %barrier3A_1609 = arith.constant 0 : index
    tpu.barrier barrier_id(%barrier3A_1609)
    %mul3A_1610 = arith.constant 640 : i32
    %mul3A_1611 = arith.muli %arg1, %mul3A_1610 : i32
    %mul3A_1612 = arith.constant 640 : i32
    %mul3A_1613 = arith.muli %arg1, %mul3A_1612 : i32
    "tpu.region"() ({
      %run_scoped3A = tpu.sem_alloc : memref<!tpu.dma_semaphore, #tpu.memory_space<semaphore_mem>>
      %dma_start3A_1614 = tpu.memref_slice %arg4[%arg0, %mul3A_1613] : memref<2x10240xf32, #tpu.memory_space<hbm>> -> memref<1x640xf32, #tpu.memory_space<hbm>>
      %dma_start3A_1615 = tpu.memref_squeeze %dma_start3A_1614 : memref<1x640xf32, #tpu.memory_space<hbm>> -> memref<640xf32, #tpu.memory_space<hbm>>
      %dma_start3A_1616 = tpu.memref_slice %arg8[%mul3A_1611] : memref<10240xf32, #tpu.memory_space<vmem_shared>> -> memref<640xf32, #tpu.memory_space<vmem_shared>>
      tpu.enqueue_dma source(%dma_start3A_1616 : memref<640xf32, #tpu.memory_space<vmem_shared>>) target(%dma_start3A_1615 : memref<640xf32, #tpu.memory_space<hbm>>) target_semaphore(%run_scoped3A : memref<!tpu.dma_semaphore, #tpu.memory_space<semaphore_mem>>)
      %dma_wait3A_1617 = tpu.memref_slice %arg4[%arg0, %mul3A_1613] : memref<2x10240xf32, #tpu.memory_space<hbm>> -> memref<1x640xf32, #tpu.memory_space<hbm>>
      %dma_wait3A_1618 = tpu.memref_squeeze %dma_wait3A_1617 : memref<1x640xf32, #tpu.memory_space<hbm>> -> memref<640xf32, #tpu.memory_space<hbm>>
      %dma_wait3A_1619 = tpu.memref_slice %arg8[%mul3A_1611] : memref<10240xf32, #tpu.memory_space<vmem_shared>> -> memref<640xf32, #tpu.memory_space<vmem_shared>>
      tpu.wait_dma2 semaphore(%run_scoped3A : memref<!tpu.dma_semaphore, #tpu.memory_space<semaphore_mem>>) src(%dma_wait3A_1619 : memref<640xf32, #tpu.memory_space<vmem_shared>>) dst(%dma_wait3A_1618 : memref<640xf32, #tpu.memory_space<hbm>>)
      tpu.yield
    }) : () -> ()
    return
  }
}

module attributes {stable_mosaic.version = 14 : i64} {
  func.func @_mm_body(%arg0: i32, %arg1: memref<1000x128xf32, #tpu.memory_space<vmem>>, %arg2: memref<128x128xf32, #tpu.memory_space<vmem>>, %arg3: memref<1000x2xf32, #tpu.memory_space<vmem>>, %arg4: memref<1000x128xf32, #tpu.memory_space<vmem>>) attributes {dimension_semantics = [#tpu.dimension_semantics<arbitrary>], iteration_bounds = array<i64: 10>, scalar_prefetch = 0 : i64, scratch_operands = 0 : i64, tpu.core_type = #tpu.core_type<tc>, window_params = [{transform_indices = @transform_0, window_bounds = array<i64: 1000, 128>}, {pipeline_mode = #tpu.pipeline_mode<synchronous>, transform_indices = @transform_1, window_bounds = array<i64: 128, 128>}, {transform_indices = @transform_2, window_bounds = array<i64: 1000, 2>}, {transform_indices = @transform_3, window_bounds = array<i64: 1000, 128>}]} {
    %get3A = arith.constant 0 : index
    %get3A_0 = arith.constant 0 : index
    %get3A_1 = vector.load %arg3[%get3A, %get3A_0] : memref<1000x2xf32, #tpu.memory_space<vmem>>, vector<1000x1xf32>
    %get3A_2 = vector.shape_cast %get3A_1 : vector<1000x1xf32> to vector<1000xf32>
    %get3A_3 = arith.constant 0 : index
    %get3A_4 = arith.constant 1 : index
    %get3A_5 = vector.load %arg3[%get3A_3, %get3A_4] : memref<1000x2xf32, #tpu.memory_space<vmem>>, vector<1000x1xf32>
    %get3A_6 = vector.shape_cast %get3A_5 : vector<1000x1xf32> to vector<1000xf32>
    %add3A = arith.addf %get3A_2, %get3A_6 : vector<1000xf32>
    %add3A_7 = arith.constant 1.000000e+00 : f32
    %add3A_8 = vector.broadcast %add3A_7 : f32 to vector<1000xf32>
    %add3A_9 = arith.addf %add3A, %add3A_8 : vector<1000xf32>
    %gt3A = arith.constant 0.000000e+00 : f32
    %gt3A_10 = vector.broadcast %gt3A : f32 to vector<1000xf32>
    %gt3A_11 = arith.cmpf ogt, %add3A_9, %gt3A_10 : vector<1000xf32>
    %rsqrt3A = math.rsqrt %add3A_9 : vector<1000xf32>
    %jit3A = arith.constant 0.000000e+00 : f32
    %broadcast_in_dim3A = vector.broadcast %jit3A : f32 to vector<1000xf32>
    %select_n3A = arith.select %gt3A_11, %rsqrt3A, %broadcast_in_dim3A : vector<1000xi1>, vector<1000xf32>
    %get3A_12 = arith.constant 0 : index
    %get3A_13 = arith.constant 0 : index
    %get3A_14 = vector.load %arg1[%get3A_12, %get3A_13] : memref<1000x128xf32, #tpu.memory_space<vmem>>, vector<1000x128xf32>
    %get3A_15 = arith.constant 0 : index
    %get3A_16 = arith.constant 0 : index
    %get3A_17 = vector.load %arg2[%get3A_15, %get3A_16] : memref<128x128xf32, #tpu.memory_space<vmem>>, vector<128x128xf32>
    %dot_general3A = arith.constant dense<0.000000e+00> : vector<1000x128xf32>
    %dot_general3A_18 = tpu.matmul %get3A_14, %get3A_17, %dot_general3A {dimension_numbers = #tpu.dot_dimension_numbers<[1], [1], [0], [0], [0, 0, 1, 0], [], []>, transpose_lhs_hint = false} : vector<1000x128xf32>, vector<128x128xf32>, vector<1000x128xf32> -> vector<1000x128xf32>
    %broadcast_in_dim3A_19 = vector.shape_cast %select_n3A : vector<1000xf32> to vector<1000x1xf32>
    %mul3A = vector.broadcast %broadcast_in_dim3A_19 : vector<1000x1xf32> to vector<1000x128xf32>
    %mul3A_20 = arith.mulf %mul3A, %dot_general3A_18 : vector<1000x128xf32>
    %swap3A = arith.constant 0 : index
    %swap3A_21 = arith.constant 0 : index
    %swap3A_22 = vector.load %arg4[%swap3A, %swap3A_21] : memref<1000x128xf32, #tpu.memory_space<vmem>>, vector<1000x128xf32>
    tpu.vector_store %arg4[%swap3A, %swap3A_21], %mul3A_20 {strides = array<i32>} : memref<1000x128xf32, #tpu.memory_space<vmem>>, vector<1000x128xf32>,
    return
  }
  func.func @transform_0(%arg0: i32) -> (i32, i32) {
    %c0_i32 = arith.constant 0 : i32
    %c0_i32_0 = arith.constant 0 : i32
    return %arg0, %c0_i32 : i32, i32
  }
  func.func @transform_1(%arg0: i32) -> (i32, i32) {
    %c0_i32 = arith.constant 0 : i32
    %c0_i32_0 = arith.constant 0 : i32
    %c0_i32_1 = arith.constant 0 : i32
    return %c0_i32, %c0_i32_0 : i32, i32
  }
  func.func @transform_2(%arg0: i32) -> (i32, i32) {
    %c0_i32 = arith.constant 0 : i32
    %c0_i32_0 = arith.constant 0 : i32
    return %arg0, %c0_i32 : i32, i32
  }
  func.func @transform_3(%arg0: i32) -> (i32, i32) {
    %c0_i32 = arith.constant 0 : i32
    %c0_i32_0 = arith.constant 0 : i32
    return %arg0, %c0_i32 : i32, i32
  }
}

module attributes {stable_mosaic.version = 14 : i64} {
  func.func @_final_body(%arg0: memref<2x10240x128xf32, #tpu.memory_space<vmem>>, %arg1: memref<10000x128xf32, #tpu.memory_space<vmem>>, %arg2: memref<2x10240xf32, #tpu.memory_space<vmem>>, %arg3: memref<128xf32, #tpu.memory_space<vmem>>, %arg4: memref<128xf32, #tpu.memory_space<vmem>>, %arg5: memref<128xf32, #tpu.memory_space<vmem>>, %arg6: memref<128x128xf32, #tpu.memory_space<vmem>>, %arg7: memref<128xf32, #tpu.memory_space<vmem>>, %arg8: memref<10000x128xf32, #tpu.memory_space<vmem>>) attributes {dimension_semantics = [], scalar_prefetch = 0 : i64, scratch_operands = 0 : i64, tpu.core_type = #tpu.core_type<tc>} {
    %get3A = arith.constant 0 : index
    %get3A_0 = arith.constant 0 : index
    %get3A_1 = vector.load %arg2[%get3A, %get3A_0] : memref<2x10240xf32, #tpu.memory_space<vmem>>, vector<1x10000xf32>
    %get3A_2 = vector.shape_cast %get3A_1 : vector<1x10000xf32> to vector<10000xf32>
    %get3A_3 = arith.constant 1 : index
    %get3A_4 = arith.constant 0 : index
    %get3A_5 = vector.load %arg2[%get3A_3, %get3A_4] : memref<2x10240xf32, #tpu.memory_space<vmem>>, vector<1x10000xf32>
    %get3A_6 = vector.shape_cast %get3A_5 : vector<1x10000xf32> to vector<10000xf32>
    %add3A = arith.addf %get3A_2, %get3A_6 : vector<10000xf32>
    %add3A_7 = arith.constant 1.000000e+00 : f32
    %add3A_8 = vector.broadcast %add3A_7 : f32 to vector<10000xf32>
    %add3A_9 = arith.addf %add3A, %add3A_8 : vector<10000xf32>
    %gt3A = arith.constant 0.000000e+00 : f32
    %gt3A_10 = vector.broadcast %gt3A : f32 to vector<10000xf32>
    %gt3A_11 = arith.cmpf ogt, %add3A_9, %gt3A_10 : vector<10000xf32>
    %rsqrt3A = math.rsqrt %add3A_9 : vector<10000xf32>
    %jit3A = arith.constant 0.000000e+00 : f32
    %broadcast_in_dim3A = vector.broadcast %jit3A : f32 to vector<10000xf32>
    %select_n3A = arith.select %gt3A_11, %rsqrt3A, %broadcast_in_dim3A : vector<10000xi1>, vector<10000xf32>
    %get3A_12 = arith.constant 0 : index
    %get3A_13 = arith.constant 0 : index
    %get3A_14 = arith.constant 0 : index
    %get3A_15 = vector.load %arg0[%get3A_12, %get3A_13, %get3A_14] : memref<2x10240x128xf32, #tpu.memory_space<vmem>>, vector<1x10000x128xf32>
    %get3A_16 = vector.shape_cast %get3A_15 : vector<1x10000x128xf32> to vector<10000x128xf32>
    %get3A_17 = arith.constant 1 : index
    %get3A_18 = arith.constant 0 : index
    %get3A_19 = arith.constant 0 : index
    %get3A_20 = vector.load %arg0[%get3A_17, %get3A_18, %get3A_19] : memref<2x10240x128xf32, #tpu.memory_space<vmem>>, vector<1x10000x128xf32>
    %get3A_21 = vector.shape_cast %get3A_20 : vector<1x10000x128xf32> to vector<10000x128xf32>
    %add3A_22 = arith.addf %get3A_16, %get3A_21 : vector<10000x128xf32>
    %broadcast_in_dim3A_23 = vector.shape_cast %select_n3A : vector<10000xf32> to vector<10000x1xf32>
    %get3A_24 = arith.constant 0 : index
    %get3A_25 = arith.constant 0 : index
    %get3A_26 = vector.load %arg1[%get3A_24, %get3A_25] : memref<10000x128xf32, #tpu.memory_space<vmem>>, vector<10000x128xf32>
    %add3A_27 = arith.addf %add3A_22, %get3A_26 : vector<10000x128xf32>
    %mul3A = vector.broadcast %broadcast_in_dim3A_23 : vector<10000x1xf32> to vector<10000x128xf32>
    %mul3A_28 = arith.mulf %mul3A, %add3A_27 : vector<10000x128xf32>
    %get3A_29 = arith.constant 0 : index
    %get3A_30 = vector.load %arg3[%get3A_29] : memref<128xf32, #tpu.memory_space<vmem>>, vector<128xf32>
    %broadcast_in_dim3A_31 = vector.shape_cast %get3A_30 : vector<128xf32> to vector<1x128xf32>
    %add3A_32 = vector.broadcast %broadcast_in_dim3A_31 : vector<1x128xf32> to vector<10000x128xf32>
    %add3A_33 = arith.addf %mul3A_28, %add3A_32 : vector<10000x128xf32>
    %reduce_sum3A = arith.constant dense<0.000000e+00> : vector<128xf32>
    %reduce_sum3A_34 = vector.multi_reduction <add>, %add3A_33, %reduce_sum3A [0] : vector<10000x128xf32> to vector<128xf32>
    %div3A = arith.constant 1.000000e+04 : f32
    %div3A_35 = vector.broadcast %div3A : f32 to vector<128xf32>
    %div3A_36 = arith.divf %reduce_sum3A_34, %div3A_35 : vector<128xf32>
    %broadcast_in_dim3A_37 = vector.shape_cast %div3A_36 : vector<128xf32> to vector<1x128xf32>
    %sub3A = vector.broadcast %broadcast_in_dim3A_37 : vector<1x128xf32> to vector<10000x128xf32>
    %sub3A_38 = arith.subf %add3A_33, %sub3A : vector<10000x128xf32>
    %integer_pow3A = arith.mulf %sub3A_38, %sub3A_38 : vector<10000x128xf32>
    %reduce_sum3A_39 = arith.constant dense<0.000000e+00> : vector<128xf32>
    %reduce_sum3A_40 = vector.multi_reduction <add>, %integer_pow3A, %reduce_sum3A_39 [0] : vector<10000x128xf32> to vector<128xf32>
    %div3A_41 = arith.constant 1.000000e+04 : f32
    %div3A_42 = vector.broadcast %div3A_41 : f32 to vector<128xf32>
    %div3A_43 = arith.divf %reduce_sum3A_40, %div3A_42 : vector<128xf32>
    %broadcast_in_dim3A_44 = vector.shape_cast %div3A_36 : vector<128xf32> to vector<1x128xf32>
    %sub3A_45 = vector.broadcast %broadcast_in_dim3A_44 : vector<1x128xf32> to vector<10000x128xf32>
    %sub3A_46 = arith.subf %add3A_33, %sub3A_45 : vector<10000x128xf32>
    %add3A_47 = arith.constant 9.99999974E-6 : f32
    %add3A_48 = vector.broadcast %add3A_47 : f32 to vector<128xf32>
    %add3A_49 = arith.addf %div3A_43, %add3A_48 : vector<128xf32>
    %sqrt3A = math.sqrt %add3A_49 : vector<128xf32>
    %broadcast_in_dim3A_50 = vector.shape_cast %sqrt3A : vector<128xf32> to vector<1x128xf32>
    %div3A_51 = vector.broadcast %broadcast_in_dim3A_50 : vector<1x128xf32> to vector<10000x128xf32>
    %div3A_52 = arith.divf %sub3A_46, %div3A_51 : vector<10000x128xf32>
    %get3A_53 = arith.constant 0 : index
    %get3A_54 = vector.load %arg4[%get3A_53] : memref<128xf32, #tpu.memory_space<vmem>>, vector<128xf32>
    %broadcast_in_dim3A_55 = vector.shape_cast %get3A_54 : vector<128xf32> to vector<1x128xf32>
    %mul3A_56 = vector.broadcast %broadcast_in_dim3A_55 : vector<1x128xf32> to vector<10000x128xf32>
    %mul3A_57 = arith.mulf %div3A_52, %mul3A_56 : vector<10000x128xf32>
    %get3A_58 = arith.constant 0 : index
    %get3A_59 = vector.load %arg5[%get3A_58] : memref<128xf32, #tpu.memory_space<vmem>>, vector<128xf32>
    %broadcast_in_dim3A_60 = vector.shape_cast %get3A_59 : vector<128xf32> to vector<1x128xf32>
    %add3A_61 = vector.broadcast %broadcast_in_dim3A_60 : vector<1x128xf32> to vector<10000x128xf32>
    %add3A_62 = arith.addf %mul3A_57, %add3A_61 : vector<10000x128xf32>
    %ge3A = arith.constant 0.000000e+00 : f32
    %ge3A_63 = vector.broadcast %ge3A : f32 to vector<10000x128xf32>
    %ge3A_64 = arith.cmpf oge, %add3A_62, %ge3A_63 : vector<10000x128xf32>
    %mul3A_65 = arith.constant 0.00999999977 : f32
    %mul3A_66 = vector.broadcast %mul3A_65 : f32 to vector<10000x128xf32>
    %mul3A_67 = arith.mulf %mul3A_66, %add3A_62 : vector<10000x128xf32>
    %select_n3A_68 = arith.select %ge3A_64, %add3A_62, %mul3A_67 : vector<10000x128xi1>, vector<10000x128xf32>
    %get3A_69 = arith.constant 0 : index
    %get3A_70 = arith.constant 0 : index
    %get3A_71 = vector.load %arg6[%get3A_69, %get3A_70] : memref<128x128xf32, #tpu.memory_space<vmem>>, vector<128x128xf32>
    %dot_general3A = arith.constant dense<0.000000e+00> : vector<10000x128xf32>
    %dot_general3A_72 = tpu.matmul %select_n3A_68, %get3A_71, %dot_general3A {dimension_numbers = #tpu.dot_dimension_numbers<[1], [1], [0], [0], [0, 0, 1, 0], [], []>, transpose_lhs_hint = false} : vector<10000x128xf32>, vector<128x128xf32>, vector<10000x128xf32> -> vector<10000x128xf32>
    %get3A_73 = arith.constant 0 : index
    %get3A_74 = vector.load %arg7[%get3A_73] : memref<128xf32, #tpu.memory_space<vmem>>, vector<128xf32>
    %broadcast_in_dim3A_75 = vector.shape_cast %get3A_74 : vector<128xf32> to vector<1x128xf32>
    %add3A_76 = vector.broadcast %broadcast_in_dim3A_75 : vector<1x128xf32> to vector<10000x128xf32>
    %add3A_77 = arith.addf %dot_general3A_72, %add3A_76 : vector<10000x128xf32>
    %swap3A = arith.constant 0 : index
    %swap3A_78 = arith.constant 0 : index
    %swap3A_79 = vector.load %arg8[%swap3A, %swap3A_78] : memref<10000x128xf32, #tpu.memory_space<vmem>>, vector<10000x128xf32>
    tpu.vector_store %arg8[%swap3A, %swap3A_78], %add3A_77 {strides = array<i32>} : memref<10000x128xf32, #tpu.memory_space<vmem>>, vector<10000x128xf32>,
    return
  }
}

</mosaic_0001>

<sc_bundles>
// kernel: kernel.6.cloned.1.call-start
scs
__scs_entry_jumppad:
0x0: {  	(pc) =	sbr.rel $0x88, $3  }
0x1: {  	(tag) =	ssettag $0x0;
	lr =	simm.s32 $0x1  }
0x2: {  	[smem:$0x3F98] =	sst lr;
	_ =	strace $0xD0000000  }
0x3: {  	_ = 	snop  }
0x4: {  	_ = 	snop  }
0x5: {  	_ = 	snop  }
0x6: {  	_ = 	snop  }
0x7: {  	_ = 	snop  }
__scs_overlays_trampoline_lowered:
0x8: {  	[smem:$0x3FA7] =	sst s0  }
0x9: {  	[smem:$0x3FA8] =	sst s1  }
0xa: {  	[smem:$0x3FA9] =	sst s2  }
0xb: {  	[smem:$0x3FAA] =	sst s3  }
0xc: {  	[smem:$0x3FAB] =	sst s4  }
0xd: {  	[smem:$0x3FAC] =	sst s5  }
0xe: {  	[smem:$0x3FAD] =	sst s6  }
0xf: {  	[smem:$0x3FAE] =	sst s7  }
0x10: {  	[smem:$0x3FAF] =	sst s8  }
0x11: {  	[smem:$0x3FB0] =	sst s9;
	s0 =	simm.s32 @!p0 $0x0  }
0x12: {  	s1 =	sld [smem:$0x3F96];
	s0 =	simm.s32 @p0 $0x1  }
0x13: {  	[smem:$0x3FB1] =	sst s0;
	s0 =	simm.s32 @!p1 $0x0  }
0x14: {  	s2 =	sld [smem:$0x3F95];
	s0 =	simm.s32 @p1 $0x1  }
0x15: {  	[smem:$0x3FB2] =	sst s0;
	s0 =	simm.s32 @!p2 $0x0  }
0x16: {  	s3 =	sld [smem:$0x3FDB];
	s0 =	simm.s32 @p2 $0x1  }
0x17: {  	s4 =	simm.s32 $0x1BF5;
	[smem:$0x3FB4] =	sst s0  }
0x18: {  	s0 =	sld [smem:$0x3F97];
	_ =	swait.ge [sflag:s4], $0x0  }
0x19: {  	s7 =	sld [smem:$0x3F98]  }
0x1a: {  	s8 =	sadd.s32 $0xFFFFE003, lr  }
0x1b: {  	s9 =	sadd.s32 $0xFFFFFEF7, lr;
	s5 =	simm.s32 $0xFFFFFFFF;
	p2 =	slt.u32 s8, $0xFFFFF086  }
0x1c: {  	p1 =	slt.u32 s9, $0xF7A;
	s5 =	simm.s32 @!p2 $0x0  }
0x1d: {  	s5 =	simm.s32 @p1 $0x1;
	p0 =	seq.s32 s7, s2  }
0x1e: {  	s7 =	smul.u32 @!p0 $0xF7A, s2;
	p2 =	seq.s32 @!p0 s5, $0x0  }
0x1f: {  	s9 =	smul.u32 $0xF7A, s1;
	s8 =	simm.s32 @!p0 $0x1BF5;
	p2 =	por !p2, p0  }
0x20: {  	[sflag:s8] =	ssyncset.s32 @!p0 $0xFFFFF086;
	s6 =	sadd.s32 @!p0 s3, s7;
	s7 =	simm.s32 @!p0 $0x108  }
0x21: {  	s3 =	sadd.s32 s3, s9;
	s6 =	sadd.s32 @!p0 $0x88, s6;
	s7 =	simm.s32 @p2 $0x1082  }
0x22: {  	[simem:s7], [sflag:s8] =	dma.local @!p0 [hbm:s6], $0xF7A  }
0x23: {  	s9 =	sor.u32 $0xD0000000, s2;
	s6 =	simm.s32 $0x108;
	_ =	swait.ge @!p0 [sflag:s8], $0x0  }
0x24: {  	s3 =	sadd.s32 $0x88, s3;
	s6 =	simm.s32 @!p1 $0x1082;
	[sflag:s4] =	ssyncset.s32 $0xFFFFF086  }
0x25: {  	[simem:s6], [sflag:s4] =	dma.local [hbm:s3], $0xF7A  }
0x26: {  	[smem:$0x3F98] =	sst s1;
	(tag) =	ssettag s2;
	_ =	strace s9  }
0x27: {  	s1 =	sld [smem:$0x3FA8]  }
0x28: {  	s2 =	sld [smem:$0x3FA9]  }
0x29: {  	s4 =	sld [smem:$0x3FAB]  }
0x2a: {  	p0 =	seq.s32 s5, $0x0;
	s5 =	sld [smem:$0x3FAC]  }
0x2b: {  	s6 =	sld [smem:$0x3FAD]  }
0x2c: {  	s7 =	sld [smem:$0x3FAE]  }
0x2d: {  	s3 =	simm.s32 $0x108;
	s8 =	sld [smem:$0x3FAF]  }
0x2e: {  	s3 =	simm.s32 @!p0 $0x1082;
	s9 =	sld [smem:$0x3FB0]  }
0x2f: {  	lr =	sadd.s32 s0, s3;
	s0 =	sld [smem:$0x3FA7]  }
0x30: {  	s3 =	sld [smem:$0x3FAA]  }
0x31: {  	[smem:$0x3FB3] =	sst s10  }
0x32: {  	s10 =	sld [smem:$0x3FB1];
	_ =	sdelay $0x3  }
0x33: {  	p0 =	seq.s32 s10, $0x1;
	s10 =	sld [smem:$0x3FB3];
	_ =	sdelay $0x3  }
0x34: {  	[smem:$0x3FB3] =	sst s10  }
0x35: {  	s10 =	sld [smem:$0x3FB2];
	_ =	sdelay $0x3  }
0x36: {  	p1 =	seq.s32 s10, $0x1;
	s10 =	sld [smem:$0x3FB3];
	_ =	sdelay $0x3  }
0x37: {  	[smem:$0x3FB3] =	sst s10  }
0x38: {  	s10 =	sld [smem:$0x3FB4]  }
0x39: {  	_ = 	snop;
	(pc) =	sbr.ind lr, $3  }
0x3a: {  	_ = 	snop  }
0x3b: {  	_ = 	snop  }
0x3c: {  	p2 =	seq.s32 s10, $0x1;
	s10 =	sld [smem:$0x3FB3]  }
0x3d: {  	_ =	shalt  }
0x3e: {  	_ =	shalt  }
0x3f: {  	_ =	shalt  }
0x40: {  	_ =	shalt  }
0x41: {  	_ =	shalt  }
0x42: {  	_ =	shalt  }
0x43: {  	_ =	shalt  }
0x44: {  	_ =	shalt  }
0x45: {  	_ =	shalt  }
0x46: {  	_ =	shalt  }
0x47: {  	_ =	shalt  }
0x48: {  	_ =	shalt  }
0x49: {  	_ =	shalt  }
0x4a: {  	_ =	shalt  }
0x4b: {  	_ =	shalt  }
0x4c: {  	_ =	shalt  }
0x4d: {  	_ =	shalt  }
0x4e: {  	_ =	shalt  }
0x4f: {  	_ =	shalt  }
0x50: {  	_ =	shalt  }
0x51: {  	_ =	shalt  }
0x52: {  	_ =	shalt  }
0x53: {  	_ =	shalt  }
0x54: {  	_ =	shalt  }
0x55: {  	_ =	shalt  }
0x56: {  	_ =	shalt  }
0x57: {  	_ =	shalt  }
0x58: {  	_ =	shalt  }
0x59: {  	_ =	shalt  }
0x5a: {  	_ =	shalt  }
0x5b: {  	_ =	shalt  }
0x5c: {  	_ =	shalt  }
0x5d: {  	_ =	shalt  }
0x5e: {  	_ =	shalt  }
0x5f: {  	_ =	shalt  }
0x60: {  	_ =	shalt  }
0x61: {  	_ =	shalt  }
0x62: {  	_ =	shalt  }
0x63: {  	_ =	shalt  }
0x64: {  	_ =	shalt  }
0x65: {  	_ =	shalt  }
0x66: {  	_ =	shalt  }
0x67: {  	_ =	shalt  }
0x68: {  	_ =	shalt  }
0x69: {  	_ =	shalt  }
0x6a: {  	_ =	shalt  }
0x6b: {  	_ =	shalt  }
0x6c: {  	_ =	shalt  }
0x6d: {  	_ =	shalt  }
0x6e: {  	_ =	shalt  }
0x6f: {  	_ =	shalt  }
0x70: {  	_ =	shalt  }
0x71: {  	_ =	shalt  }
0x72: {  	_ =	shalt  }
0x73: {  	_ =	shalt  }
0x74: {  	_ =	shalt  }
0x75: {  	_ =	shalt  }
0x76: {  	_ =	shalt  }
0x77: {  	_ =	shalt  }
0x78: {  	_ =	shalt  }
0x79: {  	_ =	shalt  }
0x7a: {  	_ =	shalt  }
0x7b: {  	_ =	shalt  }
0x7c: {  	_ =	shalt  }
0x7d: {  	_ =	shalt  }
0x7e: {  	_ =	shalt  }
0x7f: {  	_ =	shalt  }
0x80: {  	_ =	shalt  }
0x81: {  	_ =	shalt  }
0x82: {  	_ =	shalt  }
0x83: {  	_ =	shalt  }
0x84: {  	_ =	shalt  }
0x85: {  	_ =	shalt  }
0x86: {  	_ =	shalt  }
0x87: {  	_ =	shalt  }
.Lfunc_end0:
.L_simem_size_0:
called_computation_lowered:
.L_overlay_start_0:
0x88: {  	s2 =	sld [smem:$0x3FD9]  }
0x89: {  	s3 =	sld [smem:$0x3FFE];
	_ =	sdelay $0x1  }
0x8a: {  	s1 =	srdreg.scid  }
0x8b: {  	s0 =	sand.u32 $0x1, s1  }
0x8c: {  	s16 =	sshll.u32 s0, $0xA;
	s2 =	sadd.s32 s3, s2  }
0x8d: {  	s2 =	sadd.s32 s2, s16  }
0x8e: {  	[smem:$0x3FBF] =	sst s2  }
0x8f: {  	_ = 	snop  }
0x90: {  	(tm) =	ssettm $0x1  }
0x91: {  	s17 =	sld [smem:$0x3FFB];
	_ =	sdelay $0x3  }
0x92: {  	_ =	strace s17  }
0x93: {  	s2 =	sld [smem:$0x3FFC];
	_ =	sdelay $0x3  }
0x94: {  	_ =	strace s2  }
0x95: {  	s2 =	sld [smem:$0x3FFD];
	_ =	sdelay $0x3  }
0x96: {  	_ =	strace s2  }
0x97: {  	_ =	strace $0x8FFFFFFF  }
0x98: {  	s18 =	sld [smem:$0x3FDB];
	_ =	sdelay $0x1  }
0x99: {  	s19 =	simm.s32 $_scs_section_size  }
0x9a: {  	s4 =	simm.s32 $_size__tile_overlayer_lowered;
	s5 =	simm.s32 $_tile_overlayer_lowered  }
0x9b: {  	s22 =	simm.s32 $0x1BFF;
	s21 =	sshll.u32 s5, $0x1;
	s2 =	sadd.s32 s19, s18  }
0x9c: {  	s6 =	simm.s32 $0x0;
	s20 =	sshll.u32 s4, $0x1;
	s4 =	sadd.s32 s21, s2  }
0x9d: {  	[timem:s6], [sflag:s22] =	dma.local [hbm:s4], s20  }
0x9e: {  	_ =	swait.ge [sflag:s22], s20  }
0x9f: {  	s3 =	ssub.s32 $0x0, s20;
	[sflag:s22] =	ssyncset.done $0x0  }
0xa0: {  	[sflag:s22] =	ssyncadd.s32 s3;
	_ =	sdelay $0x1  }
0xa1: {  	s23 =	simm.s32 $0x1B8B  }
0xa2: {  	_ =	swait.ge [sflag:s23], $0x1  }
0xa3: {  	[sflag:s23] =	ssyncset.done $0x0  }
0xa4: {  	s25 =	simm.s32 $0x1B8E;
	s24 =	sld [smem:$0x3FFE];
	[sflag:s23] =	ssyncadd.s32 $0xFFFFFFFF  }
0xa5: {  	s26 =	simm.s32 $execute0_lowered;
	[smem:$0x3FD2] =	sst s25  }
0xa6: {  	s4 =	sshll.u32 s26, $0x1;
	_ =	strace $0x80000046;
	[dreg:$0x1] =	wrdreg $0xFFFFFFFF  }
0xa7: {  	s28 =	simm.s32 $_size_execute0_lowered;
	s2 =	sadd.s32 s2, s4;
	[dreg:$0x0] =	wrdreg $0x0  }
0xa8: {  	s4 =	sshll.u32 s28, $0x1;
	[dreg:$0x2] =	wrdreg s2  }
0xa9: {  	[dreg:$0x3] =	wrdreg s4  }
0xaa: {  	[dreg:$0x4] =	wrdreg $0xC0  }
0xab: {  	_ =	task [dreg:s6], $0x5FFFF  }
0xac: {  	[dreg:$0x1] =	wrdreg $0xFFFFFFFF  }
0xad: {  	[dreg:$0x0] =	wrdreg $0x60  }
0xae: {  	[dreg:$0x2] =	wrdreg s24  }
0xaf: {  	[dreg:$0x3] =	wrdreg $0x52800  }
0xb0: {  	[dreg:$0x4] =	wrdreg $0x9  }
0xb1: {  	_ =	task.clear_ibuf [dreg:s6], $0x5FFFF;
	_ =	strace $0x90000046  }
0xb2: {  	s29 =	simm.s32 $0x9;
	_ =	strace $0x80000048  }
0xb3: {  	_ =	swait.ge [sflag:s29], $0x1  }
0xb4: {  	[sflag:s29] =	ssyncadd.s32 $0xFFFFFFFF  }
0xb5: {  	_ =	strace $0x90000048  }
0xb6: {  	_ =	sfence  }
0xb7: {  	s30 =	sld [smem:$0x0];
	_ =	sdelay $0x2  }
0xb8: {  	s31 =	sshll.u32 s1, $0xD;
	s1 =	sshrl.u32 s1, $0x2  }
0xb9: {  	s3 =	sand.u32 $0x4000, s31;
	s1 =	sadd.s32 s1, s30  }
0xba: {  	s0 =	sor.u32 s3, s0;
	s1 =	sshll.u32 s1, $0x11  }
0xbb: {  	s0 =	sor.u32 s1, s0  }
0xbc: {  	s0 =	sadd.s32 $0x8F2B, s0  }
0xbd: {  	[sflag:s0] =	ssyncadd.remote.s32 $0x1  }
0xbe: {  	_ =	sfence.sel $0xFFFF  }
0xbf: {  	[dreg:$0x0] =	wrdreg $0xFFFFFFFF;
	(pc) =	sbr.abs _section_cstart, $3  }
0xc0: {  	[dreg:$0x1] =	wrdreg $0xFFFFFFFF  }
0xc1: {  	_ =	task.clear_ibuf [dreg:s6], $0x2FFFF;
	_ =	strace $0x9FFFFFFF  }
0xc2: {  	(tm) =	ssettm $0x7FFFFFFF  }
0xc3: {  	_ =	shalt  }
tec
execute0_lowered:
.L_overlay_start_1:
0x0: {  	(tag) =	ssettag $0x1  }
0x1: {  	s5 =	rddreg [dreg:$0x0]  }
0x2: {  	s2 =	rddreg [dreg:$0x1];
	s3 =	simm.s32 $0x0  }
0x3: {  	s11 =	simm.s32 $0x5000;
	[smem:$0x7FF] =	sst s3  }
0x4: {  	s12 =	simm.s32 $0x2880;
	_ =	strace $0x80000047;
	[dreg:$0x6] =	wrdreg s11  }
0x5: {  	s13 =	simm.s32 $0x100;
	[dreg:$0x7] =	wrdreg s12  }
0x6: {  	s14 =	simm.s32 $0x2900;
	[dreg:$0x8] =	wrdreg s13  }
0x7: {  	s15 =	simm.s32 $0x180;
	[dreg:$0x9] =	wrdreg s14  }
0x8: {  	s16 =	simm.s32 $0x2980;
	[dreg:$0xa] =	wrdreg s15  }
0x9: {  	s17 =	simm.s32 $0x200;
	[dreg:$0xb] =	wrdreg s16  }
0xa: {  	s18 =	simm.s32 $0x2A00;
	[dreg:$0xc] =	wrdreg s17  }
0xb: {  	s19 =	simm.s32 $0x280;
	[dreg:$0xd] =	wrdreg s18  }
0xc: {  	s20 =	simm.s32 $0x2A80;
	[dreg:$0xe] =	wrdreg s19  }
0xd: {  	s21 =	simm.s32 $0x300;
	[dreg:$0xf] =	wrdreg s20  }
0xe: {  	s22 =	simm.s32 $0x2B00;
	[dreg:$0x10] =	wrdreg s21  }
0xf: {  	s23 =	simm.s32 $0x380;
	[dreg:$0x11] =	wrdreg s22  }
0x10: {  	s24 =	simm.s32 $0x2B80;
	[dreg:$0x12] =	wrdreg s23  }
0x11: {  	s25 =	simm.s32 $0x400;
	[dreg:$0x13] =	wrdreg s24  }
0x12: {  	s26 =	simm.s32 $0x2C00;
	[dreg:$0x14] =	wrdreg s25  }
0x13: {  	s29 =	simm.s32 $0x480;
	[dreg:$0x15] =	wrdreg s26  }
0x14: {  	s30 =	simm.s32 $0x2C80;
	[dreg:$0x16] =	wrdreg s29  }
0x15: {  	s31 =	simm.s32 $0x500;
	[dreg:$0x17] =	wrdreg s30  }
0x16: {  	s9 =	simm.s32 $0x2E00;
	[dreg:$0x18] =	wrdreg s31  }
0x17: {  	[dreg:$0x1d] =	wrdreg s9;
	s11 =	simm.s32 $0x2E80  }
0x18: {  	s12 =	simm.s32 $0x700;
	[dreg:$0x1f] =	wrdreg s11  }
0x19: {  	s13 =	simm.s32 $0x2F00;
	[smem:$0x78A] =	sst s12  }
0x1a: {  	s14 =	simm.s32 $0x780;
	[smem:$0x78B] =	sst s13  }
0x1b: {  	s15 =	simm.s32 $0x2F80;
	[smem:$0x78C] =	sst s14  }
0x1c: {  	s16 =	simm.s32 $0x800;
	[smem:$0x78D] =	sst s15  }
0x1d: {  	s17 =	simm.s32 $0x3000;
	[smem:$0x78E] =	sst s16  }
0x1e: {  	s18 =	simm.s32 $0x880;
	[smem:$0x78F] =	sst s17  }
0x1f: {  	s19 =	simm.s32 $0x3080;
	[smem:$0x790] =	sst s18  }
0x20: {  	s20 =	simm.s32 $0x900;
	[smem:$0x791] =	sst s19  }
0x21: {  	s21 =	simm.s32 $0x3100;
	[smem:$0x792] =	sst s20  }
0x22: {  	s22 =	simm.s32 $0x980;
	[smem:$0x793] =	sst s21  }
0x23: {  	s23 =	simm.s32 $0x3180;
	[smem:$0x794] =	sst s22  }
0x24: {  	s24 =	simm.s32 $0xA00;
	[smem:$0x795] =	sst s23  }
0x25: {  	s25 =	simm.s32 $0x3200;
	[smem:$0x796] =	sst s24  }
0x26: {  	s26 =	simm.s32 $0xA80;
	[smem:$0x797] =	sst s25  }
0x27: {  	s29 =	simm.s32 $0x3280;
	[smem:$0x798] =	sst s26  }
0x28: {  	s30 =	simm.s32 $0xB00;
	[smem:$0x799] =	sst s29  }
0x29: {  	s31 =	simm.s32 $0x3300;
	[smem:$0x79A] =	sst s30  }
0x2a: {  	s9 =	simm.s32 $0xC80;
	[smem:$0x79B] =	sst s31  }
0x2b: {  	[smem:$0x7A0] =	sst s9;
	s11 =	simm.s32 $0xD00  }
0x2c: {  	s12 =	simm.s32 $0x3500;
	[smem:$0x7A2] =	sst s11  }
0x2d: {  	s13 =	simm.s32 $0xD80;
	[smem:$0x7A3] =	sst s12  }
0x2e: {  	s14 =	simm.s32 $0x3580;
	[smem:$0x7A4] =	sst s13  }
0x2f: {  	s15 =	simm.s32 $0xE00;
	[smem:$0x7A5] =	sst s14  }
0x30: {  	s16 =	simm.s32 $0x3600;
	[smem:$0x7A6] =	sst s15  }
0x31: {  	s17 =	simm.s32 $0xE80;
	[smem:$0x7A7] =	sst s16  }
0x32: {  	s18 =	simm.s32 $0x3680;
	[smem:$0x7A8] =	sst s17  }
0x33: {  	s19 =	simm.s32 $0xF00;
	[smem:$0x7A9] =	sst s18  }
0x34: {  	s20 =	simm.s32 $0x3700;
	[smem:$0x7AA] =	sst s19  }
0x35: {  	s21 =	simm.s32 $0xF80;
	[smem:$0x7AB] =	sst s20  }
0x36: {  	s22 =	simm.s32 $0x3780;
	[smem:$0x7AC] =	sst s21  }
0x37: {  	s23 =	simm.s32 $0x1000;
	[smem:$0x7AD] =	sst s22  }
0x38: {  	s0 =	srdreg.scid;
	s24 =	simm.s32 $0x3800;
	[smem:$0x7AE] =	sst s23  }
0x39: {  	s4 =	sand.u32 $0x1, s0;
	s25 =	simm.s32 $0x1080;
	[smem:$0x7AF] =	sst s24  }
0x3a: {  	s0 =	stileid.u32;
	s26 =	simm.s32 $0x3880;
	[smem:$0x7B0] =	sst s25  }
0x3b: {  	s1 =	sshll.u32 s4, $0x4;
	s29 =	simm.s32 $0x1100;
	[smem:$0x7B1] =	sst s26  }
0x3c: {  	s7 =	smul.u32 $0x500, s0;
	s30 =	simm.s32 $0x3900;
	[smem:$0x7B2] =	sst s29  }
0x3d: {  	s8 =	sshll.u32 s4, $0x7;
	s31 =	simm.s32 $0x1180;
	[smem:$0x7B3] =	sst s30  }
0x3e: {  	s1 =	sor.u32 s0, s1;
	s9 =	simm.s32 $0x3A80;
	[smem:$0x7B4] =	sst s31  }
0x3f: {  	s6 =	smul.u32 $0x500, s1;
	s1 =	simm.s32 $0x2D00;
	[smem:$0x7B9] =	sst s9  }
0x40: {  	s7 =	sor.u32 s8, s7;
	s8 =	simm.s32 $0x600;
	[dreg:$0x19] =	wrdreg s1  }
0x41: {  	s11 =	simm.s32 $0x3B00;
	[dreg:$0x1c] =	wrdreg s8  }
0x42: {  	s12 =	simm.s32 $0x1380;
	[smem:$0x7BB] =	sst s11  }
0x43: {  	s13 =	simm.s32 $0x3B80;
	[smem:$0x7BC] =	sst s12  }
0x44: {  	s14 =	simm.s32 $0x1400;
	[smem:$0x7BD] =	sst s13  }
0x45: {  	s15 =	simm.s32 $0x3C00;
	[smem:$0x7BE] =	sst s14  }
0x46: {  	s16 =	simm.s32 $0x1480;
	[smem:$0x7BF] =	sst s15  }
0x47: {  	s17 =	simm.s32 $0x3C80;
	[smem:$0x7C0] =	sst s16  }
0x48: {  	s18 =	simm.s32 $0x1500;
	[smem:$0x7C1] =	sst s17  }
0x49: {  	s19 =	simm.s32 $0x3D00;
	[smem:$0x7C2] =	sst s18  }
0x4a: {  	s20 =	simm.s32 $0x1580;
	[smem:$0x7C3] =	sst s19  }
0x4b: {  	s21 =	simm.s32 $0x3D80;
	[smem:$0x7C4] =	sst s20  }
0x4c: {  	s22 =	simm.s32 $0x1600;
	[smem:$0x7C5] =	sst s21  }
0x4d: {  	s23 =	simm.s32 $0x3E00;
	[smem:$0x7C6] =	sst s22  }
0x4e: {  	s24 =	simm.s32 $0x1680;
	[smem:$0x7C7] =	sst s23  }
0x4f: {  	s25 =	simm.s32 $0x3E80;
	[smem:$0x7C8] =	sst s24  }
0x50: {  	s26 =	simm.s32 $0x1700;
	[smem:$0x7C9] =	sst s25  }
0x51: {  	s29 =	simm.s32 $0x3F00;
	[smem:$0x7CA] =	sst s26  }
0x52: {  	s30 =	simm.s32 $0x1780;
	[smem:$0x7CB] =	sst s29  }
0x53: {  	s31 =	simm.s32 $0x3F80;
	[smem:$0x7CC] =	sst s30  }
0x54: {  	s9 =	simm.s32 $0x1900;
	[smem:$0x7CD] =	sst s31  }
0x55: {  	s1 =	simm.s32 $0xB80;
	[smem:$0x7D2] =	sst s9  }
0x56: {  	s8 =	simm.s32 $0x3400;
	[smem:$0x79C] =	sst s1  }
0x57: {  	s11 =	simm.s32 $0x1980;
	[smem:$0x79F] =	sst s8  }
0x58: {  	s12 =	simm.s32 $0x4180;
	[smem:$0x7D4] =	sst s11  }
0x59: {  	s13 =	simm.s32 $0x1A00;
	[smem:$0x7D5] =	sst s12  }
0x5a: {  	s14 =	simm.s32 $0x4200;
	[smem:$0x7D6] =	sst s13  }
0x5b: {  	s15 =	simm.s32 $0x1A80;
	[smem:$0x7D7] =	sst s14  }
0x5c: {  	s16 =	simm.s32 $0x4280;
	[smem:$0x7D8] =	sst s15  }
0x5d: {  	s17 =	simm.s32 $0x1B00;
	[smem:$0x7D9] =	sst s16  }
0x5e: {  	s18 =	simm.s32 $0x4300;
	[smem:$0x7DA] =	sst s17  }
0x5f: {  	s19 =	simm.s32 $0x1B80;
	[smem:$0x7DB] =	sst s18  }
0x60: {  	s20 =	simm.s32 $0x4380;
	[smem:$0x7DC] =	sst s19  }
0x61: {  	s21 =	simm.s32 $0x1C00;
	[smem:$0x7DD] =	sst s20  }
0x62: {  	s22 =	simm.s32 $0x4400;
	[smem:$0x7DE] =	sst s21  }
0x63: {  	s23 =	simm.s32 $0x1C80;
	[smem:$0x7DF] =	sst s22  }
0x64: {  	s24 =	simm.s32 $0x4480;
	[smem:$0x7E0] =	sst s23  }
0x65: {  	s25 =	simm.s32 $0x1D00;
	[smem:$0x7E1] =	sst s24  }
0x66: {  	s26 =	simm.s32 $0x4500;
	[smem:$0x7E2] =	sst s25  }
0x67: {  	s29 =	simm.s32 $0x1D80;
	[smem:$0x7E3] =	sst s26  }
0x68: {  	s30 =	simm.s32 $0x4580;
	[smem:$0x7E4] =	sst s29  }
0x69: {  	s7 =	sshrl.u32 s7, $0x3;
	s31 =	simm.s32 $0x1E00;
	[smem:$0x7E5] =	sst s30  }
0x6a: {  	s9 =	simm.s32 $0x4700;
	s6 =	sadd.s32 s6, s5;
	[smem:$0x7E6] =	sst s31  }
0x6b: {  	s5 =	sadd.s32 s7, s5;
	s7 =	simm.s32 $0x2D80;
	[smem:$0x7EB] =	sst s9  }
0x6c: {  	s1 =	simm.s32 $0x3980;
	[dreg:$0x1b] =	wrdreg s7  }
0x6d: {  	s8 =	simm.s32 $0x1280;
	[smem:$0x7B5] =	sst s1  }
0x6e: {  	s11 =	simm.s32 $0x4780;
	[smem:$0x7B8] =	sst s8  }
0x6f: {  	s12 =	simm.s32 $0x2000;
	[smem:$0x7ED] =	sst s11  }
0x70: {  	s13 =	simm.s32 $0x4800;
	[smem:$0x7EE] =	sst s12  }
0x71: {  	s14 =	simm.s32 $0x2080;
	[smem:$0x7EF] =	sst s13  }
0x72: {  	s15 =	simm.s32 $0x4880;
	[smem:$0x7F0] =	sst s14  }
0x73: {  	s16 =	simm.s32 $0x2100;
	[smem:$0x7F1] =	sst s15  }
0x74: {  	s17 =	simm.s32 $0x4900;
	[smem:$0x7F2] =	sst s16  }
0x75: {  	s18 =	simm.s32 $0x2180;
	[smem:$0x7F3] =	sst s17  }
0x76: {  	s19 =	simm.s32 $0x4980;
	[smem:$0x7F4] =	sst s18  }
0x77: {  	s21 =	simm.s32 $0x2200;
	[smem:$0x7F5] =	sst s19  }
0x78: {  	s23 =	simm.s32 $0x4A00;
	[smem:$0x7F6] =	sst s21  }
0x79: {  	s24 =	simm.s32 $0x2280;
	[smem:$0x7F7] =	sst s23  }
0x7a: {  	s26 =	simm.s32 $0x4A80;
	[smem:$0x7F8] =	sst s24  }
0x7b: {  	s29 =	simm.s32 $0x2300;
	[smem:$0x7F9] =	sst s26  }
0x7c: {  	s30 =	simm.s32 $0x4B00;
	[smem:$0x7FA] =	sst s29  }
0x7d: {  	s31 =	simm.s32 $0x2380;
	[smem:$0x7FB] =	sst s30  }
0x7e: {  	s10 =	sadd.s32 $0x16000, s6;
	[smem:$0x7FC] =	sst s31  }
0x7f: {  	s28 =	simm.s32 $0x10;
	s6 =	sadd.s32 $0x2000, s6;
	[dreg:$0x3] =	wrdreg s10  }
0x80: {  	s4 =	ssub.s32 $0x2, s4;
	s5 =	sadd.s32 $0x20000, s5;
	[dreg:$0x4] =	wrdreg s6  }
0x81: {  	s20 =	sshrl.u32 s4, $0x1;
	s7 =	simm.s32 $0xC00;
	[dreg:$0x5] =	wrdreg s5  }
0x82: {  	s22 =	smul.u32 $0xA00, s0;
	s1 =	simm.s32 $0x1800;
	[smem:$0x79E] =	sst s7  }
0x83: {  	s9 =	simm.s32 $0x1;
	s8 =	simm.s32 $0x4080;
	[smem:$0x7CE] =	sst s1  }
0x84: {  	s11 =	simm.s32 $0x4C00;
	s6 =	simm.s32 $0x580;
	[smem:$0x7D1] =	sst s8  }
0x85: {  	s12 =	simm.s32 $0x2480;
	s10 =	simm.s32 $0x680;
	[dreg:$0x1a] =	wrdreg s6  }
0x86: {  	s13 =	simm.s32 $0x4C80;
	s7 =	simm.s32 $0x3A00;
	[dreg:$0x1e] =	wrdreg s10  }
0x87: {  	s14 =	simm.s32 $0x2500;
	s1 =	simm.s32 $0x4600;
	[smem:$0x7B7] =	sst s7  }
0x88: {  	s15 =	simm.s32 $0x4D00;
	s8 =	simm.s32 $0x1F00;
	[smem:$0x7E7] =	sst s1  }
0x89: {  	s16 =	simm.s32 $0x2580;
	s6 =	simm.s32 $0x3380;
	[smem:$0x7EA] =	sst s8  }
0x8a: {  	s17 =	simm.s32 $0x4D80;
	s10 =	simm.s32 $0x3480;
	[smem:$0x79D] =	sst s6  }
0x8b: {  	s18 =	simm.s32 $0x2600;
	s7 =	simm.s32 $0x1880;
	[smem:$0x7A1] =	sst s10  }
0x8c: {  	s19 =	simm.s32 $0x4E00;
	s6 =	simm.s32 $0x1200;
	[smem:$0x7D0] =	sst s7  }
0x8d: {  	s21 =	simm.s32 $0x4E80;
	s10 =	simm.s32 $0x1300;
	[smem:$0x7B6] =	sst s6  }
0x8e: {  	s23 =	simm.s32 $0x4F00;
	s7 =	simm.s32 $0x4680;
	[smem:$0x7BA] =	sst s10  }
0x8f: {  	s24 =	simm.s32 $0x2780;
	s6 =	simm.s32 $0x4000;
	[smem:$0x7E9] =	sst s7  }
0x90: {  	s26 =	simm.s32 $0x20;
	s10 =	simm.s32 $0x4100;
	[smem:$0x7CF] =	sst s6  }
0x91: {  	s25 =	sshrl.u32 s22, $0x2;
	[smem:$0x7D3] =	sst s10;
	s6 =	simm.s32 $0x1E80  }
0x92: {  	s22 =	simm.s32 $0x2700;
	s10 =	simm.s32 $0x1F80;
	[smem:$0x7E8] =	sst s6  }
0x93: {  	s8 =	simm.s32 $0x80;
	s7 =	simm.s32 $0x2800;
	[smem:$0x7EC] =	sst s10  }
0x94: {  	s6 =	ssub.s32 s4, s20;
	s4 =	sadd.s32 s25, s2;
	s10 =	simm.s32 $0x4B80  }
0x95: {  	s20 =	simm.s32 $0x2680;
	s25 =	simm.s32 $0x4F80;
	s5 =	smax.u32 s6, $0x1  }
0x96: {  	v0 =	vimm.f32 $0.0e+00;
	s6 =	simm.s32 $0x2;
	[smem:$0x7FD] =	sst s10;
	s10 =	simm.s32 $0x2400  }
.LBB2_1:
0x97: {  	[tilespmem:$0x5000] =	vst v0  }
0x98: {  	[tilespmem:$0x5010] =	vst v0  }
0x99: {  	[tilespmem:$0x5020] =	vst v0  }
0x9a: {  	[tilespmem:$0x5030] =	vst v0  }
0x9b: {  	[tilespmem:$0x5040] =	vst v0  }
0x9c: {  	[tilespmem:$0x5050] =	vst v0  }
0x9d: {  	[tilespmem:$0x5060] =	vst v0  }
0x9e: {  	[tilespmem:$0x5070] =	vst v0  }
0x9f: {  	[tilespmem:$0x5080] =	vst v0  }
0xa0: {  	[tilespmem:$0x5090] =	vst v0  }
0xa1: {  	[tilespmem:$0x50A0] =	vst v0  }
0xa2: {  	[tilespmem:$0x50B0] =	vst v0  }
0xa3: {  	[tilespmem:$0x50C0] =	vst v0  }
0xa4: {  	[tilespmem:$0x50D0] =	vst v0  }
0xa5: {  	[tilespmem:$0x50E0] =	vst v0  }
0xa6: {  	[tilespmem:$0x50F0] =	vst v0  }
0xa7: {  	[tilespmem:$0x5100] =	vst v0  }
0xa8: {  	[tilespmem:$0x5110] =	vst v0  }
0xa9: {  	[tilespmem:$0x5120] =	vst v0  }
0xaa: {  	[tilespmem:$0x5130] =	vst v0  }
0xab: {  	[tilespmem:$0x5140] =	vst v0  }
0xac: {  	[tilespmem:$0x5150] =	vst v0  }
0xad: {  	[tilespmem:$0x5160] =	vst v0  }
0xae: {  	[tilespmem:$0x5170] =	vst v0  }
0xaf: {  	[tilespmem:$0x5180] =	vst v0  }
0xb0: {  	[tilespmem:$0x5190] =	vst v0  }
0xb1: {  	[tilespmem:$0x51A0] =	vst v0  }
0xb2: {  	[tilespmem:$0x51B0] =	vst v0  }
0xb3: {  	[tilespmem:$0x51C0] =	vst v0  }
0xb4: {  	[tilespmem:$0x51D0] =	vst v0  }
0xb5: {  	[tilespmem:$0x51E0] =	vst v0  }
0xb6: {  	[tilespmem:$0x51F0] =	vst v0  }
0xb7: {  	[tilespmem:$0x5200] =	vst v0  }
0xb8: {  	[tilespmem:$0x5210] =	vst v0  }
0xb9: {  	[tilespmem:$0x5220] =	vst v0  }
0xba: {  	[tilespmem:$0x5230] =	vst v0  }
0xbb: {  	[tilespmem:$0x5240] =	vst v0  }
0xbc: {  	[tilespmem:$0x5250] =	vst v0  }
0xbd: {  	[tilespmem:$0x5260] =	vst v0  }
0xbe: {  	s29 =	rddreg [dreg:$0x6];
	[tilespmem:$0x5270] =	vst v0  }
0xbf: {  	[spmem:s4] =	stream.linear.scatter [tilespmem:s29], [sflag:$0x2], $0x280, $0x38;
	[tilespmem:$0x5500] =	vst v63  }
0xc0: {  	_ =	swait.ge [sflag:s6], $0x280  }
0xc1: {  	[sflag:s6] =	ssyncset.done $0x0  }
0xc2: {  	[sflag:s6] =	ssyncadd.s32 $0xFFFFFD80  }
0xc3: {  	[bflag:$0x0] =	sbarrier.arrive $0xFFFF  }
0xc4: {  	s30 =	rddreg [dreg:$0x3]  }
0xc5: {  	[tilespmem:s3], [sflag:$0x2] =	stream.linear.gather [hbm4b:s30+s3], $0x2800, $0x38;
	[tilespmem:$0x5500] =	vst v63  }
0xc6: {  	_ =	swait.ge [sflag:s6], $0x2800  }
0xc7: {  	[sflag:s6] =	ssyncset.done $0x0  }
0xc8: {  	s31 =	rddreg [dreg:$0x4];
	[sflag:s6] =	ssyncadd.s32 $0xFFFFD800  }
0xc9: {  	[tilespmem:s7], [sflag:$0x2] =	stream.linear.gather [hbm4b:s31+s3], $0x2800, $0x38;
	[tilespmem:$0x5500] =	vst v63  }
0xca: {  	_ =	swait.ge [sflag:s6], $0x2800  }
0xcb: {  	s1 =	rddreg [dreg:$0x7]  }
0xcc: {  	[sflag:s6] =	ssyncset.done $0x0;
	s29 =	rddreg [dreg:$0x8]  }
0xcd: {  	s30 =	rddreg [dreg:$0x9];
	[sflag:s6] =	ssyncadd.s32 $0xFFFFD800  }
0xce: {  	[spmem:s2] =	stream.indirect.scatter.add.f32 [tilespmem:s7], [sflag:$0x1], $0x1, s3, s8, $0xb8;
	[tilespmem:$0x5500] =	vst v63  }
0xcf: {  	s31 =	rddreg [dreg:$0xa]  }
0xd0: {  	[spmem:s2] =	stream.indirect.scatter.add.f32 [tilespmem:s1], [sflag:$0x1], $0x1, s8, s8, $0xb8;
	[tilespmem:$0x5500] =	vst v63  }
0xd1: {  	s1 =	rddreg [dreg:$0xb]  }
0xd2: {  	[spmem:s2] =	stream.indirect.scatter.add.f32 [tilespmem:s30], [sflag:$0x1], $0x1, s29, s8, $0xb8;
	[tilespmem:$0x5500] =	vst v63  }
0xd3: {  	s29 =	rddreg [dreg:$0xd]  }
0xd4: {  	s30 =	rddreg [dreg:$0xe]  }
0xd5: {  	[spmem:s2] =	stream.indirect.scatter.add.f32 [tilespmem:s1], [sflag:$0x1], $0x1, s31, s8, $0xb8;
	[tilespmem:$0x5500] =	vst v63  }
0xd6: {  	s1 =	rddreg [dreg:$0xc]  }
0xd7: {  	s31 =	rddreg [dreg:$0xf]  }
0xd8: {  	[spmem:s2] =	stream.indirect.scatter.add.f32 [tilespmem:s29], [sflag:$0x1], $0x1, s1, s8, $0xb8;
	[tilespmem:$0x5500] =	vst v63  }
0xd9: {  	s1 =	rddreg [dreg:$0x10]  }
0xda: {  	s29 =	rddreg [dreg:$0x11]  }
0xdb: {  	[spmem:s2] =	stream.indirect.scatter.add.f32 [tilespmem:s31], [sflag:$0x1], $0x1, s30, s8, $0xb8;
	[tilespmem:$0x5500] =	vst v63  }
0xdc: {  	s30 =	rddreg [dreg:$0x12]  }
0xdd: {  	s31 =	rddreg [dreg:$0x13]  }
0xde: {  	[spmem:s2] =	stream.indirect.scatter.add.f32 [tilespmem:s29], [sflag:$0x1], $0x1, s1, s8, $0xb8;
	[tilespmem:$0x5500] =	vst v63  }
0xdf: {  	s1 =	rddreg [dreg:$0x14]  }
0xe0: {  	s29 =	rddreg [dreg:$0x15]  }
0xe1: {  	[spmem:s2] =	stream.indirect.scatter.add.f32 [tilespmem:s31], [sflag:$0x1], $0x1, s30, s8, $0xb8;
	[tilespmem:$0x5500] =	vst v63  }
0xe2: {  	s30 =	rddreg [dreg:$0x16]  }
0xe3: {  	s31 =	rddreg [dreg:$0x17]  }
0xe4: {  	[spmem:s2] =	stream.indirect.scatter.add.f32 [tilespmem:s29], [sflag:$0x1], $0x1, s1, s8, $0xb8;
	[tilespmem:$0x5500] =	vst v63  }
0xe5: {  	s1 =	rddreg [dreg:$0x18]  }
0xe6: {  	s29 =	rddreg [dreg:$0x19]  }
0xe7: {  	[spmem:s2] =	stream.indirect.scatter.add.f32 [tilespmem:s31], [sflag:$0x1], $0x1, s30, s8, $0xb8;
	[tilespmem:$0x5500] =	vst v63  }
0xe8: {  	s30 =	rddreg [dreg:$0x1a]  }
0xe9: {  	s31 =	rddreg [dreg:$0x1b]  }
0xea: {  	[spmem:s2] =	stream.indirect.scatter.add.f32 [tilespmem:s29], [sflag:$0x1], $0x1, s1, s8, $0xb8;
	[tilespmem:$0x5500] =	vst v63  }
0xeb: {  	s1 =	rddreg [dreg:$0x1c]  }
0xec: {  	s29 =	rddreg [dreg:$0x1d]  }
0xed: {  	[spmem:s2] =	stream.indirect.scatter.add.f32 [tilespmem:s31], [sflag:$0x1], $0x1, s30, s8, $0xb8;
	[tilespmem:$0x5500] =	vst v63  }
0xee: {  	s30 =	rddreg [dreg:$0x1e]  }
0xef: {  	s31 =	rddreg [dreg:$0x1f]  }
0xf0: {  	[spmem:s2] =	stream.indirect.scatter.add.f32 [tilespmem:s29], [sflag:$0x1], $0x1, s1, s8, $0xb8;
	[tilespmem:$0x5500] =	vst v63  }
0xf1: {  	s1 =	sld [smem:$0x78A]  }
0xf2: {  	s29 =	sld [smem:$0x78B]  }
0xf3: {  	[spmem:s2] =	stream.indirect.scatter.add.f32 [tilespmem:s31], [sflag:$0x1], $0x1, s30, s8, $0xb8;
	[tilespmem:$0x5500] =	vst v63  }
0xf4: {  	s30 =	sld [smem:$0x78C]  }
0xf5: {  	s31 =	sld [smem:$0x78D]  }
0xf6: {  	[spmem:s2] =	stream.indirect.scatter.add.f32 [tilespmem:s29], [sflag:$0x1], $0x1, s1, s8, $0xb8;
	[tilespmem:$0x5500] =	vst v63  }
0xf7: {  	_ = 	snop  }
0xf8: {  	[spmem:s2] =	stream.indirect.scatter.add.f32 [tilespmem:s31], [sflag:$0x1], $0x1, s30, s8, $0xb8;
	[tilespmem:$0x5500] =	vst v63  }
0xf9: {  	_ =	swait.ge [sflag:s9], $0x80  }
0xfa: {  	[sflag:s9] =	ssyncset.done $0x0  }
0xfb: {  	[sflag:s9] =	ssyncadd.s32 $0xFFFFFF80  }
0xfc: {  	_ =	swait.ge [sflag:s9], $0x80  }
0xfd: {  	[sflag:s9] =	ssyncset.done $0x0  }
0xfe: {  	[sflag:s9] =	ssyncadd.s32 $0xFFFFFF80  }
0xff: {  	_ =	swait.ge [sflag:s9], $0x80  }
0x100: {  	[sflag:s9] =	ssyncset.done $0x0  }
0x101: {  	[sflag:s9] =	ssyncadd.s32 $0xFFFFFF80  }
0x102: {  	_ =	swait.ge [sflag:s9], $0x80  }
0x103: {  	[sflag:s9] =	ssyncset.done $0x0  }
0x104: {  	[sflag:s9] =	ssyncadd.s32 $0xFFFFFF80  }
0x105: {  	_ =	swait.ge [sflag:s9], $0x80  }
0x106: {  	[sflag:s9] =	ssyncset.done $0x0  }
0x107: {  	[sflag:s9] =	ssyncadd.s32 $0xFFFFFF80  }
0x108: {  	_ =	swait.ge [sflag:s9], $0x80  }
0x109: {  	[sflag:s9] =	ssyncset.done $0x0  }
0x10a: {  	[sflag:s9] =	ssyncadd.s32 $0xFFFFFF80  }
0x10b: {  	_ =	swait.ge [sflag:s9], $0x80  }
0x10c: {  	[sflag:s9] =	ssyncset.done $0x0  }
0x10d: {  	[sflag:s9] =	ssyncadd.s32 $0xFFFFFF80  }
0x10e: {  	_ =	swait.ge [sflag:s9], $0x80  }
0x10f: {  	[sflag:s9] =	ssyncset.done $0x0  }
0x110: {  	[sflag:s9] =	ssyncadd.s32 $0xFFFFFF80  }
0x111: {  	_ =	swait.ge [sflag:s9], $0x80  }
0x112: {  	[sflag:s9] =	ssyncset.done $0x0  }
0x113: {  	[sflag:s9] =	ssyncadd.s32 $0xFFFFFF80  }
0x114: {  	_ =	swait.ge [sflag:s9], $0x80  }
0x115: {  	[sflag:s9] =	ssyncset.done $0x0  }
0x116: {  	[sflag:s9] =	ssyncadd.s32 $0xFFFFFF80  }
0x117: {  	_ =	swait.ge [sflag:s9], $0x80  }
0x118: {  	[sflag:s9] =	ssyncset.done $0x0  }
0x119: {  	[sflag:s9] =	ssyncadd.s32 $0xFFFFFF80  }
0x11a: {  	_ =	swait.ge [sflag:s9], $0x80  }
0x11b: {  	[sflag:s9] =	ssyncset.done $0x0  }
0x11c: {  	[sflag:s9] =	ssyncadd.s32 $0xFFFFFF80  }
0x11d: {  	_ =	swait.ge [sflag:s9], $0x80  }
0x11e: {  	[sflag:s9] =	ssyncset.done $0x0  }
0x11f: {  	[sflag:s9] =	ssyncadd.s32 $0xFFFFFF80  }
0x120: {  	_ =	swait.ge [sflag:s9], $0x80  }
0x121: {  	[sflag:s9] =	ssyncset.done $0x0  }
0x122: {  	[sflag:s9] =	ssyncadd.s32 $0xFFFFFF80  }
0x123: {  	_ =	swait.ge [sflag:s9], $0x80  }
0x124: {  	[sflag:s9] =	ssyncset.done $0x0  }
0x125: {  	[sflag:s9] =	ssyncadd.s32 $0xFFFFFF80  }
0x126: {  	_ =	swait.ge [sflag:s9], $0x80  }
0x127: {  	s1 =	sld [smem:$0x78E]  }
0x128: {  	s29 =	sld [smem:$0x78F]  }
0x129: {  	[sflag:s9] =	ssyncset.done $0x0;
	s30 =	sld [smem:$0x790]  }
0x12a: {  	s31 =	sld [smem:$0x791];
	[sflag:s9] =	ssyncadd.s32 $0xFFFFFF80  }
0x12b: {  	[spmem:s2] =	stream.indirect.scatter.add.f32 [tilespmem:s29], [sflag:$0x1], $0x1, s1, s8, $0xb8;
	[tilespmem:$0x5500] =	vst v63  }
0x12c: {  	s1 =	sld [smem:$0x792]  }
0x12d: {  	s29 =	sld [smem:$0x793]  }
0x12e: {  	[spmem:s2] =	stream.indirect.scatter.add.f32 [tilespmem:s31], [sflag:$0x1], $0x1, s30, s8, $0xb8;
	[tilespmem:$0x5500] =	vst v63  }
0x12f: {  	s30 =	sld [smem:$0x794]  }
0x130: {  	s31 =	sld [smem:$0x795]  }
0x131: {  	[spmem:s2] =	stream.indirect.scatter.add.f32 [tilespmem:s29], [sflag:$0x1], $0x1, s1, s8, $0xb8;
	[tilespmem:$0x5500] =	vst v63  }
0x132: {  	s1 =	sld [smem:$0x796]  }
0x133: {  	s29 =	sld [smem:$0x797]  }
0x134: {  	[spmem:s2] =	stream.indirect.scatter.add.f32 [tilespmem:s31], [sflag:$0x1], $0x1, s30, s8, $0xb8;
	[tilespmem:$0x5500] =	vst v63  }
0x135: {  	s30 =	sld [smem:$0x798]  }
0x136: {  	s31 =	sld [smem:$0x799]  }
0x137: {  	[spmem:s2] =	stream.indirect.scatter.add.f32 [tilespmem:s29], [sflag:$0x1], $0x1, s1, s8, $0xb8;
	[tilespmem:$0x5500] =	vst v63  }
0x138: {  	s1 =	sld [smem:$0x79A]  }
0x139: {  	s29 =	sld [smem:$0x79B]  }
0x13a: {  	[spmem:s2] =	stream.indirect.scatter.add.f32 [tilespmem:s31], [sflag:$0x1], $0x1, s30, s8, $0xb8;
	[tilespmem:$0x5500] =	vst v63  }
0x13b: {  	s30 =	sld [smem:$0x79C]  }
0x13c: {  	s31 =	sld [smem:$0x79D]  }
0x13d: {  	[spmem:s2] =	stream.indirect.scatter.add.f32 [tilespmem:s29], [sflag:$0x1], $0x1, s1, s8, $0xb8;
	[tilespmem:$0x5500] =	vst v63  }
0x13e: {  	s1 =	sld [smem:$0x79E]  }
0x13f: {  	s29 =	sld [smem:$0x79F]  }
0x140: {  	[spmem:s2] =	stream.indirect.scatter.add.f32 [tilespmem:s31], [sflag:$0x1], $0x1, s30, s8, $0xb8;
	[tilespmem:$0x5500] =	vst v63  }
0x141: {  	s30 =	sld [smem:$0x7A0]  }
0x142: {  	s31 =	sld [smem:$0x7A1]  }
0x143: {  	[spmem:s2] =	stream.indirect.scatter.add.f32 [tilespmem:s29], [sflag:$0x1], $0x1, s1, s8, $0xb8;
	[tilespmem:$0x5500] =	vst v63  }
0x144: {  	s1 =	sld [smem:$0x7A2]  }
0x145: {  	s29 =	sld [smem:$0x7A3]  }
0x146: {  	[spmem:s2] =	stream.indirect.scatter.add.f32 [tilespmem:s31], [sflag:$0x1], $0x1, s30, s8, $0xb8;
	[tilespmem:$0x5500] =	vst v63  }
0x147: {  	s30 =	sld [smem:$0x7A4]  }
0x148: {  	s31 =	sld [smem:$0x7A5]  }
0x149: {  	[spmem:s2] =	stream.indirect.scatter.add.f32 [tilespmem:s29], [sflag:$0x1], $0x1, s1, s8, $0xb8;
	[tilespmem:$0x5500] =	vst v63  }
0x14a: {  	s1 =	sld [smem:$0x7A6]  }
0x14b: {  	s29 =	sld [smem:$0x7A7]  }
0x14c: {  	[spmem:s2] =	stream.indirect.scatter.add.f32 [tilespmem:s31], [sflag:$0x1], $0x1, s30, s8, $0xb8;
	[tilespmem:$0x5500] =	vst v63  }
0x14d: {  	s30 =	sld [smem:$0x7A8]  }
0x14e: {  	s31 =	sld [smem:$0x7A9]  }
0x14f: {  	[spmem:s2] =	stream.indirect.scatter.add.f32 [tilespmem:s29], [sflag:$0x1], $0x1, s1, s8, $0xb8;
	[tilespmem:$0x5500] =	vst v63  }
0x150: {  	s1 =	sld [smem:$0x7AA]  }
0x151: {  	s29 =	sld [smem:$0x7AB]  }
0x152: {  	[spmem:s2] =	stream.indirect.scatter.add.f32 [tilespmem:s31], [sflag:$0x1], $0x1, s30, s8, $0xb8;
	[tilespmem:$0x5500] =	vst v63  }
0x153: {  	s30 =	sld [smem:$0x7AC]  }
0x154: {  	s31 =	sld [smem:$0x7AD]  }
0x155: {  	[spmem:s2] =	stream.indirect.scatter.add.f32 [tilespmem:s29], [sflag:$0x1], $0x1, s1, s8, $0xb8;
	[tilespmem:$0x5500] =	vst v63  }
0x156: {  	_ = 	snop  }
0x157: {  	[spmem:s2] =	stream.indirect.scatter.add.f32 [tilespmem:s31], [sflag:$0x1], $0x1, s30, s8, $0xb8;
	[tilespmem:$0x5500] =	vst v63  }
0x158: {  	_ =	swait.ge [sflag:s9], $0x80  }
0x159: {  	[sflag:s9] =	ssyncset.done $0x0  }
0x15a: {  	[sflag:s9] =	ssyncadd.s32 $0xFFFFFF80  }
0x15b: {  	_ =	swait.ge [sflag:s9], $0x80  }
0x15c: {  	[sflag:s9] =	ssyncset.done $0x0  }
0x15d: {  	[sflag:s9] =	ssyncadd.s32 $0xFFFFFF80  }
0x15e: {  	_ =	swait.ge [sflag:s9], $0x80  }
0x15f: {  	[sflag:s9] =	ssyncset.done $0x0  }
0x160: {  	[sflag:s9] =	ssyncadd.s32 $0xFFFFFF80  }
0x161: {  	_ =	swait.ge [sflag:s9], $0x80  }
0x162: {  	[sflag:s9] =	ssyncset.done $0x0  }
0x163: {  	[sflag:s9] =	ssyncadd.s32 $0xFFFFFF80  }
0x164: {  	_ =	swait.ge [sflag:s9], $0x80  }
0x165: {  	[sflag:s9] =	ssyncset.done $0x0  }
0x166: {  	[sflag:s9] =	ssyncadd.s32 $0xFFFFFF80  }
0x167: {  	_ =	swait.ge [sflag:s9], $0x80  }
0x168: {  	[sflag:s9] =	ssyncset.done $0x0  }
0x169: {  	[sflag:s9] =	ssyncadd.s32 $0xFFFFFF80  }
0x16a: {  	_ =	swait.ge [sflag:s9], $0x80  }
0x16b: {  	[sflag:s9] =	ssyncset.done $0x0  }
0x16c: {  	[sflag:s9] =	ssyncadd.s32 $0xFFFFFF80  }
0x16d: {  	_ =	swait.ge [sflag:s9], $0x80  }
0x16e: {  	[sflag:s9] =	ssyncset.done $0x0  }
0x16f: {  	[sflag:s9] =	ssyncadd.s32 $0xFFFFFF80  }
0x170: {  	_ =	swait.ge [sflag:s9], $0x80  }
0x171: {  	[sflag:s9] =	ssyncset.done $0x0  }
0x172: {  	[sflag:s9] =	ssyncadd.s32 $0xFFFFFF80  }
0x173: {  	_ =	swait.ge [sflag:s9], $0x80  }
0x174: {  	[sflag:s9] =	ssyncset.done $0x0  }
0x175: {  	[sflag:s9] =	ssyncadd.s32 $0xFFFFFF80  }
0x176: {  	_ =	swait.ge [sflag:s9], $0x80  }
0x177: {  	[sflag:s9] =	ssyncset.done $0x0  }
0x178: {  	[sflag:s9] =	ssyncadd.s32 $0xFFFFFF80  }
0x179: {  	_ =	swait.ge [sflag:s9], $0x80  }
0x17a: {  	[sflag:s9] =	ssyncset.done $0x0  }
0x17b: {  	[sflag:s9] =	ssyncadd.s32 $0xFFFFFF80  }
0x17c: {  	_ =	swait.ge [sflag:s9], $0x80  }
0x17d: {  	[sflag:s9] =	ssyncset.done $0x0  }
0x17e: {  	[sflag:s9] =	ssyncadd.s32 $0xFFFFFF80  }
0x17f: {  	_ =	swait.ge [sflag:s9], $0x80  }
0x180: {  	[sflag:s9] =	ssyncset.done $0x0  }
0x181: {  	[sflag:s9] =	ssyncadd.s32 $0xFFFFFF80  }
0x182: {  	_ =	swait.ge [sflag:s9], $0x80  }
0x183: {  	[sflag:s9] =	ssyncset.done $0x0  }
0x184: {  	[sflag:s9] =	ssyncadd.s32 $0xFFFFFF80  }
0x185: {  	_ =	swait.ge [sflag:s9], $0x80  }
0x186: {  	s1 =	sld [smem:$0x7AE]  }
0x187: {  	s29 =	sld [smem:$0x7AF]  }
0x188: {  	[sflag:s9] =	ssyncset.done $0x0;
	s30 =	sld [smem:$0x7B0]  }
0x189: {  	s31 =	sld [smem:$0x7B1];
	[sflag:s9] =	ssyncadd.s32 $0xFFFFFF80  }
0x18a: {  	[spmem:s2] =	stream.indirect.scatter.add.f32 [tilespmem:s29], [sflag:$0x1], $0x1, s1, s8, $0xb8;
	[tilespmem:$0x5500] =	vst v63  }
0x18b: {  	s1 =	sld [smem:$0x7B2]  }
0x18c: {  	s29 =	sld [smem:$0x7B3]  }
0x18d: {  	[spmem:s2] =	stream.indirect.scatter.add.f32 [tilespmem:s31], [sflag:$0x1], $0x1, s30, s8, $0xb8;
	[tilespmem:$0x5500] =	vst v63  }
0x18e: {  	s30 =	sld [smem:$0x7B4]  }
0x18f: {  	s31 =	sld [smem:$0x7B5]  }
0x190: {  	[spmem:s2] =	stream.indirect.scatter.add.f32 [tilespmem:s29], [sflag:$0x1], $0x1, s1, s8, $0xb8;
	[tilespmem:$0x5500] =	vst v63  }
0x191: {  	s1 =	sld [smem:$0x7B6]  }
0x192: {  	s29 =	sld [smem:$0x7B7]  }
0x193: {  	[spmem:s2] =	stream.indirect.scatter.add.f32 [tilespmem:s31], [sflag:$0x1], $0x1, s30, s8, $0xb8;
	[tilespmem:$0x5500] =	vst v63  }
0x194: {  	s30 =	sld [smem:$0x7B8]  }
0x195: {  	s31 =	sld [smem:$0x7B9]  }
0x196: {  	[spmem:s2] =	stream.indirect.scatter.add.f32 [tilespmem:s29], [sflag:$0x1], $0x1, s1, s8, $0xb8;
	[tilespmem:$0x5500] =	vst v63  }
0x197: {  	s1 =	sld [smem:$0x7BA]  }
0x198: {  	s29 =	sld [smem:$0x7BB]  }
0x199: {  	[spmem:s2] =	stream.indirect.scatter.add.f32 [tilespmem:s31], [sflag:$0x1], $0x1, s30, s8, $0xb8;
	[tilespmem:$0x5500] =	vst v63  }
0x19a: {  	s30 =	sld [smem:$0x7BC]  }
0x19b: {  	s31 =	sld [smem:$0x7BD]  }
0x19c: {  	[spmem:s2] =	stream.indirect.scatter.add.f32 [tilespmem:s29], [sflag:$0x1], $0x1, s1, s8, $0xb8;
	[tilespmem:$0x5500] =	vst v63  }
0x19d: {  	s1 =	sld [smem:$0x7BE]  }
0x19e: {  	s29 =	sld [smem:$0x7BF]  }
0x19f: {  	[spmem:s2] =	stream.indirect.scatter.add.f32 [tilespmem:s31], [sflag:$0x1], $0x1, s30, s8, $0xb8;
	[tilespmem:$0x5500] =	vst v63  }
0x1a0: {  	s30 =	sld [smem:$0x7C0]  }
0x1a1: {  	s31 =	sld [smem:$0x7C1]  }
0x1a2: {  	[spmem:s2] =	stream.indirect.scatter.add.f32 [tilespmem:s29], [sflag:$0x1], $0x1, s1, s8, $0xb8;
	[tilespmem:$0x5500] =	vst v63  }
0x1a3: {  	s1 =	sld [smem:$0x7C2]  }
0x1a4: {  	s29 =	sld [smem:$0x7C3]  }
0x1a5: {  	[spmem:s2] =	stream.indirect.scatter.add.f32 [tilespmem:s31], [sflag:$0x1], $0x1, s30, s8, $0xb8;
	[tilespmem:$0x5500] =	vst v63  }
0x1a6: {  	s30 =	sld [smem:$0x7C4]  }
0x1a7: {  	s31 =	sld [smem:$0x7C5]  }
0x1a8: {  	[spmem:s2] =	stream.indirect.scatter.add.f32 [tilespmem:s29], [sflag:$0x1], $0x1, s1, s8, $0xb8;
	[tilespmem:$0x5500] =	vst v63  }
0x1a9: {  	s1 =	sld [smem:$0x7C6]  }
0x1aa: {  	s29 =	sld [smem:$0x7C7]  }
0x1ab: {  	[spmem:s2] =	stream.indirect.scatter.add.f32 [tilespmem:s31], [sflag:$0x1], $0x1, s30, s8, $0xb8;
	[tilespmem:$0x5500] =	vst v63  }
0x1ac: {  	s30 =	sld [smem:$0x7C8]  }
0x1ad: {  	s31 =	sld [smem:$0x7C9]  }
0x1ae: {  	[spmem:s2] =	stream.indirect.scatter.add.f32 [tilespmem:s29], [sflag:$0x1], $0x1, s1, s8, $0xb8;
	[tilespmem:$0x5500] =	vst v63  }
0x1af: {  	s1 =	sld [smem:$0x7CA]  }
0x1b0: {  	s29 =	sld [smem:$0x7CB]  }
0x1b1: {  	[spmem:s2] =	stream.indirect.scatter.add.f32 [tilespmem:s31], [sflag:$0x1], $0x1, s30, s8, $0xb8;
	[tilespmem:$0x5500] =	vst v63  }
0x1b2: {  	s30 =	sld [smem:$0x7CC]  }
0x1b3: {  	s31 =	sld [smem:$0x7CD]  }
0x1b4: {  	[spmem:s2] =	stream.indirect.scatter.add.f32 [tilespmem:s29], [sflag:$0x1], $0x1, s1, s8, $0xb8;
	[tilespmem:$0x5500] =	vst v63  }
0x1b5: {  	_ = 	snop  }
0x1b6: {  	[spmem:s2] =	stream.indirect.scatter.add.f32 [tilespmem:s31], [sflag:$0x1], $0x1, s30, s8, $0xb8;
	[tilespmem:$0x5500] =	vst v63  }
0x1b7: {  	_ =	swait.ge [sflag:s9], $0x80  }
0x1b8: {  	[sflag:s9] =	ssyncset.done $0x0  }
0x1b9: {  	[sflag:s9] =	ssyncadd.s32 $0xFFFFFF80  }
0x1ba: {  	_ =	swait.ge [sflag:s9], $0x80  }
0x1bb: {  	[sflag:s9] =	ssyncset.done $0x0  }
0x1bc: {  	[sflag:s9] =	ssyncadd.s32 $0xFFFFFF80  }
0x1bd: {  	_ =	swait.ge [sflag:s9], $0x80  }
0x1be: {  	[sflag:s9] =	ssyncset.done $0x0  }
0x1bf: {  	[sflag:s9] =	ssyncadd.s32 $0xFFFFFF80  }
0x1c0: {  	_ =	swait.ge [sflag:s9], $0x80  }
0x1c1: {  	[sflag:s9] =	ssyncset.done $0x0  }
0x1c2: {  	[sflag:s9] =	ssyncadd.s32 $0xFFFFFF80  }
0x1c3: {  	_ =	swait.ge [sflag:s9], $0x80  }
0x1c4: {  	[sflag:s9] =	ssyncset.done $0x0  }
0x1c5: {  	[sflag:s9] =	ssyncadd.s32 $0xFFFFFF80  }
0x1c6: {  	_ =	swait.ge [sflag:s9], $0x80  }
0x1c7: {  	[sflag:s9] =	ssyncset.done $0x0  }
0x1c8: {  	[sflag:s9] =	ssyncadd.s32 $0xFFFFFF80  }
0x1c9: {  	_ =	swait.ge [sflag:s9], $0x80  }
0x1ca: {  	[sflag:s9] =	ssyncset.done $0x0  }
0x1cb: {  	[sflag:s9] =	ssyncadd.s32 $0xFFFFFF80  }
0x1cc: {  	_ =	swait.ge [sflag:s9], $0x80  }
0x1cd: {  	[sflag:s9] =	ssyncset.done $0x0  }
0x1ce: {  	[sflag:s9] =	ssyncadd.s32 $0xFFFFFF80  }
0x1cf: {  	_ =	swait.ge [sflag:s9], $0x80  }
0x1d0: {  	[sflag:s9] =	ssyncset.done $0x0  }
0x1d1: {  	[sflag:s9] =	ssyncadd.s32 $0xFFFFFF80  }
0x1d2: {  	_ =	swait.ge [sflag:s9], $0x80  }
0x1d3: {  	[sflag:s9] =	ssyncset.done $0x0  }
0x1d4: {  	[sflag:s9] =	ssyncadd.s32 $0xFFFFFF80  }
0x1d5: {  	_ =	swait.ge [sflag:s9], $0x80  }
0x1d6: {  	[sflag:s9] =	ssyncset.done $0x0  }
0x1d7: {  	[sflag:s9] =	ssyncadd.s32 $0xFFFFFF80  }
0x1d8: {  	_ =	swait.ge [sflag:s9], $0x80  }
0x1d9: {  	[sflag:s9] =	ssyncset.done $0x0  }
0x1da: {  	[sflag:s9] =	ssyncadd.s32 $0xFFFFFF80  }
0x1db: {  	_ =	swait.ge [sflag:s9], $0x80  }
0x1dc: {  	[sflag:s9] =	ssyncset.done $0x0  }
0x1dd: {  	[sflag:s9] =	ssyncadd.s32 $0xFFFFFF80  }
0x1de: {  	_ =	swait.ge [sflag:s9], $0x80  }
0x1df: {  	[sflag:s9] =	ssyncset.done $0x0  }
0x1e0: {  	[sflag:s9] =	ssyncadd.s32 $0xFFFFFF80  }
0x1e1: {  	_ =	swait.ge [sflag:s9], $0x80  }
0x1e2: {  	[sflag:s9] =	ssyncset.done $0x0  }
0x1e3: {  	[sflag:s9] =	ssyncadd.s32 $0xFFFFFF80  }
0x1e4: {  	_ =	swait.ge [sflag:s9], $0x80  }
0x1e5: {  	s1 =	sld [smem:$0x7CE]  }
0x1e6: {  	s29 =	sld [smem:$0x7CF]  }
0x1e7: {  	[sflag:s9] =	ssyncset.done $0x0;
	s30 =	sld [smem:$0x7D0]  }
0x1e8: {  	s31 =	sld [smem:$0x7D1];
	[sflag:s9] =	ssyncadd.s32 $0xFFFFFF80  }
0x1e9: {  	[spmem:s2] =	stream.indirect.scatter.add.f32 [tilespmem:s29], [sflag:$0x1], $0x1, s1, s8, $0xb8;
	[tilespmem:$0x5500] =	vst v63  }
0x1ea: {  	s1 =	sld [smem:$0x7D2]  }
0x1eb: {  	s29 =	sld [smem:$0x7D3]  }
0x1ec: {  	[spmem:s2] =	stream.indirect.scatter.add.f32 [tilespmem:s31], [sflag:$0x1], $0x1, s30, s8, $0xb8;
	[tilespmem:$0x5500] =	vst v63  }
0x1ed: {  	s30 =	sld [smem:$0x7D4]  }
0x1ee: {  	s31 =	sld [smem:$0x7D5]  }
0x1ef: {  	[spmem:s2] =	stream.indirect.scatter.add.f32 [tilespmem:s29], [sflag:$0x1], $0x1, s1, s8, $0xb8;
	[tilespmem:$0x5500] =	vst v63  }
0x1f0: {  	s1 =	sld [smem:$0x7D6]  }
0x1f1: {  	s29 =	sld [smem:$0x7D7]  }
0x1f2: {  	[spmem:s2] =	stream.indirect.scatter.add.f32 [tilespmem:s31], [sflag:$0x1], $0x1, s30, s8, $0xb8;
	[tilespmem:$0x5500] =	vst v63  }
0x1f3: {  	s30 =	sld [smem:$0x7D8]  }
0x1f4: {  	s31 =	sld [smem:$0x7D9]  }
0x1f5: {  	[spmem:s2] =	stream.indirect.scatter.add.f32 [tilespmem:s29], [sflag:$0x1], $0x1, s1, s8, $0xb8;
	[tilespmem:$0x5500] =	vst v63  }
0x1f6: {  	s1 =	sld [smem:$0x7DA]  }
0x1f7: {  	s29 =	sld [smem:$0x7DB]  }
0x1f8: {  	[spmem:s2] =	stream.indirect.scatter.add.f32 [tilespmem:s31], [sflag:$0x1], $0x1, s30, s8, $0xb8;
	[tilespmem:$0x5500] =	vst v63  }
0x1f9: {  	s30 =	sld [smem:$0x7DC]  }
0x1fa: {  	s31 =	sld [smem:$0x7DD]  }
0x1fb: {  	[spmem:s2] =	stream.indirect.scatter.add.f32 [tilespmem:s29], [sflag:$0x1], $0x1, s1, s8, $0xb8;
	[tilespmem:$0x5500] =	vst v63  }
0x1fc: {  	s1 =	sld [smem:$0x7DE]  }
0x1fd: {  	s29 =	sld [smem:$0x7DF]  }
0x1fe: {  	[spmem:s2] =	stream.indirect.scatter.add.f32 [tilespmem:s31], [sflag:$0x1], $0x1, s30, s8, $0xb8;
	[tilespmem:$0x5500] =	vst v63  }
0x1ff: {  	s30 =	sld [smem:$0x7E0]  }
0x200: {  	s31 =	sld [smem:$0x7E1]  }
0x201: {  	[spmem:s2] =	stream.indirect.scatter.add.f32 [tilespmem:s29], [sflag:$0x1], $0x1, s1, s8, $0xb8;
	[tilespmem:$0x5500] =	vst v63  }
0x202: {  	s1 =	sld [smem:$0x7E2]  }
0x203: {  	s29 =	sld [smem:$0x7E3]  }
0x204: {  	[spmem:s2] =	stream.indirect.scatter.add.f32 [tilespmem:s31], [sflag:$0x1], $0x1, s30, s8, $0xb8;
	[tilespmem:$0x5500] =	vst v63  }
0x205: {  	s30 =	sld [smem:$0x7E4]  }
0x206: {  	s31 =	sld [smem:$0x7E5]  }
0x207: {  	[spmem:s2] =	stream.indirect.scatter.add.f32 [tilespmem:s29], [sflag:$0x1], $0x1, s1, s8, $0xb8;
	[tilespmem:$0x5500] =	vst v63  }
0x208: {  	s1 =	sld [smem:$0x7E6]  }
0x209: {  	s29 =	sld [smem:$0x7E7]  }
0x20a: {  	[spmem:s2] =	stream.indirect.scatter.add.f32 [tilespmem:s31], [sflag:$0x1], $0x1, s30, s8, $0xb8;
	[tilespmem:$0x5500] =	vst v63  }
0x20b: {  	s30 =	sld [smem:$0x7E8]  }
0x20c: {  	s31 =	sld [smem:$0x7E9]  }
0x20d: {  	[spmem:s2] =	stream.indirect.scatter.add.f32 [tilespmem:s29], [sflag:$0x1], $0x1, s1, s8, $0xb8;
	[tilespmem:$0x5500] =	vst v63  }
0x20e: {  	s1 =	sld [smem:$0x7EA]  }
0x20f: {  	s29 =	sld [smem:$0x7EB]  }
0x210: {  	[spmem:s2] =	stream.indirect.scatter.add.f32 [tilespmem:s31], [sflag:$0x1], $0x1, s30, s8, $0xb8;
	[tilespmem:$0x5500] =	vst v63  }
0x211: {  	s30 =	sld [smem:$0x7EC]  }
0x212: {  	s31 =	sld [smem:$0x7ED]  }
0x213: {  	[spmem:s2] =	stream.indirect.scatter.add.f32 [tilespmem:s29], [sflag:$0x1], $0x1, s1, s8, $0xb8;
	[tilespmem:$0x5500] =	vst v63  }
0x214: {  	_ = 	snop  }
0x215: {  	[spmem:s2] =	stream.indirect.scatter.add.f32 [tilespmem:s31], [sflag:$0x1], $0x1, s30, s8, $0xb8;
	[tilespmem:$0x5500] =	vst v63  }
0x216: {  	_ =	swait.ge [sflag:s9], $0x80  }
0x217: {  	[sflag:s9] =	ssyncset.done $0x0  }
0x218: {  	[sflag:s9] =	ssyncadd.s32 $0xFFFFFF80  }
0x219: {  	_ =	swait.ge [sflag:s9], $0x80  }
0x21a: {  	[sflag:s9] =	ssyncset.done $0x0  }
0x21b: {  	[sflag:s9] =	ssyncadd.s32 $0xFFFFFF80  }
0x21c: {  	_ =	swait.ge [sflag:s9], $0x80  }
0x21d: {  	[sflag:s9] =	ssyncset.done $0x0  }
0x21e: {  	[sflag:s9] =	ssyncadd.s32 $0xFFFFFF80  }
0x21f: {  	_ =	swait.ge [sflag:s9], $0x80  }
0x220: {  	[sflag:s9] =	ssyncset.done $0x0  }
0x221: {  	[sflag:s9] =	ssyncadd.s32 $0xFFFFFF80  }
0x222: {  	_ =	swait.ge [sflag:s9], $0x80  }
0x223: {  	[sflag:s9] =	ssyncset.done $0x0  }
0x224: {  	[sflag:s9] =	ssyncadd.s32 $0xFFFFFF80  }
0x225: {  	_ =	swait.ge [sflag:s9], $0x80  }
0x226: {  	[sflag:s9] =	ssyncset.done $0x0  }
0x227: {  	[sflag:s9] =	ssyncadd.s32 $0xFFFFFF80  }
0x228: {  	_ =	swait.ge [sflag:s9], $0x80  }
0x229: {  	[sflag:s9] =	ssyncset.done $0x0  }
0x22a: {  	[sflag:s9] =	ssyncadd.s32 $0xFFFFFF80  }
0x22b: {  	_ =	swait.ge [sflag:s9], $0x80  }
0x22c: {  	[sflag:s9] =	ssyncset.done $0x0  }
0x22d: {  	[sflag:s9] =	ssyncadd.s32 $0xFFFFFF80  }
0x22e: {  	_ =	swait.ge [sflag:s9], $0x80  }
0x22f: {  	[sflag:s9] =	ssyncset.done $0x0  }
0x230: {  	[sflag:s9] =	ssyncadd.s32 $0xFFFFFF80  }
0x231: {  	_ =	swait.ge [sflag:s9], $0x80  }
0x232: {  	[sflag:s9] =	ssyncset.done $0x0  }
0x233: {  	[sflag:s9] =	ssyncadd.s32 $0xFFFFFF80  }
0x234: {  	_ =	swait.ge [sflag:s9], $0x80  }
0x235: {  	[sflag:s9] =	ssyncset.done $0x0  }
0x236: {  	[sflag:s9] =	ssyncadd.s32 $0xFFFFFF80  }
0x237: {  	_ =	swait.ge [sflag:s9], $0x80  }
0x238: {  	[sflag:s9] =	ssyncset.done $0x0  }
0x239: {  	[sflag:s9] =	ssyncadd.s32 $0xFFFFFF80  }
0x23a: {  	_ =	swait.ge [sflag:s9], $0x80  }
0x23b: {  	[sflag:s9] =	ssyncset.done $0x0  }
0x23c: {  	[sflag:s9] =	ssyncadd.s32 $0xFFFFFF80  }
0x23d: {  	_ =	swait.ge [sflag:s9], $0x80  }
0x23e: {  	[sflag:s9] =	ssyncset.done $0x0  }
0x23f: {  	[sflag:s9] =	ssyncadd.s32 $0xFFFFFF80  }
0x240: {  	_ =	swait.ge [sflag:s9], $0x80  }
0x241: {  	[sflag:s9] =	ssyncset.done $0x0  }
0x242: {  	[sflag:s9] =	ssyncadd.s32 $0xFFFFFF80  }
0x243: {  	_ =	swait.ge [sflag:s9], $0x80  }
0x244: {  	s1 =	sld [smem:$0x7EE]  }
0x245: {  	s29 =	sld [smem:$0x7EF]  }
0x246: {  	[sflag:s9] =	ssyncset.done $0x0;
	s30 =	sld [smem:$0x7F0]  }
0x247: {  	s31 =	sld [smem:$0x7F1];
	[sflag:s9] =	ssyncadd.s32 $0xFFFFFF80  }
0x248: {  	[spmem:s2] =	stream.indirect.scatter.add.f32 [tilespmem:s29], [sflag:$0x1], $0x1, s1, s8, $0xb8;
	[tilespmem:$0x5500] =	vst v63  }
0x249: {  	s1 =	sld [smem:$0x7F2]  }
0x24a: {  	s29 =	sld [smem:$0x7F3]  }
0x24b: {  	[spmem:s2] =	stream.indirect.scatter.add.f32 [tilespmem:s31], [sflag:$0x1], $0x1, s30, s8, $0xb8;
	[tilespmem:$0x5500] =	vst v63  }
0x24c: {  	s30 =	sld [smem:$0x7F4]  }
0x24d: {  	s31 =	sld [smem:$0x7F5]  }
0x24e: {  	[spmem:s2] =	stream.indirect.scatter.add.f32 [tilespmem:s29], [sflag:$0x1], $0x1, s1, s8, $0xb8;
	[tilespmem:$0x5500] =	vst v63  }
0x24f: {  	s1 =	sld [smem:$0x7F6]  }
0x250: {  	s29 =	sld [smem:$0x7F7]  }
0x251: {  	[spmem:s2] =	stream.indirect.scatter.add.f32 [tilespmem:s31], [sflag:$0x1], $0x1, s30, s8, $0xb8;
	[tilespmem:$0x5500] =	vst v63  }
0x252: {  	s30 =	sld [smem:$0x7F8]  }
0x253: {  	s31 =	sld [smem:$0x7F9]  }
0x254: {  	[spmem:s2] =	stream.indirect.scatter.add.f32 [tilespmem:s29], [sflag:$0x1], $0x1, s1, s8, $0xb8;
	[tilespmem:$0x5500] =	vst v63  }
0x255: {  	s1 =	sld [smem:$0x7FA]  }
0x256: {  	s29 =	sld [smem:$0x7FB]  }
0x257: {  	[spmem:s2] =	stream.indirect.scatter.add.f32 [tilespmem:s31], [sflag:$0x1], $0x1, s30, s8, $0xb8;
	[tilespmem:$0x5500] =	vst v63  }
0x258: {  	s30 =	sld [smem:$0x7FC]  }
0x259: {  	s31 =	sld [smem:$0x7FD]  }
0x25a: {  	[spmem:s2] =	stream.indirect.scatter.add.f32 [tilespmem:s29], [sflag:$0x1], $0x1, s1, s8, $0xb8;
	[tilespmem:$0x5500] =	vst v63  }
0x25b: {  	_ = 	snop  }
0x25c: {  	[spmem:s2] =	stream.indirect.scatter.add.f32 [tilespmem:s31], [sflag:$0x1], $0x1, s30, s8, $0xb8;
	[tilespmem:$0x5500] =	vst v63  }
0x25d: {  	_ = 	snop  }
0x25e: {  	[spmem:s2] =	stream.indirect.scatter.add.f32 [tilespmem:s11], [sflag:$0x1], $0x1, s10, s8, $0xb8;
	[tilespmem:$0x5500] =	vst v63  }
0x25f: {  	_ = 	snop  }
0x260: {  	[spmem:s2] =	stream.indirect.scatter.add.f32 [tilespmem:s13], [sflag:$0x1], $0x1, s12, s8, $0xb8;
	[tilespmem:$0x5500] =	vst v63  }
0x261: {  	_ = 	snop  }
0x262: {  	[spmem:s2] =	stream.indirect.scatter.add.f32 [tilespmem:s15], [sflag:$0x1], $0x1, s14, s8, $0xb8;
	[tilespmem:$0x5500] =	vst v63  }
0x263: {  	_ = 	snop  }
0x264: {  	[spmem:s2] =	stream.indirect.scatter.add.f32 [tilespmem:s17], [sflag:$0x1], $0x1, s16, s8, $0xb8;
	[tilespmem:$0x5500] =	vst v63  }
0x265: {  	_ = 	snop  }
0x266: {  	[spmem:s2] =	stream.indirect.scatter.add.f32 [tilespmem:s19], [sflag:$0x1], $0x1, s18, s8, $0xb8;
	[tilespmem:$0x5500] =	vst v63  }
0x267: {  	_ = 	snop  }
0x268: {  	[spmem:s2] =	stream.indirect.scatter.add.f32 [tilespmem:s21], [sflag:$0x1], $0x1, s20, s8, $0xb8;
	[tilespmem:$0x5500] =	vst v63  }
0x269: {  	_ = 	snop  }
0x26a: {  	[spmem:s2] =	stream.indirect.scatter.add.f32 [tilespmem:s23], [sflag:$0x1], $0x1, s22, s8, $0xb8;
	[tilespmem:$0x5500] =	vst v63  }
0x26b: {  	_ = 	snop  }
0x26c: {  	[spmem:s2] =	stream.indirect.scatter.add.f32 [tilespmem:s25], [sflag:$0x1], $0x1, s24, s8, $0xb8;
	[tilespmem:$0x5500] =	vst v63  }
0x26d: {  	_ =	swait.ge [sflag:s9], $0x80  }
0x26e: {  	[sflag:s9] =	ssyncset.done $0x0  }
0x26f: {  	[sflag:s9] =	ssyncadd.s32 $0xFFFFFF80  }
0x270: {  	_ =	swait.ge [sflag:s9], $0x80  }
0x271: {  	[sflag:s9] =	ssyncset.done $0x0  }
0x272: {  	[sflag:s9] =	ssyncadd.s32 $0xFFFFFF80  }
0x273: {  	_ =	swait.ge [sflag:s9], $0x80  }
0x274: {  	[sflag:s9] =	ssyncset.done $0x0  }
0x275: {  	[sflag:s9] =	ssyncadd.s32 $0xFFFFFF80  }
0x276: {  	_ =	swait.ge [sflag:s9], $0x80  }
0x277: {  	[sflag:s9] =	ssyncset.done $0x0  }
0x278: {  	[sflag:s9] =	ssyncadd.s32 $0xFFFFFF80  }
0x279: {  	_ =	swait.ge [sflag:s9], $0x80  }
0x27a: {  	[sflag:s9] =	ssyncset.done $0x0  }
0x27b: {  	[sflag:s9] =	ssyncadd.s32 $0xFFFFFF80  }
0x27c: {  	_ =	swait.ge [sflag:s9], $0x80  }
0x27d: {  	[sflag:s9] =	ssyncset.done $0x0  }
0x27e: {  	[sflag:s9] =	ssyncadd.s32 $0xFFFFFF80  }
0x27f: {  	_ =	swait.ge [sflag:s9], $0x80  }
0x280: {  	[sflag:s9] =	ssyncset.done $0x0  }
0x281: {  	[sflag:s9] =	ssyncadd.s32 $0xFFFFFF80  }
0x282: {  	_ =	swait.ge [sflag:s9], $0x80  }
0x283: {  	[sflag:s9] =	ssyncset.done $0x0  }
0x284: {  	[sflag:s9] =	ssyncadd.s32 $0xFFFFFF80  }
0x285: {  	_ =	swait.ge [sflag:s9], $0x80  }
0x286: {  	[sflag:s9] =	ssyncset.done $0x0  }
0x287: {  	[sflag:s9] =	ssyncadd.s32 $0xFFFFFF80  }
0x288: {  	_ =	swait.ge [sflag:s9], $0x80  }
0x289: {  	[sflag:s9] =	ssyncset.done $0x0  }
0x28a: {  	[sflag:s9] =	ssyncadd.s32 $0xFFFFFF80  }
0x28b: {  	_ =	swait.ge [sflag:s9], $0x80  }
0x28c: {  	[sflag:s9] =	ssyncset.done $0x0  }
0x28d: {  	[sflag:s9] =	ssyncadd.s32 $0xFFFFFF80  }
0x28e: {  	_ =	swait.ge [sflag:s9], $0x80  }
0x28f: {  	[sflag:s9] =	ssyncset.done $0x0  }
0x290: {  	[sflag:s9] =	ssyncadd.s32 $0xFFFFFF80  }
0x291: {  	_ =	swait.ge [sflag:s9], $0x80  }
0x292: {  	[sflag:s9] =	ssyncset.done $0x0  }
0x293: {  	[sflag:s9] =	ssyncadd.s32 $0xFFFFFF80  }
0x294: {  	_ =	swait.ge [sflag:s9], $0x80  }
0x295: {  	[sflag:s9] =	ssyncset.done $0x0  }
0x296: {  	[sflag:s9] =	ssyncadd.s32 $0xFFFFFF80  }
0x297: {  	_ =	swait.ge [sflag:s9], $0x80  }
0x298: {  	[sflag:s9] =	ssyncset.done $0x0  }
0x299: {  	[sflag:s9] =	ssyncadd.s32 $0xFFFFFF80  }
0x29a: {  	_ =	swait.ge [sflag:s9], $0x80  }
0x29b: {  	[sflag:s9] =	ssyncset.done $0x0  }
0x29c: {  	p0 =	sne.s32 s5, $0x1;
	[sflag:s9] =	ssyncadd.s32 $0xFFFFFF80  }
0x29d: {  	s30 =	sshll.u32 s0, $0x6;
	s31 =	sshrl.u32 s4, $0x3;
	[bflag:$0x0] =	sbarrier.arrive $0xFFFF  }
.Ltmp0:
0x29e: {  	s29 =	sor.u32 $0x1C02, s30;
	s1 =	rddreg [dreg:$0x5];
	(pc) =	sbr.rel @p0 .LBB2_1-.Ltmp0, $4  }
0x29f: {  	[hbm:s1@s26], [sflag:s29] =	dma.strided [spmem:s31@s28], $0x50, s9, $0x10   }
0x2a0: {  	_ =	swait.ge [sflag:s6], $0x50  }
0x2a1: {  	[sflag:s6] =	ssyncset.done $0x0  }
0x2a2: {  	s5 =	sadd.s32 $0xFFFFFFFF, s5;
	[sflag:s6] =	ssyncadd.s32 $0xFFFFFFB0  }
0x2a3: {  	_ =	sfence.sel $0x180000  }
0x2a4: {  	[bflag:$0x0] =	sbarrier.arrive $0xFFFF  }
0x2a5: {  	_ =	strace $0x90000047  }
0x2a6: {  	[bflag:$0x2] =	sbarrier.arrive $0xFFFF  }
0x2a7: {  	p0 =	sne.s32 s0, $0x0;
	s0 =	rddreg [dreg:$0x2]  }
0x2a8: {  	s0 =	sadd.s32 @!p0 $0x100000, s0  }
0x2a9: {  	[sflag:s0] =	ssyncadd.tile.s32 @!p0 $0x1;
	_ =	shalt  }
.Lfunc_end2:
_tile_overlayer_lowered:
.L_overlay_start_2:
0x2aa: {  	(tag) =	ssettag $0x2  }
0x2ab: {  	s0 =	rddreg [dreg:$0x0];
	s2 =	stileid.u32  }
0x2ac: {  	s1 =	rddreg [dreg:$0x1];
	p0 =	sne.s32 s2, $0x0  }
0x2ad: {  	s3 =	rddreg [dreg:$0x2];
	[bflag:$0x3] =	sbarrier.arrive $0xFFFF;
	s2 =	simm.s32 @!p0 $0x1C02  }
0x2ae: {  	[timem:s3], [sflag:s2] =	dma.local @!p0 [hbm:s0], s1  }
0x2af: {  	s0 =	simm.s32 @!p0 $0x2  }
0x2b0: {  	_ =	swait.ge @!p0 [sflag:s0], s1  }
0x2b1: {  	s1 =	ssub.s32 @!p0 $0x0, s1;
	[sflag:s0] =	ssyncset.done @!p0 $0x0  }
0x2b2: {  	[sflag:s0] =	ssyncadd.s32 @!p0 s1  }
0x2b3: {  	[bflag:$0x3] =	sbarrier.arrive $0xFFFF  }
0x2b4: {  	_ =	shalt  }

// kernel: kernel.9.cloned.1.call-start
scs
__scs_entry_jumppad:
0x0: {  	(pc) =	sbr.rel $0x88, $3  }
0x1: {  	(tag) =	ssettag $0x0;
	lr =	simm.s32 $0x1  }
0x2: {  	[smem:$0x3F98] =	sst lr;
	_ =	strace $0xD0000000  }
0x3: {  	_ = 	snop  }
0x4: {  	_ = 	snop  }
0x5: {  	_ = 	snop  }
0x6: {  	_ = 	snop  }
0x7: {  	_ = 	snop  }
__scs_overlays_trampoline_lowered:
0x8: {  	[smem:$0x3FA7] =	sst s0  }
0x9: {  	[smem:$0x3FA8] =	sst s1  }
0xa: {  	[smem:$0x3FA9] =	sst s2  }
0xb: {  	[smem:$0x3FAA] =	sst s3  }
0xc: {  	[smem:$0x3FAB] =	sst s4  }
0xd: {  	[smem:$0x3FAC] =	sst s5  }
0xe: {  	[smem:$0x3FAD] =	sst s6  }
0xf: {  	[smem:$0x3FAE] =	sst s7  }
0x10: {  	[smem:$0x3FAF] =	sst s8  }
0x11: {  	[smem:$0x3FB0] =	sst s9;
	s0 =	simm.s32 @!p0 $0x0  }
0x12: {  	s1 =	sld [smem:$0x3F96];
	s0 =	simm.s32 @p0 $0x1  }
0x13: {  	[smem:$0x3FB1] =	sst s0;
	s0 =	simm.s32 @!p1 $0x0  }
0x14: {  	s2 =	sld [smem:$0x3F95];
	s0 =	simm.s32 @p1 $0x1  }
0x15: {  	[smem:$0x3FB2] =	sst s0;
	s0 =	simm.s32 @!p2 $0x0  }
0x16: {  	s3 =	sld [smem:$0x3FDB];
	s0 =	simm.s32 @p2 $0x1  }
0x17: {  	s4 =	simm.s32 $0x1BF5;
	[smem:$0x3FB4] =	sst s0  }
0x18: {  	s0 =	sld [smem:$0x3F97];
	_ =	swait.ge [sflag:s4], $0x0  }
0x19: {  	s7 =	sld [smem:$0x3F98]  }
0x1a: {  	s8 =	sadd.s32 $0xFFFFE003, lr  }
0x1b: {  	s9 =	sadd.s32 $0xFFFFFEF7, lr;
	s5 =	simm.s32 $0xFFFFFFFF;
	p2 =	slt.u32 s8, $0xFFFFF086  }
0x1c: {  	p1 =	slt.u32 s9, $0xF7A;
	s5 =	simm.s32 @!p2 $0x0  }
0x1d: {  	s5 =	simm.s32 @p1 $0x1;
	p0 =	seq.s32 s7, s2  }
0x1e: {  	s7 =	smul.u32 @!p0 $0xF7A, s2;
	p2 =	seq.s32 @!p0 s5, $0x0  }
0x1f: {  	s9 =	smul.u32 $0xF7A, s1;
	s8 =	simm.s32 @!p0 $0x1BF5;
	p2 =	por !p2, p0  }
0x20: {  	[sflag:s8] =	ssyncset.s32 @!p0 $0xFFFFF086;
	s6 =	sadd.s32 @!p0 s3, s7;
	s7 =	simm.s32 @!p0 $0x108  }
0x21: {  	s3 =	sadd.s32 s3, s9;
	s6 =	sadd.s32 @!p0 $0x88, s6;
	s7 =	simm.s32 @p2 $0x1082  }
0x22: {  	[simem:s7], [sflag:s8] =	dma.local @!p0 [hbm:s6], $0xF7A  }
0x23: {  	s9 =	sor.u32 $0xD0000000, s2;
	s6 =	simm.s32 $0x108;
	_ =	swait.ge @!p0 [sflag:s8], $0x0  }
0x24: {  	s3 =	sadd.s32 $0x88, s3;
	s6 =	simm.s32 @!p1 $0x1082;
	[sflag:s4] =	ssyncset.s32 $0xFFFFF086  }
0x25: {  	[simem:s6], [sflag:s4] =	dma.local [hbm:s3], $0xF7A  }
0x26: {  	[smem:$0x3F98] =	sst s1;
	(tag) =	ssettag s2;
	_ =	strace s9  }
0x27: {  	s1 =	sld [smem:$0x3FA8]  }
0x28: {  	s2 =	sld [smem:$0x3FA9]  }
0x29: {  	s4 =	sld [smem:$0x3FAB]  }
0x2a: {  	p0 =	seq.s32 s5, $0x0;
	s5 =	sld [smem:$0x3FAC]  }
0x2b: {  	s6 =	sld [smem:$0x3FAD]  }
0x2c: {  	s7 =	sld [smem:$0x3FAE]  }
0x2d: {  	s3 =	simm.s32 $0x108;
	s8 =	sld [smem:$0x3FAF]  }
0x2e: {  	s3 =	simm.s32 @!p0 $0x1082;
	s9 =	sld [smem:$0x3FB0]  }
0x2f: {  	lr =	sadd.s32 s0, s3;
	s0 =	sld [smem:$0x3FA7]  }
0x30: {  	s3 =	sld [smem:$0x3FAA]  }
0x31: {  	[smem:$0x3FB3] =	sst s10  }
0x32: {  	s10 =	sld [smem:$0x3FB1];
	_ =	sdelay $0x3  }
0x33: {  	p0 =	seq.s32 s10, $0x1;
	s10 =	sld [smem:$0x3FB3];
	_ =	sdelay $0x3  }
0x34: {  	[smem:$0x3FB3] =	sst s10  }
0x35: {  	s10 =	sld [smem:$0x3FB2];
	_ =	sdelay $0x3  }
0x36: {  	p1 =	seq.s32 s10, $0x1;
	s10 =	sld [smem:$0x3FB3];
	_ =	sdelay $0x3  }
0x37: {  	[smem:$0x3FB3] =	sst s10  }
0x38: {  	s10 =	sld [smem:$0x3FB4]  }
0x39: {  	_ = 	snop;
	(pc) =	sbr.ind lr, $3  }
0x3a: {  	_ = 	snop  }
0x3b: {  	_ = 	snop  }
0x3c: {  	p2 =	seq.s32 s10, $0x1;
	s10 =	sld [smem:$0x3FB3]  }
0x3d: {  	_ =	shalt  }
0x3e: {  	_ =	shalt  }
0x3f: {  	_ =	shalt  }
0x40: {  	_ =	shalt  }
0x41: {  	_ =	shalt  }
0x42: {  	_ =	shalt  }
0x43: {  	_ =	shalt  }
0x44: {  	_ =	shalt  }
0x45: {  	_ =	shalt  }
0x46: {  	_ =	shalt  }
0x47: {  	_ =	shalt  }
0x48: {  	_ =	shalt  }
0x49: {  	_ =	shalt  }
0x4a: {  	_ =	shalt  }
0x4b: {  	_ =	shalt  }
0x4c: {  	_ =	shalt  }
0x4d: {  	_ =	shalt  }
0x4e: {  	_ =	shalt  }
0x4f: {  	_ =	shalt  }
0x50: {  	_ =	shalt  }
0x51: {  	_ =	shalt  }
0x52: {  	_ =	shalt  }
0x53: {  	_ =	shalt  }
0x54: {  	_ =	shalt  }
0x55: {  	_ =	shalt  }
0x56: {  	_ =	shalt  }
0x57: {  	_ =	shalt  }
0x58: {  	_ =	shalt  }
0x59: {  	_ =	shalt  }
0x5a: {  	_ =	shalt  }
0x5b: {  	_ =	shalt  }
0x5c: {  	_ =	shalt  }
0x5d: {  	_ =	shalt  }
0x5e: {  	_ =	shalt  }
0x5f: {  	_ =	shalt  }
0x60: {  	_ =	shalt  }
0x61: {  	_ =	shalt  }
0x62: {  	_ =	shalt  }
0x63: {  	_ =	shalt  }
0x64: {  	_ =	shalt  }
0x65: {  	_ =	shalt  }
0x66: {  	_ =	shalt  }
0x67: {  	_ =	shalt  }
0x68: {  	_ =	shalt  }
0x69: {  	_ =	shalt  }
0x6a: {  	_ =	shalt  }
0x6b: {  	_ =	shalt  }
0x6c: {  	_ =	shalt  }
0x6d: {  	_ =	shalt  }
0x6e: {  	_ =	shalt  }
0x6f: {  	_ =	shalt  }
0x70: {  	_ =	shalt  }
0x71: {  	_ =	shalt  }
0x72: {  	_ =	shalt  }
0x73: {  	_ =	shalt  }
0x74: {  	_ =	shalt  }
0x75: {  	_ =	shalt  }
0x76: {  	_ =	shalt  }
0x77: {  	_ =	shalt  }
0x78: {  	_ =	shalt  }
0x79: {  	_ =	shalt  }
0x7a: {  	_ =	shalt  }
0x7b: {  	_ =	shalt  }
0x7c: {  	_ =	shalt  }
0x7d: {  	_ =	shalt  }
0x7e: {  	_ =	shalt  }
0x7f: {  	_ =	shalt  }
0x80: {  	_ =	shalt  }
0x81: {  	_ =	shalt  }
0x82: {  	_ =	shalt  }
0x83: {  	_ =	shalt  }
0x84: {  	_ =	shalt  }
0x85: {  	_ =	shalt  }
0x86: {  	_ =	shalt  }
0x87: {  	_ =	shalt  }
.Lfunc_end0:
.L_simem_size_0:
called_computation.1_lowered:
.L_overlay_start_0:
0x88: {  	s2 =	sld [smem:$0x3FD9]  }
0x89: {  	s3 =	sld [smem:$0x3FFE];
	_ =	sdelay $0x1  }
0x8a: {  	s1 =	srdreg.scid  }
0x8b: {  	s0 =	sand.u32 $0x1, s1  }
0x8c: {  	s17 =	sshll.u32 s0, $0xA;
	s2 =	sadd.s32 s3, s2  }
0x8d: {  	s2 =	sadd.s32 s2, s17  }
0x8e: {  	[smem:$0x3FBF] =	sst s2  }
0x8f: {  	_ = 	snop  }
0x90: {  	s2 =	sld [smem:$0x3FD0];
	(tm) =	ssettm $0x1  }
0x91: {  	s18 =	sld [smem:$0x3FFB];
	_ =	sdelay $0x3  }
0x92: {  	_ =	strace s18  }
0x93: {  	s3 =	sld [smem:$0x3FFC];
	_ =	sdelay $0x3  }
0x94: {  	_ =	strace s3  }
0x95: {  	s3 =	sld [smem:$0x3FFD];
	_ =	sdelay $0x3  }
0x96: {  	_ =	strace s3  }
0x97: {  	_ =	strace $0x8FFFFFFF  }
0x98: {  	s19 =	sld [smem:$0x3FDB];
	_ =	sdelay $0x1  }
0x99: {  	s4 =	simm.s32 $_scs_section_size  }
0x9a: {  	s5 =	simm.s32 $_size__tile_overlayer_lowered;
	s6 =	simm.s32 $_tile_overlayer_lowered  }
0x9b: {  	s22 =	simm.s32 $0x1BFF;
	s21 =	sshll.u32 s6, $0x1;
	s3 =	sadd.s32 s4, s19  }
0x9c: {  	s7 =	simm.s32 $0x0;
	s20 =	sshll.u32 s5, $0x1;
	s5 =	sadd.s32 s21, s3  }
0x9d: {  	[timem:s7], [sflag:s22] =	dma.local [hbm:s5], s20  }
0x9e: {  	_ =	swait.ge [sflag:s22], s20  }
0x9f: {  	s4 =	ssub.s32 $0x0, s20;
	[sflag:s22] =	ssyncset.done $0x0  }
0xa0: {  	[sflag:s22] =	ssyncadd.s32 s4;
	_ =	sdelay $0x1  }
0xa1: {  	s23 =	simm.s32 $0x1B8B  }
0xa2: {  	_ =	swait.ge [sflag:s23], $0x1  }
0xa3: {  	[sflag:s23] =	ssyncset.done $0x0  }
0xa4: {  	s25 =	simm.s32 $0x1B8E;
	s24 =	sld [smem:$0x3FFE];
	[sflag:s23] =	ssyncadd.s32 $0xFFFFFFFF  }
0xa5: {  	s26 =	simm.s32 $execute0_lowered;
	[smem:$0x3FD2] =	sst s25  }
0xa6: {  	s5 =	sshll.u32 s26, $0x1;
	_ =	strace $0x80000049;
	[dreg:$0x1] =	wrdreg $0xFFFFFFFF  }
0xa7: {  	s28 =	simm.s32 $_size_execute0_lowered;
	s3 =	sadd.s32 s3, s5;
	[dreg:$0x0] =	wrdreg $0x0  }
0xa8: {  	s5 =	sshll.u32 s28, $0x1;
	[dreg:$0x2] =	wrdreg s3  }
0xa9: {  	[dreg:$0x3] =	wrdreg s5  }
0xaa: {  	[dreg:$0x4] =	wrdreg $0xC0  }
0xab: {  	_ =	task [dreg:s7], $0x5FFFF  }
0xac: {  	[dreg:$0x1] =	wrdreg $0xFFFFFFFF  }
0xad: {  	[dreg:$0x0] =	wrdreg $0x60  }
0xae: {  	[dreg:$0x2] =	wrdreg s2  }
0xaf: {  	[dreg:$0x3] =	wrdreg s24  }
0xb0: {  	[dreg:$0x4] =	wrdreg $0xBC000  }
0xb1: {  	[dreg:$0x5] =	wrdreg $0x9  }
0xb2: {  	_ =	task.clear_ibuf [dreg:s7], $0x6FFFF;
	_ =	strace $0x90000049  }
0xb3: {  	s29 =	simm.s32 $0x9;
	_ =	strace $0x8000004B  }
0xb4: {  	_ =	swait.ge [sflag:s29], $0x1  }
0xb5: {  	[sflag:s29] =	ssyncadd.s32 $0xFFFFFFFF  }
0xb6: {  	_ =	strace $0x9000004B  }
0xb7: {  	_ =	sfence  }
0xb8: {  	s30 =	sld [smem:$0x0];
	_ =	sdelay $0x2  }
0xb9: {  	s31 =	sshll.u32 s1, $0xD;
	s1 =	sshrl.u32 s1, $0x2  }
0xba: {  	s3 =	sand.u32 $0x4000, s31;
	s1 =	sadd.s32 s1, s30  }
0xbb: {  	s0 =	sor.u32 s3, s0;
	s1 =	sshll.u32 s1, $0x11  }
0xbc: {  	s0 =	sor.u32 s1, s0  }
0xbd: {  	s0 =	sadd.s32 $0x8F2B, s0  }
0xbe: {  	[sflag:s0] =	ssyncadd.remote.s32 $0x1  }
0xbf: {  	_ =	sfence.sel $0xFFFF  }
0xc0: {  	[dreg:$0x0] =	wrdreg $0xFFFFFFFF;
	(pc) =	sbr.abs _section_cstart, $3  }
0xc1: {  	[dreg:$0x1] =	wrdreg $0xFFFFFFFF  }
0xc2: {  	_ =	task.clear_ibuf [dreg:s7], $0x2FFFF;
	_ =	strace $0x9FFFFFFF  }
0xc3: {  	(tm) =	ssettm $0x7FFFFFFF  }
tec
execute0_lowered:
.L_overlay_start_1:
0x0: {  	(tag) =	ssettag $0x1  }
0x1: {  	s0 =	rddreg [dreg:$0x0]  }
0x2: {  	s1 =	rddreg [dreg:$0x1];
	s2 =	srdreg.scid  }
0x3: {  	s3 =	rddreg [dreg:$0x2];
	s7 =	stileid.u32;
	s4 =	simm.s32 $0x0  }
0x4: {  	s18 =	simm.s32 $0x3C00;
	s19 =	simm.s32 $0x3;
	s21 =	simm.s32 $0x2800  }
0x5: {  	s22 =	simm.s32 $0x80;
	s23 =	simm.s32 $0x1;
	s24 =	simm.s32 $0x7C00  }
0x6: {  	s25 =	simm.s32 $0x2;
	s2 =	sand.u32 $0x1, s2;
	s6 =	smul.u32 $0x14000, s7  }
0x7: {  	[smem:$0x7FF] =	sst s4;
	s13 =	sadd.s32 $0xC000, s1;
	s28 =	smul.u32 $0x50000, s7  }
0x8: {  	s14 =	sadd.s32 $0x16000, s1;
	s15 =	sadd.s32 $0x2000, s1;
	s5 =	smul.u32 $0x140000, s2  }
0x9: {  	_ =	strace $0x8000004A;
	s29 =	sshll.u32 s2, $0x4;
	s2 =	ssub.s32 $0x2, s2  }
0xa: {  	s7 =	sor.u32 s7, s29;
	s30 =	sshrl.u32 s28, $0x2;
	s31 =	sshrl.u32 s2, $0x1  }
0xb: {  	s5 =	sadd.s32 s6, s5;
	s9 =	smul.u32 $0x2800, s7;
	s2 =	ssub.s32 s2, s31  }
0xc: {  	s12 =	smul.u32 $0x500, s7;
	s5 =	sshrl.u32 s5, $0x3;
	s17 =	smax.u32 s2, $0x1  }
0xd: {  	s1 =	sadd.s32 s5, s1;
	s5 =	sadd.s32 s30, s3;
	s11 =	sshrl.u32 s9, $0x3  }
0xe: {  	s10 =	sadd.s32 s13, s12;
	s6 =	sadd.s32 $0x4000, s5;
	s7 =	sadd.s32 $0x8000, s5  }
0xf: {  	s8 =	sadd.s32 $0xC000, s5;
	s9 =	sadd.s32 $0x10000, s5;
	s16 =	sadd.s32 $0x280, s11  }
0x10: {  	s11 =	sadd.s32 s14, s12;
	s12 =	sadd.s32 s15, s12;
	s13 =	sadd.s32 s13, s16  }
0x11: {  	v0 =	vimm.f32 $0.0e+00;
	s14 =	sadd.s32 s14, s16;
	s15 =	sadd.s32 s15, s16;
	s16 =	sadd.s32 $0x20A00, s1  }
.LBB2_1:
0x12: {  	s1 =	simm.s32 $0x0;
	s2 =	simm.s32 $0x200  }
.LBB2_2:
0x13: {  	p0 =	sne.s32 s2, $0xFE00;
	[tilespmem:s1+$0x3C70] =	vst v0  }
0x14: {  	[tilespmem:s1+$0x3C00] =	vst v0  }
0x15: {  	[tilespmem:s1+$0x3C10] =	vst v0  }
.Ltmp0:
0x16: {  	[tilespmem:s1+$0x3C20] =	vst v0;
	(pc) =	sbr.rel @p0 .LBB2_2-.Ltmp0, $4  }
0x17: {  	[tilespmem:s1+$0x3C30] =	vst v0  }
0x18: {  	[tilespmem:s1+$0x3C40] =	vst v0  }
0x19: {  	[tilespmem:s1+$0x3C50] =	vst v0  }
0x1a: {  	[tilespmem:s1+$0x3C60] =	vst v0;
	s1 =	sshra.s32 s2, $0x2;
	s2 =	sadd.s32 $0x200, s2  }
0x1b: {  	[tilespmem:s1+$0x3C70] =	vst v0  }
0x1c: {  	[tilespmem:s1+$0x3C00] =	vst v0  }
0x1d: {  	[tilespmem:s1+$0x3C10] =	vst v0  }
0x1e: {  	[tilespmem:s1+$0x3C20] =	vst v0  }
0x1f: {  	[tilespmem:s1+$0x3C30] =	vst v0  }
0x20: {  	[tilespmem:s1+$0x3C40] =	vst v0  }
0x21: {  	[tilespmem:s1+$0x3C50] =	vst v0  }
0x22: {  	[tilespmem:s1+$0x3C60] =	vst v0  }
0x23: {  	[spmem:s5] =	stream.linear.scatter [tilespmem:s18], [sflag:$0x3], $0x4000, $0x38;
	[tilespmem:$0x1FC00] =	vst v63  }
0x24: {  	_ =	swait.ge [sflag:s19], $0x4000  }
0x25: {  	[sflag:s19] =	ssyncset.done $0x0  }
0x26: {  	[sflag:s19] =	ssyncadd.s32 $0xFFFFC000  }
0x27: {  	[spmem:s6] =	stream.linear.scatter [tilespmem:s18], [sflag:$0x3], $0x4000, $0x38;
	[tilespmem:$0x1FC00] =	vst v63  }
0x28: {  	_ =	swait.ge [sflag:s19], $0x4000  }
0x29: {  	[sflag:s19] =	ssyncset.done $0x0  }
0x2a: {  	[sflag:s19] =	ssyncadd.s32 $0xFFFFC000  }
0x2b: {  	[spmem:s7] =	stream.linear.scatter [tilespmem:s18], [sflag:$0x3], $0x4000, $0x38;
	[tilespmem:$0x1FC00] =	vst v63  }
0x2c: {  	_ =	swait.ge [sflag:s19], $0x4000  }
0x2d: {  	[sflag:s19] =	ssyncset.done $0x0  }
0x2e: {  	[sflag:s19] =	ssyncadd.s32 $0xFFFFC000  }
0x2f: {  	[spmem:s8] =	stream.linear.scatter [tilespmem:s18], [sflag:$0x3], $0x4000, $0x38;
	[tilespmem:$0x1FC00] =	vst v63  }
0x30: {  	_ =	swait.ge [sflag:s19], $0x4000  }
0x31: {  	[sflag:s19] =	ssyncset.done $0x0  }
0x32: {  	[sflag:s19] =	ssyncadd.s32 $0xFFFFC000  }
0x33: {  	[spmem:s9] =	stream.linear.scatter [tilespmem:s18], [sflag:$0x3], $0x4000, $0x38;
	[tilespmem:$0x1FC00] =	vst v63  }
0x34: {  	_ =	swait.ge [sflag:s19], $0x4000  }
0x35: {  	[sflag:s19] =	ssyncset.done $0x0  }
0x36: {  	[sflag:s19] =	ssyncadd.s32 $0xFFFFC000  }
0x37: {  	s26 =	simm.s32 $0x0;
	[bflag:$0x0] =	sbarrier.arrive $0xFFFF  }
0x38: {  	[tilespmem:s26], [sflag:$0x3] =	stream.linear.gather [hbm4b:s10+s26], $0x1400, $0x38;
	[tilespmem:$0x1FC00] =	vst v63  }
0x39: {  	_ =	swait.ge [sflag:s19], $0x1400  }
0x3a: {  	[sflag:s19] =	ssyncset.done $0x0  }
0x3b: {  	s31 =	simm.s32 $0x1400;
	[sflag:s19] =	ssyncadd.s32 $0xFFFFEC00  }
0x3c: {  	[tilespmem:s31], [sflag:$0x3] =	stream.linear.gather [hbm4b:s11+s26], $0x1400, $0x38;
	[tilespmem:$0x1FC00] =	vst v63  }
0x3d: {  	_ =	swait.ge [sflag:s19], $0x1400  }
0x3e: {  	[sflag:s19] =	ssyncset.done $0x0  }
0x3f: {  	[sflag:s19] =	ssyncadd.s32 $0xFFFFEC00  }
0x40: {  	[tilespmem:s21], [sflag:$0x3] =	stream.linear.gather [hbm4b:s12+s26], $0x1400, $0x38;
	[tilespmem:$0x1FC00] =	vst v63  }
0x41: {  	_ =	swait.ge [sflag:s19], $0x1400  }
0x42: {  	[sflag:s19] =	ssyncset.done $0x0  }
0x43: {  	s28 =	simm.s32 $0x0;
	[sflag:s19] =	ssyncadd.s32 $0xFFFFEC00  }
0x44: {  	[tilespmem:s18], [sflag:$0x1] =	stream.indirect.gather [hbm4b:s0+s22], $0x80, s26, s22, $0xb8;
	[tilespmem:$0x1FC00] =	vst v63  }
.LBB2_4:
0x45: {  	s29 =	sshll.u32 s28, $0x1  }
0x46: {  	v2 =	vmov s26;
	s2 =	simm.s32 $0x3;
	_ =	swait.ge [sflag:s23], $0x4000;
	s1 =	sshll.u32 s29, $0x7  }
0x47: {  	p0 =	seq.s32 s28, $0x0;
	v2 =	vand.u32 $0x7C, v2;
	v3 =	vmov s2;
	[sflag:s23] =	ssyncset.done $0x0;
	v1 =	vmov s1  }
0x48: {  	v3 =	vand.u32 $0x7F, v3;
	[sflag:s23] =	ssyncadd.s32 $0xFFFFC000;
	s1 =	simm.s32 @!p0 $0x2;
	v2 =	vor.u32 v1, v2  }
0x49: {  	s20 =	sshll.u32 s28, $0xA;
	v3 =	vor.u32 v1, v3;
	_ =	swait.ge @!p0 [sflag:s1], $0x4000;
	v2 =	vbroadcast v2, $0x0  }
0x4a: {  	s30 =	sshrl.u32 s20, $0x2;
	v3 =	vbroadcast v3, $0x0;
	[sflag:s1] =	ssyncset.done @!p0 $0x0  }
0x4b: {  	s31 =	simm.s32 $0x3D00;
	s2 =	sor.u32 $0x80, s30;
	[sflag:s1] =	ssyncadd.s32 @!p0 $0xFFFFC000  }
0x4c: {  	[tilespmem:s24], [sflag:$0x1] =	stream.indirect.gather [hbm4b:s0+s22], $0x80, s2, s22, $0xb8;
	[tilespmem:$0x1FC00] =	vst v63  }
0x4d: {  	v6 =	vld [tilespmem:s31+$0xFFFFFF00]  }
0x4e: {  	s20 =	simm.s32 $0x1;
	v7 =	vld [tilespmem:s31+$0xFFFFFF10]  }
0x4f: {  	v5 =	vmov s20;
	v4 =	vld.idx.msk [tilespmem:v2+s21+$0x0], $0xffff  }
0x50: {  	v2 =	vld.idx.msk [tilespmem:v3+s21+$0x0], $0xffff;
	v3 =	vand.u32 $0x7D, v5  }
0x51: {  	v8 =	vld [tilespmem:s31+$0xFFFFFF20];
	v3 =	vor.u32 v1, v3  }
0x52: {  	v5 =	vld [tilespmem:s31+$0xF0];
	v3 =	vbroadcast v3, $0x0  }
0x53: {  	v9 =	vld [tilespmem:s31+$0xFFFFFF30]  }
0x54: {  	v10 =	vld [tilespmem:s31+$0xFFFFFF40]  }
0x55: {  	v11 =	vld [tilespmem:s31+$0xFFFFFF50];
	v6 =	vmul.f32 v6, v4  }
0x56: {  	v12 =	vld [tilespmem:s31+$0xFFFFFF60]  }
0x57: {  	s2 =	simm.s32 $0x2;
	v5 =	vmul.f32 v5, v2;
	[tilespmem:s31+$0xFFFFFF00] =	vst v6;
	v6 =	vld [tilespmem:s31+$0xFFFFFF70]  }
0x58: {  	v13 =	vmov s2;
	v7 =	vmul.f32 v7, v4;
	v14 =	vld.idx.msk [tilespmem:v3+s21+$0x0], $0xffff  }
0x59: {  	[tilespmem:s31+$0xF0] =	vst v5;
	v5 =	vmul.f32 v8, v4;
	v3 =	vand.u32 $0x7E, v13;
	v13 =	vld [tilespmem:s31+$0xFFFFFF80]  }
0x5a: {  	v8 =	vld [tilespmem:s31+$0xFFFFFF90];
	[tilespmem:s31+$0xFFFFFF10] =	vst v7;
	v7 =	vmul.f32 v9, v4;
	v3 =	vor.u32 v1, v3  }
0x5b: {  	v9 =	vld [tilespmem:s31+$0xFFFFFFA0];
	[tilespmem:s31+$0xFFFFFF20] =	vst v5;
	v5 =	vmul.f32 v10, v4;
	v3 =	vbroadcast v3, $0x0  }
0x5c: {  	v10 =	vld [tilespmem:s31+$0xFFFFFFB0];
	[tilespmem:s31+$0xFFFFFF30] =	vst v7;
	v7 =	vmul.f32 v11, v4  }
0x5d: {  	v12 =	vmul.f32 v12, v4;
	v11 =	vld [tilespmem:s31+$0xFFFFFFC0];
	[tilespmem:s31+$0xFFFFFF40] =	vst v5;
	v4 =	vmul.f32 v6, v4  }
0x5e: {  	[tilespmem:s31+$0xFFFFFF50] =	vst v7;
	v7 =	vld [tilespmem:s31+$0xFFFFFFE0];
	v5 =	vmul.f32 v13, v14  }
0x5f: {  	v13 =	vld [tilespmem:s31+$0xFFFFFFD0];
	[tilespmem:s31+$0xFFFFFF70] =	vst v4  }
0x60: {  	v4 =	vmul.f32 v9, v14;
	[tilespmem:s31+$0xFFFFFF80] =	vst v5;
	v5 =	vmul.f32 v8, v14;
	v8 =	vld [tilespmem:s31+$0x0]  }
0x61: {  	[tilespmem:s31+$0xFFFFFF60] =	vst v12;
	v3 =	vld.idx.msk [tilespmem:v3+s21+$0x0], $0xffff  }
0x62: {  	v6 =	vld [tilespmem:s31+$0xFFFFFFF0];
	[tilespmem:s31+$0xFFFFFFA0] =	vst v4;
	v4 =	vmul.f32 v11, v14  }
0x63: {  	v9 =	vld [tilespmem:s31+$0x10];
	[tilespmem:s31+$0xFFFFFF90] =	vst v5;
	v5 =	vmul.f32 v10, v14  }
0x64: {  	s20 =	simm.s32 $0x4;
	v7 =	vmul.f32 v7, v14;
	v10 =	vld [tilespmem:s31+$0x20];
	[tilespmem:s31+$0xFFFFFFC0] =	vst v4  }
0x65: {  	v12 =	vmov s20;
	v11 =	vld [tilespmem:s31+$0x30];
	[tilespmem:s31+$0xFFFFFFB0] =	vst v5;
	v5 =	vmul.f32 v13, v14  }
0x66: {  	v12 =	vand.u32 $0x7C, v12;
	v4 =	vld [tilespmem:s31+$0x40];
	[tilespmem:s31+$0xFFFFFFE0] =	vst v7;
	v8 =	vmul.f32 v8, v3  }
0x67: {  	s2 =	simm.s32 $0x5;
	s20 =	simm.s32 $0x6;
	v7 =	vor.u32 v1, v12;
	v13 =	vmul.f32 v6, v14;
	[tilespmem:s31+$0xFFFFFFD0] =	vst v5;
	v5 =	vld [tilespmem:s31+$0x50]  }
0x68: {  	v14 =	vmov s2;
	v6 =	vld [tilespmem:s31+$0x60];
	v9 =	vmul.f32 v9, v3;
	[tilespmem:s31+$0x0] =	vst v8;
	v8 =	vmov s20  }
0x69: {  	[tilespmem:s31+$0xFFFFFFF0] =	vst v13;
	v13 =	vand.u32 $0x7D, v14;
	v10 =	vmul.f32 v10, v3;
	v12 =	vand.u32 $0x7E, v8;
	v8 =	vld [tilespmem:s31+$0x70]  }
0x6a: {  	s1 =	simm.s32 $0x3D00;
	v7 =	vbroadcast v7, $0x0;
	s2 =	simm.s32 $0x8;
	v11 =	vmul.f32 v11, v3;
	v13 =	vor.u32 v1, v13;
	s20 =	simm.s32 $0x7;
	[tilespmem:s31+$0x10] =	vst v9;
	v9 =	vld [tilespmem:s31+$0x80]  }
.LBB2_5:
0x6b: {  	p0 =	slt.u32 s2, $0x7C;
	v12 =	vor.u32 v1, v12;
	v14 =	vmov s20;
	[tilespmem:s31+$0x20] =	vst v10;
	v4 =	vmul.f32 v4, v3;
	v10 =	vld [tilespmem:s31+$0x90]  }
0x6c: {  	v13 =	vbroadcast v13, $0x0;
	v14 =	vand.u32 $0x7F, v14;
	[tilespmem:s31+$0x30] =	vst v11;
	v5 =	vmul.f32 v5, v3;
	v11 =	vld [tilespmem:s31+$0xA0]  }
0x6d: {  	v12 =	vbroadcast v12, $0x0;
	v14 =	vor.u32 v1, v14;
	[tilespmem:s31+$0x40] =	vst v4;
	v4 =	vmul.f32 v6, v3;
	v6 =	vld [tilespmem:s31+$0xB0]  }
0x6e: {  	v14 =	vbroadcast v14, $0x0;
	[tilespmem:s31+$0x50] =	vst v5;
	v3 =	vmul.f32 v8, v3;
	v5 =	vld [tilespmem:s31+$0xC0]  }
0x6f: {  	[tilespmem:s31+$0x60] =	vst v4;
	v4 =	vmul.f32 v9, v2;
	v8 =	vld [tilespmem:s31+$0xD0]  }
0x70: {  	[tilespmem:s31+$0x70] =	vst v3;
	v3 =	vmul.f32 v10, v2;
	v9 =	vld [tilespmem:s31+$0xE0]  }
0x71: {  	v7 =	vld.idx.msk [tilespmem:v7+s21+$0x0], $0xffff;
	[tilespmem:s31+$0x80] =	vst v4;
	v4 =	vmul.f32 v11, v2  }
0x72: {  	v10 =	vld.idx.msk [tilespmem:v13+s21+$0x0], $0xffff;
	[tilespmem:s31+$0x90] =	vst v3;
	v6 =	vmul.f32 v6, v2  }
0x73: {  	v3 =	vld.idx.msk [tilespmem:v12+s21+$0x0], $0xffff;
	[tilespmem:s31+$0xA0] =	vst v4;
	v4 =	vmul.f32 v5, v2  }
0x74: {  	s31 =	sadd.s32 $0x200, s31;
	v5 =	vld.idx.msk [tilespmem:v14+s21+$0x0], $0xffff;
	[tilespmem:s1+$0xB0] =	vst v6;
	v6 =	vmul.f32 v8, v2  }
0x75: {  	v8 =	vld [tilespmem:s31+$0xF0];
	[tilespmem:s1+$0xC0] =	vst v4;
	v2 =	vmul.f32 v9, v2  }
0x76: {  	v4 =	vld [tilespmem:s31+$0xFFFFFF00];
	[tilespmem:s1+$0xD0] =	vst v6  }
0x77: {  	v6 =	vld [tilespmem:s31+$0xFFFFFF10];
	[tilespmem:s1+$0xE0] =	vst v2;
	s1 =	smov.u32 s31  }
0x78: {  	v9 =	vld [tilespmem:s31+$0xFFFFFF20]  }
0x79: {  	v11 =	vld [tilespmem:s31+$0xFFFFFF30]  }
0x7a: {  	v2 =	vmov v5;
	v12 =	vld [tilespmem:s31+$0xFFFFFF40];
	v8 =	vmul.f32 v8, v5  }
0x7b: {  	v4 =	vmul.f32 v4, v7;
	v5 =	vld [tilespmem:s31+$0xFFFFFF50]  }
0x7c: {  	v6 =	vmul.f32 v6, v7;
	v13 =	vld [tilespmem:s31+$0xFFFFFF60];
	[tilespmem:s31+$0xF0] =	vst v8  }
0x7d: {  	[tilespmem:s31+$0xFFFFFF00] =	vst v4;
	v4 =	vmul.f32 v9, v7;
	v8 =	vld [tilespmem:s31+$0xFFFFFF70]  }
0x7e: {  	[tilespmem:s31+$0xFFFFFF10] =	vst v6;
	v6 =	vmul.f32 v11, v7;
	v9 =	vld [tilespmem:s31+$0xFFFFFF80]  }
0x7f: {  	[tilespmem:s31+$0xFFFFFF20] =	vst v4;
	v4 =	vmul.f32 v12, v7;
	v11 =	vld [tilespmem:s31+$0xFFFFFF90]  }
0x80: {  	[tilespmem:s31+$0xFFFFFF30] =	vst v6;
	v5 =	vmul.f32 v5, v7;
	v6 =	vld [tilespmem:s31+$0xFFFFFFA0]  }
0x81: {  	[tilespmem:s31+$0xFFFFFF40] =	vst v4;
	v4 =	vmul.f32 v13, v7;
	v12 =	vld [tilespmem:s31+$0xFFFFFFB0]  }
0x82: {  	[tilespmem:s31+$0xFFFFFF50] =	vst v5;
	v5 =	vmul.f32 v8, v7;
	v7 =	vld [tilespmem:s31+$0xFFFFFFC0]  }
0x83: {  	[tilespmem:s31+$0xFFFFFF60] =	vst v4;
	v4 =	vmul.f32 v9, v10;
	v8 =	vld [tilespmem:s31+$0xFFFFFFD0]  }
0x84: {  	[tilespmem:s31+$0xFFFFFF70] =	vst v5;
	v5 =	vmul.f32 v11, v10;
	v9 =	vld [tilespmem:s31+$0xFFFFFFE0]  }
0x85: {  	[tilespmem:s31+$0xFFFFFF80] =	vst v4;
	v4 =	vmul.f32 v6, v10;
	v6 =	vld [tilespmem:s31+$0xFFFFFFF0]  }
0x86: {  	[tilespmem:s31+$0xFFFFFF90] =	vst v5;
	v5 =	vmul.f32 v12, v10;
	v11 =	vld [tilespmem:s31+$0x0]  }
0x87: {  	[tilespmem:s31+$0xFFFFFFA0] =	vst v4;
	v4 =	vmul.f32 v7, v10;
	v7 =	vld [tilespmem:s31+$0x10]  }
0x88: {  	[tilespmem:s31+$0xFFFFFFB0] =	vst v5;
	v5 =	vmul.f32 v8, v10;
	v8 =	vld [tilespmem:s31+$0x20]  }
0x89: {  	[tilespmem:s31+$0xFFFFFFC0] =	vst v4;
	v9 =	vmul.f32 v9, v10;
	v14 =	vld [tilespmem:s31+$0x30]  }
.Ltmp1:
0x8a: {  	s20 =	sadd.s32 $0x1, s2;
	v12 =	vmov s2;
	[tilespmem:s31+$0xFFFFFFD0] =	vst v5;
	v6 =	vmul.f32 v6, v10;
	v4 =	vld [tilespmem:s31+$0x40];
	(pc) =	sbr.rel @p0 .LBB2_5-.Ltmp1, $4  }
0x8b: {  	v10 =	vand.u32 $0x7C, v12;
	v12 =	vmov s20;
	s20 =	sadd.s32 $0x2, s2;
	[tilespmem:s31+$0xFFFFFFE0] =	vst v9;
	v9 =	vmul.f32 v11, v3;
	v5 =	vld [tilespmem:s31+$0x50]  }
0x8c: {  	v11 =	vor.u32 v1, v10;
	v10 =	vmov s20;
	[tilespmem:s31+$0xFFFFFFF0] =	vst v6;
	v15 =	vmul.f32 v7, v3;
	v6 =	vld [tilespmem:s31+$0x60]  }
0x8d: {  	v13 =	vand.u32 $0x7D, v12;
	v12 =	vand.u32 $0x7E, v10;
	[tilespmem:s31+$0x0] =	vst v9;
	v10 =	vmul.f32 v8, v3;
	v8 =	vld [tilespmem:s31+$0x70]  }
0x8e: {  	s20 =	sadd.s32 $0x3, s2;
	s2 =	sadd.s32 $0x4, s2;
	v7 =	vbroadcast v11, $0x0;
	v13 =	vor.u32 v1, v13;
	[tilespmem:s31+$0x10] =	vst v15;
	v11 =	vmul.f32 v14, v3;
	v9 =	vld [tilespmem:s31+$0x80]  }
0x8f: {  	v15 =	vld [tilespmem:s31+$0x90]  }
0x90: {  	v16 =	vld [tilespmem:s31+$0xA0]  }
0x91: {  	v14 =	vmov s20;
	v12 =	vor.u32 v1, v12;
	v17 =	vld [tilespmem:s31+$0xC0]  }
0x92: {  	v13 =	vbroadcast v13, $0x0;
	[tilespmem:s31+$0x20] =	vst v10;
	v4 =	vmul.f32 v4, v3;
	v10 =	vld [tilespmem:s31+$0xD0];
	v14 =	vand.u32 $0x7F, v14  }
0x93: {  	v12 =	vbroadcast v12, $0x0;
	[tilespmem:s31+$0x30] =	vst v11;
	v5 =	vmul.f32 v5, v3;
	v11 =	vld [tilespmem:s31+$0xE0];
	v1 =	vor.u32 v1, v14  }
0x94: {  	v14 =	vld [tilespmem:s31+$0xB0];
	[tilespmem:s31+$0x40] =	vst v4;
	v4 =	vmul.f32 v6, v3;
	v1 =	vbroadcast v1, $0x0  }
0x95: {  	s2 =	sadd.s32 $0x200, s31;
	v6 =	vld.idx.msk [tilespmem:v7+s21+$0x0], $0xffff;
	[tilespmem:s31+$0x50] =	vst v5;
	v3 =	vmul.f32 v8, v3  }
0x96: {  	v8 =	vld [tilespmem:s2+$0xF0];
	[tilespmem:s31+$0x60] =	vst v4;
	v4 =	vmul.f32 v9, v2  }
0x97: {  	v9 =	vld [tilespmem:s2+$0xFFFFFF00];
	[tilespmem:s31+$0x70] =	vst v3;
	v3 =	vmul.f32 v15, v2  }
0x98: {  	v5 =	vld.idx.msk [tilespmem:v13+s21+$0x0], $0xffff;
	[tilespmem:s31+$0x80] =	vst v4;
	v4 =	vmul.f32 v16, v2  }
0x99: {  	v7 =	vld.idx.msk [tilespmem:v12+s21+$0x0], $0xffff;
	[tilespmem:s31+$0x90] =	vst v3;
	v3 =	vmul.f32 v14, v2  }
0x9a: {  	[tilespmem:s31+$0xA0] =	vst v4;
	v4 =	vmul.f32 v17, v2;
	v1 =	vld.idx.msk [tilespmem:v1+s21+$0x0], $0xffff  }
0x9b: {  	v12 =	vld [tilespmem:s2+$0xFFFFFF10];
	[tilespmem:s1+$0xB0] =	vst v3;
	v3 =	vmul.f32 v10, v2  }
0x9c: {  	v10 =	vld [tilespmem:s2+$0xFFFFFF20];
	v2 =	vmul.f32 v11, v2;
	[tilespmem:s1+$0xC0] =	vst v4  }
0x9d: {  	v4 =	vld [tilespmem:s2+$0xFFFFFF30];
	[tilespmem:s1+$0xD0] =	vst v3  }
0x9e: {  	v3 =	vld [tilespmem:s2+$0xFFFFFF40];
	[tilespmem:s1+$0xE0] =	vst v2;
	v2 =	vmul.f32 v9, v6  }
0x9f: {  	v9 =	vld [tilespmem:s2+$0xFFFFFF50];
	v8 =	vmul.f32 v8, v1  }
0xa0: {  	v11 =	vmul.f32 v12, v6;
	v12 =	vld [tilespmem:s2+$0xFFFFFF60];
	[tilespmem:s2+$0xFFFFFF00] =	vst v2  }
0xa1: {  	v2 =	vmul.f32 v10, v6;
	[tilespmem:s2+$0xF0] =	vst v8;
	v8 =	vld [tilespmem:s2+$0xFFFFFF70]  }
0xa2: {  	[tilespmem:s2+$0xFFFFFF10] =	vst v11;
	v10 =	vld [tilespmem:s2+$0xFFFFFF80];
	v4 =	vmul.f32 v4, v6  }
0xa3: {  	[tilespmem:s2+$0xFFFFFF20] =	vst v2;
	v2 =	vmul.f32 v3, v6;
	v3 =	vld [tilespmem:s2+$0xFFFFFF90]  }
0xa4: {  	[tilespmem:s2+$0xFFFFFF30] =	vst v4;
	v4 =	vmul.f32 v9, v6;
	v9 =	vld [tilespmem:s2+$0xFFFFFFA0]  }
0xa5: {  	v11 =	vld [tilespmem:s2+$0xFFFFFFB0];
	[tilespmem:s2+$0xFFFFFF40] =	vst v2;
	v2 =	vmul.f32 v12, v6  }
0xa6: {  	[tilespmem:s2+$0xFFFFFF50] =	vst v4;
	v4 =	vmul.f32 v8, v6;
	v6 =	vld [tilespmem:s2+$0xFFFFFFC0]  }
0xa7: {  	[tilespmem:s2+$0xFFFFFF60] =	vst v2;
	v2 =	vmul.f32 v10, v5;
	v8 =	vld [tilespmem:s2+$0xFFFFFFD0]  }
0xa8: {  	v3 =	vmul.f32 v3, v5;
	[tilespmem:s2+$0xFFFFFF70] =	vst v4;
	v4 =	vld [tilespmem:s2+$0xFFFFFFE0]  }
0xa9: {  	[tilespmem:s2+$0xFFFFFF80] =	vst v2;
	v2 =	vmul.f32 v9, v5;
	v9 =	vld [tilespmem:s2+$0xFFFFFFF0]  }
0xaa: {  	v10 =	vld [tilespmem:s2+$0x0];
	[tilespmem:s2+$0xFFFFFF90] =	vst v3;
	v3 =	vmul.f32 v11, v5  }
0xab: {  	[tilespmem:s2+$0xFFFFFFA0] =	vst v2;
	v2 =	vmul.f32 v6, v5;
	v6 =	vld [tilespmem:s2+$0x10]  }
0xac: {  	[tilespmem:s2+$0xFFFFFFB0] =	vst v3;
	v3 =	vmul.f32 v8, v5;
	v8 =	vld [tilespmem:s2+$0x20]  }
0xad: {  	[tilespmem:s2+$0xFFFFFFC0] =	vst v2;
	v2 =	vmul.f32 v4, v5;
	v4 =	vld [tilespmem:s2+$0x30]  }
0xae: {  	[tilespmem:s2+$0xFFFFFFD0] =	vst v3;
	v3 =	vmul.f32 v9, v5;
	v5 =	vld [tilespmem:s2+$0x40]  }
0xaf: {  	v9 =	vld [tilespmem:s2+$0x50];
	[tilespmem:s2+$0xFFFFFFE0] =	vst v2;
	v2 =	vmul.f32 v10, v7  }
0xb0: {  	[tilespmem:s2+$0xFFFFFFF0] =	vst v3;
	v3 =	vmul.f32 v6, v7;
	v6 =	vld [tilespmem:s2+$0x60]  }
0xb1: {  	[tilespmem:s2+$0x0] =	vst v2;
	v2 =	vmul.f32 v8, v7;
	v8 =	vld [tilespmem:s2+$0x70]  }
0xb2: {  	[tilespmem:s2+$0x10] =	vst v3;
	v3 =	vmul.f32 v4, v7;
	v4 =	vld [tilespmem:s2+$0x80]  }
0xb3: {  	[tilespmem:s2+$0x20] =	vst v2;
	v2 =	vmul.f32 v5, v7;
	v5 =	vld [tilespmem:s2+$0x90]  }
0xb4: {  	[tilespmem:s2+$0x30] =	vst v3;
	v3 =	vmul.f32 v9, v7;
	v9 =	vld [tilespmem:s2+$0xA0]  }
0xb5: {  	[tilespmem:s2+$0x40] =	vst v2;
	v2 =	vmul.f32 v6, v7;
	v6 =	vld [tilespmem:s2+$0xB0]  }
0xb6: {  	[tilespmem:s2+$0x50] =	vst v3;
	v3 =	vmul.f32 v8, v7;
	v7 =	vld [tilespmem:s2+$0xC0]  }
0xb7: {  	[tilespmem:s2+$0x60] =	vst v2;
	v2 =	vmul.f32 v4, v1;
	v4 =	vld [tilespmem:s2+$0xD0]  }
0xb8: {  	[tilespmem:s2+$0x70] =	vst v3;
	v3 =	vmul.f32 v5, v1;
	v5 =	vld [tilespmem:s2+$0xE0]  }
0xb9: {  	[tilespmem:s2+$0x80] =	vst v2;
	v2 =	vmul.f32 v9, v1  }
0xba: {  	[tilespmem:s2+$0x90] =	vst v3;
	v3 =	vmul.f32 v6, v1  }
0xbb: {  	[tilespmem:s2+$0xA0] =	vst v2;
	v2 =	vmul.f32 v7, v1  }
0xbc: {  	[tilespmem:s2+$0xB0] =	vst v3;
	v3 =	vmul.f32 v4, v1  }
0xbd: {  	[tilespmem:s2+$0xC0] =	vst v2;
	v1 =	vmul.f32 v5, v1  }
0xbe: {  	s20 =	simm.s32 $0x0;
	s1 =	sor.u32 $0x1, s29;
	[tilespmem:s2+$0xD0] =	vst v3  }
0xbf: {  	s31 =	simm.s32 $0x3;
	s29 =	sshll.u32 s1, $0x7;
	v2 =	vmov s20;
	[tilespmem:s2+$0xE0] =	vst v1;
	s2 =	sadd.s32 $0x1400, s30  }
0xc0: {  	v2 =	vand.u32 $0x7C, v2;
	v3 =	vmov s31;
	v1 =	vmov s29;
	[spmem:s3] =	stream.indirect.scatter.add.f32 [tilespmem:s18], [sflag:$0x2], $0x80, s2, s22, $0xb8;
	[tilespmem:$0x1FC00] =	vst v63  }
0xc1: {  	v3 =	vand.u32 $0x7F, v3;
	v2 =	vor.u32 v1, v2;
	_ =	swait.ge [sflag:s23], $0x4000  }
0xc2: {  	v3 =	vor.u32 v1, v3;
	v2 =	vbroadcast v2, $0x0;
	[sflag:s23] =	ssyncset.done $0x0  }
0xc3: {  	v3 =	vbroadcast v3, $0x0;
	[sflag:s23] =	ssyncadd.s32 $0xFFFFC000  }
0xc4: {  	p0 =	sgt.u32 s1, $0x26;
	_ =	swait.ge [sflag:s25], $0x4000  }
0xc5: {  	s1 =	sadd.s32 @!p0 $0x100, s30;
	[sflag:s25] =	ssyncset.done $0x0  }
0xc6: {  	s20 =	simm.s32 @!p0 $0x3C00;
	s2 =	simm.s32 @!p0 $0x80;
	[sflag:s25] =	ssyncadd.s32 $0xFFFFC000  }
0xc7: {  	[tilespmem:s20], [sflag:$0x1] =	stream.indirect.gather @!p0 [hbm4b:s0+s2], $0x80, s1, s2, $0xb8;
	[tilespmem:$0x1FC00] =	vst v63  }
0xc8: {  	v4 =	vld.idx.msk [tilespmem:v2+s21+$0x0], $0xffff  }
0xc9: {  	s30 =	simm.s32 $0x7DF0;
	v2 =	vld.idx.msk [tilespmem:v3+s21+$0x0], $0xffff  }
0xca: {  	s20 =	simm.s32 $0x1;
	v6 =	vld [tilespmem:s30+$0xFFFFFE10]  }
0xcb: {  	v5 =	vmov s20;
	v7 =	vld [tilespmem:s30+$0xFFFFFE20]  }
0xcc: {  	v8 =	vld [tilespmem:s30+$0xFFFFFE30];
	v3 =	vand.u32 $0x7D, v5  }
0xcd: {  	v9 =	vld [tilespmem:s30+$0xFFFFFE40];
	v3 =	vor.u32 v1, v3  }
0xce: {  	v12 =	vld [tilespmem:s30+$0xFFFFFE70];
	v3 =	vbroadcast v3, $0x0  }
0xcf: {  	v5 =	vld [tilespmem:s30+$0x0]  }
0xd0: {  	v10 =	vld [tilespmem:s30+$0xFFFFFE50];
	v6 =	vmul.f32 v6, v4  }
0xd1: {  	v11 =	vld [tilespmem:s30+$0xFFFFFE60];
	v7 =	vmul.f32 v7, v4  }
0xd2: {  	[tilespmem:s30+$0xFFFFFE10] =	vst v6;
	v6 =	vld [tilespmem:s30+$0xFFFFFE80]  }
0xd3: {  	s31 =	simm.s32 $0x2;
	v12 =	vmul.f32 v12, v4;
	[tilespmem:s30+$0xFFFFFE20] =	vst v7;
	v7 =	vmul.f32 v9, v4;
	v9 =	vld [tilespmem:s30+$0xFFFFFEB0]  }
0xd4: {  	v13 =	vmov s31;
	v5 =	vmul.f32 v5, v2;
	v14 =	vld.idx.msk [tilespmem:v3+s21+$0x0], $0xffff  }
0xd5: {  	[tilespmem:s30+$0xFFFFFE70] =	vst v12;
	v3 =	vand.u32 $0x7E, v13;
	v13 =	vld [tilespmem:s30+$0xFFFFFE90]  }
0xd6: {  	[tilespmem:s30+$0x0] =	vst v5;
	v5 =	vmul.f32 v8, v4;
	v8 =	vld [tilespmem:s30+$0xFFFFFEA0];
	v3 =	vor.u32 v1, v3  }
0xd7: {  	[tilespmem:s30+$0xFFFFFE40] =	vst v7;
	v7 =	vmul.f32 v11, v4;
	v11 =	vld [tilespmem:s30+$0xFFFFFED0];
	v3 =	vbroadcast v3, $0x0  }
0xd8: {  	[tilespmem:s30+$0xFFFFFE30] =	vst v5;
	v5 =	vmul.f32 v10, v4;
	v10 =	vld [tilespmem:s30+$0xFFFFFEC0]  }
0xd9: {  	[tilespmem:s30+$0xFFFFFE60] =	vst v7;
	v7 =	vld [tilespmem:s30+$0xFFFFFEF0];
	v4 =	vmul.f32 v6, v4  }
0xda: {  	[tilespmem:s30+$0xFFFFFE50] =	vst v5;
	v6 =	vld [tilespmem:s30+$0xFFFFFF00];
	v5 =	vmul.f32 v13, v14  }
0xdb: {  	v13 =	vld [tilespmem:s30+$0xFFFFFEE0];
	[tilespmem:s30+$0xFFFFFE80] =	vst v4;
	v4 =	vmul.f32 v9, v14  }
0xdc: {  	[tilespmem:s30+$0xFFFFFE90] =	vst v5;
	v5 =	vmul.f32 v8, v14;
	v8 =	vld [tilespmem:s30+$0xFFFFFF10]  }
0xdd: {  	[tilespmem:s30+$0xFFFFFEB0] =	vst v4;
	v4 =	vmul.f32 v11, v14;
	v3 =	vld.idx.msk [tilespmem:v3+s21+$0x0], $0xffff  }
0xde: {  	v9 =	vld [tilespmem:s30+$0xFFFFFF20];
	[tilespmem:s30+$0xFFFFFEA0] =	vst v5;
	v5 =	vmul.f32 v10, v14  }
0xdf: {  	s2 =	simm.s32 $0x4;
	v7 =	vmul.f32 v7, v14;
	v10 =	vld [tilespmem:s30+$0xFFFFFF30];
	[tilespmem:s30+$0xFFFFFED0] =	vst v4  }
0xe0: {  	v12 =	vmov s2;
	v11 =	vld [tilespmem:s30+$0xFFFFFF40];
	[tilespmem:s30+$0xFFFFFEC0] =	vst v5;
	v5 =	vmul.f32 v13, v14  }
0xe1: {  	v12 =	vand.u32 $0x7C, v12;
	v4 =	vld [tilespmem:s30+$0xFFFFFF50];
	[tilespmem:s30+$0xFFFFFEF0] =	vst v7;
	v13 =	vmul.f32 v6, v14  }
0xe2: {  	s31 =	simm.s32 $0x6;
	s20 =	simm.s32 $0x5;
	v7 =	vor.u32 v1, v12;
	[tilespmem:s30+$0xFFFFFEE0] =	vst v5;
	v8 =	vmul.f32 v8, v3;
	v5 =	vld [tilespmem:s30+$0xFFFFFF60]  }
0xe3: {  	v12 =	vmov s31;
	v14 =	vmov s20;
	v6 =	vld [tilespmem:s30+$0xFFFFFF70];
	v9 =	vmul.f32 v9, v3;
	[tilespmem:s30+$0xFFFFFF00] =	vst v13  }
0xe4: {  	v12 =	vand.u32 $0x7E, v12;
	v13 =	vand.u32 $0x7D, v14;
	v10 =	vmul.f32 v10, v3;
	[tilespmem:s30+$0xFFFFFF10] =	vst v8;
	v8 =	vld [tilespmem:s30+$0xFFFFFF80]  }
0xe5: {  	s1 =	simm.s32 $0x7DF0;
	s2 =	simm.s32 $0x8;
	v7 =	vbroadcast v7, $0x0;
	s20 =	simm.s32 $0x7;
	v11 =	vmul.f32 v11, v3;
	v13 =	vor.u32 v1, v13;
	[tilespmem:s30+$0xFFFFFF20] =	vst v9;
	v9 =	vld [tilespmem:s30+$0xFFFFFF90]  }
.LBB2_7:
0xe6: {  	p0 =	slt.u32 s2, $0x7C;
	v12 =	vor.u32 v1, v12;
	v14 =	vmov s20;
	[tilespmem:s30+$0xFFFFFF30] =	vst v10;
	v4 =	vmul.f32 v4, v3;
	v10 =	vld [tilespmem:s30+$0xFFFFFFA0]  }
0xe7: {  	v13 =	vbroadcast v13, $0x0;
	v14 =	vand.u32 $0x7F, v14;
	[tilespmem:s30+$0xFFFFFF40] =	vst v11;
	v5 =	vmul.f32 v5, v3;
	v11 =	vld [tilespmem:s30+$0xFFFFFFB0]  }
0xe8: {  	v12 =	vbroadcast v12, $0x0;
	v14 =	vor.u32 v1, v14;
	[tilespmem:s30+$0xFFFFFF50] =	vst v4;
	v4 =	vmul.f32 v6, v3;
	v6 =	vld [tilespmem:s30+$0xFFFFFFC0]  }
0xe9: {  	v14 =	vbroadcast v14, $0x0;
	[tilespmem:s30+$0xFFFFFF60] =	vst v5;
	v3 =	vmul.f32 v8, v3;
	v5 =	vld [tilespmem:s30+$0xFFFFFFD0]  }
0xea: {  	[tilespmem:s30+$0xFFFFFF70] =	vst v4;
	v4 =	vmul.f32 v9, v2;
	v8 =	vld [tilespmem:s30+$0xFFFFFFE0]  }
0xeb: {  	[tilespmem:s30+$0xFFFFFF80] =	vst v3;
	v3 =	vmul.f32 v10, v2;
	v9 =	vld [tilespmem:s30+$0xFFFFFFF0]  }
0xec: {  	v7 =	vld.idx.msk [tilespmem:v7+s21+$0x0], $0xffff;
	[tilespmem:s30+$0xFFFFFF90] =	vst v4;
	v4 =	vmul.f32 v11, v2  }
0xed: {  	v10 =	vld.idx.msk [tilespmem:v13+s21+$0x0], $0xffff;
	[tilespmem:s30+$0xFFFFFFA0] =	vst v3;
	v6 =	vmul.f32 v6, v2  }
0xee: {  	v3 =	vld.idx.msk [tilespmem:v12+s21+$0x0], $0xffff;
	[tilespmem:s30+$0xFFFFFFB0] =	vst v4;
	v4 =	vmul.f32 v5, v2  }
0xef: {  	s30 =	sadd.s32 $0x200, s30;
	v5 =	vld.idx.msk [tilespmem:v14+s21+$0x0], $0xffff;
	[tilespmem:s1+$0xFFFFFFC0] =	vst v6;
	v6 =	vmul.f32 v8, v2  }
0xf0: {  	v8 =	vld [tilespmem:s30+$0x0];
	[tilespmem:s1+$0xFFFFFFD0] =	vst v4;
	v2 =	vmul.f32 v9, v2  }
0xf1: {  	v4 =	vld [tilespmem:s30+$0xFFFFFE10];
	[tilespmem:s1+$0xFFFFFFE0] =	vst v6  }
0xf2: {  	v6 =	vld [tilespmem:s30+$0xFFFFFE20];
	[tilespmem:s1+$0xFFFFFFF0] =	vst v2;
	s1 =	smov.u32 s30  }
0xf3: {  	v9 =	vld [tilespmem:s30+$0xFFFFFE30]  }
0xf4: {  	v11 =	vld [tilespmem:s30+$0xFFFFFE40]  }
0xf5: {  	v2 =	vmov v5;
	v12 =	vld [tilespmem:s30+$0xFFFFFE50];
	v8 =	vmul.f32 v8, v5  }
0xf6: {  	v4 =	vmul.f32 v4, v7;
	v5 =	vld [tilespmem:s30+$0xFFFFFE60]  }
0xf7: {  	v6 =	vmul.f32 v6, v7;
	v13 =	vld [tilespmem:s30+$0xFFFFFE70];
	[tilespmem:s30+$0x0] =	vst v8  }
0xf8: {  	[tilespmem:s30+$0xFFFFFE10] =	vst v4;
	v4 =	vmul.f32 v9, v7;
	v8 =	vld [tilespmem:s30+$0xFFFFFE80]  }
0xf9: {  	[tilespmem:s30+$0xFFFFFE20] =	vst v6;
	v6 =	vmul.f32 v11, v7;
	v9 =	vld [tilespmem:s30+$0xFFFFFE90]  }
0xfa: {  	[tilespmem:s30+$0xFFFFFE30] =	vst v4;
	v4 =	vmul.f32 v12, v7;
	v11 =	vld [tilespmem:s30+$0xFFFFFEA0]  }
0xfb: {  	[tilespmem:s30+$0xFFFFFE40] =	vst v6;
	v5 =	vmul.f32 v5, v7;
	v6 =	vld [tilespmem:s30+$0xFFFFFEB0]  }
0xfc: {  	[tilespmem:s30+$0xFFFFFE50] =	vst v4;
	v4 =	vmul.f32 v13, v7;
	v12 =	vld [tilespmem:s30+$0xFFFFFEC0]  }
0xfd: {  	[tilespmem:s30+$0xFFFFFE60] =	vst v5;
	v5 =	vmul.f32 v8, v7;
	v7 =	vld [tilespmem:s30+$0xFFFFFED0]  }
0xfe: {  	[tilespmem:s30+$0xFFFFFE70] =	vst v4;
	v4 =	vmul.f32 v9, v10;
	v8 =	vld [tilespmem:s30+$0xFFFFFEE0]  }
0xff: {  	[tilespmem:s30+$0xFFFFFE80] =	vst v5;
	v5 =	vmul.f32 v11, v10;
	v9 =	vld [tilespmem:s30+$0xFFFFFEF0]  }
0x100: {  	[tilespmem:s30+$0xFFFFFE90] =	vst v4;
	v4 =	vmul.f32 v6, v10;
	v6 =	vld [tilespmem:s30+$0xFFFFFF00]  }
0x101: {  	[tilespmem:s30+$0xFFFFFEA0] =	vst v5;
	v5 =	vmul.f32 v12, v10;
	v11 =	vld [tilespmem:s30+$0xFFFFFF10]  }
0x102: {  	[tilespmem:s30+$0xFFFFFEB0] =	vst v4;
	v4 =	vmul.f32 v7, v10;
	v7 =	vld [tilespmem:s30+$0xFFFFFF20]  }
0x103: {  	[tilespmem:s30+$0xFFFFFEC0] =	vst v5;
	v5 =	vmul.f32 v8, v10;
	v8 =	vld [tilespmem:s30+$0xFFFFFF30]  }
0x104: {  	[tilespmem:s30+$0xFFFFFED0] =	vst v4;
	v9 =	vmul.f32 v9, v10;
	v14 =	vld [tilespmem:s30+$0xFFFFFF40]  }
.Ltmp2:
0x105: {  	s20 =	sadd.s32 $0x1, s2;
	v12 =	vmov s2;
	[tilespmem:s30+$0xFFFFFEE0] =	vst v5;
	v6 =	vmul.f32 v6, v10;
	v4 =	vld [tilespmem:s30+$0xFFFFFF50];
	(pc) =	sbr.rel @p0 .LBB2_7-.Ltmp2, $4  }
0x106: {  	v10 =	vand.u32 $0x7C, v12;
	v12 =	vmov s20;
	s20 =	sadd.s32 $0x2, s2;
	[tilespmem:s30+$0xFFFFFEF0] =	vst v9;
	v9 =	vmul.f32 v11, v3;
	v5 =	vld [tilespmem:s30+$0xFFFFFF60]  }
0x107: {  	v11 =	vor.u32 v1, v10;
	v10 =	vmov s20;
	[tilespmem:s30+$0xFFFFFF00] =	vst v6;
	v15 =	vmul.f32 v7, v3;
	v6 =	vld [tilespmem:s30+$0xFFFFFF70]  }
0x108: {  	v13 =	vand.u32 $0x7D, v12;
	v12 =	vand.u32 $0x7E, v10;
	[tilespmem:s30+$0xFFFFFF10] =	vst v9;
	v10 =	vmul.f32 v8, v3;
	v8 =	vld [tilespmem:s30+$0xFFFFFF80]  }
0x109: {  	s20 =	sadd.s32 $0x3, s2;
	s2 =	sadd.s32 $0x4, s2;
	v7 =	vbroadcast v11, $0x0;
	v13 =	vor.u32 v1, v13;
	[tilespmem:s30+$0xFFFFFF20] =	vst v15;
	v11 =	vmul.f32 v14, v3;
	v9 =	vld [tilespmem:s30+$0xFFFFFF90]  }
0x10a: {  	v15 =	vld [tilespmem:s30+$0xFFFFFFA0]  }
0x10b: {  	v16 =	vld [tilespmem:s30+$0xFFFFFFB0]  }
0x10c: {  	v21 =	vld [tilespmem:s30+$0xFFFFFFC0]  }
0x10d: {  	v17 =	vld [tilespmem:s30+$0xFFFFFFD0]  }
0x10e: {  	[tilespmem:s30+$0xFFFFFF30] =	vst v10;
	v4 =	vmul.f32 v4, v3;
	v22 =	vld [tilespmem:s30+$0xFFFFFFE0]  }
0x10f: {  	v23 =	vld [tilespmem:s30+$0xFFFFFFF0];
	[tilespmem:s30+$0xFFFFFF40] =	vst v11;
	v5 =	vmul.f32 v5, v3  }
0x110: {  	s2 =	sadd.s32 $0x200, s30;
	v25 =	vld.idx.msk [tilespmem:v7+s21+$0x0], $0xffff;
	[tilespmem:s30+$0xFFFFFF50] =	vst v4;
	v24 =	vmul.f32 v6, v3  }
0x111: {  	v30 =	vld [tilespmem:s2+$0x0];
	[tilespmem:s30+$0xFFFFFF60] =	vst v5;
	v3 =	vmul.f32 v8, v3  }
0x112: {  	v31 =	vld [tilespmem:s2+$0xFFFFFE10];
	[tilespmem:s30+$0xFFFFFF70] =	vst v24;
	v27 =	vmul.f32 v9, v2  }
0x113: {  	v14 =	vmov s20;
	v33 =	vld [tilespmem:s2+$0xFFFFFE20];
	[tilespmem:s30+$0xFFFFFF80] =	vst v3;
	v3 =	vmul.f32 v15, v2  }
0x114: {  	v14 =	vand.u32 $0x7F, v14;
	v34 =	vld [tilespmem:s2+$0xFFFFFE30];
	v29 =	vmul.f32 v16, v2;
	[tilespmem:s30+$0xFFFFFF90] =	vst v27  }
0x115: {  	v12 =	vor.u32 v1, v12;
	v35 =	vld [tilespmem:s2+$0xFFFFFE40];
	v1 =	vor.u32 v1, v14;
	[tilespmem:s30+$0xFFFFFFA0] =	vst v3;
	v3 =	vmul.f32 v21, v2  }
0x116: {  	v36 =	vld [tilespmem:s2+$0xFFFFFE60];
	v1 =	vbroadcast v1, $0x0;
	v32 =	vmul.f32 v17, v2;
	[tilespmem:s30+$0xFFFFFFB0] =	vst v29  }
0x117: {  	v13 =	vbroadcast v13, $0x0;
	v38 =	vld [tilespmem:s2+$0xFFFFFE70];
	[tilespmem:s1+$0xFFFFFFC0] =	vst v3;
	v3 =	vmul.f32 v22, v2  }
0x118: {  	v39 =	vld [tilespmem:s2+$0xFFFFFE80];
	[tilespmem:s1+$0xFFFFFFD0] =	vst v32;
	v2 =	vmul.f32 v23, v2  }
0x119: {  	v37 =	vmul.f32 v33, v25;
	[tilespmem:s1+$0xFFFFFFE0] =	vst v3;
	v3 =	vld [tilespmem:s2+$0xFFFFFE50]  }
0x11a: {  	v40 =	vld [tilespmem:s2+$0xFFFFFE90];
	[tilespmem:s1+$0xFFFFFFF0] =	vst v2;
	v2 =	vmul.f32 v31, v25  }
0x11b: {  	v42 =	vld [tilespmem:s2+$0xFFFFFEB0];
	v4 =	vmul.f32 v35, v25;
	[tilespmem:s2+$0xFFFFFE20] =	vst v37  }
0x11c: {  	v1 =	vld.idx.msk [tilespmem:v1+s21+$0x0], $0xffff;
	[tilespmem:s2+$0xFFFFFE10] =	vst v2;
	v2 =	vmul.f32 v34, v25  }
0x11d: {  	v26 =	vld.idx.msk [tilespmem:v13+s21+$0x0], $0xffff;
	v41 =	vmul.f32 v36, v25;
	[tilespmem:s2+$0xFFFFFE40] =	vst v4  }
0x11e: {  	[tilespmem:s2+$0xFFFFFE30] =	vst v2;
	v2 =	vmul.f32 v3, v25;
	v3 =	vld [tilespmem:s2+$0xFFFFFEA0]  }
0x11f: {  	v12 =	vbroadcast v12, $0x0;
	v43 =	vld [tilespmem:s2+$0xFFFFFEC0];
	v44 =	vmul.f32 v39, v25;
	[tilespmem:s2+$0xFFFFFE60] =	vst v41  }
0x120: {  	v45 =	vld [tilespmem:s2+$0xFFFFFED0];
	[tilespmem:s2+$0xFFFFFE50] =	vst v2;
	v2 =	vmul.f32 v38, v25  }
0x121: {  	v46 =	vld [tilespmem:s2+$0xFFFFFEE0];
	[tilespmem:s2+$0xFFFFFE80] =	vst v44;
	v8 =	vmul.f32 v30, v1  }
0x122: {  	v47 =	vld [tilespmem:s2+$0xFFFFFEF0];
	[tilespmem:s2+$0xFFFFFE70] =	vst v2;
	v2 =	vmul.f32 v40, v26  }
0x123: {  	v48 =	vld [tilespmem:s2+$0xFFFFFF00];
	[tilespmem:s2+$0x0] =	vst v8;
	v3 =	vmul.f32 v3, v26  }
0x124: {  	v49 =	vld [tilespmem:s2+$0xFFFFFF10];
	[tilespmem:s2+$0xFFFFFE90] =	vst v2;
	v2 =	vmul.f32 v42, v26  }
0x125: {  	v28 =	vld.idx.msk [tilespmem:v12+s21+$0x0], $0xffff;
	[tilespmem:s2+$0xFFFFFEA0] =	vst v3;
	v3 =	vmul.f32 v43, v26  }
0x126: {  	v50 =	vld [tilespmem:s2+$0xFFFFFF20];
	[tilespmem:s2+$0xFFFFFEB0] =	vst v2;
	v2 =	vmul.f32 v45, v26  }
0x127: {  	v51 =	vld [tilespmem:s2+$0xFFFFFF30];
	[tilespmem:s2+$0xFFFFFEC0] =	vst v3;
	v3 =	vmul.f32 v46, v26  }
0x128: {  	v52 =	vld [tilespmem:s2+$0xFFFFFF40];
	[tilespmem:s2+$0xFFFFFED0] =	vst v2;
	v2 =	vmul.f32 v47, v26  }
0x129: {  	v53 =	vld [tilespmem:s2+$0xFFFFFF50];
	[tilespmem:s2+$0xFFFFFEE0] =	vst v3;
	v3 =	vmul.f32 v48, v26  }
0x12a: {  	v54 =	vld [tilespmem:s2+$0xFFFFFF60];
	[tilespmem:s2+$0xFFFFFEF0] =	vst v2;
	v2 =	vmul.f32 v49, v28  }
0x12b: {  	v55 =	vld [tilespmem:s2+$0xFFFFFF70];
	[tilespmem:s2+$0xFFFFFF00] =	vst v3;
	v3 =	vmul.f32 v50, v28  }
0x12c: {  	v56 =	vld [tilespmem:s2+$0xFFFFFF80];
	[tilespmem:s2+$0xFFFFFF10] =	vst v2;
	v2 =	vmul.f32 v51, v28  }
0x12d: {  	v57 =	vld [tilespmem:s2+$0xFFFFFF90];
	[tilespmem:s2+$0xFFFFFF20] =	vst v3;
	v3 =	vmul.f32 v52, v28  }
0x12e: {  	v58 =	vld [tilespmem:s2+$0xFFFFFFA0];
	[tilespmem:s2+$0xFFFFFF30] =	vst v2;
	v2 =	vmul.f32 v53, v28  }
0x12f: {  	v59 =	vld [tilespmem:s2+$0xFFFFFFB0];
	[tilespmem:s2+$0xFFFFFF40] =	vst v3;
	v3 =	vmul.f32 v54, v28  }
0x130: {  	v60 =	vld [tilespmem:s2+$0xFFFFFFC0];
	[tilespmem:s2+$0xFFFFFF50] =	vst v2;
	v2 =	vmul.f32 v55, v28  }
0x131: {  	v61 =	vld [tilespmem:s2+$0xFFFFFFD0];
	[tilespmem:s2+$0xFFFFFF60] =	vst v3;
	v3 =	vmul.f32 v56, v28  }
0x132: {  	v62 =	vld [tilespmem:s2+$0xFFFFFFE0];
	[tilespmem:s2+$0xFFFFFF70] =	vst v2;
	v2 =	vmul.f32 v57, v1  }
0x133: {  	v63 =	vld [tilespmem:s2+$0xFFFFFFF0];
	[tilespmem:s2+$0xFFFFFF80] =	vst v3;
	v3 =	vmul.f32 v58, v1  }
0x134: {  	[tilespmem:s2+$0xFFFFFF90] =	vst v2;
	v2 =	vmul.f32 v59, v1  }
0x135: {  	s28 =	sadd.s32 $0x1, s28;
	[tilespmem:s2+$0xFFFFFFA0] =	vst v3;
	v3 =	vmul.f32 v60, v1  }
0x136: {  	p0 =	sne.s32 s28, $0x14;
	[tilespmem:s2+$0xFFFFFFB0] =	vst v2;
	v2 =	vmul.f32 v61, v1  }
.Ltmp3:
0x137: {  	[tilespmem:s2+$0xFFFFFFC0] =	vst v3;
	v3 =	vmul.f32 v62, v1;
	(pc) =	sbr.rel @p0 .LBB2_4-.Ltmp3, $4  }
0x138: {  	v1 =	vmul.f32 v63, v1;
	[tilespmem:s2+$0xFFFFFFD0] =	vst v2  }
0x139: {  	s31 =	sand.u32 $0x3FFFFF80, s29;
	[tilespmem:s2+$0xFFFFFFE0] =	vst v3  }
0x13a: {  	s1 =	sadd.s32 $0x1400, s31;
	[tilespmem:s2+$0xFFFFFFF0] =	vst v1  }
0x13b: {  	[spmem:s3] =	stream.indirect.scatter.add.f32 [tilespmem:s24], [sflag:$0x2], $0x80, s1, s22, $0xb8;
	[tilespmem:$0x1FC00] =	vst v63  }
0x13c: {  	_ =	swait.ge [sflag:s25], $0x4000  }
0x13d: {  	[sflag:s25] =	ssyncset.done $0x0  }
0x13e: {  	s26 =	simm.s32 $0x0;
	[sflag:s25] =	ssyncadd.s32 $0xFFFFC000  }
0x13f: {  	[tilespmem:s26], [sflag:$0x3] =	stream.linear.gather [hbm4b:s13+s26], $0x1400, $0x38;
	[tilespmem:$0x1FC00] =	vst v63  }
0x140: {  	_ =	swait.ge [sflag:s19], $0x1400  }
0x141: {  	[sflag:s19] =	ssyncset.done $0x0  }
0x142: {  	s1 =	simm.s32 $0x1400;
	[sflag:s19] =	ssyncadd.s32 $0xFFFFEC00  }
0x143: {  	[tilespmem:s1], [sflag:$0x3] =	stream.linear.gather [hbm4b:s14+s26], $0x1400, $0x38;
	[tilespmem:$0x1FC00] =	vst v63  }
0x144: {  	_ =	swait.ge [sflag:s19], $0x1400  }
0x145: {  	[sflag:s19] =	ssyncset.done $0x0  }
0x146: {  	[sflag:s19] =	ssyncadd.s32 $0xFFFFEC00  }
0x147: {  	[tilespmem:s21], [sflag:$0x3] =	stream.linear.gather [hbm4b:s15+s26], $0x1400, $0x38;
	[tilespmem:$0x1FC00] =	vst v63  }
0x148: {  	_ =	swait.ge [sflag:s19], $0x1400  }
0x149: {  	[sflag:s19] =	ssyncset.done $0x0  }
0x14a: {  	s28 =	simm.s32 $0x0;
	[sflag:s19] =	ssyncadd.s32 $0xFFFFEC00  }
0x14b: {  	[tilespmem:s18], [sflag:$0x1] =	stream.indirect.gather [hbm4b:s0+s22], $0x80, s26, s22, $0xb8;
	[tilespmem:$0x1FC00] =	vst v63  }
.LBB2_10:
0x14c: {  	s29 =	sshll.u32 s28, $0x1  }
0x14d: {  	v2 =	vmov s26;
	s2 =	simm.s32 $0x3;
	_ =	swait.ge [sflag:s23], $0x4000;
	s1 =	sshll.u32 s29, $0x7  }
0x14e: {  	p0 =	seq.s32 s28, $0x0;
	v2 =	vand.u32 $0x7C, v2;
	v3 =	vmov s2;
	[sflag:s23] =	ssyncset.done $0x0;
	v1 =	vmov s1  }
0x14f: {  	v3 =	vand.u32 $0x7F, v3;
	[sflag:s23] =	ssyncadd.s32 $0xFFFFC000;
	s1 =	simm.s32 @!p0 $0x2;
	v2 =	vor.u32 v1, v2  }
0x150: {  	s20 =	sshll.u32 s28, $0xA;
	v3 =	vor.u32 v1, v3;
	_ =	swait.ge @!p0 [sflag:s1], $0x4000;
	v2 =	vbroadcast v2, $0x0  }
0x151: {  	s30 =	sshrl.u32 s20, $0x2;
	v3 =	vbroadcast v3, $0x0;
	[sflag:s1] =	ssyncset.done @!p0 $0x0  }
0x152: {  	s31 =	simm.s32 $0x3D00;
	s2 =	sor.u32 $0x80, s30;
	[sflag:s1] =	ssyncadd.s32 @!p0 $0xFFFFC000  }
0x153: {  	[tilespmem:s24], [sflag:$0x1] =	stream.indirect.gather [hbm4b:s0+s22], $0x80, s2, s22, $0xb8;
	[tilespmem:$0x1FC00] =	vst v63  }
0x154: {  	v6 =	vld [tilespmem:s31+$0xFFFFFF00]  }
0x155: {  	s20 =	simm.s32 $0x1;
	v7 =	vld [tilespmem:s31+$0xFFFFFF10]  }
0x156: {  	v5 =	vmov s20;
	v4 =	vld.idx.msk [tilespmem:v2+s21+$0x0], $0xffff  }
0x157: {  	v2 =	vld.idx.msk [tilespmem:v3+s21+$0x0], $0xffff;
	v3 =	vand.u32 $0x7D, v5  }
0x158: {  	v8 =	vld [tilespmem:s31+$0xFFFFFF20];
	v3 =	vor.u32 v1, v3  }
0x159: {  	v5 =	vld [tilespmem:s31+$0xF0];
	v3 =	vbroadcast v3, $0x0  }
0x15a: {  	v9 =	vld [tilespmem:s31+$0xFFFFFF30]  }
0x15b: {  	v10 =	vld [tilespmem:s31+$0xFFFFFF40]  }
0x15c: {  	v11 =	vld [tilespmem:s31+$0xFFFFFF50];
	v6 =	vmul.f32 v6, v4  }
0x15d: {  	v12 =	vld [tilespmem:s31+$0xFFFFFF60]  }
0x15e: {  	s2 =	simm.s32 $0x2;
	v5 =	vmul.f32 v5, v2;
	[tilespmem:s31+$0xFFFFFF00] =	vst v6;
	v6 =	vld [tilespmem:s31+$0xFFFFFF70]  }
0x15f: {  	v13 =	vmov s2;
	v7 =	vmul.f32 v7, v4;
	v14 =	vld.idx.msk [tilespmem:v3+s21+$0x0], $0xffff  }
0x160: {  	[tilespmem:s31+$0xF0] =	vst v5;
	v5 =	vmul.f32 v8, v4;
	v3 =	vand.u32 $0x7E, v13;
	v13 =	vld [tilespmem:s31+$0xFFFFFF80]  }
0x161: {  	v8 =	vld [tilespmem:s31+$0xFFFFFF90];
	[tilespmem:s31+$0xFFFFFF10] =	vst v7;
	v7 =	vmul.f32 v9, v4;
	v3 =	vor.u32 v1, v3  }
0x162: {  	v9 =	vld [tilespmem:s31+$0xFFFFFFA0];
	[tilespmem:s31+$0xFFFFFF20] =	vst v5;
	v5 =	vmul.f32 v10, v4;
	v3 =	vbroadcast v3, $0x0  }
0x163: {  	v10 =	vld [tilespmem:s31+$0xFFFFFFB0];
	[tilespmem:s31+$0xFFFFFF30] =	vst v7;
	v7 =	vmul.f32 v11, v4  }
0x164: {  	v12 =	vmul.f32 v12, v4;
	v11 =	vld [tilespmem:s31+$0xFFFFFFC0];
	[tilespmem:s31+$0xFFFFFF40] =	vst v5;
	v4 =	vmul.f32 v6, v4  }
0x165: {  	[tilespmem:s31+$0xFFFFFF50] =	vst v7;
	v7 =	vld [tilespmem:s31+$0xFFFFFFE0];
	v5 =	vmul.f32 v13, v14  }
0x166: {  	v13 =	vld [tilespmem:s31+$0xFFFFFFD0];
	[tilespmem:s31+$0xFFFFFF70] =	vst v4  }
0x167: {  	v4 =	vmul.f32 v9, v14;
	[tilespmem:s31+$0xFFFFFF80] =	vst v5;
	v5 =	vmul.f32 v8, v14;
	v8 =	vld [tilespmem:s31+$0x0]  }
0x168: {  	[tilespmem:s31+$0xFFFFFF60] =	vst v12;
	v3 =	vld.idx.msk [tilespmem:v3+s21+$0x0], $0xffff  }
0x169: {  	v6 =	vld [tilespmem:s31+$0xFFFFFFF0];
	[tilespmem:s31+$0xFFFFFFA0] =	vst v4;
	v4 =	vmul.f32 v11, v14  }
0x16a: {  	v9 =	vld [tilespmem:s31+$0x10];
	[tilespmem:s31+$0xFFFFFF90] =	vst v5;
	v5 =	vmul.f32 v10, v14  }
0x16b: {  	s20 =	simm.s32 $0x4;
	v7 =	vmul.f32 v7, v14;
	v10 =	vld [tilespmem:s31+$0x20];
	[tilespmem:s31+$0xFFFFFFC0] =	vst v4  }
0x16c: {  	v12 =	vmov s20;
	v11 =	vld [tilespmem:s31+$0x30];
	[tilespmem:s31+$0xFFFFFFB0] =	vst v5;
	v5 =	vmul.f32 v13, v14  }
0x16d: {  	v12 =	vand.u32 $0x7C, v12;
	v4 =	vld [tilespmem:s31+$0x40];
	[tilespmem:s31+$0xFFFFFFE0] =	vst v7;
	v8 =	vmul.f32 v8, v3  }
0x16e: {  	s2 =	simm.s32 $0x5;
	s20 =	simm.s32 $0x6;
	v7 =	vor.u32 v1, v12;
	v13 =	vmul.f32 v6, v14;
	[tilespmem:s31+$0xFFFFFFD0] =	vst v5;
	v5 =	vld [tilespmem:s31+$0x50]  }
0x16f: {  	v14 =	vmov s2;
	v6 =	vld [tilespmem:s31+$0x60];
	v9 =	vmul.f32 v9, v3;
	[tilespmem:s31+$0x0] =	vst v8;
	v8 =	vmov s20  }
0x170: {  	[tilespmem:s31+$0xFFFFFFF0] =	vst v13;
	v13 =	vand.u32 $0x7D, v14;
	v10 =	vmul.f32 v10, v3;
	v12 =	vand.u32 $0x7E, v8;
	v8 =	vld [tilespmem:s31+$0x70]  }
0x171: {  	s1 =	simm.s32 $0x3D00;
	v7 =	vbroadcast v7, $0x0;
	s2 =	simm.s32 $0x8;
	v11 =	vmul.f32 v11, v3;
	v13 =	vor.u32 v1, v13;
	s20 =	simm.s32 $0x7;
	[tilespmem:s31+$0x10] =	vst v9;
	v9 =	vld [tilespmem:s31+$0x80]  }
.LBB2_11:
0x172: {  	p0 =	slt.u32 s2, $0x7C;
	v12 =	vor.u32 v1, v12;
	v14 =	vmov s20;
	[tilespmem:s31+$0x20] =	vst v10;
	v4 =	vmul.f32 v4, v3;
	v10 =	vld [tilespmem:s31+$0x90]  }
0x173: {  	v13 =	vbroadcast v13, $0x0;
	v14 =	vand.u32 $0x7F, v14;
	[tilespmem:s31+$0x30] =	vst v11;
	v5 =	vmul.f32 v5, v3;
	v11 =	vld [tilespmem:s31+$0xA0]  }
0x174: {  	v12 =	vbroadcast v12, $0x0;
	v14 =	vor.u32 v1, v14;
	[tilespmem:s31+$0x40] =	vst v4;
	v4 =	vmul.f32 v6, v3;
	v6 =	vld [tilespmem:s31+$0xB0]  }
0x175: {  	v14 =	vbroadcast v14, $0x0;
	[tilespmem:s31+$0x50] =	vst v5;
	v3 =	vmul.f32 v8, v3;
	v5 =	vld [tilespmem:s31+$0xC0]  }
0x176: {  	[tilespmem:s31+$0x60] =	vst v4;
	v4 =	vmul.f32 v9, v2;
	v8 =	vld [tilespmem:s31+$0xD0]  }
0x177: {  	[tilespmem:s31+$0x70] =	vst v3;
	v3 =	vmul.f32 v10, v2;
	v9 =	vld [tilespmem:s31+$0xE0]  }
0x178: {  	v7 =	vld.idx.msk [tilespmem:v7+s21+$0x0], $0xffff;
	[tilespmem:s31+$0x80] =	vst v4;
	v4 =	vmul.f32 v11, v2  }
0x179: {  	v10 =	vld.idx.msk [tilespmem:v13+s21+$0x0], $0xffff;
	[tilespmem:s31+$0x90] =	vst v3;
	v6 =	vmul.f32 v6, v2  }
0x17a: {  	v3 =	vld.idx.msk [tilespmem:v12+s21+$0x0], $0xffff;
	[tilespmem:s31+$0xA0] =	vst v4;
	v4 =	vmul.f32 v5, v2  }
0x17b: {  	s31 =	sadd.s32 $0x200, s31;
	v5 =	vld.idx.msk [tilespmem:v14+s21+$0x0], $0xffff;
	[tilespmem:s1+$0xB0] =	vst v6;
	v6 =	vmul.f32 v8, v2  }
0x17c: {  	v8 =	vld [tilespmem:s31+$0xF0];
	[tilespmem:s1+$0xC0] =	vst v4;
	v2 =	vmul.f32 v9, v2  }
0x17d: {  	v4 =	vld [tilespmem:s31+$0xFFFFFF00];
	[tilespmem:s1+$0xD0] =	vst v6  }
0x17e: {  	v6 =	vld [tilespmem:s31+$0xFFFFFF10];
	[tilespmem:s1+$0xE0] =	vst v2;
	s1 =	smov.u32 s31  }
0x17f: {  	v9 =	vld [tilespmem:s31+$0xFFFFFF20]  }
0x180: {  	v11 =	vld [tilespmem:s31+$0xFFFFFF30]  }
0x181: {  	v2 =	vmov v5;
	v12 =	vld [tilespmem:s31+$0xFFFFFF40];
	v8 =	vmul.f32 v8, v5  }
0x182: {  	v4 =	vmul.f32 v4, v7;
	v5 =	vld [tilespmem:s31+$0xFFFFFF50]  }
0x183: {  	v6 =	vmul.f32 v6, v7;
	v13 =	vld [tilespmem:s31+$0xFFFFFF60];
	[tilespmem:s31+$0xF0] =	vst v8  }
0x184: {  	[tilespmem:s31+$0xFFFFFF00] =	vst v4;
	v4 =	vmul.f32 v9, v7;
	v8 =	vld [tilespmem:s31+$0xFFFFFF70]  }
0x185: {  	[tilespmem:s31+$0xFFFFFF10] =	vst v6;
	v6 =	vmul.f32 v11, v7;
	v9 =	vld [tilespmem:s31+$0xFFFFFF80]  }
0x186: {  	[tilespmem:s31+$0xFFFFFF20] =	vst v4;
	v4 =	vmul.f32 v12, v7;
	v11 =	vld [tilespmem:s31+$0xFFFFFF90]  }
0x187: {  	[tilespmem:s31+$0xFFFFFF30] =	vst v6;
	v5 =	vmul.f32 v5, v7;
	v6 =	vld [tilespmem:s31+$0xFFFFFFA0]  }
0x188: {  	[tilespmem:s31+$0xFFFFFF40] =	vst v4;
	v4 =	vmul.f32 v13, v7;
	v12 =	vld [tilespmem:s31+$0xFFFFFFB0]  }
0x189: {  	[tilespmem:s31+$0xFFFFFF50] =	vst v5;
	v5 =	vmul.f32 v8, v7;
	v7 =	vld [tilespmem:s31+$0xFFFFFFC0]  }
0x18a: {  	[tilespmem:s31+$0xFFFFFF60] =	vst v4;
	v4 =	vmul.f32 v9, v10;
	v8 =	vld [tilespmem:s31+$0xFFFFFFD0]  }
0x18b: {  	[tilespmem:s31+$0xFFFFFF70] =	vst v5;
	v5 =	vmul.f32 v11, v10;
	v9 =	vld [tilespmem:s31+$0xFFFFFFE0]  }
0x18c: {  	[tilespmem:s31+$0xFFFFFF80] =	vst v4;
	v4 =	vmul.f32 v6, v10;
	v6 =	vld [tilespmem:s31+$0xFFFFFFF0]  }
0x18d: {  	[tilespmem:s31+$0xFFFFFF90] =	vst v5;
	v5 =	vmul.f32 v12, v10;
	v11 =	vld [tilespmem:s31+$0x0]  }
0x18e: {  	[tilespmem:s31+$0xFFFFFFA0] =	vst v4;
	v4 =	vmul.f32 v7, v10;
	v7 =	vld [tilespmem:s31+$0x10]  }
0x18f: {  	[tilespmem:s31+$0xFFFFFFB0] =	vst v5;
	v5 =	vmul.f32 v8, v10;
	v8 =	vld [tilespmem:s31+$0x20]  }
0x190: {  	[tilespmem:s31+$0xFFFFFFC0] =	vst v4;
	v9 =	vmul.f32 v9, v10;
	v14 =	vld [tilespmem:s31+$0x30]  }
.Ltmp4:
0x191: {  	s20 =	sadd.s32 $0x1, s2;
	v12 =	vmov s2;
	[tilespmem:s31+$0xFFFFFFD0] =	vst v5;
	v6 =	vmul.f32 v6, v10;
	v4 =	vld [tilespmem:s31+$0x40];
	(pc) =	sbr.rel @p0 .LBB2_11-.Ltmp4, $4  }
0x192: {  	v10 =	vand.u32 $0x7C, v12;
	v12 =	vmov s20;
	s20 =	sadd.s32 $0x2, s2;
	[tilespmem:s31+$0xFFFFFFE0] =	vst v9;
	v9 =	vmul.f32 v11, v3;
	v5 =	vld [tilespmem:s31+$0x50]  }
0x193: {  	v11 =	vor.u32 v1, v10;
	v10 =	vmov s20;
	[tilespmem:s31+$0xFFFFFFF0] =	vst v6;
	v15 =	vmul.f32 v7, v3;
	v6 =	vld [tilespmem:s31+$0x60]  }
0x194: {  	v13 =	vand.u32 $0x7D, v12;
	v12 =	vand.u32 $0x7E, v10;
	[tilespmem:s31+$0x0] =	vst v9;
	v10 =	vmul.f32 v8, v3;
	v8 =	vld [tilespmem:s31+$0x70]  }
0x195: {  	s20 =	sadd.s32 $0x3, s2;
	s2 =	sadd.s32 $0x4, s2;
	v7 =	vbroadcast v11, $0x0;
	v13 =	vor.u32 v1, v13;
	[tilespmem:s31+$0x10] =	vst v15;
	v11 =	vmul.f32 v14, v3;
	v9 =	vld [tilespmem:s31+$0x80]  }
0x196: {  	v15 =	vld [tilespmem:s31+$0x90]  }
0x197: {  	v16 =	vld [tilespmem:s31+$0xA0]  }
0x198: {  	v14 =	vmov s20;
	v12 =	vor.u32 v1, v12;
	v17 =	vld [tilespmem:s31+$0xC0]  }
0x199: {  	v13 =	vbroadcast v13, $0x0;
	[tilespmem:s31+$0x20] =	vst v10;
	v4 =	vmul.f32 v4, v3;
	v10 =	vld [tilespmem:s31+$0xD0];
	v14 =	vand.u32 $0x7F, v14  }
0x19a: {  	v12 =	vbroadcast v12, $0x0;
	[tilespmem:s31+$0x30] =	vst v11;
	v5 =	vmul.f32 v5, v3;
	v11 =	vld [tilespmem:s31+$0xE0];
	v1 =	vor.u32 v1, v14  }
0x19b: {  	v14 =	vld [tilespmem:s31+$0xB0];
	[tilespmem:s31+$0x40] =	vst v4;
	v4 =	vmul.f32 v6, v3;
	v1 =	vbroadcast v1, $0x0  }
0x19c: {  	s2 =	sadd.s32 $0x200, s31;
	v6 =	vld.idx.msk [tilespmem:v7+s21+$0x0], $0xffff;
	[tilespmem:s31+$0x50] =	vst v5;
	v3 =	vmul.f32 v8, v3  }
0x19d: {  	v8 =	vld [tilespmem:s2+$0xF0];
	[tilespmem:s31+$0x60] =	vst v4;
	v4 =	vmul.f32 v9, v2  }
0x19e: {  	v9 =	vld [tilespmem:s2+$0xFFFFFF00];
	[tilespmem:s31+$0x70] =	vst v3;
	v3 =	vmul.f32 v15, v2  }
0x19f: {  	v5 =	vld.idx.msk [tilespmem:v13+s21+$0x0], $0xffff;
	[tilespmem:s31+$0x80] =	vst v4;
	v4 =	vmul.f32 v16, v2  }
0x1a0: {  	v7 =	vld.idx.msk [tilespmem:v12+s21+$0x0], $0xffff;
	[tilespmem:s31+$0x90] =	vst v3;
	v3 =	vmul.f32 v14, v2  }
0x1a1: {  	[tilespmem:s31+$0xA0] =	vst v4;
	v4 =	vmul.f32 v17, v2;
	v1 =	vld.idx.msk [tilespmem:v1+s21+$0x0], $0xffff  }
0x1a2: {  	v12 =	vld [tilespmem:s2+$0xFFFFFF10];
	[tilespmem:s1+$0xB0] =	vst v3;
	v3 =	vmul.f32 v10, v2  }
0x1a3: {  	v10 =	vld [tilespmem:s2+$0xFFFFFF20];
	v2 =	vmul.f32 v11, v2;
	[tilespmem:s1+$0xC0] =	vst v4  }
0x1a4: {  	v4 =	vld [tilespmem:s2+$0xFFFFFF30];
	[tilespmem:s1+$0xD0] =	vst v3  }
0x1a5: {  	v3 =	vld [tilespmem:s2+$0xFFFFFF40];
	[tilespmem:s1+$0xE0] =	vst v2;
	v2 =	vmul.f32 v9, v6  }
0x1a6: {  	v9 =	vld [tilespmem:s2+$0xFFFFFF50];
	v8 =	vmul.f32 v8, v1  }
0x1a7: {  	v11 =	vmul.f32 v12, v6;
	v12 =	vld [tilespmem:s2+$0xFFFFFF60];
	[tilespmem:s2+$0xFFFFFF00] =	vst v2  }
0x1a8: {  	v2 =	vmul.f32 v10, v6;
	[tilespmem:s2+$0xF0] =	vst v8;
	v8 =	vld [tilespmem:s2+$0xFFFFFF70]  }
0x1a9: {  	[tilespmem:s2+$0xFFFFFF10] =	vst v11;
	v10 =	vld [tilespmem:s2+$0xFFFFFF80];
	v4 =	vmul.f32 v4, v6  }
0x1aa: {  	[tilespmem:s2+$0xFFFFFF20] =	vst v2;
	v2 =	vmul.f32 v3, v6;
	v3 =	vld [tilespmem:s2+$0xFFFFFF90]  }
0x1ab: {  	[tilespmem:s2+$0xFFFFFF30] =	vst v4;
	v4 =	vmul.f32 v9, v6;
	v9 =	vld [tilespmem:s2+$0xFFFFFFA0]  }
0x1ac: {  	v11 =	vld [tilespmem:s2+$0xFFFFFFB0];
	[tilespmem:s2+$0xFFFFFF40] =	vst v2;
	v2 =	vmul.f32 v12, v6  }
0x1ad: {  	[tilespmem:s2+$0xFFFFFF50] =	vst v4;
	v4 =	vmul.f32 v8, v6;
	v6 =	vld [tilespmem:s2+$0xFFFFFFC0]  }
0x1ae: {  	[tilespmem:s2+$0xFFFFFF60] =	vst v2;
	v2 =	vmul.f32 v10, v5;
	v8 =	vld [tilespmem:s2+$0xFFFFFFD0]  }
0x1af: {  	v3 =	vmul.f32 v3, v5;
	[tilespmem:s2+$0xFFFFFF70] =	vst v4;
	v4 =	vld [tilespmem:s2+$0xFFFFFFE0]  }
0x1b0: {  	[tilespmem:s2+$0xFFFFFF80] =	vst v2;
	v2 =	vmul.f32 v9, v5;
	v9 =	vld [tilespmem:s2+$0xFFFFFFF0]  }
0x1b1: {  	v10 =	vld [tilespmem:s2+$0x0];
	[tilespmem:s2+$0xFFFFFF90] =	vst v3;
	v3 =	vmul.f32 v11, v5  }
0x1b2: {  	[tilespmem:s2+$0xFFFFFFA0] =	vst v2;
	v2 =	vmul.f32 v6, v5;
	v6 =	vld [tilespmem:s2+$0x10]  }
0x1b3: {  	[tilespmem:s2+$0xFFFFFFB0] =	vst v3;
	v3 =	vmul.f32 v8, v5;
	v8 =	vld [tilespmem:s2+$0x20]  }
0x1b4: {  	[tilespmem:s2+$0xFFFFFFC0] =	vst v2;
	v2 =	vmul.f32 v4, v5;
	v4 =	vld [tilespmem:s2+$0x30]  }
0x1b5: {  	[tilespmem:s2+$0xFFFFFFD0] =	vst v3;
	v3 =	vmul.f32 v9, v5;
	v5 =	vld [tilespmem:s2+$0x40]  }
0x1b6: {  	v9 =	vld [tilespmem:s2+$0x50];
	[tilespmem:s2+$0xFFFFFFE0] =	vst v2;
	v2 =	vmul.f32 v10, v7  }
0x1b7: {  	[tilespmem:s2+$0xFFFFFFF0] =	vst v3;
	v3 =	vmul.f32 v6, v7;
	v6 =	vld [tilespmem:s2+$0x60]  }
0x1b8: {  	[tilespmem:s2+$0x0] =	vst v2;
	v2 =	vmul.f32 v8, v7;
	v8 =	vld [tilespmem:s2+$0x70]  }
0x1b9: {  	[tilespmem:s2+$0x10] =	vst v3;
	v3 =	vmul.f32 v4, v7;
	v4 =	vld [tilespmem:s2+$0x80]  }
0x1ba: {  	[tilespmem:s2+$0x20] =	vst v2;
	v2 =	vmul.f32 v5, v7;
	v5 =	vld [tilespmem:s2+$0x90]  }
0x1bb: {  	[tilespmem:s2+$0x30] =	vst v3;
	v3 =	vmul.f32 v9, v7;
	v9 =	vld [tilespmem:s2+$0xA0]  }
0x1bc: {  	[tilespmem:s2+$0x40] =	vst v2;
	v2 =	vmul.f32 v6, v7;
	v6 =	vld [tilespmem:s2+$0xB0]  }
0x1bd: {  	[tilespmem:s2+$0x50] =	vst v3;
	v3 =	vmul.f32 v8, v7;
	v7 =	vld [tilespmem:s2+$0xC0]  }
0x1be: {  	[tilespmem:s2+$0x60] =	vst v2;
	v2 =	vmul.f32 v4, v1;
	v4 =	vld [tilespmem:s2+$0xD0]  }
0x1bf: {  	[tilespmem:s2+$0x70] =	vst v3;
	v3 =	vmul.f32 v5, v1;
	v5 =	vld [tilespmem:s2+$0xE0]  }
0x1c0: {  	[tilespmem:s2+$0x80] =	vst v2;
	v2 =	vmul.f32 v9, v1  }
0x1c1: {  	[tilespmem:s2+$0x90] =	vst v3;
	v3 =	vmul.f32 v6, v1  }
0x1c2: {  	[tilespmem:s2+$0xA0] =	vst v2;
	v2 =	vmul.f32 v7, v1  }
0x1c3: {  	[tilespmem:s2+$0xB0] =	vst v3;
	v3 =	vmul.f32 v4, v1  }
0x1c4: {  	[tilespmem:s2+$0xC0] =	vst v2;
	v1 =	vmul.f32 v5, v1  }
0x1c5: {  	s20 =	simm.s32 $0x0;
	s1 =	sor.u32 $0x1, s29;
	[tilespmem:s2+$0xD0] =	vst v3  }
0x1c6: {  	s31 =	simm.s32 $0x3;
	s29 =	sshll.u32 s1, $0x7;
	v2 =	vmov s20;
	[tilespmem:s2+$0xE0] =	vst v1;
	s2 =	sadd.s32 $0x1400, s30  }
0x1c7: {  	v2 =	vand.u32 $0x7C, v2;
	v3 =	vmov s31;
	v1 =	vmov s29;
	[spmem:s3] =	stream.indirect.scatter.add.f32 [tilespmem:s18], [sflag:$0x2], $0x80, s2, s22, $0xb8;
	[tilespmem:$0x1FC00] =	vst v63  }
0x1c8: {  	v3 =	vand.u32 $0x7F, v3;
	v2 =	vor.u32 v1, v2;
	_ =	swait.ge [sflag:s23], $0x4000  }
0x1c9: {  	v3 =	vor.u32 v1, v3;
	v2 =	vbroadcast v2, $0x0;
	[sflag:s23] =	ssyncset.done $0x0  }
0x1ca: {  	v3 =	vbroadcast v3, $0x0;
	[sflag:s23] =	ssyncadd.s32 $0xFFFFC000  }
0x1cb: {  	p0 =	sgt.u32 s1, $0x26;
	_ =	swait.ge [sflag:s25], $0x4000  }
0x1cc: {  	s1 =	sadd.s32 @!p0 $0x100, s30;
	[sflag:s25] =	ssyncset.done $0x0  }
0x1cd: {  	s20 =	simm.s32 @!p0 $0x3C00;
	s2 =	simm.s32 @!p0 $0x80;
	[sflag:s25] =	ssyncadd.s32 $0xFFFFC000  }
0x1ce: {  	[tilespmem:s20], [sflag:$0x1] =	stream.indirect.gather @!p0 [hbm4b:s0+s2], $0x80, s1, s2, $0xb8;
	[tilespmem:$0x1FC00] =	vst v63  }
0x1cf: {  	v4 =	vld.idx.msk [tilespmem:v2+s21+$0x0], $0xffff  }
0x1d0: {  	s30 =	simm.s32 $0x7DF0;
	v2 =	vld.idx.msk [tilespmem:v3+s21+$0x0], $0xffff  }
0x1d1: {  	s20 =	simm.s32 $0x1;
	v6 =	vld [tilespmem:s30+$0xFFFFFE10]  }
0x1d2: {  	v5 =	vmov s20;
	v7 =	vld [tilespmem:s30+$0xFFFFFE20]  }
0x1d3: {  	v8 =	vld [tilespmem:s30+$0xFFFFFE30];
	v3 =	vand.u32 $0x7D, v5  }
0x1d4: {  	v9 =	vld [tilespmem:s30+$0xFFFFFE40];
	v3 =	vor.u32 v1, v3  }
0x1d5: {  	v12 =	vld [tilespmem:s30+$0xFFFFFE70];
	v3 =	vbroadcast v3, $0x0  }
0x1d6: {  	v5 =	vld [tilespmem:s30+$0x0]  }
0x1d7: {  	v10 =	vld [tilespmem:s30+$0xFFFFFE50];
	v6 =	vmul.f32 v6, v4  }
0x1d8: {  	v11 =	vld [tilespmem:s30+$0xFFFFFE60];
	v7 =	vmul.f32 v7, v4  }
0x1d9: {  	[tilespmem:s30+$0xFFFFFE10] =	vst v6;
	v6 =	vld [tilespmem:s30+$0xFFFFFE80]  }
0x1da: {  	s31 =	simm.s32 $0x2;
	v12 =	vmul.f32 v12, v4;
	[tilespmem:s30+$0xFFFFFE20] =	vst v7;
	v7 =	vmul.f32 v9, v4;
	v9 =	vld [tilespmem:s30+$0xFFFFFEB0]  }
0x1db: {  	v13 =	vmov s31;
	v5 =	vmul.f32 v5, v2;
	v14 =	vld.idx.msk [tilespmem:v3+s21+$0x0], $0xffff  }
0x1dc: {  	[tilespmem:s30+$0xFFFFFE70] =	vst v12;
	v3 =	vand.u32 $0x7E, v13;
	v13 =	vld [tilespmem:s30+$0xFFFFFE90]  }
0x1dd: {  	[tilespmem:s30+$0x0] =	vst v5;
	v5 =	vmul.f32 v8, v4;
	v8 =	vld [tilespmem:s30+$0xFFFFFEA0];
	v3 =	vor.u32 v1, v3  }
0x1de: {  	[tilespmem:s30+$0xFFFFFE40] =	vst v7;
	v7 =	vmul.f32 v11, v4;
	v11 =	vld [tilespmem:s30+$0xFFFFFED0];
	v3 =	vbroadcast v3, $0x0  }
0x1df: {  	[tilespmem:s30+$0xFFFFFE30] =	vst v5;
	v5 =	vmul.f32 v10, v4;
	v10 =	vld [tilespmem:s30+$0xFFFFFEC0]  }
0x1e0: {  	[tilespmem:s30+$0xFFFFFE60] =	vst v7;
	v7 =	vld [tilespmem:s30+$0xFFFFFEF0];
	v4 =	vmul.f32 v6, v4  }
0x1e1: {  	[tilespmem:s30+$0xFFFFFE50] =	vst v5;
	v6 =	vld [tilespmem:s30+$0xFFFFFF00];
	v5 =	vmul.f32 v13, v14  }
0x1e2: {  	v13 =	vld [tilespmem:s30+$0xFFFFFEE0];
	[tilespmem:s30+$0xFFFFFE80] =	vst v4;
	v4 =	vmul.f32 v9, v14  }
0x1e3: {  	[tilespmem:s30+$0xFFFFFE90] =	vst v5;
	v5 =	vmul.f32 v8, v14;
	v8 =	vld [tilespmem:s30+$0xFFFFFF10]  }
0x1e4: {  	[tilespmem:s30+$0xFFFFFEB0] =	vst v4;
	v4 =	vmul.f32 v11, v14;
	v3 =	vld.idx.msk [tilespmem:v3+s21+$0x0], $0xffff  }
0x1e5: {  	v9 =	vld [tilespmem:s30+$0xFFFFFF20];
	[tilespmem:s30+$0xFFFFFEA0] =	vst v5;
	v5 =	vmul.f32 v10, v14  }
0x1e6: {  	s2 =	simm.s32 $0x4;
	v7 =	vmul.f32 v7, v14;
	v10 =	vld [tilespmem:s30+$0xFFFFFF30];
	[tilespmem:s30+$0xFFFFFED0] =	vst v4  }
0x1e7: {  	v12 =	vmov s2;
	v11 =	vld [tilespmem:s30+$0xFFFFFF40];
	[tilespmem:s30+$0xFFFFFEC0] =	vst v5;
	v5 =	vmul.f32 v13, v14  }
0x1e8: {  	v12 =	vand.u32 $0x7C, v12;
	v4 =	vld [tilespmem:s30+$0xFFFFFF50];
	[tilespmem:s30+$0xFFFFFEF0] =	vst v7;
	v13 =	vmul.f32 v6, v14  }
0x1e9: {  	s31 =	simm.s32 $0x6;
	s20 =	simm.s32 $0x5;
	v7 =	vor.u32 v1, v12;
	[tilespmem:s30+$0xFFFFFEE0] =	vst v5;
	v8 =	vmul.f32 v8, v3;
	v5 =	vld [tilespmem:s30+$0xFFFFFF60]  }
0x1ea: {  	v12 =	vmov s31;
	v14 =	vmov s20;
	v6 =	vld [tilespmem:s30+$0xFFFFFF70];
	v9 =	vmul.f32 v9, v3;
	[tilespmem:s30+$0xFFFFFF00] =	vst v13  }
0x1eb: {  	v12 =	vand.u32 $0x7E, v12;
	v13 =	vand.u32 $0x7D, v14;
	v10 =	vmul.f32 v10, v3;
	[tilespmem:s30+$0xFFFFFF10] =	vst v8;
	v8 =	vld [tilespmem:s30+$0xFFFFFF80]  }
0x1ec: {  	s1 =	simm.s32 $0x7DF0;
	s2 =	simm.s32 $0x8;
	v7 =	vbroadcast v7, $0x0;
	s20 =	simm.s32 $0x7;
	v11 =	vmul.f32 v11, v3;
	v13 =	vor.u32 v1, v13;
	[tilespmem:s30+$0xFFFFFF20] =	vst v9;
	v9 =	vld [tilespmem:s30+$0xFFFFFF90]  }
.LBB2_13:
0x1ed: {  	p0 =	slt.u32 s2, $0x7C;
	v12 =	vor.u32 v1, v12;
	v14 =	vmov s20;
	[tilespmem:s30+$0xFFFFFF30] =	vst v10;
	v4 =	vmul.f32 v4, v3;
	v10 =	vld [tilespmem:s30+$0xFFFFFFA0]  }
0x1ee: {  	v13 =	vbroadcast v13, $0x0;
	v14 =	vand.u32 $0x7F, v14;
	[tilespmem:s30+$0xFFFFFF40] =	vst v11;
	v5 =	vmul.f32 v5, v3;
	v11 =	vld [tilespmem:s30+$0xFFFFFFB0]  }
0x1ef: {  	v12 =	vbroadcast v12, $0x0;
	v14 =	vor.u32 v1, v14;
	[tilespmem:s30+$0xFFFFFF50] =	vst v4;
	v4 =	vmul.f32 v6, v3;
	v6 =	vld [tilespmem:s30+$0xFFFFFFC0]  }
0x1f0: {  	v14 =	vbroadcast v14, $0x0;
	[tilespmem:s30+$0xFFFFFF60] =	vst v5;
	v3 =	vmul.f32 v8, v3;
	v5 =	vld [tilespmem:s30+$0xFFFFFFD0]  }
0x1f1: {  	[tilespmem:s30+$0xFFFFFF70] =	vst v4;
	v4 =	vmul.f32 v9, v2;
	v8 =	vld [tilespmem:s30+$0xFFFFFFE0]  }
0x1f2: {  	[tilespmem:s30+$0xFFFFFF80] =	vst v3;
	v3 =	vmul.f32 v10, v2;
	v9 =	vld [tilespmem:s30+$0xFFFFFFF0]  }
0x1f3: {  	v7 =	vld.idx.msk [tilespmem:v7+s21+$0x0], $0xffff;
	[tilespmem:s30+$0xFFFFFF90] =	vst v4;
	v4 =	vmul.f32 v11, v2  }
0x1f4: {  	v10 =	vld.idx.msk [tilespmem:v13+s21+$0x0], $0xffff;
	[tilespmem:s30+$0xFFFFFFA0] =	vst v3;
	v6 =	vmul.f32 v6, v2  }
0x1f5: {  	v3 =	vld.idx.msk [tilespmem:v12+s21+$0x0], $0xffff;
	[tilespmem:s30+$0xFFFFFFB0] =	vst v4;
	v4 =	vmul.f32 v5, v2  }
0x1f6: {  	s30 =	sadd.s32 $0x200, s30;
	v5 =	vld.idx.msk [tilespmem:v14+s21+$0x0], $0xffff;
	[tilespmem:s1+$0xFFFFFFC0] =	vst v6;
	v6 =	vmul.f32 v8, v2  }
0x1f7: {  	v8 =	vld [tilespmem:s30+$0x0];
	[tilespmem:s1+$0xFFFFFFD0] =	vst v4;
	v2 =	vmul.f32 v9, v2  }
0x1f8: {  	v4 =	vld [tilespmem:s30+$0xFFFFFE10];
	[tilespmem:s1+$0xFFFFFFE0] =	vst v6  }
0x1f9: {  	v6 =	vld [tilespmem:s30+$0xFFFFFE20];
	[tilespmem:s1+$0xFFFFFFF0] =	vst v2;
	s1 =	smov.u32 s30  }
0x1fa: {  	v9 =	vld [tilespmem:s30+$0xFFFFFE30]  }
0x1fb: {  	v11 =	vld [tilespmem:s30+$0xFFFFFE40]  }
0x1fc: {  	v2 =	vmov v5;
	v12 =	vld [tilespmem:s30+$0xFFFFFE50];
	v8 =	vmul.f32 v8, v5  }
0x1fd: {  	v4 =	vmul.f32 v4, v7;
	v5 =	vld [tilespmem:s30+$0xFFFFFE60]  }
0x1fe: {  	v6 =	vmul.f32 v6, v7;
	v13 =	vld [tilespmem:s30+$0xFFFFFE70];
	[tilespmem:s30+$0x0] =	vst v8  }
0x1ff: {  	[tilespmem:s30+$0xFFFFFE10] =	vst v4;
	v4 =	vmul.f32 v9, v7;
	v8 =	vld [tilespmem:s30+$0xFFFFFE80]  }
0x200: {  	[tilespmem:s30+$0xFFFFFE20] =	vst v6;
	v6 =	vmul.f32 v11, v7;
	v9 =	vld [tilespmem:s30+$0xFFFFFE90]  }
0x201: {  	[tilespmem:s30+$0xFFFFFE30] =	vst v4;
	v4 =	vmul.f32 v12, v7;
	v11 =	vld [tilespmem:s30+$0xFFFFFEA0]  }
0x202: {  	[tilespmem:s30+$0xFFFFFE40] =	vst v6;
	v5 =	vmul.f32 v5, v7;
	v6 =	vld [tilespmem:s30+$0xFFFFFEB0]  }
0x203: {  	[tilespmem:s30+$0xFFFFFE50] =	vst v4;
	v4 =	vmul.f32 v13, v7;
	v12 =	vld [tilespmem:s30+$0xFFFFFEC0]  }
0x204: {  	[tilespmem:s30+$0xFFFFFE60] =	vst v5;
	v5 =	vmul.f32 v8, v7;
	v7 =	vld [tilespmem:s30+$0xFFFFFED0]  }
0x205: {  	[tilespmem:s30+$0xFFFFFE70] =	vst v4;
	v4 =	vmul.f32 v9, v10;
	v8 =	vld [tilespmem:s30+$0xFFFFFEE0]  }
0x206: {  	[tilespmem:s30+$0xFFFFFE80] =	vst v5;
	v5 =	vmul.f32 v11, v10;
	v9 =	vld [tilespmem:s30+$0xFFFFFEF0]  }
0x207: {  	[tilespmem:s30+$0xFFFFFE90] =	vst v4;
	v4 =	vmul.f32 v6, v10;
	v6 =	vld [tilespmem:s30+$0xFFFFFF00]  }
0x208: {  	[tilespmem:s30+$0xFFFFFEA0] =	vst v5;
	v5 =	vmul.f32 v12, v10;
	v11 =	vld [tilespmem:s30+$0xFFFFFF10]  }
0x209: {  	[tilespmem:s30+$0xFFFFFEB0] =	vst v4;
	v4 =	vmul.f32 v7, v10;
	v7 =	vld [tilespmem:s30+$0xFFFFFF20]  }
0x20a: {  	[tilespmem:s30+$0xFFFFFEC0] =	vst v5;
	v5 =	vmul.f32 v8, v10;
	v8 =	vld [tilespmem:s30+$0xFFFFFF30]  }
0x20b: {  	[tilespmem:s30+$0xFFFFFED0] =	vst v4;
	v9 =	vmul.f32 v9, v10;
	v14 =	vld [tilespmem:s30+$0xFFFFFF40]  }
.Ltmp5:
0x20c: {  	s20 =	sadd.s32 $0x1, s2;
	v12 =	vmov s2;
	[tilespmem:s30+$0xFFFFFEE0] =	vst v5;
	v6 =	vmul.f32 v6, v10;
	v4 =	vld [tilespmem:s30+$0xFFFFFF50];
	(pc) =	sbr.rel @p0 .LBB2_13-.Ltmp5, $4  }
0x20d: {  	v10 =	vand.u32 $0x7C, v12;
	v12 =	vmov s20;
	s20 =	sadd.s32 $0x2, s2;
	[tilespmem:s30+$0xFFFFFEF0] =	vst v9;
	v9 =	vmul.f32 v11, v3;
	v5 =	vld [tilespmem:s30+$0xFFFFFF60]  }
0x20e: {  	v11 =	vor.u32 v1, v10;
	v10 =	vmov s20;
	[tilespmem:s30+$0xFFFFFF00] =	vst v6;
	v15 =	vmul.f32 v7, v3;
	v6 =	vld [tilespmem:s30+$0xFFFFFF70]  }
0x20f: {  	v13 =	vand.u32 $0x7D, v12;
	v12 =	vand.u32 $0x7E, v10;
	[tilespmem:s30+$0xFFFFFF10] =	vst v9;
	v10 =	vmul.f32 v8, v3;
	v8 =	vld [tilespmem:s30+$0xFFFFFF80]  }
0x210: {  	s20 =	sadd.s32 $0x3, s2;
	s2 =	sadd.s32 $0x4, s2;
	v7 =	vbroadcast v11, $0x0;
	v13 =	vor.u32 v1, v13;
	[tilespmem:s30+$0xFFFFFF20] =	vst v15;
	v11 =	vmul.f32 v14, v3;
	v9 =	vld [tilespmem:s30+$0xFFFFFF90]  }
0x211: {  	v15 =	vld [tilespmem:s30+$0xFFFFFFA0]  }
0x212: {  	v16 =	vld [tilespmem:s30+$0xFFFFFFB0]  }
0x213: {  	v21 =	vld [tilespmem:s30+$0xFFFFFFC0]  }
0x214: {  	v17 =	vld [tilespmem:s30+$0xFFFFFFD0]  }
0x215: {  	[tilespmem:s30+$0xFFFFFF30] =	vst v10;
	v4 =	vmul.f32 v4, v3;
	v22 =	vld [tilespmem:s30+$0xFFFFFFE0]  }
0x216: {  	v23 =	vld [tilespmem:s30+$0xFFFFFFF0];
	[tilespmem:s30+$0xFFFFFF40] =	vst v11;
	v5 =	vmul.f32 v5, v3  }
0x217: {  	s2 =	sadd.s32 $0x200, s30;
	v25 =	vld.idx.msk [tilespmem:v7+s21+$0x0], $0xffff;
	[tilespmem:s30+$0xFFFFFF50] =	vst v4;
	v24 =	vmul.f32 v6, v3  }
0x218: {  	v30 =	vld [tilespmem:s2+$0x0];
	[tilespmem:s30+$0xFFFFFF60] =	vst v5;
	v3 =	vmul.f32 v8, v3  }
0x219: {  	v31 =	vld [tilespmem:s2+$0xFFFFFE10];
	[tilespmem:s30+$0xFFFFFF70] =	vst v24;
	v27 =	vmul.f32 v9, v2  }
0x21a: {  	v14 =	vmov s20;
	v33 =	vld [tilespmem:s2+$0xFFFFFE20];
	[tilespmem:s30+$0xFFFFFF80] =	vst v3;
	v3 =	vmul.f32 v15, v2  }
0x21b: {  	v14 =	vand.u32 $0x7F, v14;
	v34 =	vld [tilespmem:s2+$0xFFFFFE30];
	v29 =	vmul.f32 v16, v2;
	[tilespmem:s30+$0xFFFFFF90] =	vst v27  }
0x21c: {  	v12 =	vor.u32 v1, v12;
	v35 =	vld [tilespmem:s2+$0xFFFFFE40];
	v1 =	vor.u32 v1, v14;
	[tilespmem:s30+$0xFFFFFFA0] =	vst v3;
	v3 =	vmul.f32 v21, v2  }
0x21d: {  	v36 =	vld [tilespmem:s2+$0xFFFFFE60];
	v1 =	vbroadcast v1, $0x0;
	v32 =	vmul.f32 v17, v2;
	[tilespmem:s30+$0xFFFFFFB0] =	vst v29  }
0x21e: {  	v13 =	vbroadcast v13, $0x0;
	v38 =	vld [tilespmem:s2+$0xFFFFFE70];
	[tilespmem:s1+$0xFFFFFFC0] =	vst v3;
	v3 =	vmul.f32 v22, v2  }
0x21f: {  	v39 =	vld [tilespmem:s2+$0xFFFFFE80];
	[tilespmem:s1+$0xFFFFFFD0] =	vst v32;
	v2 =	vmul.f32 v23, v2  }
0x220: {  	v37 =	vmul.f32 v33, v25;
	[tilespmem:s1+$0xFFFFFFE0] =	vst v3;
	v3 =	vld [tilespmem:s2+$0xFFFFFE50]  }
0x221: {  	v40 =	vld [tilespmem:s2+$0xFFFFFE90];
	[tilespmem:s1+$0xFFFFFFF0] =	vst v2;
	v2 =	vmul.f32 v31, v25  }
0x222: {  	v42 =	vld [tilespmem:s2+$0xFFFFFEB0];
	v4 =	vmul.f32 v35, v25;
	[tilespmem:s2+$0xFFFFFE20] =	vst v37  }
0x223: {  	v1 =	vld.idx.msk [tilespmem:v1+s21+$0x0], $0xffff;
	[tilespmem:s2+$0xFFFFFE10] =	vst v2;
	v2 =	vmul.f32 v34, v25  }
0x224: {  	v26 =	vld.idx.msk [tilespmem:v13+s21+$0x0], $0xffff;
	v41 =	vmul.f32 v36, v25;
	[tilespmem:s2+$0xFFFFFE40] =	vst v4  }
0x225: {  	[tilespmem:s2+$0xFFFFFE30] =	vst v2;
	v2 =	vmul.f32 v3, v25;
	v3 =	vld [tilespmem:s2+$0xFFFFFEA0]  }
0x226: {  	v12 =	vbroadcast v12, $0x0;
	v43 =	vld [tilespmem:s2+$0xFFFFFEC0];
	v44 =	vmul.f32 v39, v25;
	[tilespmem:s2+$0xFFFFFE60] =	vst v41  }
0x227: {  	v45 =	vld [tilespmem:s2+$0xFFFFFED0];
	[tilespmem:s2+$0xFFFFFE50] =	vst v2;
	v2 =	vmul.f32 v38, v25  }
0x228: {  	v46 =	vld [tilespmem:s2+$0xFFFFFEE0];
	[tilespmem:s2+$0xFFFFFE80] =	vst v44;
	v8 =	vmul.f32 v30, v1  }
0x229: {  	v47 =	vld [tilespmem:s2+$0xFFFFFEF0];
	[tilespmem:s2+$0xFFFFFE70] =	vst v2;
	v2 =	vmul.f32 v40, v26  }
0x22a: {  	v48 =	vld [tilespmem:s2+$0xFFFFFF00];
	[tilespmem:s2+$0x0] =	vst v8;
	v3 =	vmul.f32 v3, v26  }
0x22b: {  	v49 =	vld [tilespmem:s2+$0xFFFFFF10];
	[tilespmem:s2+$0xFFFFFE90] =	vst v2;
	v2 =	vmul.f32 v42, v26  }
0x22c: {  	v28 =	vld.idx.msk [tilespmem:v12+s21+$0x0], $0xffff;
	[tilespmem:s2+$0xFFFFFEA0] =	vst v3;
	v3 =	vmul.f32 v43, v26  }
0x22d: {  	v50 =	vld [tilespmem:s2+$0xFFFFFF20];
	[tilespmem:s2+$0xFFFFFEB0] =	vst v2;
	v2 =	vmul.f32 v45, v26  }
0x22e: {  	v51 =	vld [tilespmem:s2+$0xFFFFFF30];
	[tilespmem:s2+$0xFFFFFEC0] =	vst v3;
	v3 =	vmul.f32 v46, v26  }
0x22f: {  	v52 =	vld [tilespmem:s2+$0xFFFFFF40];
	[tilespmem:s2+$0xFFFFFED0] =	vst v2;
	v2 =	vmul.f32 v47, v26  }
0x230: {  	v53 =	vld [tilespmem:s2+$0xFFFFFF50];
	[tilespmem:s2+$0xFFFFFEE0] =	vst v3;
	v3 =	vmul.f32 v48, v26  }
0x231: {  	v54 =	vld [tilespmem:s2+$0xFFFFFF60];
	[tilespmem:s2+$0xFFFFFEF0] =	vst v2;
	v2 =	vmul.f32 v49, v28  }
0x232: {  	v55 =	vld [tilespmem:s2+$0xFFFFFF70];
	[tilespmem:s2+$0xFFFFFF00] =	vst v3;
	v3 =	vmul.f32 v50, v28  }
0x233: {  	v56 =	vld [tilespmem:s2+$0xFFFFFF80];
	[tilespmem:s2+$0xFFFFFF10] =	vst v2;
	v2 =	vmul.f32 v51, v28  }
0x234: {  	v57 =	vld [tilespmem:s2+$0xFFFFFF90];
	[tilespmem:s2+$0xFFFFFF20] =	vst v3;
	v3 =	vmul.f32 v52, v28  }
0x235: {  	v58 =	vld [tilespmem:s2+$0xFFFFFFA0];
	[tilespmem:s2+$0xFFFFFF30] =	vst v2;
	v2 =	vmul.f32 v53, v28  }
0x236: {  	v59 =	vld [tilespmem:s2+$0xFFFFFFB0];
	[tilespmem:s2+$0xFFFFFF40] =	vst v3;
	v3 =	vmul.f32 v54, v28  }
0x237: {  	v60 =	vld [tilespmem:s2+$0xFFFFFFC0];
	[tilespmem:s2+$0xFFFFFF50] =	vst v2;
	v2 =	vmul.f32 v55, v28  }
0x238: {  	v61 =	vld [tilespmem:s2+$0xFFFFFFD0];
	[tilespmem:s2+$0xFFFFFF60] =	vst v3;
	v3 =	vmul.f32 v56, v28  }
0x239: {  	v62 =	vld [tilespmem:s2+$0xFFFFFFE0];
	[tilespmem:s2+$0xFFFFFF70] =	vst v2;
	v2 =	vmul.f32 v57, v1  }
0x23a: {  	v63 =	vld [tilespmem:s2+$0xFFFFFFF0];
	[tilespmem:s2+$0xFFFFFF80] =	vst v3;
	v3 =	vmul.f32 v58, v1  }
0x23b: {  	[tilespmem:s2+$0xFFFFFF90] =	vst v2;
	v2 =	vmul.f32 v59, v1  }
0x23c: {  	s28 =	sadd.s32 $0x1, s28;
	[tilespmem:s2+$0xFFFFFFA0] =	vst v3;
	v3 =	vmul.f32 v60, v1  }
0x23d: {  	p0 =	sne.s32 s28, $0x14;
	[tilespmem:s2+$0xFFFFFFB0] =	vst v2;
	v2 =	vmul.f32 v61, v1  }
.Ltmp6:
0x23e: {  	[tilespmem:s2+$0xFFFFFFC0] =	vst v3;
	v3 =	vmul.f32 v62, v1;
	(pc) =	sbr.rel @p0 .LBB2_10-.Ltmp6, $4  }
0x23f: {  	v1 =	vmul.f32 v63, v1;
	[tilespmem:s2+$0xFFFFFFD0] =	vst v2  }
0x240: {  	s31 =	sand.u32 $0x3FFFFF80, s29;
	[tilespmem:s2+$0xFFFFFFE0] =	vst v3  }
0x241: {  	s1 =	sadd.s32 $0x1400, s31;
	[tilespmem:s2+$0xFFFFFFF0] =	vst v1  }
0x242: {  	[spmem:s3] =	stream.indirect.scatter.add.f32 [tilespmem:s24], [sflag:$0x2], $0x80, s1, s22, $0xb8;
	[tilespmem:$0x1FC00] =	vst v63  }
0x243: {  	_ =	swait.ge [sflag:s25], $0x4000;
	s1 =	stileid.u32  }
0x244: {  	s2 =	sshrl.u32 s5, $0x3;
	s4 =	sadd.s32 $0x1, s4;
	[sflag:s25] =	ssyncset.done $0x0  }
0x245: {  	s1 =	sshll.u32 s1, $0x6;
	p0 =	sne.s32 s4, s17;
	[sflag:s25] =	ssyncadd.s32 $0xFFFFC000  }
.Ltmp7:
0x246: {  	s1 =	sor.u32 $0x1C03, s1;
	[bflag:$0x0] =	sbarrier.arrive $0xFFFF;
	(pc) =	sbr.rel @p0 .LBB2_1-.Ltmp7, $4  }
0x247: {  	[hbm:s16], [sflag:s1] =	dma.local [spmem:s2], $0x2800  }
0x248: {  	_ =	swait.ge [sflag:s19], $0x2800  }
0x249: {  	[sflag:s19] =	ssyncset.done $0x0  }
0x24a: {  	[sflag:s19] =	ssyncadd.s32 $0xFFFFD800  }
0x24b: {  	_ =	sfence.sel $0x180000  }
0x24c: {  	[bflag:$0x0] =	sbarrier.arrive $0xFFFF  }
0x24d: {  	_ =	strace $0x9000004A  }
0x24e: {  	s0 =	stileid.u32;
	[bflag:$0x2] =	sbarrier.arrive $0xFFFF  }
0x24f: {  	p0 =	sne.s32 s0, $0x0;
	s0 =	rddreg [dreg:$0x3]  }
0x250: {  	s0 =	sadd.s32 @!p0 $0x100000, s0  }
0x251: {  	[sflag:s0] =	ssyncadd.tile.s32 @!p0 $0x1;
	_ =	shalt  }
.Lfunc_end2:
_tile_overlayer_lowered:
.L_overlay_start_2:
0x252: {  	(tag) =	ssettag $0x2  }
0x253: {  	s0 =	rddreg [dreg:$0x0];
	s2 =	stileid.u32  }
0x254: {  	s1 =	rddreg [dreg:$0x1];
	p0 =	sne.s32 s2, $0x0  }
0x255: {  	s3 =	rddreg [dreg:$0x2];
	[bflag:$0x3] =	sbarrier.arrive $0xFFFF;
	s2 =	simm.s32 @!p0 $0x1C03  }
0x256: {  	[timem:s3], [sflag:s2] =	dma.local @!p0 [hbm:s0], s1  }
0x257: {  	s0 =	simm.s32 @!p0 $0x3  }
0x258: {  	_ =	swait.ge @!p0 [sflag:s0], s1  }
0x259: {  	s1 =	ssub.s32 @!p0 $0x0, s1;
	[sflag:s0] =	ssyncset.done @!p0 $0x0  }
0x25a: {  	[sflag:s0] =	ssyncadd.s32 @!p0 s1  }
0x25b: {  	[bflag:$0x3] =	sbarrier.arrive $0xFFFF  }
0x25c: {  	_ =	shalt  }

</sc_bundles>
